<compile_context>
chip_gen: v7x
topology: tpu7x:2x2x1
jax: 0.10.2.dev20260603
libtpu: 0.0.44.dev20260713+nightly
codegen_flags: <defaults>
</compile_context>

<pallas_src>
import functools

import jax
import jax.numpy as jnp
from jax import lax
from jax.experimental import pallas as pl
from jax.experimental.pallas import tpu as pltpu
from jax.experimental.pallas import tpu_sc as plsc

N = 10000
E = 320000
D = 128
DE = 16
H = 64

NC = 2
NS = 16
NW = NC * NS
EPW = E // NW
CH = 128
NCHF = EPW // CH
TL = EPW - NCHF * CH
WC = 8
NP = 10240
RT = NP // NS

_mesh = plsc.VectorSubcoreMesh(
    core_axis_name="c", subcore_axis_name="s", num_cores=NC, num_subcores=NS
)

_f32 = jnp.float32




@functools.partial(
    pl.kernel,
    out_type=[
        jax.ShapeDtypeStruct((NC, NP, H), _f32),
        jax.ShapeDtypeStruct((NC, NP, DE), _f32),
        jax.ShapeDtypeStruct((NC, NP, WC), _f32),
    ],
    mesh=_mesh,
    compiler_params=pltpu.CompilerParams(
        use_tc_tiling_on_sc=False, needs_layout_passes=False
    ),
    scratch_types=[
        [pltpu.VMEM((CH,), jnp.int32)] * 2,
        [pltpu.VMEM((CH,), jnp.int32)] * 2,
        [pltpu.VMEM((CH, H), _f32)] * 2,
        [pltpu.VMEM((CH, DE), _f32)] * 2,
        [pltpu.VMEM((DE, CH), _f32)] * 2,
        pltpu.VMEM((CH, WC), _f32),
        pltpu.VMEM((TL,), jnp.int32),
        pltpu.VMEM((TL,), jnp.int32),
        pltpu.VMEM((TL, H), _f32),
        pltpu.VMEM((TL, DE), _f32),
        pltpu.VMEM((DE, TL), _f32),
        [pltpu.SemaphoreType.DMA] * 2,
        [pltpu.SemaphoreType.DMA] * 2,
        [pltpu.SemaphoreType.DMA] * 2,
        pltpu.VMEM_SHARED((NP, H), _f32),
        pltpu.VMEM_SHARED((NP, DE), _f32),
        pltpu.VMEM_SHARED((NP, WC), _f32),
    ],
)
def _sc_encoder_agg(p_hbm, src_hbm, dst_hbm, eat_hbm, z_h, z_de, z_wc, ones_hbm,
                    gp_out, ea_out, cnt_out,
                    src_v, dst_v, rows_v, ea_v, eat_v, ones_v,
                    src_t, dst_t, rows_t, ea_t, eat_t,
                    ld_sem, gat_sem, sca_sem,
                    gp_sh, ea_sh, cnt_sh):
    c = lax.axis_index("c")
    s = lax.axis_index("s")
    w = c * NS + s
    base = w * EPW
    pltpu.sync_copy(ones_hbm, ones_v)
    pltpu.sync_copy(z_h, gp_sh.at[pl.ds(s * RT, RT)])
    pltpu.sync_copy(z_de, ea_sh.at[pl.ds(s * RT, RT)])
    pltpu.sync_copy(z_wc, cnt_sh.at[pl.ds(s * RT, RT)])
    plsc.subcore_barrier()

    iota = lax.iota(jnp.int32, 16)

    def loads(j, b):
        off = pl.multiple_of(base + j * CH, 8)
        pltpu.async_copy(src_hbm.at[pl.ds(off, CH)], src_v[b], ld_sem[b])
        pltpu.async_copy(dst_hbm.at[pl.ds(off, CH)], dst_v[b], ld_sem[b])
        pltpu.async_copy(eat_hbm.at[:, pl.ds(off, CH)], eat_v[b], ld_sem[b])

    def wait_loads(j, b):
        off = pl.multiple_of(base + j * CH, 8)
        pltpu.make_async_copy(src_hbm.at[pl.ds(off, CH)], src_v[b], ld_sem[b]).wait()
        pltpu.make_async_copy(dst_hbm.at[pl.ds(off, CH)], dst_v[b], ld_sem[b]).wait()
        pltpu.make_async_copy(eat_hbm.at[:, pl.ds(off, CH)], eat_v[b], ld_sem[b]).wait()

    def pack(strips, dest, ne):
        for g in range(ne // 16):
            rows = g * 16 + iota
            for k in range(DE):
                vals = strips[k, pl.ds(g * 16, 16)]
                plsc.store_scatter(dest, [rows, jnp.full((16,), k, jnp.int32)], vals)

    def scatters(b):
        pltpu.async_copy(rows_v[b], gp_sh.at[dst_v[b]], sca_sem[b], add=True)
        pltpu.async_copy(ea_v[b], ea_sh.at[dst_v[b]], sca_sem[b], add=True)
        pltpu.async_copy(ones_v, cnt_sh.at[dst_v[b]], sca_sem[b], add=True)

    def wait_scatters(b):
        pltpu.make_async_copy(rows_v[b], gp_sh.at[dst_v[b]], sca_sem[b]).wait()
        pltpu.make_async_copy(ea_v[b], ea_sh.at[dst_v[b]], sca_sem[b]).wait()
        pltpu.make_async_copy(ones_v, cnt_sh.at[dst_v[b]], sca_sem[b]).wait()

    loads(0, 0)

    @pl.loop(0, NCHF, step=2)
    def _(jj):
        for b in (0, 1):
            j = jj + b
            wait_loads(j, b)
            g = pltpu.async_copy(p_hbm.at[src_v[b]], rows_v[b], gat_sem[b])
            pack(eat_v[b], ea_v[b], CH)
            @pl.when(j > 0)
            def _():
                wait_scatters(1 - b)

            @pl.when(j + 1 < NCHF)
            def _():
                loads(j + 1, 1 - b)

            g.wait()
            scatters(b)

    toff = base + NCHF * CH
    pltpu.sync_copy(src_hbm.at[pl.ds(toff, TL)], src_t)
    pltpu.sync_copy(dst_hbm.at[pl.ds(toff, TL)], dst_t)
    pltpu.sync_copy(eat_hbm.at[:, pl.ds(toff, TL)], eat_t)
    pack(eat_t, ea_t, TL)
    pltpu.sync_copy(p_hbm.at[src_t], rows_t)
    pltpu.sync_copy(rows_t, gp_sh.at[dst_t], add=True)
    pltpu.sync_copy(ea_t, ea_sh.at[dst_t], add=True)
    pltpu.sync_copy(ones_v.at[pl.ds(0, TL)], cnt_sh.at[dst_t], add=True)
    wait_scatters(1)
    plsc.subcore_barrier()
    pltpu.sync_copy(gp_sh.at[pl.ds(s * RT, RT)], gp_out.at[c, pl.ds(s * RT, RT)])
    pltpu.sync_copy(ea_sh.at[pl.ds(s * RT, RT)], ea_out.at[c, pl.ds(s * RT, RT)])
    pltpu.sync_copy(cnt_sh.at[pl.ds(s * RT, RT)], cnt_out.at[c, pl.ds(s * RT, RT)])


@functools.partial(
    pl.kernel,
    out_type=jax.ShapeDtypeStruct((NC, NP, H), _f32),
    mesh=_mesh,
    compiler_params=pltpu.CompilerParams(use_tc_tiling_on_sc=False),
    scratch_types=[
        [pltpu.VMEM((CH,), jnp.int32)] * 2,
        [pltpu.VMEM((CH,), jnp.int32)] * 2,
        [pltpu.VMEM((CH, H), _f32)] * 2,
        pltpu.VMEM((TL,), jnp.int32),
        pltpu.VMEM((TL,), jnp.int32),
        pltpu.VMEM((TL, H), _f32),
        [pltpu.SemaphoreType.DMA] * 2,
        [pltpu.SemaphoreType.DMA] * 2,
        [pltpu.SemaphoreType.DMA] * 2,
        pltpu.VMEM_SHARED((NP, H), _f32),
    ],
)
def _sc_decoder_agg(h_hbm, src_hbm, dst_hbm, z_h,
                    gh_out,
                    src_v, dst_v, rows_v, src_t, dst_t, rows_t,
                    ld_sem, gat_sem, sca_sem, gh_sh):
    c = lax.axis_index("c")
    s = lax.axis_index("s")
    w = c * NS + s
    base = w * EPW
    pltpu.sync_copy(z_h, gh_sh.at[pl.ds(s * RT, RT)])
    plsc.subcore_barrier()

    def loads(j, b):
        off = pl.multiple_of(base + j * CH, 8)
        pltpu.async_copy(src_hbm.at[pl.ds(off, CH)], src_v[b], ld_sem[b])
        pltpu.async_copy(dst_hbm.at[pl.ds(off, CH)], dst_v[b], ld_sem[b])

    def wait_loads(j, b):
        off = pl.multiple_of(base + j * CH, 8)
        pltpu.make_async_copy(src_hbm.at[pl.ds(off, CH)], src_v[b], ld_sem[b]).wait()
        pltpu.make_async_copy(dst_hbm.at[pl.ds(off, CH)], dst_v[b], ld_sem[b]).wait()

    def scatters(b):
        pltpu.async_copy(rows_v[b], gh_sh.at[dst_v[b]], sca_sem[b], add=True)

    def wait_scatters(b):
        pltpu.make_async_copy(rows_v[b], gh_sh.at[dst_v[b]], sca_sem[b]).wait()

    loads(0, 0)

    @pl.loop(0, NCHF, step=2)
    def _(jj):
        for b in (0, 1):
            j = jj + b
            wait_loads(j, b)
            g = pltpu.async_copy(h_hbm.at[src_v[b]], rows_v[b], gat_sem[b])

            @pl.when(j > 0)
            def _():
                wait_scatters(1 - b)

            @pl.when(j + 1 < NCHF)
            def _():
                loads(j + 1, 1 - b)

            g.wait()
            scatters(b)

    toff = base + NCHF * CH
    pltpu.sync_copy(src_hbm.at[pl.ds(toff, TL)], src_t)
    pltpu.sync_copy(dst_hbm.at[pl.ds(toff, TL)], dst_t)
    pltpu.sync_copy(h_hbm.at[src_t], rows_t)
    pltpu.sync_copy(rows_t, gh_sh.at[dst_t], add=True)
    wait_scatters(1)
    plsc.subcore_barrier()
    pltpu.sync_copy(gh_sh.at[pl.ds(s * RT, RT)], gh_out.at[c, pl.ds(s * RT, RT)])



BN = 2000


def _tc_pre_body(x_ref, w1_ref, ws_ref, p_ref, s_ref):
    x = x_ref[...]
    p_ref[...] = jnp.dot(x, w1_ref[...], preferred_element_type=_f32)
    s_ref[...] = jnp.dot(x, ws_ref[...], preferred_element_type=_f32)


def _tc_pre(x, w1, ws):
    return pl.pallas_call(
        _tc_pre_body,
        grid=(N // BN,),
        in_specs=[
            pl.BlockSpec((BN, D), lambda i: (i, 0)),
            pl.BlockSpec((D, H), lambda i: (0, 0)),
            pl.BlockSpec((D, H), lambda i: (0, 0)),
        ],
        out_specs=[
            pl.BlockSpec((BN, H), lambda i: (i, 0)),
            pl.BlockSpec((BN, H), lambda i: (i, 0)),
        ],
        out_shape=[
            jax.ShapeDtypeStruct((N, H), _f32),
            jax.ShapeDtypeStruct((N, H), _f32),
        ],
    )(x, w1, ws)


def _tc_mid_body(s_ref, gp_ref, ea_ref, cnt_ref, w2_ref, h_ref):
    cnt = cnt_ref[...]
    deg = jnp.maximum(cnt[0, :, 0:1] + cnt[1, :, 0:1], 1.0)
    easum = ea_ref[0] + ea_ref[1]
    gpsum = gp_ref[0] + gp_ref[1]
    agg = (gpsum + jnp.dot(easum, w2_ref[...], preferred_element_type=_f32)) / deg
    h_ref[...] = jnp.maximum(s_ref[...] + agg, 0.0)


def _tc_mid(s, gp, ea, cnt, w2):
    return pl.pallas_call(
        _tc_mid_body,
        grid=(N // BN,),
        in_specs=[
            pl.BlockSpec((BN, H), lambda i: (i, 0)),
            pl.BlockSpec((NC, BN, H), lambda i: (0, i, 0)),
            pl.BlockSpec((NC, BN, DE), lambda i: (0, i, 0)),
            pl.BlockSpec((NC, BN, WC), lambda i: (0, i, 0)),
            pl.BlockSpec((DE, H), lambda i: (0, 0)),
        ],
        out_specs=pl.BlockSpec((BN, H), lambda i: (i, 0)),
        out_shape=jax.ShapeDtypeStruct((N, H), _f32),
    )(s, gp, ea, cnt, w2)


def _tc_post_body(h_ref, gh_ref, ea_ref, cnt_ref, w5_ref, w3_ref, w4_ref, o_ref):
    cnt = cnt_ref[...]
    deg = jnp.maximum(cnt[0, :, 0:1] + cnt[1, :, 0:1], 1.0)
    ghsum = gh_ref[0] + gh_ref[1]
    easum = ea_ref[0] + ea_ref[1]
    agg2 = (
        jnp.dot(ghsum, w3_ref[...], preferred_element_type=_f32)
        + jnp.dot(easum, w4_ref[...], preferred_element_type=_f32)
    ) / deg
    o_ref[...] = jnp.dot(h_ref[...], w5_ref[...], preferred_element_type=_f32) + agg2


def _tc_post(h, gh, ea, cnt, w5, w3, w4):
    return pl.pallas_call(
        _tc_post_body,
        grid=(N // BN,),
        in_specs=[
            pl.BlockSpec((BN, H), lambda i: (i, 0)),
            pl.BlockSpec((NC, BN, H), lambda i: (0, i, 0)),
            pl.BlockSpec((NC, BN, DE), lambda i: (0, i, 0)),
            pl.BlockSpec((NC, BN, WC), lambda i: (0, i, 0)),
            pl.BlockSpec((H, D), lambda i: (0, 0)),
            pl.BlockSpec((H, D), lambda i: (0, 0)),
            pl.BlockSpec((DE, D), lambda i: (0, 0)),
        ],
        out_specs=pl.BlockSpec((BN, D), lambda i: (i, 0)),
        out_shape=jax.ShapeDtypeStruct((N, D), _f32),
    )(h, gh, ea, cnt, w5, w3, w4)




def kernel(x, edge_index, edge_attr, W_enc_msg, W_enc_self, W_dec_msg, W_dec_self):
    src = edge_index[0]
    dst = edge_index[1]
    eat = edge_attr.T
    z_h = jnp.zeros((RT, H), _f32)
    z_de = jnp.zeros((RT, DE), _f32)
    z_wc = jnp.zeros((RT, WC), _f32)
    ones = jnp.ones((CH, WC), _f32)

    p, s = _tc_pre(x, W_enc_msg[:D], W_enc_self)
    gp, eag, cnt = _sc_encoder_agg(p, src, dst, eat, z_h, z_de, z_wc, ones)
    h = _tc_mid(s, gp, eag, cnt, W_enc_msg[D:])
    gh = _sc_decoder_agg(h, src, dst, z_h)
    return _tc_post(h, gh, eag, cnt, W_dec_self, W_dec_msg[:H], W_dec_msg[H:])

# --- scband reference (transcript-rebuilt; emitter-appended) ---
"""Pipeline reference for scband-hetero-autoencoder-48661979464277 (READ-ONLY COPY).

The authoritative reference and input builder live on the scoring server;
editing this copy changes nothing except your own understanding.
"""

import jax, jax.numpy as jnp
import numpy as np

N = 10000
E = 320000
D = 128
DE = 16
H = 64


def setup_inputs(seed: int = 0) -> dict:
    key = jax.random.key(seed)
    k1, k2, k3, k4, k5, k6, k7 = jax.random.split(key, 7)
    x = jax.random.normal(k1, (N, D), dtype=jnp.float32)
    edge_index = jax.random.randint(k2, (2, E), 0, N, dtype=jnp.int32)
    edge_attr = jax.random.normal(k3, (E, DE), dtype=jnp.float32)
    W_enc_msg = jax.random.normal(k4, (D + DE, H), dtype=jnp.float32) * 0.05
    W_enc_self = jax.random.normal(k5, (D, H), dtype=jnp.float32) * 0.05
    W_dec_msg = jax.random.normal(k6, (H + DE, D), dtype=jnp.float32) * 0.05
    W_dec_self = jax.random.normal(k7, (H, D), dtype=jnp.float32) * 0.05
    return {
        "x": x,
        "edge_index": edge_index,
        "edge_attr": edge_attr,
        "W_enc_msg": W_enc_msg,
        "W_enc_self": W_enc_self,
        "W_dec_msg": W_dec_msg,
        "W_dec_self": W_dec_self,
    }


def reference(x, edge_index, edge_attr, W_enc_msg, W_enc_self, W_dec_msg, W_dec_self):
    src = edge_index[0]
    dst = edge_index[1]
    # in-degree for mean aggregation
    deg = jnp.zeros((N,), dtype=x.dtype).at[dst].add(1.0)
    deg = jnp.maximum(deg, 1.0)
    # encoder: message = MLP(concat(x_src, edge_attr)), mean-agg at dst
    msg = jnp.concatenate([jnp.take(x, src, axis=0), edge_attr], axis=-1) @ W_enc_msg
    agg = jax.ops.segment_sum(msg, dst, num_segments=N) / deg[:, None]
    h = jax.nn.relu(x @ W_enc_self + agg)
    # decoder: message = MLP(concat(h_src, edge_attr)), mean-agg at dst
    msg2 = jnp.concatenate([jnp.take(h, src, axis=0), edge_attr], axis=-1) @ W_dec_msg
    agg2 = jax.ops.segment_sum(msg2, dst, num_segments=N) / deg[:, None]
    recon = h @ W_dec_self + agg2
    return recon

if __name__ == "__main__":
    import jax
    _d = setup_inputs()
    print(jax.jit(kernel)(*tuple(_d.values())))

</pallas_src>

<mosaic_0001>
#map = affine_map<(d0, d1) -> (0, 0)>
#map1 = affine_map<(d0, d1) -> (0)>
#map2 = affine_map<(d0, d1) -> (0, 0, 0)>
module attributes {stable_mosaic.version = 14 : i64} {
  func.func @_sc_decoder_agg(%arg0: i32, %arg1: i32, %arg2: memref<10000x64xf32, #tpu.memory_space<hbm>>, %arg3: memref<320000xi32, #tpu.memory_space<hbm>>, %arg4: memref<320000xi32, #tpu.memory_space<hbm>>, %arg5: memref<640x64xf32, #tpu.memory_space<hbm>>, %arg6: memref<2x10240x64xf32, #tpu.memory_space<hbm>>, %arg7: memref<128xi32, #tpu.memory_space<vmem>>, %arg8: memref<128xi32, #tpu.memory_space<vmem>>, %arg9: memref<128xi32, #tpu.memory_space<vmem>>, %arg10: memref<128xi32, #tpu.memory_space<vmem>>, %arg11: memref<128x64xf32, #tpu.memory_space<vmem>>, %arg12: memref<128x64xf32, #tpu.memory_space<vmem>>, %arg13: memref<16xi32, #tpu.memory_space<vmem>>, %arg14: memref<16xi32, #tpu.memory_space<vmem>>, %arg15: memref<16x64xf32, #tpu.memory_space<vmem>>, %arg16: memref<!tpu.dma_semaphore, #tpu.memory_space<semaphore_mem>>, %arg17: memref<!tpu.dma_semaphore, #tpu.memory_space<semaphore_mem>>, %arg18: memref<!tpu.dma_semaphore, #tpu.memory_space<semaphore_mem>>, %arg19: memref<!tpu.dma_semaphore, #tpu.memory_space<semaphore_mem>>, %arg20: memref<!tpu.dma_semaphore, #tpu.memory_space<semaphore_mem>>, %arg21: memref<!tpu.dma_semaphore, #tpu.memory_space<semaphore_mem>>, %arg22: memref<10240x64xf32, #tpu.memory_space<vmem_shared>>) attributes {dimension_semantics = [#tpu.dimension_semantics<core_parallel>, #tpu.dimension_semantics<subcore_parallel>], iteration_bounds = array<i64: 2, 16>, scalar_prefetch = 0 : i64, scratch_operands = 16 : i64, tpu.core_type = #tpu.core_type<sc_vector_subcore>, window_params = [{transform_indices = #map}, {transform_indices = #map1}, {transform_indices = #map1}, {transform_indices = #map}, {transform_indices = #map2}]} {
    %mul3A = arith.constant 16 : i32
    %mul3A_0 = arith.muli %arg0, %mul3A : i32
    %add3A = arith.addi %mul3A_0, %arg1 : i32
    %mul3A_1 = arith.constant 10000 : i32
    %mul3A_2 = arith.muli %add3A, %mul3A_1 : i32
    %mul3A_3 = arith.constant 640 : i32
    %mul3A_4 = arith.muli %arg1, %mul3A_3 : i32
    "tpu.region"() ({
      %run_scoped3A = tpu.sem_alloc : memref<!tpu.dma_semaphore, #tpu.memory_space<semaphore_mem>>
      %dma_start3A_23 = arith.constant 0 : i32
      %dma_start3A_24 = tpu.memref_slice %arg22[%mul3A_4, %dma_start3A_23] : memref<10240x64xf32, #tpu.memory_space<vmem_shared>> -> memref<640x64xf32, #tpu.memory_space<vmem_shared>>
      tpu.enqueue_dma source(%arg5 : memref<640x64xf32, #tpu.memory_space<hbm>>) target(%dma_start3A_24 : memref<640x64xf32, #tpu.memory_space<vmem_shared>>) target_semaphore(%run_scoped3A : memref<!tpu.dma_semaphore, #tpu.memory_space<semaphore_mem>>)
      %dma_wait3A_25 = arith.constant 0 : i32
      %dma_wait3A_26 = tpu.memref_slice %arg22[%mul3A_4, %dma_wait3A_25] : memref<10240x64xf32, #tpu.memory_space<vmem_shared>> -> memref<640x64xf32, #tpu.memory_space<vmem_shared>>
      tpu.wait_dma2 semaphore(%run_scoped3A : memref<!tpu.dma_semaphore, #tpu.memory_space<semaphore_mem>>) src(%arg5 : memref<640x64xf32, #tpu.memory_space<hbm>>) dst(%dma_wait3A_26 : memref<640x64xf32, #tpu.memory_space<vmem_shared>>)
      tpu.yield
    }) : () -> ()
    %barrier3A = arith.constant 0 : index
    tpu.barrier barrier_id(%barrier3A)
    %add3A_5 = arith.constant 0 : i32
    %add3A_6 = arith.addi %mul3A_2, %add3A_5 : i32
    %multiple_of3A = tpu.assume_multiple %add3A_6, 8 : i32
    %dma_start3A = tpu.memref_slice %arg3[%multiple_of3A] : memref<320000xi32, #tpu.memory_space<hbm>> -> memref<128xi32, #tpu.memory_space<hbm>>
    %dma_start3A_7 = tpu.memref_slice %arg3[%multiple_of3A] : memref<320000xi32, #tpu.memory_space<hbm>> -> memref<128xi32, #tpu.memory_space<hbm>>
    tpu.enqueue_dma source(%dma_start3A_7 : memref<128xi32, #tpu.memory_space<hbm>>) target(%arg7 : memref<128xi32, #tpu.memory_space<vmem>>) target_semaphore(%arg16 : memref<!tpu.dma_semaphore, #tpu.memory_space<semaphore_mem>>)
    %dma_start3A_8 = tpu.memref_slice %arg4[%multiple_of3A] : memref<320000xi32, #tpu.memory_space<hbm>> -> memref<128xi32, #tpu.memory_space<hbm>>
    %dma_start3A_9 = tpu.memref_slice %arg4[%multiple_of3A] : memref<320000xi32, #tpu.memory_space<hbm>> -> memref<128xi32, #tpu.memory_space<hbm>>
    tpu.enqueue_dma source(%dma_start3A_9 : memref<128xi32, #tpu.memory_space<hbm>>) target(%arg9 : memref<128xi32, #tpu.memory_space<vmem>>) target_semaphore(%arg16 : memref<!tpu.dma_semaphore, #tpu.memory_space<semaphore_mem>>)
    %scan3A = arith.constant 0 : i32
    %scan3A_10 = arith.constant 39 : i32
    %scan3A_11 = arith.addi %scan3A, %scan3A_10 : i32
    %scan3A_12 = arith.constant 1 : i32
    scf.for %scan3A_23 = %scan3A to %scan3A_11 step %scan3A_12  : i32 {
      %mul3A_24 = arith.constant 2 : i32
      %mul3A_25 = arith.muli %scan3A_23, %mul3A_24 : i32
      %add3A_26 = arith.constant 0 : i32
      %add3A_27 = arith.addi %add3A_26, %mul3A_25 : i32
      %add3A_28 = arith.constant 0 : i32
      %add3A_29 = arith.addi %add3A_27, %add3A_28 : i32
      %mul3A_30 = arith.constant 128 : i32
      %mul3A_31 = arith.muli %add3A_29, %mul3A_30 : i32
      %add3A_32 = arith.addi %mul3A_2, %mul3A_31 : i32
      %multiple_of3A_33 = tpu.assume_multiple %add3A_32, 8 : i32
      %dma_wait3A_34 = tpu.memref_slice %arg3[%multiple_of3A_33] : memref<320000xi32, #tpu.memory_space<hbm>> -> memref<128xi32, #tpu.memory_space<hbm>>
      %dma_wait3A_35 = tpu.memref_slice %arg3[%multiple_of3A_33] : memref<320000xi32, #tpu.memory_space<hbm>> -> memref<128xi32, #tpu.memory_space<hbm>>
      tpu.wait_dma2 semaphore(%arg16 : memref<!tpu.dma_semaphore, #tpu.memory_space<semaphore_mem>>) src(%dma_wait3A_35 : memref<128xi32, #tpu.memory_space<hbm>>) dst(%arg7 : memref<128xi32, #tpu.memory_space<vmem>>)
      %dma_wait3A_36 = tpu.memref_slice %arg4[%multiple_of3A_33] : memref<320000xi32, #tpu.memory_space<hbm>> -> memref<128xi32, #tpu.memory_space<hbm>>
      %dma_wait3A_37 = tpu.memref_slice %arg4[%multiple_of3A_33] : memref<320000xi32, #tpu.memory_space<hbm>> -> memref<128xi32, #tpu.memory_space<hbm>>
      tpu.wait_dma2 semaphore(%arg16 : memref<!tpu.dma_semaphore, #tpu.memory_space<semaphore_mem>>) src(%dma_wait3A_37 : memref<128xi32, #tpu.memory_space<hbm>>) dst(%arg9 : memref<128xi32, #tpu.memory_space<vmem>>)
      %dma_start3A_38 = arith.constant 0 : i32
      %dma_start3A_39 = arith.constant 0 : i32
      %dma_start3A_40 = tpu.memref_slice %arg2[%dma_start3A_38, %dma_start3A_39] : memref<10000x64xf32, #tpu.memory_space<hbm>> -> memref<10000x64xf32, #tpu.memory_space<hbm>>
      tpu.enqueue_indirect_dma source(%dma_start3A_40 : memref<10000x64xf32, #tpu.memory_space<hbm>>) target(%arg11 : memref<128x64xf32, #tpu.memory_space<vmem>>) offsets(%arg7 : memref<128xi32, #tpu.memory_space<vmem>>) semaphore(%arg18 : memref<!tpu.dma_semaphore, #tpu.memory_space<semaphore_mem>>)
      %gt3A = arith.constant 0 : i32
      %gt3A_41 = arith.cmpi sgt, %add3A_29, %gt3A : i32
      %convert_element_type3A = arith.extui %gt3A_41 : i1 to i32
      %cond3A = arith.constant 0 : i32
      %cond3A_42 = arith.cmpi ne, %convert_element_type3A, %cond3A : i32
      scf.if %cond3A_42 {
        %dma_wait3A_86 = arith.constant 0 : i32
        %dma_wait3A_87 = arith.constant 0 : i32
        %dma_wait3A_88 = tpu.memref_slice %arg22[%dma_wait3A_86, %dma_wait3A_87] : memref<10240x64xf32, #tpu.memory_space<vmem_shared>> -> memref<10240x64xf32, #tpu.memory_space<vmem_shared>>
        tpu.wait_indirect_dma semaphore(%arg21 : memref<!tpu.dma_semaphore, #tpu.memory_space<semaphore_mem>>) src(%arg12 : memref<128x64xf32, #tpu.memory_space<vmem>>) dst(%dma_wait3A_88 : memref<10240x64xf32, #tpu.memory_space<vmem_shared>>)
      } else {
      }
      %add3A_43 = arith.constant 1 : i32
      %add3A_44 = arith.addi %add3A_29, %add3A_43 : i32
      %lt3A = arith.constant 78 : i32
      %lt3A_45 = arith.cmpi slt, %add3A_44, %lt3A : i32
      %convert_element_type3A_46 = arith.extui %lt3A_45 : i1 to i32
      %cond3A_47 = arith.constant 0 : i32
      %cond3A_48 = arith.cmpi ne, %convert_element_type3A_46, %cond3A_47 : i32
      scf.if %cond3A_48 {
        %add3A_86 = arith.constant 1 : i32
        %add3A_87 = arith.addi %add3A_29, %add3A_86 : i32
        %mul3A_88 = arith.constant 128 : i32
        %mul3A_89 = arith.muli %add3A_87, %mul3A_88 : i32
        %add3A_90 = arith.addi %mul3A_2, %mul3A_89 : i32
        %multiple_of3A_91 = tpu.assume_multiple %add3A_90, 8 : i32
        %dma_start3A_92 = tpu.memref_slice %arg3[%multiple_of3A_91] : memref<320000xi32, #tpu.memory_space<hbm>> -> memref<128xi32, #tpu.memory_space<hbm>>
        %dma_start3A_93 = tpu.memref_slice %arg3[%multiple_of3A_91] : memref<320000xi32, #tpu.memory_space<hbm>> -> memref<128xi32, #tpu.memory_space<hbm>>
        tpu.enqueue_dma source(%dma_start3A_93 : memref<128xi32, #tpu.memory_space<hbm>>) target(%arg8 : memref<128xi32, #tpu.memory_space<vmem>>) target_semaphore(%arg17 : memref<!tpu.dma_semaphore, #tpu.memory_space<semaphore_mem>>)
        %dma_start3A_94 = tpu.memref_slice %arg4[%multiple_of3A_91] : memref<320000xi32, #tpu.memory_space<hbm>> -> memref<128xi32, #tpu.memory_space<hbm>>
        %dma_start3A_95 = tpu.memref_slice %arg4[%multiple_of3A_91] : memref<320000xi32, #tpu.memory_space<hbm>> -> memref<128xi32, #tpu.memory_space<hbm>>
        tpu.enqueue_dma source(%dma_start3A_95 : memref<128xi32, #tpu.memory_space<hbm>>) target(%arg10 : memref<128xi32, #tpu.memory_space<vmem>>) target_semaphore(%arg17 : memref<!tpu.dma_semaphore, #tpu.memory_space<semaphore_mem>>)
      } else {
      }
      %dma_wait3A_49 = arith.constant 0 : i32
      %dma_wait3A_50 = arith.constant 0 : i32
      %dma_wait3A_51 = tpu.memref_slice %arg2[%dma_wait3A_49, %dma_wait3A_50] : memref<10000x64xf32, #tpu.memory_space<hbm>> -> memref<10000x64xf32, #tpu.memory_space<hbm>>
      tpu.wait_indirect_dma semaphore(%arg18 : memref<!tpu.dma_semaphore, #tpu.memory_space<semaphore_mem>>) src(%dma_wait3A_51 : memref<10000x64xf32, #tpu.memory_space<hbm>>) dst(%arg11 : memref<128x64xf32, #tpu.memory_space<vmem>>)
      %dma_start3A_52 = arith.constant 0 : i32
      %dma_start3A_53 = arith.constant 0 : i32
      %dma_start3A_54 = tpu.memref_slice %arg22[%dma_start3A_52, %dma_start3A_53] : memref<10240x64xf32, #tpu.memory_space<vmem_shared>> -> memref<10240x64xf32, #tpu.memory_space<vmem_shared>>
      tpu.enqueue_indirect_dma source(%arg11 : memref<128x64xf32, #tpu.memory_space<vmem>>) target(%dma_start3A_54 : memref<10240x64xf32, #tpu.memory_space<vmem_shared>>) offsets(%arg9 : memref<128xi32, #tpu.memory_space<vmem>>) semaphore(%arg20 : memref<!tpu.dma_semaphore, #tpu.memory_space<semaphore_mem>>) {add = true}
      %add3A_55 = arith.constant 1 : i32
      %add3A_56 = arith.addi %add3A_27, %add3A_55 : i32
      %mul3A_57 = arith.constant 128 : i32
      %mul3A_58 = arith.muli %add3A_56, %mul3A_57 : i32
      %add3A_59 = arith.addi %mul3A_2, %mul3A_58 : i32
      %multiple_of3A_60 = tpu.assume_multiple %add3A_59, 8 : i32
      %dma_wait3A_61 = tpu.memref_slice %arg3[%multiple_of3A_60] : memref<320000xi32, #tpu.memory_space<hbm>> -> memref<128xi32, #tpu.memory_space<hbm>>
      %dma_wait3A_62 = tpu.memref_slice %arg3[%multiple_of3A_60] : memref<320000xi32, #tpu.memory_space<hbm>> -> memref<128xi32, #tpu.memory_space<hbm>>
      tpu.wait_dma2 semaphore(%arg17 : memref<!tpu.dma_semaphore, #tpu.memory_space<semaphore_mem>>) src(%dma_wait3A_62 : memref<128xi32, #tpu.memory_space<hbm>>) dst(%arg8 : memref<128xi32, #tpu.memory_space<vmem>>)
      %dma_wait3A_63 = tpu.memref_slice %arg4[%multiple_of3A_60] : memref<320000xi32, #tpu.memory_space<hbm>> -> memref<128xi32, #tpu.memory_space<hbm>>
      %dma_wait3A_64 = tpu.memref_slice %arg4[%multiple_of3A_60] : memref<320000xi32, #tpu.memory_space<hbm>> -> memref<128xi32, #tpu.memory_space<hbm>>
      tpu.wait_dma2 semaphore(%arg17 : memref<!tpu.dma_semaphore, #tpu.memory_space<semaphore_mem>>) src(%dma_wait3A_64 : memref<128xi32, #tpu.memory_space<hbm>>) dst(%arg10 : memref<128xi32, #tpu.memory_space<vmem>>)
      %dma_start3A_65 = arith.constant 0 : i32
      %dma_start3A_66 = arith.constant 0 : i32
      %dma_start3A_67 = tpu.memref_slice %arg2[%dma_start3A_65, %dma_start3A_66] : memref<10000x64xf32, #tpu.memory_space<hbm>> -> memref<10000x64xf32, #tpu.memory_space<hbm>>
      tpu.enqueue_indirect_dma source(%dma_start3A_67 : memref<10000x64xf32, #tpu.memory_space<hbm>>) target(%arg12 : memref<128x64xf32, #tpu.memory_space<vmem>>) offsets(%arg8 : memref<128xi32, #tpu.memory_space<vmem>>) semaphore(%arg19 : memref<!tpu.dma_semaphore, #tpu.memory_space<semaphore_mem>>)
      %gt3A_68 = arith.constant 0 : i32
      %gt3A_69 = arith.cmpi sgt, %add3A_56, %gt3A_68 : i32
      %convert_element_type3A_70 = arith.extui %gt3A_69 : i1 to i32
      %cond3A_71 = arith.constant 0 : i32
      %cond3A_72 = arith.cmpi ne, %convert_element_type3A_70, %cond3A_71 : i32
      scf.if %cond3A_72 {
        %dma_wait3A_86 = arith.constant 0 : i32
        %dma_wait3A_87 = arith.constant 0 : i32
        %dma_wait3A_88 = tpu.memref_slice %arg22[%dma_wait3A_86, %dma_wait3A_87] : memref<10240x64xf32, #tpu.memory_space<vmem_shared>> -> memref<10240x64xf32, #tpu.memory_space<vmem_shared>>
        tpu.wait_indirect_dma semaphore(%arg20 : memref<!tpu.dma_semaphore, #tpu.memory_space<semaphore_mem>>) src(%arg11 : memref<128x64xf32, #tpu.memory_space<vmem>>) dst(%dma_wait3A_88 : memref<10240x64xf32, #tpu.memory_space<vmem_shared>>)
      } else {
      }
      %add3A_73 = arith.constant 1 : i32
      %add3A_74 = arith.addi %add3A_56, %add3A_73 : i32
      %lt3A_75 = arith.constant 78 : i32
      %lt3A_76 = arith.cmpi slt, %add3A_74, %lt3A_75 : i32
      %convert_element_type3A_77 = arith.extui %lt3A_76 : i1 to i32
      %cond3A_78 = arith.constant 0 : i32
      %cond3A_79 = arith.cmpi ne, %convert_element_type3A_77, %cond3A_78 : i32
      scf.if %cond3A_79 {
        %add3A_86 = arith.constant 1 : i32
        %add3A_87 = arith.addi %add3A_56, %add3A_86 : i32
        %mul3A_88 = arith.constant 128 : i32
        %mul3A_89 = arith.muli %add3A_87, %mul3A_88 : i32
        %add3A_90 = arith.addi %mul3A_2, %mul3A_89 : i32
        %multiple_of3A_91 = tpu.assume_multiple %add3A_90, 8 : i32
        %dma_start3A_92 = tpu.memref_slice %arg3[%multiple_of3A_91] : memref<320000xi32, #tpu.memory_space<hbm>> -> memref<128xi32, #tpu.memory_space<hbm>>
        %dma_start3A_93 = tpu.memref_slice %arg3[%multiple_of3A_91] : memref<320000xi32, #tpu.memory_space<hbm>> -> memref<128xi32, #tpu.memory_space<hbm>>
        tpu.enqueue_dma source(%dma_start3A_93 : memref<128xi32, #tpu.memory_space<hbm>>) target(%arg7 : memref<128xi32, #tpu.memory_space<vmem>>) target_semaphore(%arg16 : memref<!tpu.dma_semaphore, #tpu.memory_space<semaphore_mem>>)
        %dma_start3A_94 = tpu.memref_slice %arg4[%multiple_of3A_91] : memref<320000xi32, #tpu.memory_space<hbm>> -> memref<128xi32, #tpu.memory_space<hbm>>
        %dma_start3A_95 = tpu.memref_slice %arg4[%multiple_of3A_91] : memref<320000xi32, #tpu.memory_space<hbm>> -> memref<128xi32, #tpu.memory_space<hbm>>
        tpu.enqueue_dma source(%dma_start3A_95 : memref<128xi32, #tpu.memory_space<hbm>>) target(%arg9 : memref<128xi32, #tpu.memory_space<vmem>>) target_semaphore(%arg16 : memref<!tpu.dma_semaphore, #tpu.memory_space<semaphore_mem>>)
      } else {
      }
      %dma_wait3A_80 = arith.constant 0 : i32
      %dma_wait3A_81 = arith.constant 0 : i32
      %dma_wait3A_82 = tpu.memref_slice %arg2[%dma_wait3A_80, %dma_wait3A_81] : memref<10000x64xf32, #tpu.memory_space<hbm>> -> memref<10000x64xf32, #tpu.memory_space<hbm>>
      tpu.wait_indirect_dma semaphore(%arg19 : memref<!tpu.dma_semaphore, #tpu.memory_space<semaphore_mem>>) src(%dma_wait3A_82 : memref<10000x64xf32, #tpu.memory_space<hbm>>) dst(%arg12 : memref<128x64xf32, #tpu.memory_space<vmem>>)
      %dma_start3A_83 = arith.constant 0 : i32
      %dma_start3A_84 = arith.constant 0 : i32
      %dma_start3A_85 = tpu.memref_slice %arg22[%dma_start3A_83, %dma_start3A_84] : memref<10240x64xf32, #tpu.memory_space<vmem_shared>> -> memref<10240x64xf32, #tpu.memory_space<vmem_shared>>
      tpu.enqueue_indirect_dma source(%arg12 : memref<128x64xf32, #tpu.memory_space<vmem>>) target(%dma_start3A_85 : memref<10240x64xf32, #tpu.memory_space<vmem_shared>>) offsets(%arg10 : memref<128xi32, #tpu.memory_space<vmem>>) semaphore(%arg21 : memref<!tpu.dma_semaphore, #tpu.memory_space<semaphore_mem>>) {add = true}
    }
    %scan3A_13 = arith.constant 39 : i32
    %add3A_14 = arith.constant 9984 : i32
    %add3A_15 = arith.addi %mul3A_2, %add3A_14 : i32
    "tpu.region"() ({
      %run_scoped3A = tpu.sem_alloc : memref<!tpu.dma_semaphore, #tpu.memory_space<semaphore_mem>>
      %dma_start3A_23 = tpu.memref_slice %arg3[%add3A_15] : memref<320000xi32, #tpu.memory_space<hbm>> -> memref<16xi32, #tpu.memory_space<hbm>>
      %dma_start3A_24 = tpu.memref_slice %arg3[%add3A_15] : memref<320000xi32, #tpu.memory_space<hbm>> -> memref<16xi32, #tpu.memory_space<hbm>>
      tpu.enqueue_dma source(%dma_start3A_24 : memref<16xi32, #tpu.memory_space<hbm>>) target(%arg13 : memref<16xi32, #tpu.memory_space<vmem>>) target_semaphore(%run_scoped3A : memref<!tpu.dma_semaphore, #tpu.memory_space<semaphore_mem>>)
      %dma_wait3A_25 = tpu.memref_slice %arg3[%add3A_15] : memref<320000xi32, #tpu.memory_space<hbm>> -> memref<16xi32, #tpu.memory_space<hbm>>
      %dma_wait3A_26 = tpu.memref_slice %arg3[%add3A_15] : memref<320000xi32, #tpu.memory_space<hbm>> -> memref<16xi32, #tpu.memory_space<hbm>>
      tpu.wait_dma2 semaphore(%run_scoped3A : memref<!tpu.dma_semaphore, #tpu.memory_space<semaphore_mem>>) src(%dma_wait3A_26 : memref<16xi32, #tpu.memory_space<hbm>>) dst(%arg13 : memref<16xi32, #tpu.memory_space<vmem>>)
      tpu.yield
    }) : () -> ()
    "tpu.region"() ({
      %run_scoped3A = tpu.sem_alloc : memref<!tpu.dma_semaphore, #tpu.memory_space<semaphore_mem>>
      %dma_start3A_23 = tpu.memref_slice %arg4[%add3A_15] : memref<320000xi32, #tpu.memory_space<hbm>> -> memref<16xi32, #tpu.memory_space<hbm>>
      %dma_start3A_24 = tpu.memref_slice %arg4[%add3A_15] : memref<320000xi32, #tpu.memory_space<hbm>> -> memref<16xi32, #tpu.memory_space<hbm>>
      tpu.enqueue_dma source(%dma_start3A_24 : memref<16xi32, #tpu.memory_space<hbm>>) target(%arg14 : memref<16xi32, #tpu.memory_space<vmem>>) target_semaphore(%run_scoped3A : memref<!tpu.dma_semaphore, #tpu.memory_space<semaphore_mem>>)
      %dma_wait3A_25 = tpu.memref_slice %arg4[%add3A_15] : memref<320000xi32, #tpu.memory_space<hbm>> -> memref<16xi32, #tpu.memory_space<hbm>>
      %dma_wait3A_26 = tpu.memref_slice %arg4[%add3A_15] : memref<320000xi32, #tpu.memory_space<hbm>> -> memref<16xi32, #tpu.memory_space<hbm>>
      tpu.wait_dma2 semaphore(%run_scoped3A : memref<!tpu.dma_semaphore, #tpu.memory_space<semaphore_mem>>) src(%dma_wait3A_26 : memref<16xi32, #tpu.memory_space<hbm>>) dst(%arg14 : memref<16xi32, #tpu.memory_space<vmem>>)
      tpu.yield
    }) : () -> ()
    "tpu.region"() ({
      %run_scoped3A = tpu.sem_alloc : memref<!tpu.dma_semaphore, #tpu.memory_space<semaphore_mem>>
      %dma_start3A_23 = arith.constant 0 : i32
      %dma_start3A_24 = arith.constant 0 : i32
      %dma_start3A_25 = tpu.memref_slice %arg2[%dma_start3A_23, %dma_start3A_24] : memref<10000x64xf32, #tpu.memory_space<hbm>> -> memref<10000x64xf32, #tpu.memory_space<hbm>>
      tpu.enqueue_indirect_dma source(%dma_start3A_25 : memref<10000x64xf32, #tpu.memory_space<hbm>>) target(%arg15 : memref<16x64xf32, #tpu.memory_space<vmem>>) offsets(%arg13 : memref<16xi32, #tpu.memory_space<vmem>>) semaphore(%run_scoped3A : memref<!tpu.dma_semaphore, #tpu.memory_space<semaphore_mem>>)
      %dma_wait3A_26 = arith.constant 0 : i32
      %dma_wait3A_27 = arith.constant 0 : i32
      %dma_wait3A_28 = tpu.memref_slice %arg2[%dma_wait3A_26, %dma_wait3A_27] : memref<10000x64xf32, #tpu.memory_space<hbm>> -> memref<10000x64xf32, #tpu.memory_space<hbm>>
      tpu.wait_indirect_dma semaphore(%run_scoped3A : memref<!tpu.dma_semaphore, #tpu.memory_space<semaphore_mem>>) src(%dma_wait3A_28 : memref<10000x64xf32, #tpu.memory_space<hbm>>) dst(%arg15 : memref<16x64xf32, #tpu.memory_space<vmem>>)
      tpu.yield
    }) : () -> ()
    "tpu.region"() ({
      %run_scoped3A = tpu.sem_alloc : memref<!tpu.dma_semaphore, #tpu.memory_space<semaphore_mem>>
      %dma_start3A_23 = arith.constant 0 : i32
      %dma_start3A_24 = arith.constant 0 : i32
      %dma_start3A_25 = tpu.memref_slice %arg22[%dma_start3A_23, %dma_start3A_24] : memref<10240x64xf32, #tpu.memory_space<vmem_shared>> -> memref<10240x64xf32, #tpu.memory_space<vmem_shared>>
      tpu.enqueue_indirect_dma source(%arg15 : memref<16x64xf32, #tpu.memory_space<vmem>>) target(%dma_start3A_25 : memref<10240x64xf32, #tpu.memory_space<vmem_shared>>) offsets(%arg14 : memref<16xi32, #tpu.memory_space<vmem>>) semaphore(%run_scoped3A : memref<!tpu.dma_semaphore, #tpu.memory_space<semaphore_mem>>) {add = true}
      %dma_wait3A_26 = arith.constant 0 : i32
      %dma_wait3A_27 = arith.constant 0 : i32
      %dma_wait3A_28 = tpu.memref_slice %arg22[%dma_wait3A_26, %dma_wait3A_27] : memref<10240x64xf32, #tpu.memory_space<vmem_shared>> -> memref<10240x64xf32, #tpu.memory_space<vmem_shared>>
      tpu.wait_indirect_dma semaphore(%run_scoped3A : memref<!tpu.dma_semaphore, #tpu.memory_space<semaphore_mem>>) src(%arg15 : memref<16x64xf32, #tpu.memory_space<vmem>>) dst(%dma_wait3A_28 : memref<10240x64xf32, #tpu.memory_space<vmem_shared>>)
      tpu.yield
    }) : () -> ()
    %dma_wait3A = arith.constant 0 : i32
    %dma_wait3A_16 = arith.constant 0 : i32
    %dma_wait3A_17 = tpu.memref_slice %arg22[%dma_wait3A, %dma_wait3A_16] : memref<10240x64xf32, #tpu.memory_space<vmem_shared>> -> memref<10240x64xf32, #tpu.memory_space<vmem_shared>>
    tpu.wait_indirect_dma semaphore(%arg21 : memref<!tpu.dma_semaphore, #tpu.memory_space<semaphore_mem>>) src(%arg12 : memref<128x64xf32, #tpu.memory_space<vmem>>) dst(%dma_wait3A_17 : memref<10240x64xf32, #tpu.memory_space<vmem_shared>>)
    %barrier3A_18 = arith.constant 0 : index
    tpu.barrier barrier_id(%barrier3A_18)
    %mul3A_19 = arith.constant 640 : i32
    %mul3A_20 = arith.muli %arg1, %mul3A_19 : i32
    %mul3A_21 = arith.constant 640 : i32
    %mul3A_22 = arith.muli %arg1, %mul3A_21 : i32
    "tpu.region"() ({
      %run_scoped3A = tpu.sem_alloc : memref<!tpu.dma_semaphore, #tpu.memory_space<semaphore_mem>>
      %dma_start3A_23 = arith.constant 0 : i32
      %dma_start3A_24 = tpu.memref_slice %arg6[%arg0, %mul3A_22, %dma_start3A_23] : memref<2x10240x64xf32, #tpu.memory_space<hbm>> -> memref<1x640x64xf32, #tpu.memory_space<hbm>>
      %dma_start3A_25 = tpu.memref_squeeze %dma_start3A_24 : memref<1x640x64xf32, #tpu.memory_space<hbm>> -> memref<640x64xf32, #tpu.memory_space<hbm>>
      %dma_start3A_26 = arith.constant 0 : i32
      %dma_start3A_27 = tpu.memref_slice %arg22[%mul3A_20, %dma_start3A_26] : memref<10240x64xf32, #tpu.memory_space<vmem_shared>> -> memref<640x64xf32, #tpu.memory_space<vmem_shared>>
      tpu.enqueue_dma source(%dma_start3A_27 : memref<640x64xf32, #tpu.memory_space<vmem_shared>>) target(%dma_start3A_25 : memref<640x64xf32, #tpu.memory_space<hbm>>) target_semaphore(%run_scoped3A : memref<!tpu.dma_semaphore, #tpu.memory_space<semaphore_mem>>)
      %dma_wait3A_28 = arith.constant 0 : i32
      %dma_wait3A_29 = tpu.memref_slice %arg6[%arg0, %mul3A_22, %dma_wait3A_28] : memref<2x10240x64xf32, #tpu.memory_space<hbm>> -> memref<1x640x64xf32, #tpu.memory_space<hbm>>
      %dma_wait3A_30 = tpu.memref_squeeze %dma_wait3A_29 : memref<1x640x64xf32, #tpu.memory_space<hbm>> -> memref<640x64xf32, #tpu.memory_space<hbm>>
      %dma_wait3A_31 = arith.constant 0 : i32
      %dma_wait3A_32 = tpu.memref_slice %arg22[%mul3A_20, %dma_wait3A_31] : memref<10240x64xf32, #tpu.memory_space<vmem_shared>> -> memref<640x64xf32, #tpu.memory_space<vmem_shared>>
      tpu.wait_dma2 semaphore(%run_scoped3A : memref<!tpu.dma_semaphore, #tpu.memory_space<semaphore_mem>>) src(%dma_wait3A_32 : memref<640x64xf32, #tpu.memory_space<vmem_shared>>) dst(%dma_wait3A_30 : memref<640x64xf32, #tpu.memory_space<hbm>>)
      tpu.yield
    }) : () -> ()
    return
  }
}

#map = affine_map<(d0, d1) -> (0, 0)>
#map1 = affine_map<(d0, d1) -> (0)>
#map2 = affine_map<(d0, d1) -> (0, 0, 0)>
module attributes {stable_mosaic.version = 14 : i64} {
  func.func @_sc_encoder_agg(%arg0: i32, %arg1: i32, %arg2: memref<10000x64xf32, #tpu.memory_space<hbm>>, %arg3: memref<320000xi32, #tpu.memory_space<hbm>>, %arg4: memref<320000xi32, #tpu.memory_space<hbm>>, %arg5: memref<16x320000xf32, #tpu.memory_space<hbm>>, %arg6: memref<640x64xf32, #tpu.memory_space<hbm>>, %arg7: memref<640x16xf32, #tpu.memory_space<hbm>>, %arg8: memref<640x8xf32, #tpu.memory_space<hbm>>, %arg9: memref<128x8xf32, #tpu.memory_space<hbm>>, %arg10: memref<2x10240x64xf32, #tpu.memory_space<hbm>>, %arg11: memref<2x10240x16xf32, #tpu.memory_space<hbm>>, %arg12: memref<2x10240x8xf32, #tpu.memory_space<hbm>>, %arg13: memref<128xi32, #tpu.memory_space<vmem>>, %arg14: memref<128xi32, #tpu.memory_space<vmem>>, %arg15: memref<128xi32, #tpu.memory_space<vmem>>, %arg16: memref<128xi32, #tpu.memory_space<vmem>>, %arg17: memref<128x64xf32, #tpu.memory_space<vmem>>, %arg18: memref<128x64xf32, #tpu.memory_space<vmem>>, %arg19: memref<128x16xf32, #tpu.memory_space<vmem>>, %arg20: memref<128x16xf32, #tpu.memory_space<vmem>>, %arg21: memref<16x128xf32, #tpu.memory_space<vmem>>, %arg22: memref<16x128xf32, #tpu.memory_space<vmem>>, %arg23: memref<128x8xf32, #tpu.memory_space<vmem>>, %arg24: memref<16xi32, #tpu.memory_space<vmem>>, %arg25: memref<16xi32, #tpu.memory_space<vmem>>, %arg26: memref<16x64xf32, #tpu.memory_space<vmem>>, %arg27: memref<16x16xf32, #tpu.memory_space<vmem>>, %arg28: memref<16x16xf32, #tpu.memory_space<vmem>>, %arg29: memref<!tpu.dma_semaphore, #tpu.memory_space<semaphore_mem>>, %arg30: memref<!tpu.dma_semaphore, #tpu.memory_space<semaphore_mem>>, %arg31: memref<!tpu.dma_semaphore, #tpu.memory_space<semaphore_mem>>, %arg32: memref<!tpu.dma_semaphore, #tpu.memory_space<semaphore_mem>>, %arg33: memref<!tpu.dma_semaphore, #tpu.memory_space<semaphore_mem>>, %arg34: memref<!tpu.dma_semaphore, #tpu.memory_space<semaphore_mem>>, %arg35: memref<10240x64xf32, #tpu.memory_space<vmem_shared>>, %arg36: memref<10240x16xf32, #tpu.memory_space<vmem_shared>>, %arg37: memref<10240x8xf32, #tpu.memory_space<vmem_shared>>) attributes {dimension_semantics = [#tpu.dimension_semantics<core_parallel>, #tpu.dimension_semantics<subcore_parallel>], iteration_bounds = array<i64: 2, 16>, scalar_prefetch = 0 : i64, scratch_operands = 25 : i64, tpu.core_type = #tpu.core_type<sc_vector_subcore>, window_params = [{transform_indices = #map}, {transform_indices = #map1}, {transform_indices = #map1}, {transform_indices = #map}, {transform_indices = #map}, {transform_indices = #map}, {transform_indices = #map}, {transform_indices = #map}, {transform_indices = #map2}, {transform_indices = #map2}, {transform_indices = #map2}]} {
    %mul3A = arith.constant 16 : i32
    %mul3A_0 = arith.muli %arg0, %mul3A : i32
    %add3A = arith.addi %mul3A_0, %arg1 : i32
    %mul3A_1 = arith.constant 10000 : i32
    %mul3A_2 = arith.muli %add3A, %mul3A_1 : i32
    "tpu.region"() ({
      %run_scoped3A = tpu.sem_alloc : memref<!tpu.dma_semaphore, #tpu.memory_space<semaphore_mem>>
      tpu.enqueue_dma source(%arg9 : memref<128x8xf32, #tpu.memory_space<hbm>>) target(%arg23 : memref<128x8xf32, #tpu.memory_space<vmem>>) target_semaphore(%run_scoped3A : memref<!tpu.dma_semaphore, #tpu.memory_space<semaphore_mem>>)
      tpu.wait_dma2 semaphore(%run_scoped3A : memref<!tpu.dma_semaphore, #tpu.memory_space<semaphore_mem>>) src(%arg9 : memref<128x8xf32, #tpu.memory_space<hbm>>) dst(%arg23 : memref<128x8xf32, #tpu.memory_space<vmem>>)
      tpu.yield
    }) : () -> ()
    %mul3A_3 = arith.constant 640 : i32
    %mul3A_4 = arith.muli %arg1, %mul3A_3 : i32
    "tpu.region"() ({
      %run_scoped3A = tpu.sem_alloc : memref<!tpu.dma_semaphore, #tpu.memory_space<semaphore_mem>>
      %dma_start3A_142 = arith.constant 0 : i32
      %dma_start3A_143 = tpu.memref_slice %arg35[%mul3A_4, %dma_start3A_142] : memref<10240x64xf32, #tpu.memory_space<vmem_shared>> -> memref<640x64xf32, #tpu.memory_space<vmem_shared>>
      tpu.enqueue_dma source(%arg6 : memref<640x64xf32, #tpu.memory_space<hbm>>) target(%dma_start3A_143 : memref<640x64xf32, #tpu.memory_space<vmem_shared>>) target_semaphore(%run_scoped3A : memref<!tpu.dma_semaphore, #tpu.memory_space<semaphore_mem>>)
      %dma_wait3A_144 = arith.constant 0 : i32
      %dma_wait3A_145 = tpu.memref_slice %arg35[%mul3A_4, %dma_wait3A_144] : memref<10240x64xf32, #tpu.memory_space<vmem_shared>> -> memref<640x64xf32, #tpu.memory_space<vmem_shared>>
      tpu.wait_dma2 semaphore(%run_scoped3A : memref<!tpu.dma_semaphore, #tpu.memory_space<semaphore_mem>>) src(%arg6 : memref<640x64xf32, #tpu.memory_space<hbm>>) dst(%dma_wait3A_145 : memref<640x64xf32, #tpu.memory_space<vmem_shared>>)
      tpu.yield
    }) : () -> ()
    %mul3A_5 = arith.constant 640 : i32
    %mul3A_6 = arith.muli %arg1, %mul3A_5 : i32
    "tpu.region"() ({
      %run_scoped3A = tpu.sem_alloc : memref<!tpu.dma_semaphore, #tpu.memory_space<semaphore_mem>>
      %dma_start3A_142 = arith.constant 0 : i32
      %dma_start3A_143 = tpu.memref_slice %arg36[%mul3A_6, %dma_start3A_142] : memref<10240x16xf32, #tpu.memory_space<vmem_shared>> -> memref<640x16xf32, #tpu.memory_space<vmem_shared>>
      tpu.enqueue_dma source(%arg7 : memref<640x16xf32, #tpu.memory_space<hbm>>) target(%dma_start3A_143 : memref<640x16xf32, #tpu.memory_space<vmem_shared>>) target_semaphore(%run_scoped3A : memref<!tpu.dma_semaphore, #tpu.memory_space<semaphore_mem>>)
      %dma_wait3A_144 = arith.constant 0 : i32
      %dma_wait3A_145 = tpu.memref_slice %arg36[%mul3A_6, %dma_wait3A_144] : memref<10240x16xf32, #tpu.memory_space<vmem_shared>> -> memref<640x16xf32, #tpu.memory_space<vmem_shared>>
      tpu.wait_dma2 semaphore(%run_scoped3A : memref<!tpu.dma_semaphore, #tpu.memory_space<semaphore_mem>>) src(%arg7 : memref<640x16xf32, #tpu.memory_space<hbm>>) dst(%dma_wait3A_145 : memref<640x16xf32, #tpu.memory_space<vmem_shared>>)
      tpu.yield
    }) : () -> ()
    %mul3A_7 = arith.constant 640 : i32
    %mul3A_8 = arith.muli %arg1, %mul3A_7 : i32
    "tpu.region"() ({
      %run_scoped3A = tpu.sem_alloc : memref<!tpu.dma_semaphore, #tpu.memory_space<semaphore_mem>>
      %dma_start3A_142 = arith.constant 0 : i32
      %dma_start3A_143 = tpu.memref_slice %arg37[%mul3A_8, %dma_start3A_142] : memref<10240x8xf32, #tpu.memory_space<vmem_shared>> -> memref<640x8xf32, #tpu.memory_space<vmem_shared>>
      tpu.enqueue_dma source(%arg8 : memref<640x8xf32, #tpu.memory_space<hbm>>) target(%dma_start3A_143 : memref<640x8xf32, #tpu.memory_space<vmem_shared>>) target_semaphore(%run_scoped3A : memref<!tpu.dma_semaphore, #tpu.memory_space<semaphore_mem>>)
      %dma_wait3A_144 = arith.constant 0 : i32
      %dma_wait3A_145 = tpu.memref_slice %arg37[%mul3A_8, %dma_wait3A_144] : memref<10240x8xf32, #tpu.memory_space<vmem_shared>> -> memref<640x8xf32, #tpu.memory_space<vmem_shared>>
      tpu.wait_dma2 semaphore(%run_scoped3A : memref<!tpu.dma_semaphore, #tpu.memory_space<semaphore_mem>>) src(%arg8 : memref<640x8xf32, #tpu.memory_space<hbm>>) dst(%dma_wait3A_145 : memref<640x8xf32, #tpu.memory_space<vmem_shared>>)
      tpu.yield
    }) : () -> ()
    %barrier3A = arith.constant 0 : index
    tpu.barrier barrier_id(%barrier3A)
    %iota3A = tpu.iota {dimensions = array<i32: 0>} : vector<16xi32>
    %add3A_9 = arith.constant 0 : i32
    %add3A_10 = arith.addi %mul3A_2, %add3A_9 : i32
    %multiple_of3A = tpu.assume_multiple %add3A_10, 8 : i32
    %dma_start3A = tpu.memref_slice %arg3[%multiple_of3A] : memref<320000xi32, #tpu.memory_space<hbm>> -> memref<128xi32, #tpu.memory_space<hbm>>
    %dma_start3A_11 = tpu.memref_slice %arg3[%multiple_of3A] : memref<320000xi32, #tpu.memory_space<hbm>> -> memref<128xi32, #tpu.memory_space<hbm>>
    tpu.enqueue_dma source(%dma_start3A_11 : memref<128xi32, #tpu.memory_space<hbm>>) target(%arg13 : memref<128xi32, #tpu.memory_space<vmem>>) target_semaphore(%arg29 : memref<!tpu.dma_semaphore, #tpu.memory_space<semaphore_mem>>)
    %dma_start3A_12 = tpu.memref_slice %arg4[%multiple_of3A] : memref<320000xi32, #tpu.memory_space<hbm>> -> memref<128xi32, #tpu.memory_space<hbm>>
    %dma_start3A_13 = tpu.memref_slice %arg4[%multiple_of3A] : memref<320000xi32, #tpu.memory_space<hbm>> -> memref<128xi32, #tpu.memory_space<hbm>>
    tpu.enqueue_dma source(%dma_start3A_13 : memref<128xi32, #tpu.memory_space<hbm>>) target(%arg15 : memref<128xi32, #tpu.memory_space<vmem>>) target_semaphore(%arg29 : memref<!tpu.dma_semaphore, #tpu.memory_space<semaphore_mem>>)
    %dma_start3A_14 = arith.constant 0 : i32
    %dma_start3A_15 = tpu.memref_slice %arg5[%dma_start3A_14, %multiple_of3A] : memref<16x320000xf32, #tpu.memory_space<hbm>> -> memref<16x128xf32, #tpu.memory_space<hbm>>
    %dma_start3A_16 = arith.constant 0 : i32
    %dma_start3A_17 = tpu.memref_slice %arg5[%dma_start3A_16, %multiple_of3A] : memref<16x320000xf32, #tpu.memory_space<hbm>> -> memref<16x128xf32, #tpu.memory_space<hbm>>
    tpu.enqueue_dma source(%dma_start3A_17 : memref<16x128xf32, #tpu.memory_space<hbm>>) target(%arg21 : memref<16x128xf32, #tpu.memory_space<vmem>>) target_semaphore(%arg29 : memref<!tpu.dma_semaphore, #tpu.memory_space<semaphore_mem>>)
    %scan3A = arith.constant 0 : i32
    %scan3A_18 = arith.constant 39 : i32
    %scan3A_19 = arith.addi %scan3A, %scan3A_18 : i32
    %scan3A_20 = arith.constant 1 : i32
    scf.for %scan3A_142 = %scan3A to %scan3A_19 step %scan3A_20  : i32 {
      %mul3A_143 = arith.constant 2 : i32
      %mul3A_144 = arith.muli %scan3A_142, %mul3A_143 : i32
      %add3A_145 = arith.constant 0 : i32
      %add3A_146 = arith.addi %add3A_145, %mul3A_144 : i32
      %add3A_147 = arith.constant 0 : i32
      %add3A_148 = arith.addi %add3A_146, %add3A_147 : i32
      %mul3A_149 = arith.constant 128 : i32
      %mul3A_150 = arith.muli %add3A_148, %mul3A_149 : i32
      %add3A_151 = arith.addi %mul3A_2, %mul3A_150 : i32
      %multiple_of3A_152 = tpu.assume_multiple %add3A_151, 8 : i32
      %dma_wait3A_153 = tpu.memref_slice %arg3[%multiple_of3A_152] : memref<320000xi32, #tpu.memory_space<hbm>> -> memref<128xi32, #tpu.memory_space<hbm>>
      %dma_wait3A_154 = tpu.memref_slice %arg3[%multiple_of3A_152] : memref<320000xi32, #tpu.memory_space<hbm>> -> memref<128xi32, #tpu.memory_space<hbm>>
      tpu.wait_dma2 semaphore(%arg29 : memref<!tpu.dma_semaphore, #tpu.memory_space<semaphore_mem>>) src(%dma_wait3A_154 : memref<128xi32, #tpu.memory_space<hbm>>) dst(%arg13 : memref<128xi32, #tpu.memory_space<vmem>>)
      %dma_wait3A_155 = tpu.memref_slice %arg4[%multiple_of3A_152] : memref<320000xi32, #tpu.memory_space<hbm>> -> memref<128xi32, #tpu.memory_space<hbm>>
      %dma_wait3A_156 = tpu.memref_slice %arg4[%multiple_of3A_152] : memref<320000xi32, #tpu.memory_space<hbm>> -> memref<128xi32, #tpu.memory_space<hbm>>
      tpu.wait_dma2 semaphore(%arg29 : memref<!tpu.dma_semaphore, #tpu.memory_space<semaphore_mem>>) src(%dma_wait3A_156 : memref<128xi32, #tpu.memory_space<hbm>>) dst(%arg15 : memref<128xi32, #tpu.memory_space<vmem>>)
      %dma_wait3A_157 = arith.constant 0 : i32
      %dma_wait3A_158 = tpu.memref_slice %arg5[%dma_wait3A_157, %multiple_of3A_152] : memref<16x320000xf32, #tpu.memory_space<hbm>> -> memref<16x128xf32, #tpu.memory_space<hbm>>
      %dma_wait3A_159 = arith.constant 0 : i32
      %dma_wait3A_160 = tpu.memref_slice %arg5[%dma_wait3A_159, %multiple_of3A_152] : memref<16x320000xf32, #tpu.memory_space<hbm>> -> memref<16x128xf32, #tpu.memory_space<hbm>>
      tpu.wait_dma2 semaphore(%arg29 : memref<!tpu.dma_semaphore, #tpu.memory_space<semaphore_mem>>) src(%dma_wait3A_160 : memref<16x128xf32, #tpu.memory_space<hbm>>) dst(%arg21 : memref<16x128xf32, #tpu.memory_space<vmem>>)
      %dma_start3A_161 = arith.constant 0 : i32
      %dma_start3A_162 = arith.constant 0 : i32
      %dma_start3A_163 = tpu.memref_slice %arg2[%dma_start3A_161, %dma_start3A_162] : memref<10000x64xf32, #tpu.memory_space<hbm>> -> memref<10000x64xf32, #tpu.memory_space<hbm>>
      tpu.enqueue_indirect_dma source(%dma_start3A_163 : memref<10000x64xf32, #tpu.memory_space<hbm>>) target(%arg17 : memref<128x64xf32, #tpu.memory_space<vmem>>) offsets(%arg13 : memref<128xi32, #tpu.memory_space<vmem>>) semaphore(%arg31 : memref<!tpu.dma_semaphore, #tpu.memory_space<semaphore_mem>>)
      %add3A_164 = arith.constant 0 : i32
      %add3A_165 = vector.broadcast %add3A_164 : i32 to vector<16xi32>
      %add3A_166 = arith.addi %add3A_165, %iota3A : vector<16xi32>
      %get3A_167 = arith.constant 0 : i32
      %get3A_168 = arith.index_cast %get3A_167 : i32 to index
      %get3A_169 = arith.constant 0 : index
      %get3A_170 = tpu.vector_load %arg21[%get3A_168, %get3A_169] {strides = array<i32>} : memref<16x128xf32, #tpu.memory_space<vmem>>, vector<16xf32>,
      %broadcast_in_dim3A_171 = arith.constant 0 : i32
      %broadcast_in_dim3A_172 = vector.broadcast %broadcast_in_dim3A_171 : i32 to vector<16xi32>
      tpu.vector_store_idx %arg19[%add3A_166, %broadcast_in_dim3A_172], %get3A_170 : memref<128x16xf32, #tpu.memory_space<vmem>>[vector<16xi32>, vector<16xi32>], vector<16xf32>,
      %get3A_173 = arith.constant 1 : i32
      %get3A_174 = arith.index_cast %get3A_173 : i32 to index
      %get3A_175 = arith.constant 0 : index
      %get3A_176 = tpu.vector_load %arg21[%get3A_174, %get3A_175] {strides = array<i32>} : memref<16x128xf32, #tpu.memory_space<vmem>>, vector<16xf32>,
      %broadcast_in_dim3A_177 = arith.constant 1 : i32
      %broadcast_in_dim3A_178 = vector.broadcast %broadcast_in_dim3A_177 : i32 to vector<16xi32>
      tpu.vector_store_idx %arg19[%add3A_166, %broadcast_in_dim3A_178], %get3A_176 : memref<128x16xf32, #tpu.memory_space<vmem>>[vector<16xi32>, vector<16xi32>], vector<16xf32>,
      %get3A_179 = arith.constant 2 : i32
      %get3A_180 = arith.index_cast %get3A_179 : i32 to index
      %get3A_181 = arith.constant 0 : index
      %get3A_182 = tpu.vector_load %arg21[%get3A_180, %get3A_181] {strides = array<i32>} : memref<16x128xf32, #tpu.memory_space<vmem>>, vector<16xf32>,
      %broadcast_in_dim3A_183 = arith.constant 2 : i32
      %broadcast_in_dim3A_184 = vector.broadcast %broadcast_in_dim3A_183 : i32 to vector<16xi32>
      tpu.vector_store_idx %arg19[%add3A_166, %broadcast_in_dim3A_184], %get3A_182 : memref<128x16xf32, #tpu.memory_space<vmem>>[vector<16xi32>, vector<16xi32>], vector<16xf32>,
      %get3A_185 = arith.constant 3 : i32
      %get3A_186 = arith.index_cast %get3A_185 : i32 to index
      %get3A_187 = arith.constant 0 : index
      %get3A_188 = tpu.vector_load %arg21[%get3A_186, %get3A_187] {strides = array<i32>} : memref<16x128xf32, #tpu.memory_space<vmem>>, vector<16xf32>,
      %broadcast_in_dim3A_189 = arith.constant 3 : i32
      %broadcast_in_dim3A_190 = vector.broadcast %broadcast_in_dim3A_189 : i32 to vector<16xi32>
      tpu.vector_store_idx %arg19[%add3A_166, %broadcast_in_dim3A_190], %get3A_188 : memref<128x16xf32, #tpu.memory_space<vmem>>[vector<16xi32>, vector<16xi32>], vector<16xf32>,
      %get3A_191 = arith.constant 4 : i32
      %get3A_192 = arith.index_cast %get3A_191 : i32 to index
      %get3A_193 = arith.constant 0 : index
      %get3A_194 = tpu.vector_load %arg21[%get3A_192, %get3A_193] {strides = array<i32>} : memref<16x128xf32, #tpu.memory_space<vmem>>, vector<16xf32>,
      %broadcast_in_dim3A_195 = arith.constant 4 : i32
      %broadcast_in_dim3A_196 = vector.broadcast %broadcast_in_dim3A_195 : i32 to vector<16xi32>
      tpu.vector_store_idx %arg19[%add3A_166, %broadcast_in_dim3A_196], %get3A_194 : memref<128x16xf32, #tpu.memory_space<vmem>>[vector<16xi32>, vector<16xi32>], vector<16xf32>,
      %get3A_197 = arith.constant 5 : i32
      %get3A_198 = arith.index_cast %get3A_197 : i32 to index
      %get3A_199 = arith.constant 0 : index
      %get3A_200 = tpu.vector_load %arg21[%get3A_198, %get3A_199] {strides = array<i32>} : memref<16x128xf32, #tpu.memory_space<vmem>>, vector<16xf32>,
      %broadcast_in_dim3A_201 = arith.constant 5 : i32
      %broadcast_in_dim3A_202 = vector.broadcast %broadcast_in_dim3A_201 : i32 to vector<16xi32>
      tpu.vector_store_idx %arg19[%add3A_166, %broadcast_in_dim3A_202], %get3A_200 : memref<128x16xf32, #tpu.memory_space<vmem>>[vector<16xi32>, vector<16xi32>], vector<16xf32>,
      %get3A_203 = arith.constant 6 : i32
      %get3A_204 = arith.index_cast %get3A_203 : i32 to index
      %get3A_205 = arith.constant 0 : index
      %get3A_206 = tpu.vector_load %arg21[%get3A_204, %get3A_205] {strides = array<i32>} : memref<16x128xf32, #tpu.memory_space<vmem>>, vector<16xf32>,
      %broadcast_in_dim3A_207 = arith.constant 6 : i32
      %broadcast_in_dim3A_208 = vector.broadcast %broadcast_in_dim3A_207 : i32 to vector<16xi32>
      tpu.vector_store_idx %arg19[%add3A_166, %broadcast_in_dim3A_208], %get3A_206 : memref<128x16xf32, #tpu.memory_space<vmem>>[vector<16xi32>, vector<16xi32>], vector<16xf32>,
      %get3A_209 = arith.constant 7 : i32
      %get3A_210 = arith.index_cast %get3A_209 : i32 to index
      %get3A_211 = arith.constant 0 : index
      %get3A_212 = tpu.vector_load %arg21[%get3A_210, %get3A_211] {strides = array<i32>} : memref<16x128xf32, #tpu.memory_space<vmem>>, vector<16xf32>,
      %broadcast_in_dim3A_213 = arith.constant 7 : i32
      %broadcast_in_dim3A_214 = vector.broadcast %broadcast_in_dim3A_213 : i32 to vector<16xi32>
      tpu.vector_store_idx %arg19[%add3A_166, %broadcast_in_dim3A_214], %get3A_212 : memref<128x16xf32, #tpu.memory_space<vmem>>[vector<16xi32>, vector<16xi32>], vector<16xf32>,
      %get3A_215 = arith.constant 8 : i32
      %get3A_216 = arith.index_cast %get3A_215 : i32 to index
      %get3A_217 = arith.constant 0 : index
      %get3A_218 = tpu.vector_load %arg21[%get3A_216, %get3A_217] {strides = array<i32>} : memref<16x128xf32, #tpu.memory_space<vmem>>, vector<16xf32>,
      %broadcast_in_dim3A_219 = arith.constant 8 : i32
      %broadcast_in_dim3A_220 = vector.broadcast %broadcast_in_dim3A_219 : i32 to vector<16xi32>
      tpu.vector_store_idx %arg19[%add3A_166, %broadcast_in_dim3A_220], %get3A_218 : memref<128x16xf32, #tpu.memory_space<vmem>>[vector<16xi32>, vector<16xi32>], vector<16xf32>,
      %get3A_221 = arith.constant 9 : i32
      %get3A_222 = arith.index_cast %get3A_221 : i32 to index
      %get3A_223 = arith.constant 0 : index
      %get3A_224 = tpu.vector_load %arg21[%get3A_222, %get3A_223] {strides = array<i32>} : memref<16x128xf32, #tpu.memory_space<vmem>>, vector<16xf32>,
      %broadcast_in_dim3A_225 = arith.constant 9 : i32
      %broadcast_in_dim3A_226 = vector.broadcast %broadcast_in_dim3A_225 : i32 to vector<16xi32>
      tpu.vector_store_idx %arg19[%add3A_166, %broadcast_in_dim3A_226], %get3A_224 : memref<128x16xf32, #tpu.memory_space<vmem>>[vector<16xi32>, vector<16xi32>], vector<16xf32>,
      %get3A_227 = arith.constant 10 : i32
      %get3A_228 = arith.index_cast %get3A_227 : i32 to index
      %get3A_229 = arith.constant 0 : index
      %get3A_230 = tpu.vector_load %arg21[%get3A_228, %get3A_229] {strides = array<i32>} : memref<16x128xf32, #tpu.memory_space<vmem>>, vector<16xf32>,
      %broadcast_in_dim3A_231 = arith.constant 10 : i32
      %broadcast_in_dim3A_232 = vector.broadcast %broadcast_in_dim3A_231 : i32 to vector<16xi32>
      tpu.vector_store_idx %arg19[%add3A_166, %broadcast_in_dim3A_232], %get3A_230 : memref<128x16xf32, #tpu.memory_space<vmem>>[vector<16xi32>, vector<16xi32>], vector<16xf32>,
      %get3A_233 = arith.constant 11 : i32
      %get3A_234 = arith.index_cast %get3A_233 : i32 to index
      %get3A_235 = arith.constant 0 : index
      %get3A_236 = tpu.vector_load %arg21[%get3A_234, %get3A_235] {strides = array<i32>} : memref<16x128xf32, #tpu.memory_space<vmem>>, vector<16xf32>,
      %broadcast_in_dim3A_237 = arith.constant 11 : i32
      %broadcast_in_dim3A_238 = vector.broadcast %broadcast_in_dim3A_237 : i32 to vector<16xi32>
      tpu.vector_store_idx %arg19[%add3A_166, %broadcast_in_dim3A_238], %get3A_236 : memref<128x16xf32, #tpu.memory_space<vmem>>[vector<16xi32>, vector<16xi32>], vector<16xf32>,
      %get3A_239 = arith.constant 12 : i32
      %get3A_240 = arith.index_cast %get3A_239 : i32 to index
      %get3A_241 = arith.constant 0 : index
      %get3A_242 = tpu.vector_load %arg21[%get3A_240, %get3A_241] {strides = array<i32>} : memref<16x128xf32, #tpu.memory_space<vmem>>, vector<16xf32>,
      %broadcast_in_dim3A_243 = arith.constant 12 : i32
      %broadcast_in_dim3A_244 = vector.broadcast %broadcast_in_dim3A_243 : i32 to vector<16xi32>
      tpu.vector_store_idx %arg19[%add3A_166, %broadcast_in_dim3A_244], %get3A_242 : memref<128x16xf32, #tpu.memory_space<vmem>>[vector<16xi32>, vector<16xi32>], vector<16xf32>,
      %get3A_245 = arith.constant 13 : i32
      %get3A_246 = arith.index_cast %get3A_245 : i32 to index
      %get3A_247 = arith.constant 0 : index
      %get3A_248 = tpu.vector_load %arg21[%get3A_246, %get3A_247] {strides = array<i32>} : memref<16x128xf32, #tpu.memory_space<vmem>>, vector<16xf32>,
      %broadcast_in_dim3A_249 = arith.constant 13 : i32
      %broadcast_in_dim3A_250 = vector.broadcast %broadcast_in_dim3A_249 : i32 to vector<16xi32>
      tpu.vector_store_idx %arg19[%add3A_166, %broadcast_in_dim3A_250], %get3A_248 : memref<128x16xf32, #tpu.memory_space<vmem>>[vector<16xi32>, vector<16xi32>], vector<16xf32>,
      %get3A_251 = arith.constant 14 : i32
      %get3A_252 = arith.index_cast %get3A_251 : i32 to index
      %get3A_253 = arith.constant 0 : index
      %get3A_254 = tpu.vector_load %arg21[%get3A_252, %get3A_253] {strides = array<i32>} : memref<16x128xf32, #tpu.memory_space<vmem>>, vector<16xf32>,
      %broadcast_in_dim3A_255 = arith.constant 14 : i32
      %broadcast_in_dim3A_256 = vector.broadcast %broadcast_in_dim3A_255 : i32 to vector<16xi32>
      tpu.vector_store_idx %arg19[%add3A_166, %broadcast_in_dim3A_256], %get3A_254 : memref<128x16xf32, #tpu.memory_space<vmem>>[vector<16xi32>, vector<16xi32>], vector<16xf32>,
      %get3A_257 = arith.constant 15 : i32
      %get3A_258 = arith.index_cast %get3A_257 : i32 to index
      %get3A_259 = arith.constant 0 : index
      %get3A_260 = tpu.vector_load %arg21[%get3A_258, %get3A_259] {strides = array<i32>} : memref<16x128xf32, #tpu.memory_space<vmem>>, vector<16xf32>,
      %broadcast_in_dim3A_261 = arith.constant 15 : i32
      %broadcast_in_dim3A_262 = vector.broadcast %broadcast_in_dim3A_261 : i32 to vector<16xi32>
      tpu.vector_store_idx %arg19[%add3A_166, %broadcast_in_dim3A_262], %get3A_260 : memref<128x16xf32, #tpu.memory_space<vmem>>[vector<16xi32>, vector<16xi32>], vector<16xf32>,
      %add3A_263 = arith.constant 16 : i32
      %add3A_264 = vector.broadcast %add3A_263 : i32 to vector<16xi32>
      %add3A_265 = arith.addi %add3A_264, %iota3A : vector<16xi32>
      %get3A_266 = arith.constant 0 : i32
      %get3A_267 = arith.index_cast %get3A_266 : i32 to index
      %get3A_268 = arith.constant 16 : index
      %get3A_269 = tpu.vector_load %arg21[%get3A_267, %get3A_268] {strides = array<i32>} : memref<16x128xf32, #tpu.memory_space<vmem>>, vector<16xf32>,
      %broadcast_in_dim3A_270 = arith.constant 0 : i32
      %broadcast_in_dim3A_271 = vector.broadcast %broadcast_in_dim3A_270 : i32 to vector<16xi32>
      tpu.vector_store_idx %arg19[%add3A_265, %broadcast_in_dim3A_271], %get3A_269 : memref<128x16xf32, #tpu.memory_space<vmem>>[vector<16xi32>, vector<16xi32>], vector<16xf32>,
      %get3A_272 = arith.constant 1 : i32
      %get3A_273 = arith.index_cast %get3A_272 : i32 to index
      %get3A_274 = arith.constant 16 : index
      %get3A_275 = tpu.vector_load %arg21[%get3A_273, %get3A_274] {strides = array<i32>} : memref<16x128xf32, #tpu.memory_space<vmem>>, vector<16xf32>,
      %broadcast_in_dim3A_276 = arith.constant 1 : i32
      %broadcast_in_dim3A_277 = vector.broadcast %broadcast_in_dim3A_276 : i32 to vector<16xi32>
      tpu.vector_store_idx %arg19[%add3A_265, %broadcast_in_dim3A_277], %get3A_275 : memref<128x16xf32, #tpu.memory_space<vmem>>[vector<16xi32>, vector<16xi32>], vector<16xf32>,
      %get3A_278 = arith.constant 2 : i32
      %get3A_279 = arith.index_cast %get3A_278 : i32 to index
      %get3A_280 = arith.constant 16 : index
      %get3A_281 = tpu.vector_load %arg21[%get3A_279, %get3A_280] {strides = array<i32>} : memref<16x128xf32, #tpu.memory_space<vmem>>, vector<16xf32>,
      %broadcast_in_dim3A_282 = arith.constant 2 : i32
      %broadcast_in_dim3A_283 = vector.broadcast %broadcast_in_dim3A_282 : i32 to vector<16xi32>
      tpu.vector_store_idx %arg19[%add3A_265, %broadcast_in_dim3A_283], %get3A_281 : memref<128x16xf32, #tpu.memory_space<vmem>>[vector<16xi32>, vector<16xi32>], vector<16xf32>,
      %get3A_284 = arith.constant 3 : i32
      %get3A_285 = arith.index_cast %get3A_284 : i32 to index
      %get3A_286 = arith.constant 16 : index
      %get3A_287 = tpu.vector_load %arg21[%get3A_285, %get3A_286] {strides = array<i32>} : memref<16x128xf32, #tpu.memory_space<vmem>>, vector<16xf32>,
      %broadcast_in_dim3A_288 = arith.constant 3 : i32
      %broadcast_in_dim3A_289 = vector.broadcast %broadcast_in_dim3A_288 : i32 to vector<16xi32>
      tpu.vector_store_idx %arg19[%add3A_265, %broadcast_in_dim3A_289], %get3A_287 : memref<128x16xf32, #tpu.memory_space<vmem>>[vector<16xi32>, vector<16xi32>], vector<16xf32>,
      %get3A_290 = arith.constant 4 : i32
      %get3A_291 = arith.index_cast %get3A_290 : i32 to index
      %get3A_292 = arith.constant 16 : index
      %get3A_293 = tpu.vector_load %arg21[%get3A_291, %get3A_292] {strides = array<i32>} : memref<16x128xf32, #tpu.memory_space<vmem>>, vector<16xf32>,
      %broadcast_in_dim3A_294 = arith.constant 4 : i32
      %broadcast_in_dim3A_295 = vector.broadcast %broadcast_in_dim3A_294 : i32 to vector<16xi32>
      tpu.vector_store_idx %arg19[%add3A_265, %broadcast_in_dim3A_295], %get3A_293 : memref<128x16xf32, #tpu.memory_space<vmem>>[vector<16xi32>, vector<16xi32>], vector<16xf32>,
      %get3A_296 = arith.constant 5 : i32
      %get3A_297 = arith.index_cast %get3A_296 : i32 to index
      %get3A_298 = arith.constant 16 : index
      %get3A_299 = tpu.vector_load %arg21[%get3A_297, %get3A_298] {strides = array<i32>} : memref<16x128xf32, #tpu.memory_space<vmem>>, vector<16xf32>,
      %broadcast_in_dim3A_300 = arith.constant 5 : i32
      %broadcast_in_dim3A_301 = vector.broadcast %broadcast_in_dim3A_300 : i32 to vector<16xi32>
      tpu.vector_store_idx %arg19[%add3A_265, %broadcast_in_dim3A_301], %get3A_299 : memref<128x16xf32, #tpu.memory_space<vmem>>[vector<16xi32>, vector<16xi32>], vector<16xf32>,
      %get3A_302 = arith.constant 6 : i32
      %get3A_303 = arith.index_cast %get3A_302 : i32 to index
      %get3A_304 = arith.constant 16 : index
      %get3A_305 = tpu.vector_load %arg21[%get3A_303, %get3A_304] {strides = array<i32>} : memref<16x128xf32, #tpu.memory_space<vmem>>, vector<16xf32>,
      %broadcast_in_dim3A_306 = arith.constant 6 : i32
      %broadcast_in_dim3A_307 = vector.broadcast %broadcast_in_dim3A_306 : i32 to vector<16xi32>
      tpu.vector_store_idx %arg19[%add3A_265, %broadcast_in_dim3A_307], %get3A_305 : memref<128x16xf32, #tpu.memory_space<vmem>>[vector<16xi32>, vector<16xi32>], vector<16xf32>,
      %get3A_308 = arith.constant 7 : i32
      %get3A_309 = arith.index_cast %get3A_308 : i32 to index
      %get3A_310 = arith.constant 16 : index
      %get3A_311 = tpu.vector_load %arg21[%get3A_309, %get3A_310] {strides = array<i32>} : memref<16x128xf32, #tpu.memory_space<vmem>>, vector<16xf32>,
      %broadcast_in_dim3A_312 = arith.constant 7 : i32
      %broadcast_in_dim3A_313 = vector.broadcast %broadcast_in_dim3A_312 : i32 to vector<16xi32>
      tpu.vector_store_idx %arg19[%add3A_265, %broadcast_in_dim3A_313], %get3A_311 : memref<128x16xf32, #tpu.memory_space<vmem>>[vector<16xi32>, vector<16xi32>], vector<16xf32>,
      %get3A_314 = arith.constant 8 : i32
      %get3A_315 = arith.index_cast %get3A_314 : i32 to index
      %get3A_316 = arith.constant 16 : index
      %get3A_317 = tpu.vector_load %arg21[%get3A_315, %get3A_316] {strides = array<i32>} : memref<16x128xf32, #tpu.memory_space<vmem>>, vector<16xf32>,
      %broadcast_in_dim3A_318 = arith.constant 8 : i32
      %broadcast_in_dim3A_319 = vector.broadcast %broadcast_in_dim3A_318 : i32 to vector<16xi32>
      tpu.vector_store_idx %arg19[%add3A_265, %broadcast_in_dim3A_319], %get3A_317 : memref<128x16xf32, #tpu.memory_space<vmem>>[vector<16xi32>, vector<16xi32>], vector<16xf32>,
      %get3A_320 = arith.constant 9 : i32
      %get3A_321 = arith.index_cast %get3A_320 : i32 to index
      %get3A_322 = arith.constant 16 : index
      %get3A_323 = tpu.vector_load %arg21[%get3A_321, %get3A_322] {strides = array<i32>} : memref<16x128xf32, #tpu.memory_space<vmem>>, vector<16xf32>,
      %broadcast_in_dim3A_324 = arith.constant 9 : i32
      %broadcast_in_dim3A_325 = vector.broadcast %broadcast_in_dim3A_324 : i32 to vector<16xi32>
      tpu.vector_store_idx %arg19[%add3A_265, %broadcast_in_dim3A_325], %get3A_323 : memref<128x16xf32, #tpu.memory_space<vmem>>[vector<16xi32>, vector<16xi32>], vector<16xf32>,
      %get3A_326 = arith.constant 10 : i32
      %get3A_327 = arith.index_cast %get3A_326 : i32 to index
      %get3A_328 = arith.constant 16 : index
      %get3A_329 = tpu.vector_load %arg21[%get3A_327, %get3A_328] {strides = array<i32>} : memref<16x128xf32, #tpu.memory_space<vmem>>, vector<16xf32>,
      %broadcast_in_dim3A_330 = arith.constant 10 : i32
      %broadcast_in_dim3A_331 = vector.broadcast %broadcast_in_dim3A_330 : i32 to vector<16xi32>
      tpu.vector_store_idx %arg19[%add3A_265, %broadcast_in_dim3A_331], %get3A_329 : memref<128x16xf32, #tpu.memory_space<vmem>>[vector<16xi32>, vector<16xi32>], vector<16xf32>,
      %get3A_332 = arith.constant 11 : i32
      %get3A_333 = arith.index_cast %get3A_332 : i32 to index
      %get3A_334 = arith.constant 16 : index
      %get3A_335 = tpu.vector_load %arg21[%get3A_333, %get3A_334] {strides = array<i32>} : memref<16x128xf32, #tpu.memory_space<vmem>>, vector<16xf32>,
      %broadcast_in_dim3A_336 = arith.constant 11 : i32
      %broadcast_in_dim3A_337 = vector.broadcast %broadcast_in_dim3A_336 : i32 to vector<16xi32>
      tpu.vector_store_idx %arg19[%add3A_265, %broadcast_in_dim3A_337], %get3A_335 : memref<128x16xf32, #tpu.memory_space<vmem>>[vector<16xi32>, vector<16xi32>], vector<16xf32>,
      %get3A_338 = arith.constant 12 : i32
      %get3A_339 = arith.index_cast %get3A_338 : i32 to index
      %get3A_340 = arith.constant 16 : index
      %get3A_341 = tpu.vector_load %arg21[%get3A_339, %get3A_340] {strides = array<i32>} : memref<16x128xf32, #tpu.memory_space<vmem>>, vector<16xf32>,
      %broadcast_in_dim3A_342 = arith.constant 12 : i32
      %broadcast_in_dim3A_343 = vector.broadcast %broadcast_in_dim3A_342 : i32 to vector<16xi32>
      tpu.vector_store_idx %arg19[%add3A_265, %broadcast_in_dim3A_343], %get3A_341 : memref<128x16xf32, #tpu.memory_space<vmem>>[vector<16xi32>, vector<16xi32>], vector<16xf32>,
      %get3A_344 = arith.constant 13 : i32
      %get3A_345 = arith.index_cast %get3A_344 : i32 to index
      %get3A_346 = arith.constant 16 : index
      %get3A_347 = tpu.vector_load %arg21[%get3A_345, %get3A_346] {strides = array<i32>} : memref<16x128xf32, #tpu.memory_space<vmem>>, vector<16xf32>,
      %broadcast_in_dim3A_348 = arith.constant 13 : i32
      %broadcast_in_dim3A_349 = vector.broadcast %broadcast_in_dim3A_348 : i32 to vector<16xi32>
      tpu.vector_store_idx %arg19[%add3A_265, %broadcast_in_dim3A_349], %get3A_347 : memref<128x16xf32, #tpu.memory_space<vmem>>[vector<16xi32>, vector<16xi32>], vector<16xf32>,
      %get3A_350 = arith.constant 14 : i32
      %get3A_351 = arith.index_cast %get3A_350 : i32 to index
      %get3A_352 = arith.constant 16 : index
      %get3A_353 = tpu.vector_load %arg21[%get3A_351, %get3A_352] {strides = array<i32>} : memref<16x128xf32, #tpu.memory_space<vmem>>, vector<16xf32>,
      %broadcast_in_dim3A_354 = arith.constant 14 : i32
      %broadcast_in_dim3A_355 = vector.broadcast %broadcast_in_dim3A_354 : i32 to vector<16xi32>
      tpu.vector_store_idx %arg19[%add3A_265, %broadcast_in_dim3A_355], %get3A_353 : memref<128x16xf32, #tpu.memory_space<vmem>>[vector<16xi32>, vector<16xi32>], vector<16xf32>,
      %get3A_356 = arith.constant 15 : i32
      %get3A_357 = arith.index_cast %get3A_356 : i32 to index
      %get3A_358 = arith.constant 16 : index
      %get3A_359 = tpu.vector_load %arg21[%get3A_357, %get3A_358] {strides = array<i32>} : memref<16x128xf32, #tpu.memory_space<vmem>>, vector<16xf32>,
      %broadcast_in_dim3A_360 = arith.constant 15 : i32
      %broadcast_in_dim3A_361 = vector.broadcast %broadcast_in_dim3A_360 : i32 to vector<16xi32>
      tpu.vector_store_idx %arg19[%add3A_265, %broadcast_in_dim3A_361], %get3A_359 : memref<128x16xf32, #tpu.memory_space<vmem>>[vector<16xi32>, vector<16xi32>], vector<16xf32>,
      %add3A_362 = arith.constant 32 : i32
      %add3A_363 = vector.broadcast %add3A_362 : i32 to vector<16xi32>
      %add3A_364 = arith.addi %add3A_363, %iota3A : vector<16xi32>
      %get3A_365 = arith.constant 0 : i32
      %get3A_366 = arith.index_cast %get3A_365 : i32 to index
      %get3A_367 = arith.constant 32 : index
      %get3A_368 = tpu.vector_load %arg21[%get3A_366, %get3A_367] {strides = array<i32>} : memref<16x128xf32, #tpu.memory_space<vmem>>, vector<16xf32>,
      %broadcast_in_dim3A_369 = arith.constant 0 : i32
      %broadcast_in_dim3A_370 = vector.broadcast %broadcast_in_dim3A_369 : i32 to vector<16xi32>
      tpu.vector_store_idx %arg19[%add3A_364, %broadcast_in_dim3A_370], %get3A_368 : memref<128x16xf32, #tpu.memory_space<vmem>>[vector<16xi32>, vector<16xi32>], vector<16xf32>,
      %get3A_371 = arith.constant 1 : i32
      %get3A_372 = arith.index_cast %get3A_371 : i32 to index
      %get3A_373 = arith.constant 32 : index
      %get3A_374 = tpu.vector_load %arg21[%get3A_372, %get3A_373] {strides = array<i32>} : memref<16x128xf32, #tpu.memory_space<vmem>>, vector<16xf32>,
      %broadcast_in_dim3A_375 = arith.constant 1 : i32
      %broadcast_in_dim3A_376 = vector.broadcast %broadcast_in_dim3A_375 : i32 to vector<16xi32>
      tpu.vector_store_idx %arg19[%add3A_364, %broadcast_in_dim3A_376], %get3A_374 : memref<128x16xf32, #tpu.memory_space<vmem>>[vector<16xi32>, vector<16xi32>], vector<16xf32>,
      %get3A_377 = arith.constant 2 : i32
      %get3A_378 = arith.index_cast %get3A_377 : i32 to index
      %get3A_379 = arith.constant 32 : index
      %get3A_380 = tpu.vector_load %arg21[%get3A_378, %get3A_379] {strides = array<i32>} : memref<16x128xf32, #tpu.memory_space<vmem>>, vector<16xf32>,
      %broadcast_in_dim3A_381 = arith.constant 2 : i32
      %broadcast_in_dim3A_382 = vector.broadcast %broadcast_in_dim3A_381 : i32 to vector<16xi32>
      tpu.vector_store_idx %arg19[%add3A_364, %broadcast_in_dim3A_382], %get3A_380 : memref<128x16xf32, #tpu.memory_space<vmem>>[vector<16xi32>, vector<16xi32>], vector<16xf32>,
      %get3A_383 = arith.constant 3 : i32
      %get3A_384 = arith.index_cast %get3A_383 : i32 to index
      %get3A_385 = arith.constant 32 : index
      %get3A_386 = tpu.vector_load %arg21[%get3A_384, %get3A_385] {strides = array<i32>} : memref<16x128xf32, #tpu.memory_space<vmem>>, vector<16xf32>,
      %broadcast_in_dim3A_387 = arith.constant 3 : i32
      %broadcast_in_dim3A_388 = vector.broadcast %broadcast_in_dim3A_387 : i32 to vector<16xi32>
      tpu.vector_store_idx %arg19[%add3A_364, %broadcast_in_dim3A_388], %get3A_386 : memref<128x16xf32, #tpu.memory_space<vmem>>[vector<16xi32>, vector<16xi32>], vector<16xf32>,
      %get3A_389 = arith.constant 4 : i32
      %get3A_390 = arith.index_cast %get3A_389 : i32 to index
      %get3A_391 = arith.constant 32 : index
      %get3A_392 = tpu.vector_load %arg21[%get3A_390, %get3A_391] {strides = array<i32>} : memref<16x128xf32, #tpu.memory_space<vmem>>, vector<16xf32>,
      %broadcast_in_dim3A_393 = arith.constant 4 : i32
      %broadcast_in_dim3A_394 = vector.broadcast %broadcast_in_dim3A_393 : i32 to vector<16xi32>
      tpu.vector_store_idx %arg19[%add3A_364, %broadcast_in_dim3A_394], %get3A_392 : memref<128x16xf32, #tpu.memory_space<vmem>>[vector<16xi32>, vector<16xi32>], vector<16xf32>,
      %get3A_395 = arith.constant 5 : i32
      %get3A_396 = arith.index_cast %get3A_395 : i32 to index
      %get3A_397 = arith.constant 32 : index
      %get3A_398 = tpu.vector_load %arg21[%get3A_396, %get3A_397] {strides = array<i32>} : memref<16x128xf32, #tpu.memory_space<vmem>>, vector<16xf32>,
      %broadcast_in_dim3A_399 = arith.constant 5 : i32
      %broadcast_in_dim3A_400 = vector.broadcast %broadcast_in_dim3A_399 : i32 to vector<16xi32>
      tpu.vector_store_idx %arg19[%add3A_364, %broadcast_in_dim3A_400], %get3A_398 : memref<128x16xf32, #tpu.memory_space<vmem>>[vector<16xi32>, vector<16xi32>], vector<16xf32>,
      %get3A_401 = arith.constant 6 : i32
      %get3A_402 = arith.index_cast %get3A_401 : i32 to index
      %get3A_403 = arith.constant 32 : index
      %get3A_404 = tpu.vector_load %arg21[%get3A_402, %get3A_403] {strides = array<i32>} : memref<16x128xf32, #tpu.memory_space<vmem>>, vector<16xf32>,
      %broadcast_in_dim3A_405 = arith.constant 6 : i32
      %broadcast_in_dim3A_406 = vector.broadcast %broadcast_in_dim3A_405 : i32 to vector<16xi32>
      tpu.vector_store_idx %arg19[%add3A_364, %broadcast_in_dim3A_406], %get3A_404 : memref<128x16xf32, #tpu.memory_space<vmem>>[vector<16xi32>, vector<16xi32>], vector<16xf32>,
      %get3A_407 = arith.constant 7 : i32
      %get3A_408 = arith.index_cast %get3A_407 : i32 to index
      %get3A_409 = arith.constant 32 : index
      %get3A_410 = tpu.vector_load %arg21[%get3A_408, %get3A_409] {strides = array<i32>} : memref<16x128xf32, #tpu.memory_space<vmem>>, vector<16xf32>,
      %broadcast_in_dim3A_411 = arith.constant 7 : i32
      %broadcast_in_dim3A_412 = vector.broadcast %broadcast_in_dim3A_411 : i32 to vector<16xi32>
      tpu.vector_store_idx %arg19[%add3A_364, %broadcast_in_dim3A_412], %get3A_410 : memref<128x16xf32, #tpu.memory_space<vmem>>[vector<16xi32>, vector<16xi32>], vector<16xf32>,
      %get3A_413 = arith.constant 8 : i32
      %get3A_414 = arith.index_cast %get3A_413 : i32 to index
      %get3A_415 = arith.constant 32 : index
      %get3A_416 = tpu.vector_load %arg21[%get3A_414, %get3A_415] {strides = array<i32>} : memref<16x128xf32, #tpu.memory_space<vmem>>, vector<16xf32>,
      %broadcast_in_dim3A_417 = arith.constant 8 : i32
      %broadcast_in_dim3A_418 = vector.broadcast %broadcast_in_dim3A_417 : i32 to vector<16xi32>
      tpu.vector_store_idx %arg19[%add3A_364, %broadcast_in_dim3A_418], %get3A_416 : memref<128x16xf32, #tpu.memory_space<vmem>>[vector<16xi32>, vector<16xi32>], vector<16xf32>,
      %get3A_419 = arith.constant 9 : i32
      %get3A_420 = arith.index_cast %get3A_419 : i32 to index
      %get3A_421 = arith.constant 32 : index
      %get3A_422 = tpu.vector_load %arg21[%get3A_420, %get3A_421] {strides = array<i32>} : memref<16x128xf32, #tpu.memory_space<vmem>>, vector<16xf32>,
      %broadcast_in_dim3A_423 = arith.constant 9 : i32
      %broadcast_in_dim3A_424 = vector.broadcast %broadcast_in_dim3A_423 : i32 to vector<16xi32>
      tpu.vector_store_idx %arg19[%add3A_364, %broadcast_in_dim3A_424], %get3A_422 : memref<128x16xf32, #tpu.memory_space<vmem>>[vector<16xi32>, vector<16xi32>], vector<16xf32>,
      %get3A_425 = arith.constant 10 : i32
      %get3A_426 = arith.index_cast %get3A_425 : i32 to index
      %get3A_427 = arith.constant 32 : index
      %get3A_428 = tpu.vector_load %arg21[%get3A_426, %get3A_427] {strides = array<i32>} : memref<16x128xf32, #tpu.memory_space<vmem>>, vector<16xf32>,
      %broadcast_in_dim3A_429 = arith.constant 10 : i32
      %broadcast_in_dim3A_430 = vector.broadcast %broadcast_in_dim3A_429 : i32 to vector<16xi32>
      tpu.vector_store_idx %arg19[%add3A_364, %broadcast_in_dim3A_430], %get3A_428 : memref<128x16xf32, #tpu.memory_space<vmem>>[vector<16xi32>, vector<16xi32>], vector<16xf32>,
      %get3A_431 = arith.constant 11 : i32
      %get3A_432 = arith.index_cast %get3A_431 : i32 to index
      %get3A_433 = arith.constant 32 : index
      %get3A_434 = tpu.vector_load %arg21[%get3A_432, %get3A_433] {strides = array<i32>} : memref<16x128xf32, #tpu.memory_space<vmem>>, vector<16xf32>,
      %broadcast_in_dim3A_435 = arith.constant 11 : i32
      %broadcast_in_dim3A_436 = vector.broadcast %broadcast_in_dim3A_435 : i32 to vector<16xi32>
      tpu.vector_store_idx %arg19[%add3A_364, %broadcast_in_dim3A_436], %get3A_434 : memref<128x16xf32, #tpu.memory_space<vmem>>[vector<16xi32>, vector<16xi32>], vector<16xf32>,
      %get3A_437 = arith.constant 12 : i32
      %get3A_438 = arith.index_cast %get3A_437 : i32 to index
      %get3A_439 = arith.constant 32 : index
      %get3A_440 = tpu.vector_load %arg21[%get3A_438, %get3A_439] {strides = array<i32>} : memref<16x128xf32, #tpu.memory_space<vmem>>, vector<16xf32>,
      %broadcast_in_dim3A_441 = arith.constant 12 : i32
      %broadcast_in_dim3A_442 = vector.broadcast %broadcast_in_dim3A_441 : i32 to vector<16xi32>
      tpu.vector_store_idx %arg19[%add3A_364, %broadcast_in_dim3A_442], %get3A_440 : memref<128x16xf32, #tpu.memory_space<vmem>>[vector<16xi32>, vector<16xi32>], vector<16xf32>,
      %get3A_443 = arith.constant 13 : i32
      %get3A_444 = arith.index_cast %get3A_443 : i32 to index
      %get3A_445 = arith.constant 32 : index
      %get3A_446 = tpu.vector_load %arg21[%get3A_444, %get3A_445] {strides = array<i32>} : memref<16x128xf32, #tpu.memory_space<vmem>>, vector<16xf32>,
      %broadcast_in_dim3A_447 = arith.constant 13 : i32
      %broadcast_in_dim3A_448 = vector.broadcast %broadcast_in_dim3A_447 : i32 to vector<16xi32>
      tpu.vector_store_idx %arg19[%add3A_364, %broadcast_in_dim3A_448], %get3A_446 : memref<128x16xf32, #tpu.memory_space<vmem>>[vector<16xi32>, vector<16xi32>], vector<16xf32>,
      %get3A_449 = arith.constant 14 : i32
      %get3A_450 = arith.index_cast %get3A_449 : i32 to index
      %get3A_451 = arith.constant 32 : index
      %get3A_452 = tpu.vector_load %arg21[%get3A_450, %get3A_451] {strides = array<i32>} : memref<16x128xf32, #tpu.memory_space<vmem>>, vector<16xf32>,
      %broadcast_in_dim3A_453 = arith.constant 14 : i32
      %broadcast_in_dim3A_454 = vector.broadcast %broadcast_in_dim3A_453 : i32 to vector<16xi32>
      tpu.vector_store_idx %arg19[%add3A_364, %broadcast_in_dim3A_454], %get3A_452 : memref<128x16xf32, #tpu.memory_space<vmem>>[vector<16xi32>, vector<16xi32>], vector<16xf32>,
      %get3A_455 = arith.constant 15 : i32
      %get3A_456 = arith.index_cast %get3A_455 : i32 to index
      %get3A_457 = arith.constant 32 : index
      %get3A_458 = tpu.vector_load %arg21[%get3A_456, %get3A_457] {strides = array<i32>} : memref<16x128xf32, #tpu.memory_space<vmem>>, vector<16xf32>,
      %broadcast_in_dim3A_459 = arith.constant 15 : i32
      %broadcast_in_dim3A_460 = vector.broadcast %broadcast_in_dim3A_459 : i32 to vector<16xi32>
      tpu.vector_store_idx %arg19[%add3A_364, %broadcast_in_dim3A_460], %get3A_458 : memref<128x16xf32, #tpu.memory_space<vmem>>[vector<16xi32>, vector<16xi32>], vector<16xf32>,
      %add3A_461 = arith.constant 48 : i32
      %add3A_462 = vector.broadcast %add3A_461 : i32 to vector<16xi32>
      %add3A_463 = arith.addi %add3A_462, %iota3A : vector<16xi32>
      %get3A_464 = arith.constant 0 : i32
      %get3A_465 = arith.index_cast %get3A_464 : i32 to index
      %get3A_466 = arith.constant 48 : index
      %get3A_467 = tpu.vector_load %arg21[%get3A_465, %get3A_466] {strides = array<i32>} : memref<16x128xf32, #tpu.memory_space<vmem>>, vector<16xf32>,
      %broadcast_in_dim3A_468 = arith.constant 0 : i32
      %broadcast_in_dim3A_469 = vector.broadcast %broadcast_in_dim3A_468 : i32 to vector<16xi32>
      tpu.vector_store_idx %arg19[%add3A_463, %broadcast_in_dim3A_469], %get3A_467 : memref<128x16xf32, #tpu.memory_space<vmem>>[vector<16xi32>, vector<16xi32>], vector<16xf32>,
      %get3A_470 = arith.constant 1 : i32
      %get3A_471 = arith.index_cast %get3A_470 : i32 to index
      %get3A_472 = arith.constant 48 : index
      %get3A_473 = tpu.vector_load %arg21[%get3A_471, %get3A_472] {strides = array<i32>} : memref<16x128xf32, #tpu.memory_space<vmem>>, vector<16xf32>,
      %broadcast_in_dim3A_474 = arith.constant 1 : i32
      %broadcast_in_dim3A_475 = vector.broadcast %broadcast_in_dim3A_474 : i32 to vector<16xi32>
      tpu.vector_store_idx %arg19[%add3A_463, %broadcast_in_dim3A_475], %get3A_473 : memref<128x16xf32, #tpu.memory_space<vmem>>[vector<16xi32>, vector<16xi32>], vector<16xf32>,
      %get3A_476 = arith.constant 2 : i32
      %get3A_477 = arith.index_cast %get3A_476 : i32 to index
      %get3A_478 = arith.constant 48 : index
      %get3A_479 = tpu.vector_load %arg21[%get3A_477, %get3A_478] {strides = array<i32>} : memref<16x128xf32, #tpu.memory_space<vmem>>, vector<16xf32>,
      %broadcast_in_dim3A_480 = arith.constant 2 : i32
      %broadcast_in_dim3A_481 = vector.broadcast %broadcast_in_dim3A_480 : i32 to vector<16xi32>
      tpu.vector_store_idx %arg19[%add3A_463, %broadcast_in_dim3A_481], %get3A_479 : memref<128x16xf32, #tpu.memory_space<vmem>>[vector<16xi32>, vector<16xi32>], vector<16xf32>,
      %get3A_482 = arith.constant 3 : i32
      %get3A_483 = arith.index_cast %get3A_482 : i32 to index
      %get3A_484 = arith.constant 48 : index
      %get3A_485 = tpu.vector_load %arg21[%get3A_483, %get3A_484] {strides = array<i32>} : memref<16x128xf32, #tpu.memory_space<vmem>>, vector<16xf32>,
      %broadcast_in_dim3A_486 = arith.constant 3 : i32
      %broadcast_in_dim3A_487 = vector.broadcast %broadcast_in_dim3A_486 : i32 to vector<16xi32>
      tpu.vector_store_idx %arg19[%add3A_463, %broadcast_in_dim3A_487], %get3A_485 : memref<128x16xf32, #tpu.memory_space<vmem>>[vector<16xi32>, vector<16xi32>], vector<16xf32>,
      %get3A_488 = arith.constant 4 : i32
      %get3A_489 = arith.index_cast %get3A_488 : i32 to index
      %get3A_490 = arith.constant 48 : index
      %get3A_491 = tpu.vector_load %arg21[%get3A_489, %get3A_490] {strides = array<i32>} : memref<16x128xf32, #tpu.memory_space<vmem>>, vector<16xf32>,
      %broadcast_in_dim3A_492 = arith.constant 4 : i32
      %broadcast_in_dim3A_493 = vector.broadcast %broadcast_in_dim3A_492 : i32 to vector<16xi32>
      tpu.vector_store_idx %arg19[%add3A_463, %broadcast_in_dim3A_493], %get3A_491 : memref<128x16xf32, #tpu.memory_space<vmem>>[vector<16xi32>, vector<16xi32>], vector<16xf32>,
      %get3A_494 = arith.constant 5 : i32
      %get3A_495 = arith.index_cast %get3A_494 : i32 to index
      %get3A_496 = arith.constant 48 : index
      %get3A_497 = tpu.vector_load %arg21[%get3A_495, %get3A_496] {strides = array<i32>} : memref<16x128xf32, #tpu.memory_space<vmem>>, vector<16xf32>,
      %broadcast_in_dim3A_498 = arith.constant 5 : i32
      %broadcast_in_dim3A_499 = vector.broadcast %broadcast_in_dim3A_498 : i32 to vector<16xi32>
      tpu.vector_store_idx %arg19[%add3A_463, %broadcast_in_dim3A_499], %get3A_497 : memref<128x16xf32, #tpu.memory_space<vmem>>[vector<16xi32>, vector<16xi32>], vector<16xf32>,
      %get3A_500 = arith.constant 6 : i32
      %get3A_501 = arith.index_cast %get3A_500 : i32 to index
      %get3A_502 = arith.constant 48 : index
      %get3A_503 = tpu.vector_load %arg21[%get3A_501, %get3A_502] {strides = array<i32>} : memref<16x128xf32, #tpu.memory_space<vmem>>, vector<16xf32>,
      %broadcast_in_dim3A_504 = arith.constant 6 : i32
      %broadcast_in_dim3A_505 = vector.broadcast %broadcast_in_dim3A_504 : i32 to vector<16xi32>
      tpu.vector_store_idx %arg19[%add3A_463, %broadcast_in_dim3A_505], %get3A_503 : memref<128x16xf32, #tpu.memory_space<vmem>>[vector<16xi32>, vector<16xi32>], vector<16xf32>,
      %get3A_506 = arith.constant 7 : i32
      %get3A_507 = arith.index_cast %get3A_506 : i32 to index
      %get3A_508 = arith.constant 48 : index
      %get3A_509 = tpu.vector_load %arg21[%get3A_507, %get3A_508] {strides = array<i32>} : memref<16x128xf32, #tpu.memory_space<vmem>>, vector<16xf32>,
      %broadcast_in_dim3A_510 = arith.constant 7 : i32
      %broadcast_in_dim3A_511 = vector.broadcast %broadcast_in_dim3A_510 : i32 to vector<16xi32>
      tpu.vector_store_idx %arg19[%add3A_463, %broadcast_in_dim3A_511], %get3A_509 : memref<128x16xf32, #tpu.memory_space<vmem>>[vector<16xi32>, vector<16xi32>], vector<16xf32>,
      %get3A_512 = arith.constant 8 : i32
      %get3A_513 = arith.index_cast %get3A_512 : i32 to index
      %get3A_514 = arith.constant 48 : index
      %get3A_515 = tpu.vector_load %arg21[%get3A_513, %get3A_514] {strides = array<i32>} : memref<16x128xf32, #tpu.memory_space<vmem>>, vector<16xf32>,
      %broadcast_in_dim3A_516 = arith.constant 8 : i32
      %broadcast_in_dim3A_517 = vector.broadcast %broadcast_in_dim3A_516 : i32 to vector<16xi32>
      tpu.vector_store_idx %arg19[%add3A_463, %broadcast_in_dim3A_517], %get3A_515 : memref<128x16xf32, #tpu.memory_space<vmem>>[vector<16xi32>, vector<16xi32>], vector<16xf32>,
      %get3A_518 = arith.constant 9 : i32
      %get3A_519 = arith.index_cast %get3A_518 : i32 to index
      %get3A_520 = arith.constant 48 : index
      %get3A_521 = tpu.vector_load %arg21[%get3A_519, %get3A_520] {strides = array<i32>} : memref<16x128xf32, #tpu.memory_space<vmem>>, vector<16xf32>,
      %broadcast_in_dim3A_522 = arith.constant 9 : i32
      %broadcast_in_dim3A_523 = vector.broadcast %broadcast_in_dim3A_522 : i32 to vector<16xi32>
      tpu.vector_store_idx %arg19[%add3A_463, %broadcast_in_dim3A_523], %get3A_521 : memref<128x16xf32, #tpu.memory_space<vmem>>[vector<16xi32>, vector<16xi32>], vector<16xf32>,
      %get3A_524 = arith.constant 10 : i32
      %get3A_525 = arith.index_cast %get3A_524 : i32 to index
      %get3A_526 = arith.constant 48 : index
      %get3A_527 = tpu.vector_load %arg21[%get3A_525, %get3A_526] {strides = array<i32>} : memref<16x128xf32, #tpu.memory_space<vmem>>, vector<16xf32>,
      %broadcast_in_dim3A_528 = arith.constant 10 : i32
      %broadcast_in_dim3A_529 = vector.broadcast %broadcast_in_dim3A_528 : i32 to vector<16xi32>
      tpu.vector_store_idx %arg19[%add3A_463, %broadcast_in_dim3A_529], %get3A_527 : memref<128x16xf32, #tpu.memory_space<vmem>>[vector<16xi32>, vector<16xi32>], vector<16xf32>,
      %get3A_530 = arith.constant 11 : i32
      %get3A_531 = arith.index_cast %get3A_530 : i32 to index
      %get3A_532 = arith.constant 48 : index
      %get3A_533 = tpu.vector_load %arg21[%get3A_531, %get3A_532] {strides = array<i32>} : memref<16x128xf32, #tpu.memory_space<vmem>>, vector<16xf32>,
      %broadcast_in_dim3A_534 = arith.constant 11 : i32
      %broadcast_in_dim3A_535 = vector.broadcast %broadcast_in_dim3A_534 : i32 to vector<16xi32>
      tpu.vector_store_idx %arg19[%add3A_463, %broadcast_in_dim3A_535], %get3A_533 : memref<128x16xf32, #tpu.memory_space<vmem>>[vector<16xi32>, vector<16xi32>], vector<16xf32>,
      %get3A_536 = arith.constant 12 : i32
      %get3A_537 = arith.index_cast %get3A_536 : i32 to index
      %get3A_538 = arith.constant 48 : index
      %get3A_539 = tpu.vector_load %arg21[%get3A_537, %get3A_538] {strides = array<i32>} : memref<16x128xf32, #tpu.memory_space<vmem>>, vector<16xf32>,
      %broadcast_in_dim3A_540 = arith.constant 12 : i32
      %broadcast_in_dim3A_541 = vector.broadcast %broadcast_in_dim3A_540 : i32 to vector<16xi32>
      tpu.vector_store_idx %arg19[%add3A_463, %broadcast_in_dim3A_541], %get3A_539 : memref<128x16xf32, #tpu.memory_space<vmem>>[vector<16xi32>, vector<16xi32>], vector<16xf32>,
      %get3A_542 = arith.constant 13 : i32
      %get3A_543 = arith.index_cast %get3A_542 : i32 to index
      %get3A_544 = arith.constant 48 : index
      %get3A_545 = tpu.vector_load %arg21[%get3A_543, %get3A_544] {strides = array<i32>} : memref<16x128xf32, #tpu.memory_space<vmem>>, vector<16xf32>,
      %broadcast_in_dim3A_546 = arith.constant 13 : i32
      %broadcast_in_dim3A_547 = vector.broadcast %broadcast_in_dim3A_546 : i32 to vector<16xi32>
      tpu.vector_store_idx %arg19[%add3A_463, %broadcast_in_dim3A_547], %get3A_545 : memref<128x16xf32, #tpu.memory_space<vmem>>[vector<16xi32>, vector<16xi32>], vector<16xf32>,
      %get3A_548 = arith.constant 14 : i32
      %get3A_549 = arith.index_cast %get3A_548 : i32 to index
      %get3A_550 = arith.constant 48 : index
      %get3A_551 = tpu.vector_load %arg21[%get3A_549, %get3A_550] {strides = array<i32>} : memref<16x128xf32, #tpu.memory_space<vmem>>, vector<16xf32>,
      %broadcast_in_dim3A_552 = arith.constant 14 : i32
      %broadcast_in_dim3A_553 = vector.broadcast %broadcast_in_dim3A_552 : i32 to vector<16xi32>
      tpu.vector_store_idx %arg19[%add3A_463, %broadcast_in_dim3A_553], %get3A_551 : memref<128x16xf32, #tpu.memory_space<vmem>>[vector<16xi32>, vector<16xi32>], vector<16xf32>,
      %get3A_554 = arith.constant 15 : i32
      %get3A_555 = arith.index_cast %get3A_554 : i32 to index
      %get3A_556 = arith.constant 48 : index
      %get3A_557 = tpu.vector_load %arg21[%get3A_555, %get3A_556] {strides = array<i32>} : memref<16x128xf32, #tpu.memory_space<vmem>>, vector<16xf32>,
      %broadcast_in_dim3A_558 = arith.constant 15 : i32
      %broadcast_in_dim3A_559 = vector.broadcast %broadcast_in_dim3A_558 : i32 to vector<16xi32>
      tpu.vector_store_idx %arg19[%add3A_463, %broadcast_in_dim3A_559], %get3A_557 : memref<128x16xf32, #tpu.memory_space<vmem>>[vector<16xi32>, vector<16xi32>], vector<16xf32>,
      %add3A_560 = arith.constant 64 : i32
      %add3A_561 = vector.broadcast %add3A_560 : i32 to vector<16xi32>
      %add3A_562 = arith.addi %add3A_561, %iota3A : vector<16xi32>
      %get3A_563 = arith.constant 0 : i32
      %get3A_564 = arith.index_cast %get3A_563 : i32 to index
      %get3A_565 = arith.constant 64 : index
      %get3A_566 = tpu.vector_load %arg21[%get3A_564, %get3A_565] {strides = array<i32>} : memref<16x128xf32, #tpu.memory_space<vmem>>, vector<16xf32>,
      %broadcast_in_dim3A_567 = arith.constant 0 : i32
      %broadcast_in_dim3A_568 = vector.broadcast %broadcast_in_dim3A_567 : i32 to vector<16xi32>
      tpu.vector_store_idx %arg19[%add3A_562, %broadcast_in_dim3A_568], %get3A_566 : memref<128x16xf32, #tpu.memory_space<vmem>>[vector<16xi32>, vector<16xi32>], vector<16xf32>,
      %get3A_569 = arith.constant 1 : i32
      %get3A_570 = arith.index_cast %get3A_569 : i32 to index
      %get3A_571 = arith.constant 64 : index
      %get3A_572 = tpu.vector_load %arg21[%get3A_570, %get3A_571] {strides = array<i32>} : memref<16x128xf32, #tpu.memory_space<vmem>>, vector<16xf32>,
      %broadcast_in_dim3A_573 = arith.constant 1 : i32
      %broadcast_in_dim3A_574 = vector.broadcast %broadcast_in_dim3A_573 : i32 to vector<16xi32>
      tpu.vector_store_idx %arg19[%add3A_562, %broadcast_in_dim3A_574], %get3A_572 : memref<128x16xf32, #tpu.memory_space<vmem>>[vector<16xi32>, vector<16xi32>], vector<16xf32>,
      %get3A_575 = arith.constant 2 : i32
      %get3A_576 = arith.index_cast %get3A_575 : i32 to index
      %get3A_577 = arith.constant 64 : index
      %get3A_578 = tpu.vector_load %arg21[%get3A_576, %get3A_577] {strides = array<i32>} : memref<16x128xf32, #tpu.memory_space<vmem>>, vector<16xf32>,
      %broadcast_in_dim3A_579 = arith.constant 2 : i32
      %broadcast_in_dim3A_580 = vector.broadcast %broadcast_in_dim3A_579 : i32 to vector<16xi32>
      tpu.vector_store_idx %arg19[%add3A_562, %broadcast_in_dim3A_580], %get3A_578 : memref<128x16xf32, #tpu.memory_space<vmem>>[vector<16xi32>, vector<16xi32>], vector<16xf32>,
      %get3A_581 = arith.constant 3 : i32
      %get3A_582 = arith.index_cast %get3A_581 : i32 to index
      %get3A_583 = arith.constant 64 : index
      %get3A_584 = tpu.vector_load %arg21[%get3A_582, %get3A_583] {strides = array<i32>} : memref<16x128xf32, #tpu.memory_space<vmem>>, vector<16xf32>,
      %broadcast_in_dim3A_585 = arith.constant 3 : i32
      %broadcast_in_dim3A_586 = vector.broadcast %broadcast_in_dim3A_585 : i32 to vector<16xi32>
      tpu.vector_store_idx %arg19[%add3A_562, %broadcast_in_dim3A_586], %get3A_584 : memref<128x16xf32, #tpu.memory_space<vmem>>[vector<16xi32>, vector<16xi32>], vector<16xf32>,
      %get3A_587 = arith.constant 4 : i32
      %get3A_588 = arith.index_cast %get3A_587 : i32 to index
      %get3A_589 = arith.constant 64 : index
      %get3A_590 = tpu.vector_load %arg21[%get3A_588, %get3A_589] {strides = array<i32>} : memref<16x128xf32, #tpu.memory_space<vmem>>, vector<16xf32>,
      %broadcast_in_dim3A_591 = arith.constant 4 : i32
      %broadcast_in_dim3A_592 = vector.broadcast %broadcast_in_dim3A_591 : i32 to vector<16xi32>
      tpu.vector_store_idx %arg19[%add3A_562, %broadcast_in_dim3A_592], %get3A_590 : memref<128x16xf32, #tpu.memory_space<vmem>>[vector<16xi32>, vector<16xi32>], vector<16xf32>,
      %get3A_593 = arith.constant 5 : i32
      %get3A_594 = arith.index_cast %get3A_593 : i32 to index
      %get3A_595 = arith.constant 64 : index
      %get3A_596 = tpu.vector_load %arg21[%get3A_594, %get3A_595] {strides = array<i32>} : memref<16x128xf32, #tpu.memory_space<vmem>>, vector<16xf32>,
      %broadcast_in_dim3A_597 = arith.constant 5 : i32
      %broadcast_in_dim3A_598 = vector.broadcast %broadcast_in_dim3A_597 : i32 to vector<16xi32>
      tpu.vector_store_idx %arg19[%add3A_562, %broadcast_in_dim3A_598], %get3A_596 : memref<128x16xf32, #tpu.memory_space<vmem>>[vector<16xi32>, vector<16xi32>], vector<16xf32>,
      %get3A_599 = arith.constant 6 : i32
      %get3A_600 = arith.index_cast %get3A_599 : i32 to index
      %get3A_601 = arith.constant 64 : index
      %get3A_602 = tpu.vector_load %arg21[%get3A_600, %get3A_601] {strides = array<i32>} : memref<16x128xf32, #tpu.memory_space<vmem>>, vector<16xf32>,
      %broadcast_in_dim3A_603 = arith.constant 6 : i32
      %broadcast_in_dim3A_604 = vector.broadcast %broadcast_in_dim3A_603 : i32 to vector<16xi32>
      tpu.vector_store_idx %arg19[%add3A_562, %broadcast_in_dim3A_604], %get3A_602 : memref<128x16xf32, #tpu.memory_space<vmem>>[vector<16xi32>, vector<16xi32>], vector<16xf32>,
      %get3A_605 = arith.constant 7 : i32
      %get3A_606 = arith.index_cast %get3A_605 : i32 to index
      %get3A_607 = arith.constant 64 : index
      %get3A_608 = tpu.vector_load %arg21[%get3A_606, %get3A_607] {strides = array<i32>} : memref<16x128xf32, #tpu.memory_space<vmem>>, vector<16xf32>,
      %broadcast_in_dim3A_609 = arith.constant 7 : i32
      %broadcast_in_dim3A_610 = vector.broadcast %broadcast_in_dim3A_609 : i32 to vector<16xi32>
      tpu.vector_store_idx %arg19[%add3A_562, %broadcast_in_dim3A_610], %get3A_608 : memref<128x16xf32, #tpu.memory_space<vmem>>[vector<16xi32>, vector<16xi32>], vector<16xf32>,
      %get3A_611 = arith.constant 8 : i32
      %get3A_612 = arith.index_cast %get3A_611 : i32 to index
      %get3A_613 = arith.constant 64 : index
      %get3A_614 = tpu.vector_load %arg21[%get3A_612, %get3A_613] {strides = array<i32>} : memref<16x128xf32, #tpu.memory_space<vmem>>, vector<16xf32>,
      %broadcast_in_dim3A_615 = arith.constant 8 : i32
      %broadcast_in_dim3A_616 = vector.broadcast %broadcast_in_dim3A_615 : i32 to vector<16xi32>
      tpu.vector_store_idx %arg19[%add3A_562, %broadcast_in_dim3A_616], %get3A_614 : memref<128x16xf32, #tpu.memory_space<vmem>>[vector<16xi32>, vector<16xi32>], vector<16xf32>,
      %get3A_617 = arith.constant 9 : i32
      %get3A_618 = arith.index_cast %get3A_617 : i32 to index
      %get3A_619 = arith.constant 64 : index
      %get3A_620 = tpu.vector_load %arg21[%get3A_618, %get3A_619] {strides = array<i32>} : memref<16x128xf32, #tpu.memory_space<vmem>>, vector<16xf32>,
      %broadcast_in_dim3A_621 = arith.constant 9 : i32
      %broadcast_in_dim3A_622 = vector.broadcast %broadcast_in_dim3A_621 : i32 to vector<16xi32>
      tpu.vector_store_idx %arg19[%add3A_562, %broadcast_in_dim3A_622], %get3A_620 : memref<128x16xf32, #tpu.memory_space<vmem>>[vector<16xi32>, vector<16xi32>], vector<16xf32>,
      %get3A_623 = arith.constant 10 : i32
      %get3A_624 = arith.index_cast %get3A_623 : i32 to index
      %get3A_625 = arith.constant 64 : index
      %get3A_626 = tpu.vector_load %arg21[%get3A_624, %get3A_625] {strides = array<i32>} : memref<16x128xf32, #tpu.memory_space<vmem>>, vector<16xf32>,
      %broadcast_in_dim3A_627 = arith.constant 10 : i32
      %broadcast_in_dim3A_628 = vector.broadcast %broadcast_in_dim3A_627 : i32 to vector<16xi32>
      tpu.vector_store_idx %arg19[%add3A_562, %broadcast_in_dim3A_628], %get3A_626 : memref<128x16xf32, #tpu.memory_space<vmem>>[vector<16xi32>, vector<16xi32>], vector<16xf32>,
      %get3A_629 = arith.constant 11 : i32
      %get3A_630 = arith.index_cast %get3A_629 : i32 to index
      %get3A_631 = arith.constant 64 : index
      %get3A_632 = tpu.vector_load %arg21[%get3A_630, %get3A_631] {strides = array<i32>} : memref<16x128xf32, #tpu.memory_space<vmem>>, vector<16xf32>,
      %broadcast_in_dim3A_633 = arith.constant 11 : i32
      %broadcast_in_dim3A_634 = vector.broadcast %broadcast_in_dim3A_633 : i32 to vector<16xi32>
      tpu.vector_store_idx %arg19[%add3A_562, %broadcast_in_dim3A_634], %get3A_632 : memref<128x16xf32, #tpu.memory_space<vmem>>[vector<16xi32>, vector<16xi32>], vector<16xf32>,
      %get3A_635 = arith.constant 12 : i32
      %get3A_636 = arith.index_cast %get3A_635 : i32 to index
      %get3A_637 = arith.constant 64 : index
      %get3A_638 = tpu.vector_load %arg21[%get3A_636, %get3A_637] {strides = array<i32>} : memref<16x128xf32, #tpu.memory_space<vmem>>, vector<16xf32>,
      %broadcast_in_dim3A_639 = arith.constant 12 : i32
      %broadcast_in_dim3A_640 = vector.broadcast %broadcast_in_dim3A_639 : i32 to vector<16xi32>
      tpu.vector_store_idx %arg19[%add3A_562, %broadcast_in_dim3A_640], %get3A_638 : memref<128x16xf32, #tpu.memory_space<vmem>>[vector<16xi32>, vector<16xi32>], vector<16xf32>,
      %get3A_641 = arith.constant 13 : i32
      %get3A_642 = arith.index_cast %get3A_641 : i32 to index
      %get3A_643 = arith.constant 64 : index
      %get3A_644 = tpu.vector_load %arg21[%get3A_642, %get3A_643] {strides = array<i32>} : memref<16x128xf32, #tpu.memory_space<vmem>>, vector<16xf32>,
      %broadcast_in_dim3A_645 = arith.constant 13 : i32
      %broadcast_in_dim3A_646 = vector.broadcast %broadcast_in_dim3A_645 : i32 to vector<16xi32>
      tpu.vector_store_idx %arg19[%add3A_562, %broadcast_in_dim3A_646], %get3A_644 : memref<128x16xf32, #tpu.memory_space<vmem>>[vector<16xi32>, vector<16xi32>], vector<16xf32>,
      %get3A_647 = arith.constant 14 : i32
      %get3A_648 = arith.index_cast %get3A_647 : i32 to index
      %get3A_649 = arith.constant 64 : index
      %get3A_650 = tpu.vector_load %arg21[%get3A_648, %get3A_649] {strides = array<i32>} : memref<16x128xf32, #tpu.memory_space<vmem>>, vector<16xf32>,
      %broadcast_in_dim3A_651 = arith.constant 14 : i32
      %broadcast_in_dim3A_652 = vector.broadcast %broadcast_in_dim3A_651 : i32 to vector<16xi32>
      tpu.vector_store_idx %arg19[%add3A_562, %broadcast_in_dim3A_652], %get3A_650 : memref<128x16xf32, #tpu.memory_space<vmem>>[vector<16xi32>, vector<16xi32>], vector<16xf32>,
      %get3A_653 = arith.constant 15 : i32
      %get3A_654 = arith.index_cast %get3A_653 : i32 to index
      %get3A_655 = arith.constant 64 : index
      %get3A_656 = tpu.vector_load %arg21[%get3A_654, %get3A_655] {strides = array<i32>} : memref<16x128xf32, #tpu.memory_space<vmem>>, vector<16xf32>,
      %broadcast_in_dim3A_657 = arith.constant 15 : i32
      %broadcast_in_dim3A_658 = vector.broadcast %broadcast_in_dim3A_657 : i32 to vector<16xi32>
      tpu.vector_store_idx %arg19[%add3A_562, %broadcast_in_dim3A_658], %get3A_656 : memref<128x16xf32, #tpu.memory_space<vmem>>[vector<16xi32>, vector<16xi32>], vector<16xf32>,
      %add3A_659 = arith.constant 80 : i32
      %add3A_660 = vector.broadcast %add3A_659 : i32 to vector<16xi32>
      %add3A_661 = arith.addi %add3A_660, %iota3A : vector<16xi32>
      %get3A_662 = arith.constant 0 : i32
      %get3A_663 = arith.index_cast %get3A_662 : i32 to index
      %get3A_664 = arith.constant 80 : index
      %get3A_665 = tpu.vector_load %arg21[%get3A_663, %get3A_664] {strides = array<i32>} : memref<16x128xf32, #tpu.memory_space<vmem>>, vector<16xf32>,
      %broadcast_in_dim3A_666 = arith.constant 0 : i32
      %broadcast_in_dim3A_667 = vector.broadcast %broadcast_in_dim3A_666 : i32 to vector<16xi32>
      tpu.vector_store_idx %arg19[%add3A_661, %broadcast_in_dim3A_667], %get3A_665 : memref<128x16xf32, #tpu.memory_space<vmem>>[vector<16xi32>, vector<16xi32>], vector<16xf32>,
      %get3A_668 = arith.constant 1 : i32
      %get3A_669 = arith.index_cast %get3A_668 : i32 to index
      %get3A_670 = arith.constant 80 : index
      %get3A_671 = tpu.vector_load %arg21[%get3A_669, %get3A_670] {strides = array<i32>} : memref<16x128xf32, #tpu.memory_space<vmem>>, vector<16xf32>,
      %broadcast_in_dim3A_672 = arith.constant 1 : i32
      %broadcast_in_dim3A_673 = vector.broadcast %broadcast_in_dim3A_672 : i32 to vector<16xi32>
      tpu.vector_store_idx %arg19[%add3A_661, %broadcast_in_dim3A_673], %get3A_671 : memref<128x16xf32, #tpu.memory_space<vmem>>[vector<16xi32>, vector<16xi32>], vector<16xf32>,
      %get3A_674 = arith.constant 2 : i32
      %get3A_675 = arith.index_cast %get3A_674 : i32 to index
      %get3A_676 = arith.constant 80 : index
      %get3A_677 = tpu.vector_load %arg21[%get3A_675, %get3A_676] {strides = array<i32>} : memref<16x128xf32, #tpu.memory_space<vmem>>, vector<16xf32>,
      %broadcast_in_dim3A_678 = arith.constant 2 : i32
      %broadcast_in_dim3A_679 = vector.broadcast %broadcast_in_dim3A_678 : i32 to vector<16xi32>
      tpu.vector_store_idx %arg19[%add3A_661, %broadcast_in_dim3A_679], %get3A_677 : memref<128x16xf32, #tpu.memory_space<vmem>>[vector<16xi32>, vector<16xi32>], vector<16xf32>,
      %get3A_680 = arith.constant 3 : i32
      %get3A_681 = arith.index_cast %get3A_680 : i32 to index
      %get3A_682 = arith.constant 80 : index
      %get3A_683 = tpu.vector_load %arg21[%get3A_681, %get3A_682] {strides = array<i32>} : memref<16x128xf32, #tpu.memory_space<vmem>>, vector<16xf32>,
      %broadcast_in_dim3A_684 = arith.constant 3 : i32
      %broadcast_in_dim3A_685 = vector.broadcast %broadcast_in_dim3A_684 : i32 to vector<16xi32>
      tpu.vector_store_idx %arg19[%add3A_661, %broadcast_in_dim3A_685], %get3A_683 : memref<128x16xf32, #tpu.memory_space<vmem>>[vector<16xi32>, vector<16xi32>], vector<16xf32>,
      %get3A_686 = arith.constant 4 : i32
      %get3A_687 = arith.index_cast %get3A_686 : i32 to index
      %get3A_688 = arith.constant 80 : index
      %get3A_689 = tpu.vector_load %arg21[%get3A_687, %get3A_688] {strides = array<i32>} : memref<16x128xf32, #tpu.memory_space<vmem>>, vector<16xf32>,
      %broadcast_in_dim3A_690 = arith.constant 4 : i32
      %broadcast_in_dim3A_691 = vector.broadcast %broadcast_in_dim3A_690 : i32 to vector<16xi32>
      tpu.vector_store_idx %arg19[%add3A_661, %broadcast_in_dim3A_691], %get3A_689 : memref<128x16xf32, #tpu.memory_space<vmem>>[vector<16xi32>, vector<16xi32>], vector<16xf32>,
      %get3A_692 = arith.constant 5 : i32
      %get3A_693 = arith.index_cast %get3A_692 : i32 to index
      %get3A_694 = arith.constant 80 : index
      %get3A_695 = tpu.vector_load %arg21[%get3A_693, %get3A_694] {strides = array<i32>} : memref<16x128xf32, #tpu.memory_space<vmem>>, vector<16xf32>,
      %broadcast_in_dim3A_696 = arith.constant 5 : i32
      %broadcast_in_dim3A_697 = vector.broadcast %broadcast_in_dim3A_696 : i32 to vector<16xi32>
      tpu.vector_store_idx %arg19[%add3A_661, %broadcast_in_dim3A_697], %get3A_695 : memref<128x16xf32, #tpu.memory_space<vmem>>[vector<16xi32>, vector<16xi32>], vector<16xf32>,
      %get3A_698 = arith.constant 6 : i32
      %get3A_699 = arith.index_cast %get3A_698 : i32 to index
      %get3A_700 = arith.constant 80 : index
      %get3A_701 = tpu.vector_load %arg21[%get3A_699, %get3A_700] {strides = array<i32>} : memref<16x128xf32, #tpu.memory_space<vmem>>, vector<16xf32>,
      %broadcast_in_dim3A_702 = arith.constant 6 : i32
      %broadcast_in_dim3A_703 = vector.broadcast %broadcast_in_dim3A_702 : i32 to vector<16xi32>
      tpu.vector_store_idx %arg19[%add3A_661, %broadcast_in_dim3A_703], %get3A_701 : memref<128x16xf32, #tpu.memory_space<vmem>>[vector<16xi32>, vector<16xi32>], vector<16xf32>,
      %get3A_704 = arith.constant 7 : i32
      %get3A_705 = arith.index_cast %get3A_704 : i32 to index
      %get3A_706 = arith.constant 80 : index
      %get3A_707 = tpu.vector_load %arg21[%get3A_705, %get3A_706] {strides = array<i32>} : memref<16x128xf32, #tpu.memory_space<vmem>>, vector<16xf32>,
      %broadcast_in_dim3A_708 = arith.constant 7 : i32
      %broadcast_in_dim3A_709 = vector.broadcast %broadcast_in_dim3A_708 : i32 to vector<16xi32>
      tpu.vector_store_idx %arg19[%add3A_661, %broadcast_in_dim3A_709], %get3A_707 : memref<128x16xf32, #tpu.memory_space<vmem>>[vector<16xi32>, vector<16xi32>], vector<16xf32>,
      %get3A_710 = arith.constant 8 : i32
      %get3A_711 = arith.index_cast %get3A_710 : i32 to index
      %get3A_712 = arith.constant 80 : index
      %get3A_713 = tpu.vector_load %arg21[%get3A_711, %get3A_712] {strides = array<i32>} : memref<16x128xf32, #tpu.memory_space<vmem>>, vector<16xf32>,
      %broadcast_in_dim3A_714 = arith.constant 8 : i32
      %broadcast_in_dim3A_715 = vector.broadcast %broadcast_in_dim3A_714 : i32 to vector<16xi32>
      tpu.vector_store_idx %arg19[%add3A_661, %broadcast_in_dim3A_715], %get3A_713 : memref<128x16xf32, #tpu.memory_space<vmem>>[vector<16xi32>, vector<16xi32>], vector<16xf32>,
      %get3A_716 = arith.constant 9 : i32
      %get3A_717 = arith.index_cast %get3A_716 : i32 to index
      %get3A_718 = arith.constant 80 : index
      %get3A_719 = tpu.vector_load %arg21[%get3A_717, %get3A_718] {strides = array<i32>} : memref<16x128xf32, #tpu.memory_space<vmem>>, vector<16xf32>,
      %broadcast_in_dim3A_720 = arith.constant 9 : i32
      %broadcast_in_dim3A_721 = vector.broadcast %broadcast_in_dim3A_720 : i32 to vector<16xi32>
      tpu.vector_store_idx %arg19[%add3A_661, %broadcast_in_dim3A_721], %get3A_719 : memref<128x16xf32, #tpu.memory_space<vmem>>[vector<16xi32>, vector<16xi32>], vector<16xf32>,
      %get3A_722 = arith.constant 10 : i32
      %get3A_723 = arith.index_cast %get3A_722 : i32 to index
      %get3A_724 = arith.constant 80 : index
      %get3A_725 = tpu.vector_load %arg21[%get3A_723, %get3A_724] {strides = array<i32>} : memref<16x128xf32, #tpu.memory_space<vmem>>, vector<16xf32>,
      %broadcast_in_dim3A_726 = arith.constant 10 : i32
      %broadcast_in_dim3A_727 = vector.broadcast %broadcast_in_dim3A_726 : i32 to vector<16xi32>
      tpu.vector_store_idx %arg19[%add3A_661, %broadcast_in_dim3A_727], %get3A_725 : memref<128x16xf32, #tpu.memory_space<vmem>>[vector<16xi32>, vector<16xi32>], vector<16xf32>,
      %get3A_728 = arith.constant 11 : i32
      %get3A_729 = arith.index_cast %get3A_728 : i32 to index
      %get3A_730 = arith.constant 80 : index
      %get3A_731 = tpu.vector_load %arg21[%get3A_729, %get3A_730] {strides = array<i32>} : memref<16x128xf32, #tpu.memory_space<vmem>>, vector<16xf32>,
      %broadcast_in_dim3A_732 = arith.constant 11 : i32
      %broadcast_in_dim3A_733 = vector.broadcast %broadcast_in_dim3A_732 : i32 to vector<16xi32>
      tpu.vector_store_idx %arg19[%add3A_661, %broadcast_in_dim3A_733], %get3A_731 : memref<128x16xf32, #tpu.memory_space<vmem>>[vector<16xi32>, vector<16xi32>], vector<16xf32>,
      %get3A_734 = arith.constant 12 : i32
      %get3A_735 = arith.index_cast %get3A_734 : i32 to index
      %get3A_736 = arith.constant 80 : index
      %get3A_737 = tpu.vector_load %arg21[%get3A_735, %get3A_736] {strides = array<i32>} : memref<16x128xf32, #tpu.memory_space<vmem>>, vector<16xf32>,
      %broadcast_in_dim3A_738 = arith.constant 12 : i32
      %broadcast_in_dim3A_739 = vector.broadcast %broadcast_in_dim3A_738 : i32 to vector<16xi32>
      tpu.vector_store_idx %arg19[%add3A_661, %broadcast_in_dim3A_739], %get3A_737 : memref<128x16xf32, #tpu.memory_space<vmem>>[vector<16xi32>, vector<16xi32>], vector<16xf32>,
      %get3A_740 = arith.constant 13 : i32
      %get3A_741 = arith.index_cast %get3A_740 : i32 to index
      %get3A_742 = arith.constant 80 : index
      %get3A_743 = tpu.vector_load %arg21[%get3A_741, %get3A_742] {strides = array<i32>} : memref<16x128xf32, #tpu.memory_space<vmem>>, vector<16xf32>,
      %broadcast_in_dim3A_744 = arith.constant 13 : i32
      %broadcast_in_dim3A_745 = vector.broadcast %broadcast_in_dim3A_744 : i32 to vector<16xi32>
      tpu.vector_store_idx %arg19[%add3A_661, %broadcast_in_dim3A_745], %get3A_743 : memref<128x16xf32, #tpu.memory_space<vmem>>[vector<16xi32>, vector<16xi32>], vector<16xf32>,
      %get3A_746 = arith.constant 14 : i32
      %get3A_747 = arith.index_cast %get3A_746 : i32 to index
      %get3A_748 = arith.constant 80 : index
      %get3A_749 = tpu.vector_load %arg21[%get3A_747, %get3A_748] {strides = array<i32>} : memref<16x128xf32, #tpu.memory_space<vmem>>, vector<16xf32>,
      %broadcast_in_dim3A_750 = arith.constant 14 : i32
      %broadcast_in_dim3A_751 = vector.broadcast %broadcast_in_dim3A_750 : i32 to vector<16xi32>
      tpu.vector_store_idx %arg19[%add3A_661, %broadcast_in_dim3A_751], %get3A_749 : memref<128x16xf32, #tpu.memory_space<vmem>>[vector<16xi32>, vector<16xi32>], vector<16xf32>,
      %get3A_752 = arith.constant 15 : i32
      %get3A_753 = arith.index_cast %get3A_752 : i32 to index
      %get3A_754 = arith.constant 80 : index
      %get3A_755 = tpu.vector_load %arg21[%get3A_753, %get3A_754] {strides = array<i32>} : memref<16x128xf32, #tpu.memory_space<vmem>>, vector<16xf32>,
      %broadcast_in_dim3A_756 = arith.constant 15 : i32
      %broadcast_in_dim3A_757 = vector.broadcast %broadcast_in_dim3A_756 : i32 to vector<16xi32>
      tpu.vector_store_idx %arg19[%add3A_661, %broadcast_in_dim3A_757], %get3A_755 : memref<128x16xf32, #tpu.memory_space<vmem>>[vector<16xi32>, vector<16xi32>], vector<16xf32>,
      %add3A_758 = arith.constant 96 : i32
      %add3A_759 = vector.broadcast %add3A_758 : i32 to vector<16xi32>
      %add3A_760 = arith.addi %add3A_759, %iota3A : vector<16xi32>
      %get3A_761 = arith.constant 0 : i32
      %get3A_762 = arith.index_cast %get3A_761 : i32 to index
      %get3A_763 = arith.constant 96 : index
      %get3A_764 = tpu.vector_load %arg21[%get3A_762, %get3A_763] {strides = array<i32>} : memref<16x128xf32, #tpu.memory_space<vmem>>, vector<16xf32>,
      %broadcast_in_dim3A_765 = arith.constant 0 : i32
      %broadcast_in_dim3A_766 = vector.broadcast %broadcast_in_dim3A_765 : i32 to vector<16xi32>
      tpu.vector_store_idx %arg19[%add3A_760, %broadcast_in_dim3A_766], %get3A_764 : memref<128x16xf32, #tpu.memory_space<vmem>>[vector<16xi32>, vector<16xi32>], vector<16xf32>,
      %get3A_767 = arith.constant 1 : i32
      %get3A_768 = arith.index_cast %get3A_767 : i32 to index
      %get3A_769 = arith.constant 96 : index
      %get3A_770 = tpu.vector_load %arg21[%get3A_768, %get3A_769] {strides = array<i32>} : memref<16x128xf32, #tpu.memory_space<vmem>>, vector<16xf32>,
      %broadcast_in_dim3A_771 = arith.constant 1 : i32
      %broadcast_in_dim3A_772 = vector.broadcast %broadcast_in_dim3A_771 : i32 to vector<16xi32>
      tpu.vector_store_idx %arg19[%add3A_760, %broadcast_in_dim3A_772], %get3A_770 : memref<128x16xf32, #tpu.memory_space<vmem>>[vector<16xi32>, vector<16xi32>], vector<16xf32>,
      %get3A_773 = arith.constant 2 : i32
      %get3A_774 = arith.index_cast %get3A_773 : i32 to index
      %get3A_775 = arith.constant 96 : index
      %get3A_776 = tpu.vector_load %arg21[%get3A_774, %get3A_775] {strides = array<i32>} : memref<16x128xf32, #tpu.memory_space<vmem>>, vector<16xf32>,
      %broadcast_in_dim3A_777 = arith.constant 2 : i32
      %broadcast_in_dim3A_778 = vector.broadcast %broadcast_in_dim3A_777 : i32 to vector<16xi32>
      tpu.vector_store_idx %arg19[%add3A_760, %broadcast_in_dim3A_778], %get3A_776 : memref<128x16xf32, #tpu.memory_space<vmem>>[vector<16xi32>, vector<16xi32>], vector<16xf32>,
      %get3A_779 = arith.constant 3 : i32
      %get3A_780 = arith.index_cast %get3A_779 : i32 to index
      %get3A_781 = arith.constant 96 : index
      %get3A_782 = tpu.vector_load %arg21[%get3A_780, %get3A_781] {strides = array<i32>} : memref<16x128xf32, #tpu.memory_space<vmem>>, vector<16xf32>,
      %broadcast_in_dim3A_783 = arith.constant 3 : i32
      %broadcast_in_dim3A_784 = vector.broadcast %broadcast_in_dim3A_783 : i32 to vector<16xi32>
      tpu.vector_store_idx %arg19[%add3A_760, %broadcast_in_dim3A_784], %get3A_782 : memref<128x16xf32, #tpu.memory_space<vmem>>[vector<16xi32>, vector<16xi32>], vector<16xf32>,
      %get3A_785 = arith.constant 4 : i32
      %get3A_786 = arith.index_cast %get3A_785 : i32 to index
      %get3A_787 = arith.constant 96 : index
      %get3A_788 = tpu.vector_load %arg21[%get3A_786, %get3A_787] {strides = array<i32>} : memref<16x128xf32, #tpu.memory_space<vmem>>, vector<16xf32>,
      %broadcast_in_dim3A_789 = arith.constant 4 : i32
      %broadcast_in_dim3A_790 = vector.broadcast %broadcast_in_dim3A_789 : i32 to vector<16xi32>
      tpu.vector_store_idx %arg19[%add3A_760, %broadcast_in_dim3A_790], %get3A_788 : memref<128x16xf32, #tpu.memory_space<vmem>>[vector<16xi32>, vector<16xi32>], vector<16xf32>,
      %get3A_791 = arith.constant 5 : i32
      %get3A_792 = arith.index_cast %get3A_791 : i32 to index
      %get3A_793 = arith.constant 96 : index
      %get3A_794 = tpu.vector_load %arg21[%get3A_792, %get3A_793] {strides = array<i32>} : memref<16x128xf32, #tpu.memory_space<vmem>>, vector<16xf32>,
      %broadcast_in_dim3A_795 = arith.constant 5 : i32
      %broadcast_in_dim3A_796 = vector.broadcast %broadcast_in_dim3A_795 : i32 to vector<16xi32>
      tpu.vector_store_idx %arg19[%add3A_760, %broadcast_in_dim3A_796], %get3A_794 : memref<128x16xf32, #tpu.memory_space<vmem>>[vector<16xi32>, vector<16xi32>], vector<16xf32>,
      %get3A_797 = arith.constant 6 : i32
      %get3A_798 = arith.index_cast %get3A_797 : i32 to index
      %get3A_799 = arith.constant 96 : index
      %get3A_800 = tpu.vector_load %arg21[%get3A_798, %get3A_799] {strides = array<i32>} : memref<16x128xf32, #tpu.memory_space<vmem>>, vector<16xf32>,
      %broadcast_in_dim3A_801 = arith.constant 6 : i32
      %broadcast_in_dim3A_802 = vector.broadcast %broadcast_in_dim3A_801 : i32 to vector<16xi32>
      tpu.vector_store_idx %arg19[%add3A_760, %broadcast_in_dim3A_802], %get3A_800 : memref<128x16xf32, #tpu.memory_space<vmem>>[vector<16xi32>, vector<16xi32>], vector<16xf32>,
      %get3A_803 = arith.constant 7 : i32
      %get3A_804 = arith.index_cast %get3A_803 : i32 to index
      %get3A_805 = arith.constant 96 : index
      %get3A_806 = tpu.vector_load %arg21[%get3A_804, %get3A_805] {strides = array<i32>} : memref<16x128xf32, #tpu.memory_space<vmem>>, vector<16xf32>,
      %broadcast_in_dim3A_807 = arith.constant 7 : i32
      %broadcast_in_dim3A_808 = vector.broadcast %broadcast_in_dim3A_807 : i32 to vector<16xi32>
      tpu.vector_store_idx %arg19[%add3A_760, %broadcast_in_dim3A_808], %get3A_806 : memref<128x16xf32, #tpu.memory_space<vmem>>[vector<16xi32>, vector<16xi32>], vector<16xf32>,
      %get3A_809 = arith.constant 8 : i32
      %get3A_810 = arith.index_cast %get3A_809 : i32 to index
      %get3A_811 = arith.constant 96 : index
      %get3A_812 = tpu.vector_load %arg21[%get3A_810, %get3A_811] {strides = array<i32>} : memref<16x128xf32, #tpu.memory_space<vmem>>, vector<16xf32>,
      %broadcast_in_dim3A_813 = arith.constant 8 : i32
      %broadcast_in_dim3A_814 = vector.broadcast %broadcast_in_dim3A_813 : i32 to vector<16xi32>
      tpu.vector_store_idx %arg19[%add3A_760, %broadcast_in_dim3A_814], %get3A_812 : memref<128x16xf32, #tpu.memory_space<vmem>>[vector<16xi32>, vector<16xi32>], vector<16xf32>,
      %get3A_815 = arith.constant 9 : i32
      %get3A_816 = arith.index_cast %get3A_815 : i32 to index
      %get3A_817 = arith.constant 96 : index
      %get3A_818 = tpu.vector_load %arg21[%get3A_816, %get3A_817] {strides = array<i32>} : memref<16x128xf32, #tpu.memory_space<vmem>>, vector<16xf32>,
      %broadcast_in_dim3A_819 = arith.constant 9 : i32
      %broadcast_in_dim3A_820 = vector.broadcast %broadcast_in_dim3A_819 : i32 to vector<16xi32>
      tpu.vector_store_idx %arg19[%add3A_760, %broadcast_in_dim3A_820], %get3A_818 : memref<128x16xf32, #tpu.memory_space<vmem>>[vector<16xi32>, vector<16xi32>], vector<16xf32>,
      %get3A_821 = arith.constant 10 : i32
      %get3A_822 = arith.index_cast %get3A_821 : i32 to index
      %get3A_823 = arith.constant 96 : index
      %get3A_824 = tpu.vector_load %arg21[%get3A_822, %get3A_823] {strides = array<i32>} : memref<16x128xf32, #tpu.memory_space<vmem>>, vector<16xf32>,
      %broadcast_in_dim3A_825 = arith.constant 10 : i32
      %broadcast_in_dim3A_826 = vector.broadcast %broadcast_in_dim3A_825 : i32 to vector<16xi32>
      tpu.vector_store_idx %arg19[%add3A_760, %broadcast_in_dim3A_826], %get3A_824 : memref<128x16xf32, #tpu.memory_space<vmem>>[vector<16xi32>, vector<16xi32>], vector<16xf32>,
      %get3A_827 = arith.constant 11 : i32
      %get3A_828 = arith.index_cast %get3A_827 : i32 to index
      %get3A_829 = arith.constant 96 : index
      %get3A_830 = tpu.vector_load %arg21[%get3A_828, %get3A_829] {strides = array<i32>} : memref<16x128xf32, #tpu.memory_space<vmem>>, vector<16xf32>,
      %broadcast_in_dim3A_831 = arith.constant 11 : i32
      %broadcast_in_dim3A_832 = vector.broadcast %broadcast_in_dim3A_831 : i32 to vector<16xi32>
      tpu.vector_store_idx %arg19[%add3A_760, %broadcast_in_dim3A_832], %get3A_830 : memref<128x16xf32, #tpu.memory_space<vmem>>[vector<16xi32>, vector<16xi32>], vector<16xf32>,
      %get3A_833 = arith.constant 12 : i32
      %get3A_834 = arith.index_cast %get3A_833 : i32 to index
      %get3A_835 = arith.constant 96 : index
      %get3A_836 = tpu.vector_load %arg21[%get3A_834, %get3A_835] {strides = array<i32>} : memref<16x128xf32, #tpu.memory_space<vmem>>, vector<16xf32>,
      %broadcast_in_dim3A_837 = arith.constant 12 : i32
      %broadcast_in_dim3A_838 = vector.broadcast %broadcast_in_dim3A_837 : i32 to vector<16xi32>
      tpu.vector_store_idx %arg19[%add3A_760, %broadcast_in_dim3A_838], %get3A_836 : memref<128x16xf32, #tpu.memory_space<vmem>>[vector<16xi32>, vector<16xi32>], vector<16xf32>,
      %get3A_839 = arith.constant 13 : i32
      %get3A_840 = arith.index_cast %get3A_839 : i32 to index
      %get3A_841 = arith.constant 96 : index
      %get3A_842 = tpu.vector_load %arg21[%get3A_840, %get3A_841] {strides = array<i32>} : memref<16x128xf32, #tpu.memory_space<vmem>>, vector<16xf32>,
      %broadcast_in_dim3A_843 = arith.constant 13 : i32
      %broadcast_in_dim3A_844 = vector.broadcast %broadcast_in_dim3A_843 : i32 to vector<16xi32>
      tpu.vector_store_idx %arg19[%add3A_760, %broadcast_in_dim3A_844], %get3A_842 : memref<128x16xf32, #tpu.memory_space<vmem>>[vector<16xi32>, vector<16xi32>], vector<16xf32>,
      %get3A_845 = arith.constant 14 : i32
      %get3A_846 = arith.index_cast %get3A_845 : i32 to index
      %get3A_847 = arith.constant 96 : index
      %get3A_848 = tpu.vector_load %arg21[%get3A_846, %get3A_847] {strides = array<i32>} : memref<16x128xf32, #tpu.memory_space<vmem>>, vector<16xf32>,
      %broadcast_in_dim3A_849 = arith.constant 14 : i32
      %broadcast_in_dim3A_850 = vector.broadcast %broadcast_in_dim3A_849 : i32 to vector<16xi32>
      tpu.vector_store_idx %arg19[%add3A_760, %broadcast_in_dim3A_850], %get3A_848 : memref<128x16xf32, #tpu.memory_space<vmem>>[vector<16xi32>, vector<16xi32>], vector<16xf32>,
      %get3A_851 = arith.constant 15 : i32
      %get3A_852 = arith.index_cast %get3A_851 : i32 to index
      %get3A_853 = arith.constant 96 : index
      %get3A_854 = tpu.vector_load %arg21[%get3A_852, %get3A_853] {strides = array<i32>} : memref<16x128xf32, #tpu.memory_space<vmem>>, vector<16xf32>,
      %broadcast_in_dim3A_855 = arith.constant 15 : i32
      %broadcast_in_dim3A_856 = vector.broadcast %broadcast_in_dim3A_855 : i32 to vector<16xi32>
      tpu.vector_store_idx %arg19[%add3A_760, %broadcast_in_dim3A_856], %get3A_854 : memref<128x16xf32, #tpu.memory_space<vmem>>[vector<16xi32>, vector<16xi32>], vector<16xf32>,
      %add3A_857 = arith.constant 112 : i32
      %add3A_858 = vector.broadcast %add3A_857 : i32 to vector<16xi32>
      %add3A_859 = arith.addi %add3A_858, %iota3A : vector<16xi32>
      %get3A_860 = arith.constant 0 : i32
      %get3A_861 = arith.index_cast %get3A_860 : i32 to index
      %get3A_862 = arith.constant 112 : index
      %get3A_863 = tpu.vector_load %arg21[%get3A_861, %get3A_862] {strides = array<i32>} : memref<16x128xf32, #tpu.memory_space<vmem>>, vector<16xf32>,
      %broadcast_in_dim3A_864 = arith.constant 0 : i32
      %broadcast_in_dim3A_865 = vector.broadcast %broadcast_in_dim3A_864 : i32 to vector<16xi32>
      tpu.vector_store_idx %arg19[%add3A_859, %broadcast_in_dim3A_865], %get3A_863 : memref<128x16xf32, #tpu.memory_space<vmem>>[vector<16xi32>, vector<16xi32>], vector<16xf32>,
      %get3A_866 = arith.constant 1 : i32
      %get3A_867 = arith.index_cast %get3A_866 : i32 to index
      %get3A_868 = arith.constant 112 : index
      %get3A_869 = tpu.vector_load %arg21[%get3A_867, %get3A_868] {strides = array<i32>} : memref<16x128xf32, #tpu.memory_space<vmem>>, vector<16xf32>,
      %broadcast_in_dim3A_870 = arith.constant 1 : i32
      %broadcast_in_dim3A_871 = vector.broadcast %broadcast_in_dim3A_870 : i32 to vector<16xi32>
      tpu.vector_store_idx %arg19[%add3A_859, %broadcast_in_dim3A_871], %get3A_869 : memref<128x16xf32, #tpu.memory_space<vmem>>[vector<16xi32>, vector<16xi32>], vector<16xf32>,
      %get3A_872 = arith.constant 2 : i32
      %get3A_873 = arith.index_cast %get3A_872 : i32 to index
      %get3A_874 = arith.constant 112 : index
      %get3A_875 = tpu.vector_load %arg21[%get3A_873, %get3A_874] {strides = array<i32>} : memref<16x128xf32, #tpu.memory_space<vmem>>, vector<16xf32>,
      %broadcast_in_dim3A_876 = arith.constant 2 : i32
      %broadcast_in_dim3A_877 = vector.broadcast %broadcast_in_dim3A_876 : i32 to vector<16xi32>
      tpu.vector_store_idx %arg19[%add3A_859, %broadcast_in_dim3A_877], %get3A_875 : memref<128x16xf32, #tpu.memory_space<vmem>>[vector<16xi32>, vector<16xi32>], vector<16xf32>,
      %get3A_878 = arith.constant 3 : i32
      %get3A_879 = arith.index_cast %get3A_878 : i32 to index
      %get3A_880 = arith.constant 112 : index
      %get3A_881 = tpu.vector_load %arg21[%get3A_879, %get3A_880] {strides = array<i32>} : memref<16x128xf32, #tpu.memory_space<vmem>>, vector<16xf32>,
      %broadcast_in_dim3A_882 = arith.constant 3 : i32
      %broadcast_in_dim3A_883 = vector.broadcast %broadcast_in_dim3A_882 : i32 to vector<16xi32>
      tpu.vector_store_idx %arg19[%add3A_859, %broadcast_in_dim3A_883], %get3A_881 : memref<128x16xf32, #tpu.memory_space<vmem>>[vector<16xi32>, vector<16xi32>], vector<16xf32>,
      %get3A_884 = arith.constant 4 : i32
      %get3A_885 = arith.index_cast %get3A_884 : i32 to index
      %get3A_886 = arith.constant 112 : index
      %get3A_887 = tpu.vector_load %arg21[%get3A_885, %get3A_886] {strides = array<i32>} : memref<16x128xf32, #tpu.memory_space<vmem>>, vector<16xf32>,
      %broadcast_in_dim3A_888 = arith.constant 4 : i32
      %broadcast_in_dim3A_889 = vector.broadcast %broadcast_in_dim3A_888 : i32 to vector<16xi32>
      tpu.vector_store_idx %arg19[%add3A_859, %broadcast_in_dim3A_889], %get3A_887 : memref<128x16xf32, #tpu.memory_space<vmem>>[vector<16xi32>, vector<16xi32>], vector<16xf32>,
      %get3A_890 = arith.constant 5 : i32
      %get3A_891 = arith.index_cast %get3A_890 : i32 to index
      %get3A_892 = arith.constant 112 : index
      %get3A_893 = tpu.vector_load %arg21[%get3A_891, %get3A_892] {strides = array<i32>} : memref<16x128xf32, #tpu.memory_space<vmem>>, vector<16xf32>,
      %broadcast_in_dim3A_894 = arith.constant 5 : i32
      %broadcast_in_dim3A_895 = vector.broadcast %broadcast_in_dim3A_894 : i32 to vector<16xi32>
      tpu.vector_store_idx %arg19[%add3A_859, %broadcast_in_dim3A_895], %get3A_893 : memref<128x16xf32, #tpu.memory_space<vmem>>[vector<16xi32>, vector<16xi32>], vector<16xf32>,
      %get3A_896 = arith.constant 6 : i32
      %get3A_897 = arith.index_cast %get3A_896 : i32 to index
      %get3A_898 = arith.constant 112 : index
      %get3A_899 = tpu.vector_load %arg21[%get3A_897, %get3A_898] {strides = array<i32>} : memref<16x128xf32, #tpu.memory_space<vmem>>, vector<16xf32>,
      %broadcast_in_dim3A_900 = arith.constant 6 : i32
      %broadcast_in_dim3A_901 = vector.broadcast %broadcast_in_dim3A_900 : i32 to vector<16xi32>
      tpu.vector_store_idx %arg19[%add3A_859, %broadcast_in_dim3A_901], %get3A_899 : memref<128x16xf32, #tpu.memory_space<vmem>>[vector<16xi32>, vector<16xi32>], vector<16xf32>,
      %get3A_902 = arith.constant 7 : i32
      %get3A_903 = arith.index_cast %get3A_902 : i32 to index
      %get3A_904 = arith.constant 112 : index
      %get3A_905 = tpu.vector_load %arg21[%get3A_903, %get3A_904] {strides = array<i32>} : memref<16x128xf32, #tpu.memory_space<vmem>>, vector<16xf32>,
      %broadcast_in_dim3A_906 = arith.constant 7 : i32
      %broadcast_in_dim3A_907 = vector.broadcast %broadcast_in_dim3A_906 : i32 to vector<16xi32>
      tpu.vector_store_idx %arg19[%add3A_859, %broadcast_in_dim3A_907], %get3A_905 : memref<128x16xf32, #tpu.memory_space<vmem>>[vector<16xi32>, vector<16xi32>], vector<16xf32>,
      %get3A_908 = arith.constant 8 : i32
      %get3A_909 = arith.index_cast %get3A_908 : i32 to index
      %get3A_910 = arith.constant 112 : index
      %get3A_911 = tpu.vector_load %arg21[%get3A_909, %get3A_910] {strides = array<i32>} : memref<16x128xf32, #tpu.memory_space<vmem>>, vector<16xf32>,
      %broadcast_in_dim3A_912 = arith.constant 8 : i32
      %broadcast_in_dim3A_913 = vector.broadcast %broadcast_in_dim3A_912 : i32 to vector<16xi32>
      tpu.vector_store_idx %arg19[%add3A_859, %broadcast_in_dim3A_913], %get3A_911 : memref<128x16xf32, #tpu.memory_space<vmem>>[vector<16xi32>, vector<16xi32>], vector<16xf32>,
      %get3A_914 = arith.constant 9 : i32
      %get3A_915 = arith.index_cast %get3A_914 : i32 to index
      %get3A_916 = arith.constant 112 : index
      %get3A_917 = tpu.vector_load %arg21[%get3A_915, %get3A_916] {strides = array<i32>} : memref<16x128xf32, #tpu.memory_space<vmem>>, vector<16xf32>,
      %broadcast_in_dim3A_918 = arith.constant 9 : i32
      %broadcast_in_dim3A_919 = vector.broadcast %broadcast_in_dim3A_918 : i32 to vector<16xi32>
      tpu.vector_store_idx %arg19[%add3A_859, %broadcast_in_dim3A_919], %get3A_917 : memref<128x16xf32, #tpu.memory_space<vmem>>[vector<16xi32>, vector<16xi32>], vector<16xf32>,
      %get3A_920 = arith.constant 10 : i32
      %get3A_921 = arith.index_cast %get3A_920 : i32 to index
      %get3A_922 = arith.constant 112 : index
      %get3A_923 = tpu.vector_load %arg21[%get3A_921, %get3A_922] {strides = array<i32>} : memref<16x128xf32, #tpu.memory_space<vmem>>, vector<16xf32>,
      %broadcast_in_dim3A_924 = arith.constant 10 : i32
      %broadcast_in_dim3A_925 = vector.broadcast %broadcast_in_dim3A_924 : i32 to vector<16xi32>
      tpu.vector_store_idx %arg19[%add3A_859, %broadcast_in_dim3A_925], %get3A_923 : memref<128x16xf32, #tpu.memory_space<vmem>>[vector<16xi32>, vector<16xi32>], vector<16xf32>,
      %get3A_926 = arith.constant 11 : i32
      %get3A_927 = arith.index_cast %get3A_926 : i32 to index
      %get3A_928 = arith.constant 112 : index
      %get3A_929 = tpu.vector_load %arg21[%get3A_927, %get3A_928] {strides = array<i32>} : memref<16x128xf32, #tpu.memory_space<vmem>>, vector<16xf32>,
      %broadcast_in_dim3A_930 = arith.constant 11 : i32
      %broadcast_in_dim3A_931 = vector.broadcast %broadcast_in_dim3A_930 : i32 to vector<16xi32>
      tpu.vector_store_idx %arg19[%add3A_859, %broadcast_in_dim3A_931], %get3A_929 : memref<128x16xf32, #tpu.memory_space<vmem>>[vector<16xi32>, vector<16xi32>], vector<16xf32>,
      %get3A_932 = arith.constant 12 : i32
      %get3A_933 = arith.index_cast %get3A_932 : i32 to index
      %get3A_934 = arith.constant 112 : index
      %get3A_935 = tpu.vector_load %arg21[%get3A_933, %get3A_934] {strides = array<i32>} : memref<16x128xf32, #tpu.memory_space<vmem>>, vector<16xf32>,
      %broadcast_in_dim3A_936 = arith.constant 12 : i32
      %broadcast_in_dim3A_937 = vector.broadcast %broadcast_in_dim3A_936 : i32 to vector<16xi32>
      tpu.vector_store_idx %arg19[%add3A_859, %broadcast_in_dim3A_937], %get3A_935 : memref<128x16xf32, #tpu.memory_space<vmem>>[vector<16xi32>, vector<16xi32>], vector<16xf32>,
      %get3A_938 = arith.constant 13 : i32
      %get3A_939 = arith.index_cast %get3A_938 : i32 to index
      %get3A_940 = arith.constant 112 : index
      %get3A_941 = tpu.vector_load %arg21[%get3A_939, %get3A_940] {strides = array<i32>} : memref<16x128xf32, #tpu.memory_space<vmem>>, vector<16xf32>,
      %broadcast_in_dim3A_942 = arith.constant 13 : i32
      %broadcast_in_dim3A_943 = vector.broadcast %broadcast_in_dim3A_942 : i32 to vector<16xi32>
      tpu.vector_store_idx %arg19[%add3A_859, %broadcast_in_dim3A_943], %get3A_941 : memref<128x16xf32, #tpu.memory_space<vmem>>[vector<16xi32>, vector<16xi32>], vector<16xf32>,
      %get3A_944 = arith.constant 14 : i32
      %get3A_945 = arith.index_cast %get3A_944 : i32 to index
      %get3A_946 = arith.constant 112 : index
      %get3A_947 = tpu.vector_load %arg21[%get3A_945, %get3A_946] {strides = array<i32>} : memref<16x128xf32, #tpu.memory_space<vmem>>, vector<16xf32>,
      %broadcast_in_dim3A_948 = arith.constant 14 : i32
      %broadcast_in_dim3A_949 = vector.broadcast %broadcast_in_dim3A_948 : i32 to vector<16xi32>
      tpu.vector_store_idx %arg19[%add3A_859, %broadcast_in_dim3A_949], %get3A_947 : memref<128x16xf32, #tpu.memory_space<vmem>>[vector<16xi32>, vector<16xi32>], vector<16xf32>,
      %get3A_950 = arith.constant 15 : i32
      %get3A_951 = arith.index_cast %get3A_950 : i32 to index
      %get3A_952 = arith.constant 112 : index
      %get3A_953 = tpu.vector_load %arg21[%get3A_951, %get3A_952] {strides = array<i32>} : memref<16x128xf32, #tpu.memory_space<vmem>>, vector<16xf32>,
      %broadcast_in_dim3A_954 = arith.constant 15 : i32
      %broadcast_in_dim3A_955 = vector.broadcast %broadcast_in_dim3A_954 : i32 to vector<16xi32>
      tpu.vector_store_idx %arg19[%add3A_859, %broadcast_in_dim3A_955], %get3A_953 : memref<128x16xf32, #tpu.memory_space<vmem>>[vector<16xi32>, vector<16xi32>], vector<16xf32>,
      %gt3A = arith.constant 0 : i32
      %gt3A_956 = arith.cmpi sgt, %add3A_148, %gt3A : i32
      %convert_element_type3A = arith.extui %gt3A_956 : i1 to i32
      %cond3A = arith.constant 0 : i32
      %cond3A_957 = arith.cmpi ne, %convert_element_type3A, %cond3A : i32
      scf.if %cond3A_957 {
        %dma_wait3A_1809 = arith.constant 0 : i32
        %dma_wait3A_1810 = arith.constant 0 : i32
        %dma_wait3A_1811 = tpu.memref_slice %arg35[%dma_wait3A_1809, %dma_wait3A_1810] : memref<10240x64xf32, #tpu.memory_space<vmem_shared>> -> memref<10240x64xf32, #tpu.memory_space<vmem_shared>>
        tpu.wait_indirect_dma semaphore(%arg34 : memref<!tpu.dma_semaphore, #tpu.memory_space<semaphore_mem>>) src(%arg18 : memref<128x64xf32, #tpu.memory_space<vmem>>) dst(%dma_wait3A_1811 : memref<10240x64xf32, #tpu.memory_space<vmem_shared>>)
        %dma_wait3A_1812 = arith.constant 0 : i32
        %dma_wait3A_1813 = arith.constant 0 : i32
        %dma_wait3A_1814 = tpu.memref_slice %arg36[%dma_wait3A_1812, %dma_wait3A_1813] : memref<10240x16xf32, #tpu.memory_space<vmem_shared>> -> memref<10240x16xf32, #tpu.memory_space<vmem_shared>>
        tpu.wait_indirect_dma semaphore(%arg34 : memref<!tpu.dma_semaphore, #tpu.memory_space<semaphore_mem>>) src(%arg20 : memref<128x16xf32, #tpu.memory_space<vmem>>) dst(%dma_wait3A_1814 : memref<10240x16xf32, #tpu.memory_space<vmem_shared>>)
        %dma_wait3A_1815 = arith.constant 0 : i32
        %dma_wait3A_1816 = arith.constant 0 : i32
        %dma_wait3A_1817 = tpu.memref_slice %arg37[%dma_wait3A_1815, %dma_wait3A_1816] : memref<10240x8xf32, #tpu.memory_space<vmem_shared>> -> memref<10240x8xf32, #tpu.memory_space<vmem_shared>>
        tpu.wait_indirect_dma semaphore(%arg34 : memref<!tpu.dma_semaphore, #tpu.memory_space<semaphore_mem>>) src(%arg23 : memref<128x8xf32, #tpu.memory_space<vmem>>) dst(%dma_wait3A_1817 : memref<10240x8xf32, #tpu.memory_space<vmem_shared>>)
      } else {
      }
      %add3A_958 = arith.constant 1 : i32
      %add3A_959 = arith.addi %add3A_148, %add3A_958 : i32
      %lt3A = arith.constant 78 : i32
      %lt3A_960 = arith.cmpi slt, %add3A_959, %lt3A : i32
      %convert_element_type3A_961 = arith.extui %lt3A_960 : i1 to i32
      %cond3A_962 = arith.constant 0 : i32
      %cond3A_963 = arith.cmpi ne, %convert_element_type3A_961, %cond3A_962 : i32
      scf.if %cond3A_963 {
        %add3A_1809 = arith.constant 1 : i32
        %add3A_1810 = arith.addi %add3A_148, %add3A_1809 : i32
        %mul3A_1811 = arith.constant 128 : i32
        %mul3A_1812 = arith.muli %add3A_1810, %mul3A_1811 : i32
        %add3A_1813 = arith.addi %mul3A_2, %mul3A_1812 : i32
        %multiple_of3A_1814 = tpu.assume_multiple %add3A_1813, 8 : i32
        %dma_start3A_1815 = tpu.memref_slice %arg3[%multiple_of3A_1814] : memref<320000xi32, #tpu.memory_space<hbm>> -> memref<128xi32, #tpu.memory_space<hbm>>
        %dma_start3A_1816 = tpu.memref_slice %arg3[%multiple_of3A_1814] : memref<320000xi32, #tpu.memory_space<hbm>> -> memref<128xi32, #tpu.memory_space<hbm>>
        tpu.enqueue_dma source(%dma_start3A_1816 : memref<128xi32, #tpu.memory_space<hbm>>) target(%arg14 : memref<128xi32, #tpu.memory_space<vmem>>) target_semaphore(%arg30 : memref<!tpu.dma_semaphore, #tpu.memory_space<semaphore_mem>>)
        %dma_start3A_1817 = tpu.memref_slice %arg4[%multiple_of3A_1814] : memref<320000xi32, #tpu.memory_space<hbm>> -> memref<128xi32, #tpu.memory_space<hbm>>
        %dma_start3A_1818 = tpu.memref_slice %arg4[%multiple_of3A_1814] : memref<320000xi32, #tpu.memory_space<hbm>> -> memref<128xi32, #tpu.memory_space<hbm>>
        tpu.enqueue_dma source(%dma_start3A_1818 : memref<128xi32, #tpu.memory_space<hbm>>) target(%arg16 : memref<128xi32, #tpu.memory_space<vmem>>) target_semaphore(%arg30 : memref<!tpu.dma_semaphore, #tpu.memory_space<semaphore_mem>>)
        %dma_start3A_1819 = arith.constant 0 : i32
        %dma_start3A_1820 = tpu.memref_slice %arg5[%dma_start3A_1819, %multiple_of3A_1814] : memref<16x320000xf32, #tpu.memory_space<hbm>> -> memref<16x128xf32, #tpu.memory_space<hbm>>
        %dma_start3A_1821 = arith.constant 0 : i32
        %dma_start3A_1822 = tpu.memref_slice %arg5[%dma_start3A_1821, %multiple_of3A_1814] : memref<16x320000xf32, #tpu.memory_space<hbm>> -> memref<16x128xf32, #tpu.memory_space<hbm>>
        tpu.enqueue_dma source(%dma_start3A_1822 : memref<16x128xf32, #tpu.memory_space<hbm>>) target(%arg22 : memref<16x128xf32, #tpu.memory_space<vmem>>) target_semaphore(%arg30 : memref<!tpu.dma_semaphore, #tpu.memory_space<semaphore_mem>>)
      } else {
      }
      %dma_wait3A_964 = arith.constant 0 : i32
      %dma_wait3A_965 = arith.constant 0 : i32
      %dma_wait3A_966 = tpu.memref_slice %arg2[%dma_wait3A_964, %dma_wait3A_965] : memref<10000x64xf32, #tpu.memory_space<hbm>> -> memref<10000x64xf32, #tpu.memory_space<hbm>>
      tpu.wait_indirect_dma semaphore(%arg31 : memref<!tpu.dma_semaphore, #tpu.memory_space<semaphore_mem>>) src(%dma_wait3A_966 : memref<10000x64xf32, #tpu.memory_space<hbm>>) dst(%arg17 : memref<128x64xf32, #tpu.memory_space<vmem>>)
      %dma_start3A_967 = arith.constant 0 : i32
      %dma_start3A_968 = arith.constant 0 : i32
      %dma_start3A_969 = tpu.memref_slice %arg35[%dma_start3A_967, %dma_start3A_968] : memref<10240x64xf32, #tpu.memory_space<vmem_shared>> -> memref<10240x64xf32, #tpu.memory_space<vmem_shared>>
      tpu.enqueue_indirect_dma source(%arg17 : memref<128x64xf32, #tpu.memory_space<vmem>>) target(%dma_start3A_969 : memref<10240x64xf32, #tpu.memory_space<vmem_shared>>) offsets(%arg15 : memref<128xi32, #tpu.memory_space<vmem>>) semaphore(%arg33 : memref<!tpu.dma_semaphore, #tpu.memory_space<semaphore_mem>>) {add = true}
      %dma_start3A_970 = arith.constant 0 : i32
      %dma_start3A_971 = arith.constant 0 : i32
      %dma_start3A_972 = tpu.memref_slice %arg36[%dma_start3A_970, %dma_start3A_971] : memref<10240x16xf32, #tpu.memory_space<vmem_shared>> -> memref<10240x16xf32, #tpu.memory_space<vmem_shared>>
      tpu.enqueue_indirect_dma source(%arg19 : memref<128x16xf32, #tpu.memory_space<vmem>>) target(%dma_start3A_972 : memref<10240x16xf32, #tpu.memory_space<vmem_shared>>) offsets(%arg15 : memref<128xi32, #tpu.memory_space<vmem>>) semaphore(%arg33 : memref<!tpu.dma_semaphore, #tpu.memory_space<semaphore_mem>>) {add = true}
      %dma_start3A_973 = arith.constant 0 : i32
      %dma_start3A_974 = arith.constant 0 : i32
      %dma_start3A_975 = tpu.memref_slice %arg37[%dma_start3A_973, %dma_start3A_974] : memref<10240x8xf32, #tpu.memory_space<vmem_shared>> -> memref<10240x8xf32, #tpu.memory_space<vmem_shared>>
      tpu.enqueue_indirect_dma source(%arg23 : memref<128x8xf32, #tpu.memory_space<vmem>>) target(%dma_start3A_975 : memref<10240x8xf32, #tpu.memory_space<vmem_shared>>) offsets(%arg15 : memref<128xi32, #tpu.memory_space<vmem>>) semaphore(%arg33 : memref<!tpu.dma_semaphore, #tpu.memory_space<semaphore_mem>>) {add = true}
      %add3A_976 = arith.constant 1 : i32
      %add3A_977 = arith.addi %add3A_146, %add3A_976 : i32
      %mul3A_978 = arith.constant 128 : i32
      %mul3A_979 = arith.muli %add3A_977, %mul3A_978 : i32
      %add3A_980 = arith.addi %mul3A_2, %mul3A_979 : i32
      %multiple_of3A_981 = tpu.assume_multiple %add3A_980, 8 : i32
      %dma_wait3A_982 = tpu.memref_slice %arg3[%multiple_of3A_981] : memref<320000xi32, #tpu.memory_space<hbm>> -> memref<128xi32, #tpu.memory_space<hbm>>
      %dma_wait3A_983 = tpu.memref_slice %arg3[%multiple_of3A_981] : memref<320000xi32, #tpu.memory_space<hbm>> -> memref<128xi32, #tpu.memory_space<hbm>>
      tpu.wait_dma2 semaphore(%arg30 : memref<!tpu.dma_semaphore, #tpu.memory_space<semaphore_mem>>) src(%dma_wait3A_983 : memref<128xi32, #tpu.memory_space<hbm>>) dst(%arg14 : memref<128xi32, #tpu.memory_space<vmem>>)
      %dma_wait3A_984 = tpu.memref_slice %arg4[%multiple_of3A_981] : memref<320000xi32, #tpu.memory_space<hbm>> -> memref<128xi32, #tpu.memory_space<hbm>>
      %dma_wait3A_985 = tpu.memref_slice %arg4[%multiple_of3A_981] : memref<320000xi32, #tpu.memory_space<hbm>> -> memref<128xi32, #tpu.memory_space<hbm>>
      tpu.wait_dma2 semaphore(%arg30 : memref<!tpu.dma_semaphore, #tpu.memory_space<semaphore_mem>>) src(%dma_wait3A_985 : memref<128xi32, #tpu.memory_space<hbm>>) dst(%arg16 : memref<128xi32, #tpu.memory_space<vmem>>)
      %dma_wait3A_986 = arith.constant 0 : i32
      %dma_wait3A_987 = tpu.memref_slice %arg5[%dma_wait3A_986, %multiple_of3A_981] : memref<16x320000xf32, #tpu.memory_space<hbm>> -> memref<16x128xf32, #tpu.memory_space<hbm>>
      %dma_wait3A_988 = arith.constant 0 : i32
      %dma_wait3A_989 = tpu.memref_slice %arg5[%dma_wait3A_988, %multiple_of3A_981] : memref<16x320000xf32, #tpu.memory_space<hbm>> -> memref<16x128xf32, #tpu.memory_space<hbm>>
      tpu.wait_dma2 semaphore(%arg30 : memref<!tpu.dma_semaphore, #tpu.memory_space<semaphore_mem>>) src(%dma_wait3A_989 : memref<16x128xf32, #tpu.memory_space<hbm>>) dst(%arg22 : memref<16x128xf32, #tpu.memory_space<vmem>>)
      %dma_start3A_990 = arith.constant 0 : i32
      %dma_start3A_991 = arith.constant 0 : i32
      %dma_start3A_992 = tpu.memref_slice %arg2[%dma_start3A_990, %dma_start3A_991] : memref<10000x64xf32, #tpu.memory_space<hbm>> -> memref<10000x64xf32, #tpu.memory_space<hbm>>
      tpu.enqueue_indirect_dma source(%dma_start3A_992 : memref<10000x64xf32, #tpu.memory_space<hbm>>) target(%arg18 : memref<128x64xf32, #tpu.memory_space<vmem>>) offsets(%arg14 : memref<128xi32, #tpu.memory_space<vmem>>) semaphore(%arg32 : memref<!tpu.dma_semaphore, #tpu.memory_space<semaphore_mem>>)
      %add3A_993 = arith.constant 0 : i32
      %add3A_994 = vector.broadcast %add3A_993 : i32 to vector<16xi32>
      %add3A_995 = arith.addi %add3A_994, %iota3A : vector<16xi32>
      %get3A_996 = arith.constant 0 : i32
      %get3A_997 = arith.index_cast %get3A_996 : i32 to index
      %get3A_998 = arith.constant 0 : index
      %get3A_999 = tpu.vector_load %arg22[%get3A_997, %get3A_998] {strides = array<i32>} : memref<16x128xf32, #tpu.memory_space<vmem>>, vector<16xf32>,
      %broadcast_in_dim3A_1000 = arith.constant 0 : i32
      %broadcast_in_dim3A_1001 = vector.broadcast %broadcast_in_dim3A_1000 : i32 to vector<16xi32>
      tpu.vector_store_idx %arg20[%add3A_995, %broadcast_in_dim3A_1001], %get3A_999 : memref<128x16xf32, #tpu.memory_space<vmem>>[vector<16xi32>, vector<16xi32>], vector<16xf32>,
      %get3A_1002 = arith.constant 1 : i32
      %get3A_1003 = arith.index_cast %get3A_1002 : i32 to index
      %get3A_1004 = arith.constant 0 : index
      %get3A_1005 = tpu.vector_load %arg22[%get3A_1003, %get3A_1004] {strides = array<i32>} : memref<16x128xf32, #tpu.memory_space<vmem>>, vector<16xf32>,
      %broadcast_in_dim3A_1006 = arith.constant 1 : i32
      %broadcast_in_dim3A_1007 = vector.broadcast %broadcast_in_dim3A_1006 : i32 to vector<16xi32>
      tpu.vector_store_idx %arg20[%add3A_995, %broadcast_in_dim3A_1007], %get3A_1005 : memref<128x16xf32, #tpu.memory_space<vmem>>[vector<16xi32>, vector<16xi32>], vector<16xf32>,
      %get3A_1008 = arith.constant 2 : i32
      %get3A_1009 = arith.index_cast %get3A_1008 : i32 to index
      %get3A_1010 = arith.constant 0 : index
      %get3A_1011 = tpu.vector_load %arg22[%get3A_1009, %get3A_1010] {strides = array<i32>} : memref<16x128xf32, #tpu.memory_space<vmem>>, vector<16xf32>,
      %broadcast_in_dim3A_1012 = arith.constant 2 : i32
      %broadcast_in_dim3A_1013 = vector.broadcast %broadcast_in_dim3A_1012 : i32 to vector<16xi32>
      tpu.vector_store_idx %arg20[%add3A_995, %broadcast_in_dim3A_1013], %get3A_1011 : memref<128x16xf32, #tpu.memory_space<vmem>>[vector<16xi32>, vector<16xi32>], vector<16xf32>,
      %get3A_1014 = arith.constant 3 : i32
      %get3A_1015 = arith.index_cast %get3A_1014 : i32 to index
      %get3A_1016 = arith.constant 0 : index
      %get3A_1017 = tpu.vector_load %arg22[%get3A_1015, %get3A_1016] {strides = array<i32>} : memref<16x128xf32, #tpu.memory_space<vmem>>, vector<16xf32>,
      %broadcast_in_dim3A_1018 = arith.constant 3 : i32
      %broadcast_in_dim3A_1019 = vector.broadcast %broadcast_in_dim3A_1018 : i32 to vector<16xi32>
      tpu.vector_store_idx %arg20[%add3A_995, %broadcast_in_dim3A_1019], %get3A_1017 : memref<128x16xf32, #tpu.memory_space<vmem>>[vector<16xi32>, vector<16xi32>], vector<16xf32>,
      %get3A_1020 = arith.constant 4 : i32
      %get3A_1021 = arith.index_cast %get3A_1020 : i32 to index
      %get3A_1022 = arith.constant 0 : index
      %get3A_1023 = tpu.vector_load %arg22[%get3A_1021, %get3A_1022] {strides = array<i32>} : memref<16x128xf32, #tpu.memory_space<vmem>>, vector<16xf32>,
      %broadcast_in_dim3A_1024 = arith.constant 4 : i32
      %broadcast_in_dim3A_1025 = vector.broadcast %broadcast_in_dim3A_1024 : i32 to vector<16xi32>
      tpu.vector_store_idx %arg20[%add3A_995, %broadcast_in_dim3A_1025], %get3A_1023 : memref<128x16xf32, #tpu.memory_space<vmem>>[vector<16xi32>, vector<16xi32>], vector<16xf32>,
      %get3A_1026 = arith.constant 5 : i32
      %get3A_1027 = arith.index_cast %get3A_1026 : i32 to index
      %get3A_1028 = arith.constant 0 : index
      %get3A_1029 = tpu.vector_load %arg22[%get3A_1027, %get3A_1028] {strides = array<i32>} : memref<16x128xf32, #tpu.memory_space<vmem>>, vector<16xf32>,
      %broadcast_in_dim3A_1030 = arith.constant 5 : i32
      %broadcast_in_dim3A_1031 = vector.broadcast %broadcast_in_dim3A_1030 : i32 to vector<16xi32>
      tpu.vector_store_idx %arg20[%add3A_995, %broadcast_in_dim3A_1031], %get3A_1029 : memref<128x16xf32, #tpu.memory_space<vmem>>[vector<16xi32>, vector<16xi32>], vector<16xf32>,
      %get3A_1032 = arith.constant 6 : i32
      %get3A_1033 = arith.index_cast %get3A_1032 : i32 to index
      %get3A_1034 = arith.constant 0 : index
      %get3A_1035 = tpu.vector_load %arg22[%get3A_1033, %get3A_1034] {strides = array<i32>} : memref<16x128xf32, #tpu.memory_space<vmem>>, vector<16xf32>,
      %broadcast_in_dim3A_1036 = arith.constant 6 : i32
      %broadcast_in_dim3A_1037 = vector.broadcast %broadcast_in_dim3A_1036 : i32 to vector<16xi32>
      tpu.vector_store_idx %arg20[%add3A_995, %broadcast_in_dim3A_1037], %get3A_1035 : memref<128x16xf32, #tpu.memory_space<vmem>>[vector<16xi32>, vector<16xi32>], vector<16xf32>,
      %get3A_1038 = arith.constant 7 : i32
      %get3A_1039 = arith.index_cast %get3A_1038 : i32 to index
      %get3A_1040 = arith.constant 0 : index
      %get3A_1041 = tpu.vector_load %arg22[%get3A_1039, %get3A_1040] {strides = array<i32>} : memref<16x128xf32, #tpu.memory_space<vmem>>, vector<16xf32>,
      %broadcast_in_dim3A_1042 = arith.constant 7 : i32
      %broadcast_in_dim3A_1043 = vector.broadcast %broadcast_in_dim3A_1042 : i32 to vector<16xi32>
      tpu.vector_store_idx %arg20[%add3A_995, %broadcast_in_dim3A_1043], %get3A_1041 : memref<128x16xf32, #tpu.memory_space<vmem>>[vector<16xi32>, vector<16xi32>], vector<16xf32>,
      %get3A_1044 = arith.constant 8 : i32
      %get3A_1045 = arith.index_cast %get3A_1044 : i32 to index
      %get3A_1046 = arith.constant 0 : index
      %get3A_1047 = tpu.vector_load %arg22[%get3A_1045, %get3A_1046] {strides = array<i32>} : memref<16x128xf32, #tpu.memory_space<vmem>>, vector<16xf32>,
      %broadcast_in_dim3A_1048 = arith.constant 8 : i32
      %broadcast_in_dim3A_1049 = vector.broadcast %broadcast_in_dim3A_1048 : i32 to vector<16xi32>
      tpu.vector_store_idx %arg20[%add3A_995, %broadcast_in_dim3A_1049], %get3A_1047 : memref<128x16xf32, #tpu.memory_space<vmem>>[vector<16xi32>, vector<16xi32>], vector<16xf32>,
      %get3A_1050 = arith.constant 9 : i32
      %get3A_1051 = arith.index_cast %get3A_1050 : i32 to index
      %get3A_1052 = arith.constant 0 : index
      %get3A_1053 = tpu.vector_load %arg22[%get3A_1051, %get3A_1052] {strides = array<i32>} : memref<16x128xf32, #tpu.memory_space<vmem>>, vector<16xf32>,
      %broadcast_in_dim3A_1054 = arith.constant 9 : i32
      %broadcast_in_dim3A_1055 = vector.broadcast %broadcast_in_dim3A_1054 : i32 to vector<16xi32>
      tpu.vector_store_idx %arg20[%add3A_995, %broadcast_in_dim3A_1055], %get3A_1053 : memref<128x16xf32, #tpu.memory_space<vmem>>[vector<16xi32>, vector<16xi32>], vector<16xf32>,
      %get3A_1056 = arith.constant 10 : i32
      %get3A_1057 = arith.index_cast %get3A_1056 : i32 to index
      %get3A_1058 = arith.constant 0 : index
      %get3A_1059 = tpu.vector_load %arg22[%get3A_1057, %get3A_1058] {strides = array<i32>} : memref<16x128xf32, #tpu.memory_space<vmem>>, vector<16xf32>,
      %broadcast_in_dim3A_1060 = arith.constant 10 : i32
      %broadcast_in_dim3A_1061 = vector.broadcast %broadcast_in_dim3A_1060 : i32 to vector<16xi32>
      tpu.vector_store_idx %arg20[%add3A_995, %broadcast_in_dim3A_1061], %get3A_1059 : memref<128x16xf32, #tpu.memory_space<vmem>>[vector<16xi32>, vector<16xi32>], vector<16xf32>,
      %get3A_1062 = arith.constant 11 : i32
      %get3A_1063 = arith.index_cast %get3A_1062 : i32 to index
      %get3A_1064 = arith.constant 0 : index
      %get3A_1065 = tpu.vector_load %arg22[%get3A_1063, %get3A_1064] {strides = array<i32>} : memref<16x128xf32, #tpu.memory_space<vmem>>, vector<16xf32>,
      %broadcast_in_dim3A_1066 = arith.constant 11 : i32
      %broadcast_in_dim3A_1067 = vector.broadcast %broadcast_in_dim3A_1066 : i32 to vector<16xi32>
      tpu.vector_store_idx %arg20[%add3A_995, %broadcast_in_dim3A_1067], %get3A_1065 : memref<128x16xf32, #tpu.memory_space<vmem>>[vector<16xi32>, vector<16xi32>], vector<16xf32>,
      %get3A_1068 = arith.constant 12 : i32
      %get3A_1069 = arith.index_cast %get3A_1068 : i32 to index
      %get3A_1070 = arith.constant 0 : index
      %get3A_1071 = tpu.vector_load %arg22[%get3A_1069, %get3A_1070] {strides = array<i32>} : memref<16x128xf32, #tpu.memory_space<vmem>>, vector<16xf32>,
      %broadcast_in_dim3A_1072 = arith.constant 12 : i32
      %broadcast_in_dim3A_1073 = vector.broadcast %broadcast_in_dim3A_1072 : i32 to vector<16xi32>
      tpu.vector_store_idx %arg20[%add3A_995, %broadcast_in_dim3A_1073], %get3A_1071 : memref<128x16xf32, #tpu.memory_space<vmem>>[vector<16xi32>, vector<16xi32>], vector<16xf32>,
      %get3A_1074 = arith.constant 13 : i32
      %get3A_1075 = arith.index_cast %get3A_1074 : i32 to index
      %get3A_1076 = arith.constant 0 : index
      %get3A_1077 = tpu.vector_load %arg22[%get3A_1075, %get3A_1076] {strides = array<i32>} : memref<16x128xf32, #tpu.memory_space<vmem>>, vector<16xf32>,
      %broadcast_in_dim3A_1078 = arith.constant 13 : i32
      %broadcast_in_dim3A_1079 = vector.broadcast %broadcast_in_dim3A_1078 : i32 to vector<16xi32>
      tpu.vector_store_idx %arg20[%add3A_995, %broadcast_in_dim3A_1079], %get3A_1077 : memref<128x16xf32, #tpu.memory_space<vmem>>[vector<16xi32>, vector<16xi32>], vector<16xf32>,
      %get3A_1080 = arith.constant 14 : i32
      %get3A_1081 = arith.index_cast %get3A_1080 : i32 to index
      %get3A_1082 = arith.constant 0 : index
      %get3A_1083 = tpu.vector_load %arg22[%get3A_1081, %get3A_1082] {strides = array<i32>} : memref<16x128xf32, #tpu.memory_space<vmem>>, vector<16xf32>,
      %broadcast_in_dim3A_1084 = arith.constant 14 : i32
      %broadcast_in_dim3A_1085 = vector.broadcast %broadcast_in_dim3A_1084 : i32 to vector<16xi32>
      tpu.vector_store_idx %arg20[%add3A_995, %broadcast_in_dim3A_1085], %get3A_1083 : memref<128x16xf32, #tpu.memory_space<vmem>>[vector<16xi32>, vector<16xi32>], vector<16xf32>,
      %get3A_1086 = arith.constant 15 : i32
      %get3A_1087 = arith.index_cast %get3A_1086 : i32 to index
      %get3A_1088 = arith.constant 0 : index
      %get3A_1089 = tpu.vector_load %arg22[%get3A_1087, %get3A_1088] {strides = array<i32>} : memref<16x128xf32, #tpu.memory_space<vmem>>, vector<16xf32>,
      %broadcast_in_dim3A_1090 = arith.constant 15 : i32
      %broadcast_in_dim3A_1091 = vector.broadcast %broadcast_in_dim3A_1090 : i32 to vector<16xi32>
      tpu.vector_store_idx %arg20[%add3A_995, %broadcast_in_dim3A_1091], %get3A_1089 : memref<128x16xf32, #tpu.memory_space<vmem>>[vector<16xi32>, vector<16xi32>], vector<16xf32>,
      %add3A_1092 = arith.constant 16 : i32
      %add3A_1093 = vector.broadcast %add3A_1092 : i32 to vector<16xi32>
      %add3A_1094 = arith.addi %add3A_1093, %iota3A : vector<16xi32>
      %get3A_1095 = arith.constant 0 : i32
      %get3A_1096 = arith.index_cast %get3A_1095 : i32 to index
      %get3A_1097 = arith.constant 16 : index
      %get3A_1098 = tpu.vector_load %arg22[%get3A_1096, %get3A_1097] {strides = array<i32>} : memref<16x128xf32, #tpu.memory_space<vmem>>, vector<16xf32>,
      %broadcast_in_dim3A_1099 = arith.constant 0 : i32
      %broadcast_in_dim3A_1100 = vector.broadcast %broadcast_in_dim3A_1099 : i32 to vector<16xi32>
      tpu.vector_store_idx %arg20[%add3A_1094, %broadcast_in_dim3A_1100], %get3A_1098 : memref<128x16xf32, #tpu.memory_space<vmem>>[vector<16xi32>, vector<16xi32>], vector<16xf32>,
      %get3A_1101 = arith.constant 1 : i32
      %get3A_1102 = arith.index_cast %get3A_1101 : i32 to index
      %get3A_1103 = arith.constant 16 : index
      %get3A_1104 = tpu.vector_load %arg22[%get3A_1102, %get3A_1103] {strides = array<i32>} : memref<16x128xf32, #tpu.memory_space<vmem>>, vector<16xf32>,
      %broadcast_in_dim3A_1105 = arith.constant 1 : i32
      %broadcast_in_dim3A_1106 = vector.broadcast %broadcast_in_dim3A_1105 : i32 to vector<16xi32>
      tpu.vector_store_idx %arg20[%add3A_1094, %broadcast_in_dim3A_1106], %get3A_1104 : memref<128x16xf32, #tpu.memory_space<vmem>>[vector<16xi32>, vector<16xi32>], vector<16xf32>,
      %get3A_1107 = arith.constant 2 : i32
      %get3A_1108 = arith.index_cast %get3A_1107 : i32 to index
      %get3A_1109 = arith.constant 16 : index
      %get3A_1110 = tpu.vector_load %arg22[%get3A_1108, %get3A_1109] {strides = array<i32>} : memref<16x128xf32, #tpu.memory_space<vmem>>, vector<16xf32>,
      %broadcast_in_dim3A_1111 = arith.constant 2 : i32
      %broadcast_in_dim3A_1112 = vector.broadcast %broadcast_in_dim3A_1111 : i32 to vector<16xi32>
      tpu.vector_store_idx %arg20[%add3A_1094, %broadcast_in_dim3A_1112], %get3A_1110 : memref<128x16xf32, #tpu.memory_space<vmem>>[vector<16xi32>, vector<16xi32>], vector<16xf32>,
      %get3A_1113 = arith.constant 3 : i32
      %get3A_1114 = arith.index_cast %get3A_1113 : i32 to index
      %get3A_1115 = arith.constant 16 : index
      %get3A_1116 = tpu.vector_load %arg22[%get3A_1114, %get3A_1115] {strides = array<i32>} : memref<16x128xf32, #tpu.memory_space<vmem>>, vector<16xf32>,
      %broadcast_in_dim3A_1117 = arith.constant 3 : i32
      %broadcast_in_dim3A_1118 = vector.broadcast %broadcast_in_dim3A_1117 : i32 to vector<16xi32>
      tpu.vector_store_idx %arg20[%add3A_1094, %broadcast_in_dim3A_1118], %get3A_1116 : memref<128x16xf32, #tpu.memory_space<vmem>>[vector<16xi32>, vector<16xi32>], vector<16xf32>,
      %get3A_1119 = arith.constant 4 : i32
      %get3A_1120 = arith.index_cast %get3A_1119 : i32 to index
      %get3A_1121 = arith.constant 16 : index
      %get3A_1122 = tpu.vector_load %arg22[%get3A_1120, %get3A_1121] {strides = array<i32>} : memref<16x128xf32, #tpu.memory_space<vmem>>, vector<16xf32>,
      %broadcast_in_dim3A_1123 = arith.constant 4 : i32
      %broadcast_in_dim3A_1124 = vector.broadcast %broadcast_in_dim3A_1123 : i32 to vector<16xi32>
      tpu.vector_store_idx %arg20[%add3A_1094, %broadcast_in_dim3A_1124], %get3A_1122 : memref<128x16xf32, #tpu.memory_space<vmem>>[vector<16xi32>, vector<16xi32>], vector<16xf32>,
      %get3A_1125 = arith.constant 5 : i32
      %get3A_1126 = arith.index_cast %get3A_1125 : i32 to index
      %get3A_1127 = arith.constant 16 : index
      %get3A_1128 = tpu.vector_load %arg22[%get3A_1126, %get3A_1127] {strides = array<i32>} : memref<16x128xf32, #tpu.memory_space<vmem>>, vector<16xf32>,
      %broadcast_in_dim3A_1129 = arith.constant 5 : i32
      %broadcast_in_dim3A_1130 = vector.broadcast %broadcast_in_dim3A_1129 : i32 to vector<16xi32>
      tpu.vector_store_idx %arg20[%add3A_1094, %broadcast_in_dim3A_1130], %get3A_1128 : memref<128x16xf32, #tpu.memory_space<vmem>>[vector<16xi32>, vector<16xi32>], vector<16xf32>,
      %get3A_1131 = arith.constant 6 : i32
      %get3A_1132 = arith.index_cast %get3A_1131 : i32 to index
      %get3A_1133 = arith.constant 16 : index
      %get3A_1134 = tpu.vector_load %arg22[%get3A_1132, %get3A_1133] {strides = array<i32>} : memref<16x128xf32, #tpu.memory_space<vmem>>, vector<16xf32>,
      %broadcast_in_dim3A_1135 = arith.constant 6 : i32
      %broadcast_in_dim3A_1136 = vector.broadcast %broadcast_in_dim3A_1135 : i32 to vector<16xi32>
      tpu.vector_store_idx %arg20[%add3A_1094, %broadcast_in_dim3A_1136], %get3A_1134 : memref<128x16xf32, #tpu.memory_space<vmem>>[vector<16xi32>, vector<16xi32>], vector<16xf32>,
      %get3A_1137 = arith.constant 7 : i32
      %get3A_1138 = arith.index_cast %get3A_1137 : i32 to index
      %get3A_1139 = arith.constant 16 : index
      %get3A_1140 = tpu.vector_load %arg22[%get3A_1138, %get3A_1139] {strides = array<i32>} : memref<16x128xf32, #tpu.memory_space<vmem>>, vector<16xf32>,
      %broadcast_in_dim3A_1141 = arith.constant 7 : i32
      %broadcast_in_dim3A_1142 = vector.broadcast %broadcast_in_dim3A_1141 : i32 to vector<16xi32>
      tpu.vector_store_idx %arg20[%add3A_1094, %broadcast_in_dim3A_1142], %get3A_1140 : memref<128x16xf32, #tpu.memory_space<vmem>>[vector<16xi32>, vector<16xi32>], vector<16xf32>,
      %get3A_1143 = arith.constant 8 : i32
      %get3A_1144 = arith.index_cast %get3A_1143 : i32 to index
      %get3A_1145 = arith.constant 16 : index
      %get3A_1146 = tpu.vector_load %arg22[%get3A_1144, %get3A_1145] {strides = array<i32>} : memref<16x128xf32, #tpu.memory_space<vmem>>, vector<16xf32>,
      %broadcast_in_dim3A_1147 = arith.constant 8 : i32
      %broadcast_in_dim3A_1148 = vector.broadcast %broadcast_in_dim3A_1147 : i32 to vector<16xi32>
      tpu.vector_store_idx %arg20[%add3A_1094, %broadcast_in_dim3A_1148], %get3A_1146 : memref<128x16xf32, #tpu.memory_space<vmem>>[vector<16xi32>, vector<16xi32>], vector<16xf32>,
      %get3A_1149 = arith.constant 9 : i32
      %get3A_1150 = arith.index_cast %get3A_1149 : i32 to index
      %get3A_1151 = arith.constant 16 : index
      %get3A_1152 = tpu.vector_load %arg22[%get3A_1150, %get3A_1151] {strides = array<i32>} : memref<16x128xf32, #tpu.memory_space<vmem>>, vector<16xf32>,
      %broadcast_in_dim3A_1153 = arith.constant 9 : i32
      %broadcast_in_dim3A_1154 = vector.broadcast %broadcast_in_dim3A_1153 : i32 to vector<16xi32>
      tpu.vector_store_idx %arg20[%add3A_1094, %broadcast_in_dim3A_1154], %get3A_1152 : memref<128x16xf32, #tpu.memory_space<vmem>>[vector<16xi32>, vector<16xi32>], vector<16xf32>,
      %get3A_1155 = arith.constant 10 : i32
      %get3A_1156 = arith.index_cast %get3A_1155 : i32 to index
      %get3A_1157 = arith.constant 16 : index
      %get3A_1158 = tpu.vector_load %arg22[%get3A_1156, %get3A_1157] {strides = array<i32>} : memref<16x128xf32, #tpu.memory_space<vmem>>, vector<16xf32>,
      %broadcast_in_dim3A_1159 = arith.constant 10 : i32
      %broadcast_in_dim3A_1160 = vector.broadcast %broadcast_in_dim3A_1159 : i32 to vector<16xi32>
      tpu.vector_store_idx %arg20[%add3A_1094, %broadcast_in_dim3A_1160], %get3A_1158 : memref<128x16xf32, #tpu.memory_space<vmem>>[vector<16xi32>, vector<16xi32>], vector<16xf32>,
      %get3A_1161 = arith.constant 11 : i32
      %get3A_1162 = arith.index_cast %get3A_1161 : i32 to index
      %get3A_1163 = arith.constant 16 : index
      %get3A_1164 = tpu.vector_load %arg22[%get3A_1162, %get3A_1163] {strides = array<i32>} : memref<16x128xf32, #tpu.memory_space<vmem>>, vector<16xf32>,
      %broadcast_in_dim3A_1165 = arith.constant 11 : i32
      %broadcast_in_dim3A_1166 = vector.broadcast %broadcast_in_dim3A_1165 : i32 to vector<16xi32>
      tpu.vector_store_idx %arg20[%add3A_1094, %broadcast_in_dim3A_1166], %get3A_1164 : memref<128x16xf32, #tpu.memory_space<vmem>>[vector<16xi32>, vector<16xi32>], vector<16xf32>,
      %get3A_1167 = arith.constant 12 : i32
      %get3A_1168 = arith.index_cast %get3A_1167 : i32 to index
      %get3A_1169 = arith.constant 16 : index
      %get3A_1170 = tpu.vector_load %arg22[%get3A_1168, %get3A_1169] {strides = array<i32>} : memref<16x128xf32, #tpu.memory_space<vmem>>, vector<16xf32>,
      %broadcast_in_dim3A_1171 = arith.constant 12 : i32
      %broadcast_in_dim3A_1172 = vector.broadcast %broadcast_in_dim3A_1171 : i32 to vector<16xi32>
      tpu.vector_store_idx %arg20[%add3A_1094, %broadcast_in_dim3A_1172], %get3A_1170 : memref<128x16xf32, #tpu.memory_space<vmem>>[vector<16xi32>, vector<16xi32>], vector<16xf32>,
      %get3A_1173 = arith.constant 13 : i32
      %get3A_1174 = arith.index_cast %get3A_1173 : i32 to index
      %get3A_1175 = arith.constant 16 : index
      %get3A_1176 = tpu.vector_load %arg22[%get3A_1174, %get3A_1175] {strides = array<i32>} : memref<16x128xf32, #tpu.memory_space<vmem>>, vector<16xf32>,
      %broadcast_in_dim3A_1177 = arith.constant 13 : i32
      %broadcast_in_dim3A_1178 = vector.broadcast %broadcast_in_dim3A_1177 : i32 to vector<16xi32>
      tpu.vector_store_idx %arg20[%add3A_1094, %broadcast_in_dim3A_1178], %get3A_1176 : memref<128x16xf32, #tpu.memory_space<vmem>>[vector<16xi32>, vector<16xi32>], vector<16xf32>,
      %get3A_1179 = arith.constant 14 : i32
      %get3A_1180 = arith.index_cast %get3A_1179 : i32 to index
      %get3A_1181 = arith.constant 16 : index
      %get3A_1182 = tpu.vector_load %arg22[%get3A_1180, %get3A_1181] {strides = array<i32>} : memref<16x128xf32, #tpu.memory_space<vmem>>, vector<16xf32>,
      %broadcast_in_dim3A_1183 = arith.constant 14 : i32
      %broadcast_in_dim3A_1184 = vector.broadcast %broadcast_in_dim3A_1183 : i32 to vector<16xi32>
      tpu.vector_store_idx %arg20[%add3A_1094, %broadcast_in_dim3A_1184], %get3A_1182 : memref<128x16xf32, #tpu.memory_space<vmem>>[vector<16xi32>, vector<16xi32>], vector<16xf32>,
      %get3A_1185 = arith.constant 15 : i32
      %get3A_1186 = arith.index_cast %get3A_1185 : i32 to index
      %get3A_1187 = arith.constant 16 : index
      %get3A_1188 = tpu.vector_load %arg22[%get3A_1186, %get3A_1187] {strides = array<i32>} : memref<16x128xf32, #tpu.memory_space<vmem>>, vector<16xf32>,
      %broadcast_in_dim3A_1189 = arith.constant 15 : i32
      %broadcast_in_dim3A_1190 = vector.broadcast %broadcast_in_dim3A_1189 : i32 to vector<16xi32>
      tpu.vector_store_idx %arg20[%add3A_1094, %broadcast_in_dim3A_1190], %get3A_1188 : memref<128x16xf32, #tpu.memory_space<vmem>>[vector<16xi32>, vector<16xi32>], vector<16xf32>,
      %add3A_1191 = arith.constant 32 : i32
      %add3A_1192 = vector.broadcast %add3A_1191 : i32 to vector<16xi32>
      %add3A_1193 = arith.addi %add3A_1192, %iota3A : vector<16xi32>
      %get3A_1194 = arith.constant 0 : i32
      %get3A_1195 = arith.index_cast %get3A_1194 : i32 to index
      %get3A_1196 = arith.constant 32 : index
      %get3A_1197 = tpu.vector_load %arg22[%get3A_1195, %get3A_1196] {strides = array<i32>} : memref<16x128xf32, #tpu.memory_space<vmem>>, vector<16xf32>,
      %broadcast_in_dim3A_1198 = arith.constant 0 : i32
      %broadcast_in_dim3A_1199 = vector.broadcast %broadcast_in_dim3A_1198 : i32 to vector<16xi32>
      tpu.vector_store_idx %arg20[%add3A_1193, %broadcast_in_dim3A_1199], %get3A_1197 : memref<128x16xf32, #tpu.memory_space<vmem>>[vector<16xi32>, vector<16xi32>], vector<16xf32>,
      %get3A_1200 = arith.constant 1 : i32
      %get3A_1201 = arith.index_cast %get3A_1200 : i32 to index
      %get3A_1202 = arith.constant 32 : index
      %get3A_1203 = tpu.vector_load %arg22[%get3A_1201, %get3A_1202] {strides = array<i32>} : memref<16x128xf32, #tpu.memory_space<vmem>>, vector<16xf32>,
      %broadcast_in_dim3A_1204 = arith.constant 1 : i32
      %broadcast_in_dim3A_1205 = vector.broadcast %broadcast_in_dim3A_1204 : i32 to vector<16xi32>
      tpu.vector_store_idx %arg20[%add3A_1193, %broadcast_in_dim3A_1205], %get3A_1203 : memref<128x16xf32, #tpu.memory_space<vmem>>[vector<16xi32>, vector<16xi32>], vector<16xf32>,
      %get3A_1206 = arith.constant 2 : i32
      %get3A_1207 = arith.index_cast %get3A_1206 : i32 to index
      %get3A_1208 = arith.constant 32 : index
      %get3A_1209 = tpu.vector_load %arg22[%get3A_1207, %get3A_1208] {strides = array<i32>} : memref<16x128xf32, #tpu.memory_space<vmem>>, vector<16xf32>,
      %broadcast_in_dim3A_1210 = arith.constant 2 : i32
      %broadcast_in_dim3A_1211 = vector.broadcast %broadcast_in_dim3A_1210 : i32 to vector<16xi32>
      tpu.vector_store_idx %arg20[%add3A_1193, %broadcast_in_dim3A_1211], %get3A_1209 : memref<128x16xf32, #tpu.memory_space<vmem>>[vector<16xi32>, vector<16xi32>], vector<16xf32>,
      %get3A_1212 = arith.constant 3 : i32
      %get3A_1213 = arith.index_cast %get3A_1212 : i32 to index
      %get3A_1214 = arith.constant 32 : index
      %get3A_1215 = tpu.vector_load %arg22[%get3A_1213, %get3A_1214] {strides = array<i32>} : memref<16x128xf32, #tpu.memory_space<vmem>>, vector<16xf32>,
      %broadcast_in_dim3A_1216 = arith.constant 3 : i32
      %broadcast_in_dim3A_1217 = vector.broadcast %broadcast_in_dim3A_1216 : i32 to vector<16xi32>
      tpu.vector_store_idx %arg20[%add3A_1193, %broadcast_in_dim3A_1217], %get3A_1215 : memref<128x16xf32, #tpu.memory_space<vmem>>[vector<16xi32>, vector<16xi32>], vector<16xf32>,
      %get3A_1218 = arith.constant 4 : i32
      %get3A_1219 = arith.index_cast %get3A_1218 : i32 to index
      %get3A_1220 = arith.constant 32 : index
      %get3A_1221 = tpu.vector_load %arg22[%get3A_1219, %get3A_1220] {strides = array<i32>} : memref<16x128xf32, #tpu.memory_space<vmem>>, vector<16xf32>,
      %broadcast_in_dim3A_1222 = arith.constant 4 : i32
      %broadcast_in_dim3A_1223 = vector.broadcast %broadcast_in_dim3A_1222 : i32 to vector<16xi32>
      tpu.vector_store_idx %arg20[%add3A_1193, %broadcast_in_dim3A_1223], %get3A_1221 : memref<128x16xf32, #tpu.memory_space<vmem>>[vector<16xi32>, vector<16xi32>], vector<16xf32>,
      %get3A_1224 = arith.constant 5 : i32
      %get3A_1225 = arith.index_cast %get3A_1224 : i32 to index
      %get3A_1226 = arith.constant 32 : index
      %get3A_1227 = tpu.vector_load %arg22[%get3A_1225, %get3A_1226] {strides = array<i32>} : memref<16x128xf32, #tpu.memory_space<vmem>>, vector<16xf32>,
      %broadcast_in_dim3A_1228 = arith.constant 5 : i32
      %broadcast_in_dim3A_1229 = vector.broadcast %broadcast_in_dim3A_1228 : i32 to vector<16xi32>
      tpu.vector_store_idx %arg20[%add3A_1193, %broadcast_in_dim3A_1229], %get3A_1227 : memref<128x16xf32, #tpu.memory_space<vmem>>[vector<16xi32>, vector<16xi32>], vector<16xf32>,
      %get3A_1230 = arith.constant 6 : i32
      %get3A_1231 = arith.index_cast %get3A_1230 : i32 to index
      %get3A_1232 = arith.constant 32 : index
      %get3A_1233 = tpu.vector_load %arg22[%get3A_1231, %get3A_1232] {strides = array<i32>} : memref<16x128xf32, #tpu.memory_space<vmem>>, vector<16xf32>,
      %broadcast_in_dim3A_1234 = arith.constant 6 : i32
      %broadcast_in_dim3A_1235 = vector.broadcast %broadcast_in_dim3A_1234 : i32 to vector<16xi32>
      tpu.vector_store_idx %arg20[%add3A_1193, %broadcast_in_dim3A_1235], %get3A_1233 : memref<128x16xf32, #tpu.memory_space<vmem>>[vector<16xi32>, vector<16xi32>], vector<16xf32>,
      %get3A_1236 = arith.constant 7 : i32
      %get3A_1237 = arith.index_cast %get3A_1236 : i32 to index
      %get3A_1238 = arith.constant 32 : index
      %get3A_1239 = tpu.vector_load %arg22[%get3A_1237, %get3A_1238] {strides = array<i32>} : memref<16x128xf32, #tpu.memory_space<vmem>>, vector<16xf32>,
      %broadcast_in_dim3A_1240 = arith.constant 7 : i32
      %broadcast_in_dim3A_1241 = vector.broadcast %broadcast_in_dim3A_1240 : i32 to vector<16xi32>
      tpu.vector_store_idx %arg20[%add3A_1193, %broadcast_in_dim3A_1241], %get3A_1239 : memref<128x16xf32, #tpu.memory_space<vmem>>[vector<16xi32>, vector<16xi32>], vector<16xf32>,
      %get3A_1242 = arith.constant 8 : i32
      %get3A_1243 = arith.index_cast %get3A_1242 : i32 to index
      %get3A_1244 = arith.constant 32 : index
      %get3A_1245 = tpu.vector_load %arg22[%get3A_1243, %get3A_1244] {strides = array<i32>} : memref<16x128xf32, #tpu.memory_space<vmem>>, vector<16xf32>,
      %broadcast_in_dim3A_1246 = arith.constant 8 : i32
      %broadcast_in_dim3A_1247 = vector.broadcast %broadcast_in_dim3A_1246 : i32 to vector<16xi32>
      tpu.vector_store_idx %arg20[%add3A_1193, %broadcast_in_dim3A_1247], %get3A_1245 : memref<128x16xf32, #tpu.memory_space<vmem>>[vector<16xi32>, vector<16xi32>], vector<16xf32>,
      %get3A_1248 = arith.constant 9 : i32
      %get3A_1249 = arith.index_cast %get3A_1248 : i32 to index
      %get3A_1250 = arith.constant 32 : index
      %get3A_1251 = tpu.vector_load %arg22[%get3A_1249, %get3A_1250] {strides = array<i32>} : memref<16x128xf32, #tpu.memory_space<vmem>>, vector<16xf32>,
      %broadcast_in_dim3A_1252 = arith.constant 9 : i32
      %broadcast_in_dim3A_1253 = vector.broadcast %broadcast_in_dim3A_1252 : i32 to vector<16xi32>
      tpu.vector_store_idx %arg20[%add3A_1193, %broadcast_in_dim3A_1253], %get3A_1251 : memref<128x16xf32, #tpu.memory_space<vmem>>[vector<16xi32>, vector<16xi32>], vector<16xf32>,
      %get3A_1254 = arith.constant 10 : i32
      %get3A_1255 = arith.index_cast %get3A_1254 : i32 to index
      %get3A_1256 = arith.constant 32 : index
      %get3A_1257 = tpu.vector_load %arg22[%get3A_1255, %get3A_1256] {strides = array<i32>} : memref<16x128xf32, #tpu.memory_space<vmem>>, vector<16xf32>,
      %broadcast_in_dim3A_1258 = arith.constant 10 : i32
      %broadcast_in_dim3A_1259 = vector.broadcast %broadcast_in_dim3A_1258 : i32 to vector<16xi32>
      tpu.vector_store_idx %arg20[%add3A_1193, %broadcast_in_dim3A_1259], %get3A_1257 : memref<128x16xf32, #tpu.memory_space<vmem>>[vector<16xi32>, vector<16xi32>], vector<16xf32>,
      %get3A_1260 = arith.constant 11 : i32
      %get3A_1261 = arith.index_cast %get3A_1260 : i32 to index
      %get3A_1262 = arith.constant 32 : index
      %get3A_1263 = tpu.vector_load %arg22[%get3A_1261, %get3A_1262] {strides = array<i32>} : memref<16x128xf32, #tpu.memory_space<vmem>>, vector<16xf32>,
      %broadcast_in_dim3A_1264 = arith.constant 11 : i32
      %broadcast_in_dim3A_1265 = vector.broadcast %broadcast_in_dim3A_1264 : i32 to vector<16xi32>
      tpu.vector_store_idx %arg20[%add3A_1193, %broadcast_in_dim3A_1265], %get3A_1263 : memref<128x16xf32, #tpu.memory_space<vmem>>[vector<16xi32>, vector<16xi32>], vector<16xf32>,
      %get3A_1266 = arith.constant 12 : i32
      %get3A_1267 = arith.index_cast %get3A_1266 : i32 to index
      %get3A_1268 = arith.constant 32 : index
      %get3A_1269 = tpu.vector_load %arg22[%get3A_1267, %get3A_1268] {strides = array<i32>} : memref<16x128xf32, #tpu.memory_space<vmem>>, vector<16xf32>,
      %broadcast_in_dim3A_1270 = arith.constant 12 : i32
      %broadcast_in_dim3A_1271 = vector.broadcast %broadcast_in_dim3A_1270 : i32 to vector<16xi32>
      tpu.vector_store_idx %arg20[%add3A_1193, %broadcast_in_dim3A_1271], %get3A_1269 : memref<128x16xf32, #tpu.memory_space<vmem>>[vector<16xi32>, vector<16xi32>], vector<16xf32>,
      %get3A_1272 = arith.constant 13 : i32
      %get3A_1273 = arith.index_cast %get3A_1272 : i32 to index
      %get3A_1274 = arith.constant 32 : index
      %get3A_1275 = tpu.vector_load %arg22[%get3A_1273, %get3A_1274] {strides = array<i32>} : memref<16x128xf32, #tpu.memory_space<vmem>>, vector<16xf32>,
      %broadcast_in_dim3A_1276 = arith.constant 13 : i32
      %broadcast_in_dim3A_1277 = vector.broadcast %broadcast_in_dim3A_1276 : i32 to vector<16xi32>
      tpu.vector_store_idx %arg20[%add3A_1193, %broadcast_in_dim3A_1277], %get3A_1275 : memref<128x16xf32, #tpu.memory_space<vmem>>[vector<16xi32>, vector<16xi32>], vector<16xf32>,
      %get3A_1278 = arith.constant 14 : i32
      %get3A_1279 = arith.index_cast %get3A_1278 : i32 to index
      %get3A_1280 = arith.constant 32 : index
      %get3A_1281 = tpu.vector_load %arg22[%get3A_1279, %get3A_1280] {strides = array<i32>} : memref<16x128xf32, #tpu.memory_space<vmem>>, vector<16xf32>,
      %broadcast_in_dim3A_1282 = arith.constant 14 : i32
      %broadcast_in_dim3A_1283 = vector.broadcast %broadcast_in_dim3A_1282 : i32 to vector<16xi32>
      tpu.vector_store_idx %arg20[%add3A_1193, %broadcast_in_dim3A_1283], %get3A_1281 : memref<128x16xf32, #tpu.memory_space<vmem>>[vector<16xi32>, vector<16xi32>], vector<16xf32>,
      %get3A_1284 = arith.constant 15 : i32
      %get3A_1285 = arith.index_cast %get3A_1284 : i32 to index
      %get3A_1286 = arith.constant 32 : index
      %get3A_1287 = tpu.vector_load %arg22[%get3A_1285, %get3A_1286] {strides = array<i32>} : memref<16x128xf32, #tpu.memory_space<vmem>>, vector<16xf32>,
      %broadcast_in_dim3A_1288 = arith.constant 15 : i32
      %broadcast_in_dim3A_1289 = vector.broadcast %broadcast_in_dim3A_1288 : i32 to vector<16xi32>
      tpu.vector_store_idx %arg20[%add3A_1193, %broadcast_in_dim3A_1289], %get3A_1287 : memref<128x16xf32, #tpu.memory_space<vmem>>[vector<16xi32>, vector<16xi32>], vector<16xf32>,
      %add3A_1290 = arith.constant 48 : i32
      %add3A_1291 = vector.broadcast %add3A_1290 : i32 to vector<16xi32>
      %add3A_1292 = arith.addi %add3A_1291, %iota3A : vector<16xi32>
      %get3A_1293 = arith.constant 0 : i32
      %get3A_1294 = arith.index_cast %get3A_1293 : i32 to index
      %get3A_1295 = arith.constant 48 : index
      %get3A_1296 = tpu.vector_load %arg22[%get3A_1294, %get3A_1295] {strides = array<i32>} : memref<16x128xf32, #tpu.memory_space<vmem>>, vector<16xf32>,
      %broadcast_in_dim3A_1297 = arith.constant 0 : i32
      %broadcast_in_dim3A_1298 = vector.broadcast %broadcast_in_dim3A_1297 : i32 to vector<16xi32>
      tpu.vector_store_idx %arg20[%add3A_1292, %broadcast_in_dim3A_1298], %get3A_1296 : memref<128x16xf32, #tpu.memory_space<vmem>>[vector<16xi32>, vector<16xi32>], vector<16xf32>,
      %get3A_1299 = arith.constant 1 : i32
      %get3A_1300 = arith.index_cast %get3A_1299 : i32 to index
      %get3A_1301 = arith.constant 48 : index
      %get3A_1302 = tpu.vector_load %arg22[%get3A_1300, %get3A_1301] {strides = array<i32>} : memref<16x128xf32, #tpu.memory_space<vmem>>, vector<16xf32>,
      %broadcast_in_dim3A_1303 = arith.constant 1 : i32
      %broadcast_in_dim3A_1304 = vector.broadcast %broadcast_in_dim3A_1303 : i32 to vector<16xi32>
      tpu.vector_store_idx %arg20[%add3A_1292, %broadcast_in_dim3A_1304], %get3A_1302 : memref<128x16xf32, #tpu.memory_space<vmem>>[vector<16xi32>, vector<16xi32>], vector<16xf32>,
      %get3A_1305 = arith.constant 2 : i32
      %get3A_1306 = arith.index_cast %get3A_1305 : i32 to index
      %get3A_1307 = arith.constant 48 : index
      %get3A_1308 = tpu.vector_load %arg22[%get3A_1306, %get3A_1307] {strides = array<i32>} : memref<16x128xf32, #tpu.memory_space<vmem>>, vector<16xf32>,
      %broadcast_in_dim3A_1309 = arith.constant 2 : i32
      %broadcast_in_dim3A_1310 = vector.broadcast %broadcast_in_dim3A_1309 : i32 to vector<16xi32>
      tpu.vector_store_idx %arg20[%add3A_1292, %broadcast_in_dim3A_1310], %get3A_1308 : memref<128x16xf32, #tpu.memory_space<vmem>>[vector<16xi32>, vector<16xi32>], vector<16xf32>,
      %get3A_1311 = arith.constant 3 : i32
      %get3A_1312 = arith.index_cast %get3A_1311 : i32 to index
      %get3A_1313 = arith.constant 48 : index
      %get3A_1314 = tpu.vector_load %arg22[%get3A_1312, %get3A_1313] {strides = array<i32>} : memref<16x128xf32, #tpu.memory_space<vmem>>, vector<16xf32>,
      %broadcast_in_dim3A_1315 = arith.constant 3 : i32
      %broadcast_in_dim3A_1316 = vector.broadcast %broadcast_in_dim3A_1315 : i32 to vector<16xi32>
      tpu.vector_store_idx %arg20[%add3A_1292, %broadcast_in_dim3A_1316], %get3A_1314 : memref<128x16xf32, #tpu.memory_space<vmem>>[vector<16xi32>, vector<16xi32>], vector<16xf32>,
      %get3A_1317 = arith.constant 4 : i32
      %get3A_1318 = arith.index_cast %get3A_1317 : i32 to index
      %get3A_1319 = arith.constant 48 : index
      %get3A_1320 = tpu.vector_load %arg22[%get3A_1318, %get3A_1319] {strides = array<i32>} : memref<16x128xf32, #tpu.memory_space<vmem>>, vector<16xf32>,
      %broadcast_in_dim3A_1321 = arith.constant 4 : i32
      %broadcast_in_dim3A_1322 = vector.broadcast %broadcast_in_dim3A_1321 : i32 to vector<16xi32>
      tpu.vector_store_idx %arg20[%add3A_1292, %broadcast_in_dim3A_1322], %get3A_1320 : memref<128x16xf32, #tpu.memory_space<vmem>>[vector<16xi32>, vector<16xi32>], vector<16xf32>,
      %get3A_1323 = arith.constant 5 : i32
      %get3A_1324 = arith.index_cast %get3A_1323 : i32 to index
      %get3A_1325 = arith.constant 48 : index
      %get3A_1326 = tpu.vector_load %arg22[%get3A_1324, %get3A_1325] {strides = array<i32>} : memref<16x128xf32, #tpu.memory_space<vmem>>, vector<16xf32>,
      %broadcast_in_dim3A_1327 = arith.constant 5 : i32
      %broadcast_in_dim3A_1328 = vector.broadcast %broadcast_in_dim3A_1327 : i32 to vector<16xi32>
      tpu.vector_store_idx %arg20[%add3A_1292, %broadcast_in_dim3A_1328], %get3A_1326 : memref<128x16xf32, #tpu.memory_space<vmem>>[vector<16xi32>, vector<16xi32>], vector<16xf32>,
      %get3A_1329 = arith.constant 6 : i32
      %get3A_1330 = arith.index_cast %get3A_1329 : i32 to index
      %get3A_1331 = arith.constant 48 : index
      %get3A_1332 = tpu.vector_load %arg22[%get3A_1330, %get3A_1331] {strides = array<i32>} : memref<16x128xf32, #tpu.memory_space<vmem>>, vector<16xf32>,
      %broadcast_in_dim3A_1333 = arith.constant 6 : i32
      %broadcast_in_dim3A_1334 = vector.broadcast %broadcast_in_dim3A_1333 : i32 to vector<16xi32>
      tpu.vector_store_idx %arg20[%add3A_1292, %broadcast_in_dim3A_1334], %get3A_1332 : memref<128x16xf32, #tpu.memory_space<vmem>>[vector<16xi32>, vector<16xi32>], vector<16xf32>,
      %get3A_1335 = arith.constant 7 : i32
      %get3A_1336 = arith.index_cast %get3A_1335 : i32 to index
      %get3A_1337 = arith.constant 48 : index
      %get3A_1338 = tpu.vector_load %arg22[%get3A_1336, %get3A_1337] {strides = array<i32>} : memref<16x128xf32, #tpu.memory_space<vmem>>, vector<16xf32>,
      %broadcast_in_dim3A_1339 = arith.constant 7 : i32
      %broadcast_in_dim3A_1340 = vector.broadcast %broadcast_in_dim3A_1339 : i32 to vector<16xi32>
      tpu.vector_store_idx %arg20[%add3A_1292, %broadcast_in_dim3A_1340], %get3A_1338 : memref<128x16xf32, #tpu.memory_space<vmem>>[vector<16xi32>, vector<16xi32>], vector<16xf32>,
      %get3A_1341 = arith.constant 8 : i32
      %get3A_1342 = arith.index_cast %get3A_1341 : i32 to index
      %get3A_1343 = arith.constant 48 : index
      %get3A_1344 = tpu.vector_load %arg22[%get3A_1342, %get3A_1343] {strides = array<i32>} : memref<16x128xf32, #tpu.memory_space<vmem>>, vector<16xf32>,
      %broadcast_in_dim3A_1345 = arith.constant 8 : i32
      %broadcast_in_dim3A_1346 = vector.broadcast %broadcast_in_dim3A_1345 : i32 to vector<16xi32>
      tpu.vector_store_idx %arg20[%add3A_1292, %broadcast_in_dim3A_1346], %get3A_1344 : memref<128x16xf32, #tpu.memory_space<vmem>>[vector<16xi32>, vector<16xi32>], vector<16xf32>,
      %get3A_1347 = arith.constant 9 : i32
      %get3A_1348 = arith.index_cast %get3A_1347 : i32 to index
      %get3A_1349 = arith.constant 48 : index
      %get3A_1350 = tpu.vector_load %arg22[%get3A_1348, %get3A_1349] {strides = array<i32>} : memref<16x128xf32, #tpu.memory_space<vmem>>, vector<16xf32>,
      %broadcast_in_dim3A_1351 = arith.constant 9 : i32
      %broadcast_in_dim3A_1352 = vector.broadcast %broadcast_in_dim3A_1351 : i32 to vector<16xi32>
      tpu.vector_store_idx %arg20[%add3A_1292, %broadcast_in_dim3A_1352], %get3A_1350 : memref<128x16xf32, #tpu.memory_space<vmem>>[vector<16xi32>, vector<16xi32>], vector<16xf32>,
      %get3A_1353 = arith.constant 10 : i32
      %get3A_1354 = arith.index_cast %get3A_1353 : i32 to index
      %get3A_1355 = arith.constant 48 : index
      %get3A_1356 = tpu.vector_load %arg22[%get3A_1354, %get3A_1355] {strides = array<i32>} : memref<16x128xf32, #tpu.memory_space<vmem>>, vector<16xf32>,
      %broadcast_in_dim3A_1357 = arith.constant 10 : i32
      %broadcast_in_dim3A_1358 = vector.broadcast %broadcast_in_dim3A_1357 : i32 to vector<16xi32>
      tpu.vector_store_idx %arg20[%add3A_1292, %broadcast_in_dim3A_1358], %get3A_1356 : memref<128x16xf32, #tpu.memory_space<vmem>>[vector<16xi32>, vector<16xi32>], vector<16xf32>,
      %get3A_1359 = arith.constant 11 : i32
      %get3A_1360 = arith.index_cast %get3A_1359 : i32 to index
      %get3A_1361 = arith.constant 48 : index
      %get3A_1362 = tpu.vector_load %arg22[%get3A_1360, %get3A_1361] {strides = array<i32>} : memref<16x128xf32, #tpu.memory_space<vmem>>, vector<16xf32>,
      %broadcast_in_dim3A_1363 = arith.constant 11 : i32
      %broadcast_in_dim3A_1364 = vector.broadcast %broadcast_in_dim3A_1363 : i32 to vector<16xi32>
      tpu.vector_store_idx %arg20[%add3A_1292, %broadcast_in_dim3A_1364], %get3A_1362 : memref<128x16xf32, #tpu.memory_space<vmem>>[vector<16xi32>, vector<16xi32>], vector<16xf32>,
      %get3A_1365 = arith.constant 12 : i32
      %get3A_1366 = arith.index_cast %get3A_1365 : i32 to index
      %get3A_1367 = arith.constant 48 : index
      %get3A_1368 = tpu.vector_load %arg22[%get3A_1366, %get3A_1367] {strides = array<i32>} : memref<16x128xf32, #tpu.memory_space<vmem>>, vector<16xf32>,
      %broadcast_in_dim3A_1369 = arith.constant 12 : i32
      %broadcast_in_dim3A_1370 = vector.broadcast %broadcast_in_dim3A_1369 : i32 to vector<16xi32>
      tpu.vector_store_idx %arg20[%add3A_1292, %broadcast_in_dim3A_1370], %get3A_1368 : memref<128x16xf32, #tpu.memory_space<vmem>>[vector<16xi32>, vector<16xi32>], vector<16xf32>,
      %get3A_1371 = arith.constant 13 : i32
      %get3A_1372 = arith.index_cast %get3A_1371 : i32 to index
      %get3A_1373 = arith.constant 48 : index
      %get3A_1374 = tpu.vector_load %arg22[%get3A_1372, %get3A_1373] {strides = array<i32>} : memref<16x128xf32, #tpu.memory_space<vmem>>, vector<16xf32>,
      %broadcast_in_dim3A_1375 = arith.constant 13 : i32
      %broadcast_in_dim3A_1376 = vector.broadcast %broadcast_in_dim3A_1375 : i32 to vector<16xi32>
      tpu.vector_store_idx %arg20[%add3A_1292, %broadcast_in_dim3A_1376], %get3A_1374 : memref<128x16xf32, #tpu.memory_space<vmem>>[vector<16xi32>, vector<16xi32>], vector<16xf32>,
      %get3A_1377 = arith.constant 14 : i32
      %get3A_1378 = arith.index_cast %get3A_1377 : i32 to index
      %get3A_1379 = arith.constant 48 : index
      %get3A_1380 = tpu.vector_load %arg22[%get3A_1378, %get3A_1379] {strides = array<i32>} : memref<16x128xf32, #tpu.memory_space<vmem>>, vector<16xf32>,
      %broadcast_in_dim3A_1381 = arith.constant 14 : i32
      %broadcast_in_dim3A_1382 = vector.broadcast %broadcast_in_dim3A_1381 : i32 to vector<16xi32>
      tpu.vector_store_idx %arg20[%add3A_1292, %broadcast_in_dim3A_1382], %get3A_1380 : memref<128x16xf32, #tpu.memory_space<vmem>>[vector<16xi32>, vector<16xi32>], vector<16xf32>,
      %get3A_1383 = arith.constant 15 : i32
      %get3A_1384 = arith.index_cast %get3A_1383 : i32 to index
      %get3A_1385 = arith.constant 48 : index
      %get3A_1386 = tpu.vector_load %arg22[%get3A_1384, %get3A_1385] {strides = array<i32>} : memref<16x128xf32, #tpu.memory_space<vmem>>, vector<16xf32>,
      %broadcast_in_dim3A_1387 = arith.constant 15 : i32
      %broadcast_in_dim3A_1388 = vector.broadcast %broadcast_in_dim3A_1387 : i32 to vector<16xi32>
      tpu.vector_store_idx %arg20[%add3A_1292, %broadcast_in_dim3A_1388], %get3A_1386 : memref<128x16xf32, #tpu.memory_space<vmem>>[vector<16xi32>, vector<16xi32>], vector<16xf32>,
      %add3A_1389 = arith.constant 64 : i32
      %add3A_1390 = vector.broadcast %add3A_1389 : i32 to vector<16xi32>
      %add3A_1391 = arith.addi %add3A_1390, %iota3A : vector<16xi32>
      %get3A_1392 = arith.constant 0 : i32
      %get3A_1393 = arith.index_cast %get3A_1392 : i32 to index
      %get3A_1394 = arith.constant 64 : index
      %get3A_1395 = tpu.vector_load %arg22[%get3A_1393, %get3A_1394] {strides = array<i32>} : memref<16x128xf32, #tpu.memory_space<vmem>>, vector<16xf32>,
      %broadcast_in_dim3A_1396 = arith.constant 0 : i32
      %broadcast_in_dim3A_1397 = vector.broadcast %broadcast_in_dim3A_1396 : i32 to vector<16xi32>
      tpu.vector_store_idx %arg20[%add3A_1391, %broadcast_in_dim3A_1397], %get3A_1395 : memref<128x16xf32, #tpu.memory_space<vmem>>[vector<16xi32>, vector<16xi32>], vector<16xf32>,
      %get3A_1398 = arith.constant 1 : i32
      %get3A_1399 = arith.index_cast %get3A_1398 : i32 to index
      %get3A_1400 = arith.constant 64 : index
      %get3A_1401 = tpu.vector_load %arg22[%get3A_1399, %get3A_1400] {strides = array<i32>} : memref<16x128xf32, #tpu.memory_space<vmem>>, vector<16xf32>,
      %broadcast_in_dim3A_1402 = arith.constant 1 : i32
      %broadcast_in_dim3A_1403 = vector.broadcast %broadcast_in_dim3A_1402 : i32 to vector<16xi32>
      tpu.vector_store_idx %arg20[%add3A_1391, %broadcast_in_dim3A_1403], %get3A_1401 : memref<128x16xf32, #tpu.memory_space<vmem>>[vector<16xi32>, vector<16xi32>], vector<16xf32>,
      %get3A_1404 = arith.constant 2 : i32
      %get3A_1405 = arith.index_cast %get3A_1404 : i32 to index
      %get3A_1406 = arith.constant 64 : index
      %get3A_1407 = tpu.vector_load %arg22[%get3A_1405, %get3A_1406] {strides = array<i32>} : memref<16x128xf32, #tpu.memory_space<vmem>>, vector<16xf32>,
      %broadcast_in_dim3A_1408 = arith.constant 2 : i32
      %broadcast_in_dim3A_1409 = vector.broadcast %broadcast_in_dim3A_1408 : i32 to vector<16xi32>
      tpu.vector_store_idx %arg20[%add3A_1391, %broadcast_in_dim3A_1409], %get3A_1407 : memref<128x16xf32, #tpu.memory_space<vmem>>[vector<16xi32>, vector<16xi32>], vector<16xf32>,
      %get3A_1410 = arith.constant 3 : i32
      %get3A_1411 = arith.index_cast %get3A_1410 : i32 to index
      %get3A_1412 = arith.constant 64 : index
      %get3A_1413 = tpu.vector_load %arg22[%get3A_1411, %get3A_1412] {strides = array<i32>} : memref<16x128xf32, #tpu.memory_space<vmem>>, vector<16xf32>,
      %broadcast_in_dim3A_1414 = arith.constant 3 : i32
      %broadcast_in_dim3A_1415 = vector.broadcast %broadcast_in_dim3A_1414 : i32 to vector<16xi32>
      tpu.vector_store_idx %arg20[%add3A_1391, %broadcast_in_dim3A_1415], %get3A_1413 : memref<128x16xf32, #tpu.memory_space<vmem>>[vector<16xi32>, vector<16xi32>], vector<16xf32>,
      %get3A_1416 = arith.constant 4 : i32
      %get3A_1417 = arith.index_cast %get3A_1416 : i32 to index
      %get3A_1418 = arith.constant 64 : index
      %get3A_1419 = tpu.vector_load %arg22[%get3A_1417, %get3A_1418] {strides = array<i32>} : memref<16x128xf32, #tpu.memory_space<vmem>>, vector<16xf32>,
      %broadcast_in_dim3A_1420 = arith.constant 4 : i32
      %broadcast_in_dim3A_1421 = vector.broadcast %broadcast_in_dim3A_1420 : i32 to vector<16xi32>
      tpu.vector_store_idx %arg20[%add3A_1391, %broadcast_in_dim3A_1421], %get3A_1419 : memref<128x16xf32, #tpu.memory_space<vmem>>[vector<16xi32>, vector<16xi32>], vector<16xf32>,
      %get3A_1422 = arith.constant 5 : i32
      %get3A_1423 = arith.index_cast %get3A_1422 : i32 to index
      %get3A_1424 = arith.constant 64 : index
      %get3A_1425 = tpu.vector_load %arg22[%get3A_1423, %get3A_1424] {strides = array<i32>} : memref<16x128xf32, #tpu.memory_space<vmem>>, vector<16xf32>,
      %broadcast_in_dim3A_1426 = arith.constant 5 : i32
      %broadcast_in_dim3A_1427 = vector.broadcast %broadcast_in_dim3A_1426 : i32 to vector<16xi32>
      tpu.vector_store_idx %arg20[%add3A_1391, %broadcast_in_dim3A_1427], %get3A_1425 : memref<128x16xf32, #tpu.memory_space<vmem>>[vector<16xi32>, vector<16xi32>], vector<16xf32>,
      %get3A_1428 = arith.constant 6 : i32
      %get3A_1429 = arith.index_cast %get3A_1428 : i32 to index
      %get3A_1430 = arith.constant 64 : index
      %get3A_1431 = tpu.vector_load %arg22[%get3A_1429, %get3A_1430] {strides = array<i32>} : memref<16x128xf32, #tpu.memory_space<vmem>>, vector<16xf32>,
      %broadcast_in_dim3A_1432 = arith.constant 6 : i32
      %broadcast_in_dim3A_1433 = vector.broadcast %broadcast_in_dim3A_1432 : i32 to vector<16xi32>
      tpu.vector_store_idx %arg20[%add3A_1391, %broadcast_in_dim3A_1433], %get3A_1431 : memref<128x16xf32, #tpu.memory_space<vmem>>[vector<16xi32>, vector<16xi32>], vector<16xf32>,
      %get3A_1434 = arith.constant 7 : i32
      %get3A_1435 = arith.index_cast %get3A_1434 : i32 to index
      %get3A_1436 = arith.constant 64 : index
      %get3A_1437 = tpu.vector_load %arg22[%get3A_1435, %get3A_1436] {strides = array<i32>} : memref<16x128xf32, #tpu.memory_space<vmem>>, vector<16xf32>,
      %broadcast_in_dim3A_1438 = arith.constant 7 : i32
      %broadcast_in_dim3A_1439 = vector.broadcast %broadcast_in_dim3A_1438 : i32 to vector<16xi32>
      tpu.vector_store_idx %arg20[%add3A_1391, %broadcast_in_dim3A_1439], %get3A_1437 : memref<128x16xf32, #tpu.memory_space<vmem>>[vector<16xi32>, vector<16xi32>], vector<16xf32>,
      %get3A_1440 = arith.constant 8 : i32
      %get3A_1441 = arith.index_cast %get3A_1440 : i32 to index
      %get3A_1442 = arith.constant 64 : index
      %get3A_1443 = tpu.vector_load %arg22[%get3A_1441, %get3A_1442] {strides = array<i32>} : memref<16x128xf32, #tpu.memory_space<vmem>>, vector<16xf32>,
      %broadcast_in_dim3A_1444 = arith.constant 8 : i32
      %broadcast_in_dim3A_1445 = vector.broadcast %broadcast_in_dim3A_1444 : i32 to vector<16xi32>
      tpu.vector_store_idx %arg20[%add3A_1391, %broadcast_in_dim3A_1445], %get3A_1443 : memref<128x16xf32, #tpu.memory_space<vmem>>[vector<16xi32>, vector<16xi32>], vector<16xf32>,
      %get3A_1446 = arith.constant 9 : i32
      %get3A_1447 = arith.index_cast %get3A_1446 : i32 to index
      %get3A_1448 = arith.constant 64 : index
      %get3A_1449 = tpu.vector_load %arg22[%get3A_1447, %get3A_1448] {strides = array<i32>} : memref<16x128xf32, #tpu.memory_space<vmem>>, vector<16xf32>,
      %broadcast_in_dim3A_1450 = arith.constant 9 : i32
      %broadcast_in_dim3A_1451 = vector.broadcast %broadcast_in_dim3A_1450 : i32 to vector<16xi32>
      tpu.vector_store_idx %arg20[%add3A_1391, %broadcast_in_dim3A_1451], %get3A_1449 : memref<128x16xf32, #tpu.memory_space<vmem>>[vector<16xi32>, vector<16xi32>], vector<16xf32>,
      %get3A_1452 = arith.constant 10 : i32
      %get3A_1453 = arith.index_cast %get3A_1452 : i32 to index
      %get3A_1454 = arith.constant 64 : index
      %get3A_1455 = tpu.vector_load %arg22[%get3A_1453, %get3A_1454] {strides = array<i32>} : memref<16x128xf32, #tpu.memory_space<vmem>>, vector<16xf32>,
      %broadcast_in_dim3A_1456 = arith.constant 10 : i32
      %broadcast_in_dim3A_1457 = vector.broadcast %broadcast_in_dim3A_1456 : i32 to vector<16xi32>
      tpu.vector_store_idx %arg20[%add3A_1391, %broadcast_in_dim3A_1457], %get3A_1455 : memref<128x16xf32, #tpu.memory_space<vmem>>[vector<16xi32>, vector<16xi32>], vector<16xf32>,
      %get3A_1458 = arith.constant 11 : i32
      %get3A_1459 = arith.index_cast %get3A_1458 : i32 to index
      %get3A_1460 = arith.constant 64 : index
      %get3A_1461 = tpu.vector_load %arg22[%get3A_1459, %get3A_1460] {strides = array<i32>} : memref<16x128xf32, #tpu.memory_space<vmem>>, vector<16xf32>,
      %broadcast_in_dim3A_1462 = arith.constant 11 : i32
      %broadcast_in_dim3A_1463 = vector.broadcast %broadcast_in_dim3A_1462 : i32 to vector<16xi32>
      tpu.vector_store_idx %arg20[%add3A_1391, %broadcast_in_dim3A_1463], %get3A_1461 : memref<128x16xf32, #tpu.memory_space<vmem>>[vector<16xi32>, vector<16xi32>], vector<16xf32>,
      %get3A_1464 = arith.constant 12 : i32
      %get3A_1465 = arith.index_cast %get3A_1464 : i32 to index
      %get3A_1466 = arith.constant 64 : index
      %get3A_1467 = tpu.vector_load %arg22[%get3A_1465, %get3A_1466] {strides = array<i32>} : memref<16x128xf32, #tpu.memory_space<vmem>>, vector<16xf32>,
      %broadcast_in_dim3A_1468 = arith.constant 12 : i32
      %broadcast_in_dim3A_1469 = vector.broadcast %broadcast_in_dim3A_1468 : i32 to vector<16xi32>
      tpu.vector_store_idx %arg20[%add3A_1391, %broadcast_in_dim3A_1469], %get3A_1467 : memref<128x16xf32, #tpu.memory_space<vmem>>[vector<16xi32>, vector<16xi32>], vector<16xf32>,
      %get3A_1470 = arith.constant 13 : i32
      %get3A_1471 = arith.index_cast %get3A_1470 : i32 to index
      %get3A_1472 = arith.constant 64 : index
      %get3A_1473 = tpu.vector_load %arg22[%get3A_1471, %get3A_1472] {strides = array<i32>} : memref<16x128xf32, #tpu.memory_space<vmem>>, vector<16xf32>,
      %broadcast_in_dim3A_1474 = arith.constant 13 : i32
      %broadcast_in_dim3A_1475 = vector.broadcast %broadcast_in_dim3A_1474 : i32 to vector<16xi32>
      tpu.vector_store_idx %arg20[%add3A_1391, %broadcast_in_dim3A_1475], %get3A_1473 : memref<128x16xf32, #tpu.memory_space<vmem>>[vector<16xi32>, vector<16xi32>], vector<16xf32>,
      %get3A_1476 = arith.constant 14 : i32
      %get3A_1477 = arith.index_cast %get3A_1476 : i32 to index
      %get3A_1478 = arith.constant 64 : index
      %get3A_1479 = tpu.vector_load %arg22[%get3A_1477, %get3A_1478] {strides = array<i32>} : memref<16x128xf32, #tpu.memory_space<vmem>>, vector<16xf32>,
      %broadcast_in_dim3A_1480 = arith.constant 14 : i32
      %broadcast_in_dim3A_1481 = vector.broadcast %broadcast_in_dim3A_1480 : i32 to vector<16xi32>
      tpu.vector_store_idx %arg20[%add3A_1391, %broadcast_in_dim3A_1481], %get3A_1479 : memref<128x16xf32, #tpu.memory_space<vmem>>[vector<16xi32>, vector<16xi32>], vector<16xf32>,
      %get3A_1482 = arith.constant 15 : i32
      %get3A_1483 = arith.index_cast %get3A_1482 : i32 to index
      %get3A_1484 = arith.constant 64 : index
      %get3A_1485 = tpu.vector_load %arg22[%get3A_1483, %get3A_1484] {strides = array<i32>} : memref<16x128xf32, #tpu.memory_space<vmem>>, vector<16xf32>,
      %broadcast_in_dim3A_1486 = arith.constant 15 : i32
      %broadcast_in_dim3A_1487 = vector.broadcast %broadcast_in_dim3A_1486 : i32 to vector<16xi32>
      tpu.vector_store_idx %arg20[%add3A_1391, %broadcast_in_dim3A_1487], %get3A_1485 : memref<128x16xf32, #tpu.memory_space<vmem>>[vector<16xi32>, vector<16xi32>], vector<16xf32>,
      %add3A_1488 = arith.constant 80 : i32
      %add3A_1489 = vector.broadcast %add3A_1488 : i32 to vector<16xi32>
      %add3A_1490 = arith.addi %add3A_1489, %iota3A : vector<16xi32>
      %get3A_1491 = arith.constant 0 : i32
      %get3A_1492 = arith.index_cast %get3A_1491 : i32 to index
      %get3A_1493 = arith.constant 80 : index
      %get3A_1494 = tpu.vector_load %arg22[%get3A_1492, %get3A_1493] {strides = array<i32>} : memref<16x128xf32, #tpu.memory_space<vmem>>, vector<16xf32>,
      %broadcast_in_dim3A_1495 = arith.constant 0 : i32
      %broadcast_in_dim3A_1496 = vector.broadcast %broadcast_in_dim3A_1495 : i32 to vector<16xi32>
      tpu.vector_store_idx %arg20[%add3A_1490, %broadcast_in_dim3A_1496], %get3A_1494 : memref<128x16xf32, #tpu.memory_space<vmem>>[vector<16xi32>, vector<16xi32>], vector<16xf32>,
      %get3A_1497 = arith.constant 1 : i32
      %get3A_1498 = arith.index_cast %get3A_1497 : i32 to index
      %get3A_1499 = arith.constant 80 : index
      %get3A_1500 = tpu.vector_load %arg22[%get3A_1498, %get3A_1499] {strides = array<i32>} : memref<16x128xf32, #tpu.memory_space<vmem>>, vector<16xf32>,
      %broadcast_in_dim3A_1501 = arith.constant 1 : i32
      %broadcast_in_dim3A_1502 = vector.broadcast %broadcast_in_dim3A_1501 : i32 to vector<16xi32>
      tpu.vector_store_idx %arg20[%add3A_1490, %broadcast_in_dim3A_1502], %get3A_1500 : memref<128x16xf32, #tpu.memory_space<vmem>>[vector<16xi32>, vector<16xi32>], vector<16xf32>,
      %get3A_1503 = arith.constant 2 : i32
      %get3A_1504 = arith.index_cast %get3A_1503 : i32 to index
      %get3A_1505 = arith.constant 80 : index
      %get3A_1506 = tpu.vector_load %arg22[%get3A_1504, %get3A_1505] {strides = array<i32>} : memref<16x128xf32, #tpu.memory_space<vmem>>, vector<16xf32>,
      %broadcast_in_dim3A_1507 = arith.constant 2 : i32
      %broadcast_in_dim3A_1508 = vector.broadcast %broadcast_in_dim3A_1507 : i32 to vector<16xi32>
      tpu.vector_store_idx %arg20[%add3A_1490, %broadcast_in_dim3A_1508], %get3A_1506 : memref<128x16xf32, #tpu.memory_space<vmem>>[vector<16xi32>, vector<16xi32>], vector<16xf32>,
      %get3A_1509 = arith.constant 3 : i32
      %get3A_1510 = arith.index_cast %get3A_1509 : i32 to index
      %get3A_1511 = arith.constant 80 : index
      %get3A_1512 = tpu.vector_load %arg22[%get3A_1510, %get3A_1511] {strides = array<i32>} : memref<16x128xf32, #tpu.memory_space<vmem>>, vector<16xf32>,
      %broadcast_in_dim3A_1513 = arith.constant 3 : i32
      %broadcast_in_dim3A_1514 = vector.broadcast %broadcast_in_dim3A_1513 : i32 to vector<16xi32>
      tpu.vector_store_idx %arg20[%add3A_1490, %broadcast_in_dim3A_1514], %get3A_1512 : memref<128x16xf32, #tpu.memory_space<vmem>>[vector<16xi32>, vector<16xi32>], vector<16xf32>,
      %get3A_1515 = arith.constant 4 : i32
      %get3A_1516 = arith.index_cast %get3A_1515 : i32 to index
      %get3A_1517 = arith.constant 80 : index
      %get3A_1518 = tpu.vector_load %arg22[%get3A_1516, %get3A_1517] {strides = array<i32>} : memref<16x128xf32, #tpu.memory_space<vmem>>, vector<16xf32>,
      %broadcast_in_dim3A_1519 = arith.constant 4 : i32
      %broadcast_in_dim3A_1520 = vector.broadcast %broadcast_in_dim3A_1519 : i32 to vector<16xi32>
      tpu.vector_store_idx %arg20[%add3A_1490, %broadcast_in_dim3A_1520], %get3A_1518 : memref<128x16xf32, #tpu.memory_space<vmem>>[vector<16xi32>, vector<16xi32>], vector<16xf32>,
      %get3A_1521 = arith.constant 5 : i32
      %get3A_1522 = arith.index_cast %get3A_1521 : i32 to index
      %get3A_1523 = arith.constant 80 : index
      %get3A_1524 = tpu.vector_load %arg22[%get3A_1522, %get3A_1523] {strides = array<i32>} : memref<16x128xf32, #tpu.memory_space<vmem>>, vector<16xf32>,
      %broadcast_in_dim3A_1525 = arith.constant 5 : i32
      %broadcast_in_dim3A_1526 = vector.broadcast %broadcast_in_dim3A_1525 : i32 to vector<16xi32>
      tpu.vector_store_idx %arg20[%add3A_1490, %broadcast_in_dim3A_1526], %get3A_1524 : memref<128x16xf32, #tpu.memory_space<vmem>>[vector<16xi32>, vector<16xi32>], vector<16xf32>,
      %get3A_1527 = arith.constant 6 : i32
      %get3A_1528 = arith.index_cast %get3A_1527 : i32 to index
      %get3A_1529 = arith.constant 80 : index
      %get3A_1530 = tpu.vector_load %arg22[%get3A_1528, %get3A_1529] {strides = array<i32>} : memref<16x128xf32, #tpu.memory_space<vmem>>, vector<16xf32>,
      %broadcast_in_dim3A_1531 = arith.constant 6 : i32
      %broadcast_in_dim3A_1532 = vector.broadcast %broadcast_in_dim3A_1531 : i32 to vector<16xi32>
      tpu.vector_store_idx %arg20[%add3A_1490, %broadcast_in_dim3A_1532], %get3A_1530 : memref<128x16xf32, #tpu.memory_space<vmem>>[vector<16xi32>, vector<16xi32>], vector<16xf32>,
      %get3A_1533 = arith.constant 7 : i32
      %get3A_1534 = arith.index_cast %get3A_1533 : i32 to index
      %get3A_1535 = arith.constant 80 : index
      %get3A_1536 = tpu.vector_load %arg22[%get3A_1534, %get3A_1535] {strides = array<i32>} : memref<16x128xf32, #tpu.memory_space<vmem>>, vector<16xf32>,
      %broadcast_in_dim3A_1537 = arith.constant 7 : i32
      %broadcast_in_dim3A_1538 = vector.broadcast %broadcast_in_dim3A_1537 : i32 to vector<16xi32>
      tpu.vector_store_idx %arg20[%add3A_1490, %broadcast_in_dim3A_1538], %get3A_1536 : memref<128x16xf32, #tpu.memory_space<vmem>>[vector<16xi32>, vector<16xi32>], vector<16xf32>,
      %get3A_1539 = arith.constant 8 : i32
      %get3A_1540 = arith.index_cast %get3A_1539 : i32 to index
      %get3A_1541 = arith.constant 80 : index
      %get3A_1542 = tpu.vector_load %arg22[%get3A_1540, %get3A_1541] {strides = array<i32>} : memref<16x128xf32, #tpu.memory_space<vmem>>, vector<16xf32>,
      %broadcast_in_dim3A_1543 = arith.constant 8 : i32
      %broadcast_in_dim3A_1544 = vector.broadcast %broadcast_in_dim3A_1543 : i32 to vector<16xi32>
      tpu.vector_store_idx %arg20[%add3A_1490, %broadcast_in_dim3A_1544], %get3A_1542 : memref<128x16xf32, #tpu.memory_space<vmem>>[vector<16xi32>, vector<16xi32>], vector<16xf32>,
      %get3A_1545 = arith.constant 9 : i32
      %get3A_1546 = arith.index_cast %get3A_1545 : i32 to index
      %get3A_1547 = arith.constant 80 : index
      %get3A_1548 = tpu.vector_load %arg22[%get3A_1546, %get3A_1547] {strides = array<i32>} : memref<16x128xf32, #tpu.memory_space<vmem>>, vector<16xf32>,
      %broadcast_in_dim3A_1549 = arith.constant 9 : i32
      %broadcast_in_dim3A_1550 = vector.broadcast %broadcast_in_dim3A_1549 : i32 to vector<16xi32>
      tpu.vector_store_idx %arg20[%add3A_1490, %broadcast_in_dim3A_1550], %get3A_1548 : memref<128x16xf32, #tpu.memory_space<vmem>>[vector<16xi32>, vector<16xi32>], vector<16xf32>,
      %get3A_1551 = arith.constant 10 : i32
      %get3A_1552 = arith.index_cast %get3A_1551 : i32 to index
      %get3A_1553 = arith.constant 80 : index
      %get3A_1554 = tpu.vector_load %arg22[%get3A_1552, %get3A_1553] {strides = array<i32>} : memref<16x128xf32, #tpu.memory_space<vmem>>, vector<16xf32>,
      %broadcast_in_dim3A_1555 = arith.constant 10 : i32
      %broadcast_in_dim3A_1556 = vector.broadcast %broadcast_in_dim3A_1555 : i32 to vector<16xi32>
      tpu.vector_store_idx %arg20[%add3A_1490, %broadcast_in_dim3A_1556], %get3A_1554 : memref<128x16xf32, #tpu.memory_space<vmem>>[vector<16xi32>, vector<16xi32>], vector<16xf32>,
      %get3A_1557 = arith.constant 11 : i32
      %get3A_1558 = arith.index_cast %get3A_1557 : i32 to index
      %get3A_1559 = arith.constant 80 : index
      %get3A_1560 = tpu.vector_load %arg22[%get3A_1558, %get3A_1559] {strides = array<i32>} : memref<16x128xf32, #tpu.memory_space<vmem>>, vector<16xf32>,
      %broadcast_in_dim3A_1561 = arith.constant 11 : i32
      %broadcast_in_dim3A_1562 = vector.broadcast %broadcast_in_dim3A_1561 : i32 to vector<16xi32>
      tpu.vector_store_idx %arg20[%add3A_1490, %broadcast_in_dim3A_1562], %get3A_1560 : memref<128x16xf32, #tpu.memory_space<vmem>>[vector<16xi32>, vector<16xi32>], vector<16xf32>,
      %get3A_1563 = arith.constant 12 : i32
      %get3A_1564 = arith.index_cast %get3A_1563 : i32 to index
      %get3A_1565 = arith.constant 80 : index
      %get3A_1566 = tpu.vector_load %arg22[%get3A_1564, %get3A_1565] {strides = array<i32>} : memref<16x128xf32, #tpu.memory_space<vmem>>, vector<16xf32>,
      %broadcast_in_dim3A_1567 = arith.constant 12 : i32
      %broadcast_in_dim3A_1568 = vector.broadcast %broadcast_in_dim3A_1567 : i32 to vector<16xi32>
      tpu.vector_store_idx %arg20[%add3A_1490, %broadcast_in_dim3A_1568], %get3A_1566 : memref<128x16xf32, #tpu.memory_space<vmem>>[vector<16xi32>, vector<16xi32>], vector<16xf32>,
      %get3A_1569 = arith.constant 13 : i32
      %get3A_1570 = arith.index_cast %get3A_1569 : i32 to index
      %get3A_1571 = arith.constant 80 : index
      %get3A_1572 = tpu.vector_load %arg22[%get3A_1570, %get3A_1571] {strides = array<i32>} : memref<16x128xf32, #tpu.memory_space<vmem>>, vector<16xf32>,
      %broadcast_in_dim3A_1573 = arith.constant 13 : i32
      %broadcast_in_dim3A_1574 = vector.broadcast %broadcast_in_dim3A_1573 : i32 to vector<16xi32>
      tpu.vector_store_idx %arg20[%add3A_1490, %broadcast_in_dim3A_1574], %get3A_1572 : memref<128x16xf32, #tpu.memory_space<vmem>>[vector<16xi32>, vector<16xi32>], vector<16xf32>,
      %get3A_1575 = arith.constant 14 : i32
      %get3A_1576 = arith.index_cast %get3A_1575 : i32 to index
      %get3A_1577 = arith.constant 80 : index
      %get3A_1578 = tpu.vector_load %arg22[%get3A_1576, %get3A_1577] {strides = array<i32>} : memref<16x128xf32, #tpu.memory_space<vmem>>, vector<16xf32>,
      %broadcast_in_dim3A_1579 = arith.constant 14 : i32
      %broadcast_in_dim3A_1580 = vector.broadcast %broadcast_in_dim3A_1579 : i32 to vector<16xi32>
      tpu.vector_store_idx %arg20[%add3A_1490, %broadcast_in_dim3A_1580], %get3A_1578 : memref<128x16xf32, #tpu.memory_space<vmem>>[vector<16xi32>, vector<16xi32>], vector<16xf32>,
      %get3A_1581 = arith.constant 15 : i32
      %get3A_1582 = arith.index_cast %get3A_1581 : i32 to index
      %get3A_1583 = arith.constant 80 : index
      %get3A_1584 = tpu.vector_load %arg22[%get3A_1582, %get3A_1583] {strides = array<i32>} : memref<16x128xf32, #tpu.memory_space<vmem>>, vector<16xf32>,
      %broadcast_in_dim3A_1585 = arith.constant 15 : i32
      %broadcast_in_dim3A_1586 = vector.broadcast %broadcast_in_dim3A_1585 : i32 to vector<16xi32>
      tpu.vector_store_idx %arg20[%add3A_1490, %broadcast_in_dim3A_1586], %get3A_1584 : memref<128x16xf32, #tpu.memory_space<vmem>>[vector<16xi32>, vector<16xi32>], vector<16xf32>,
      %add3A_1587 = arith.constant 96 : i32
      %add3A_1588 = vector.broadcast %add3A_1587 : i32 to vector<16xi32>
      %add3A_1589 = arith.addi %add3A_1588, %iota3A : vector<16xi32>
      %get3A_1590 = arith.constant 0 : i32
      %get3A_1591 = arith.index_cast %get3A_1590 : i32 to index
      %get3A_1592 = arith.constant 96 : index
      %get3A_1593 = tpu.vector_load %arg22[%get3A_1591, %get3A_1592] {strides = array<i32>} : memref<16x128xf32, #tpu.memory_space<vmem>>, vector<16xf32>,
      %broadcast_in_dim3A_1594 = arith.constant 0 : i32
      %broadcast_in_dim3A_1595 = vector.broadcast %broadcast_in_dim3A_1594 : i32 to vector<16xi32>
      tpu.vector_store_idx %arg20[%add3A_1589, %broadcast_in_dim3A_1595], %get3A_1593 : memref<128x16xf32, #tpu.memory_space<vmem>>[vector<16xi32>, vector<16xi32>], vector<16xf32>,
      %get3A_1596 = arith.constant 1 : i32
      %get3A_1597 = arith.index_cast %get3A_1596 : i32 to index
      %get3A_1598 = arith.constant 96 : index
      %get3A_1599 = tpu.vector_load %arg22[%get3A_1597, %get3A_1598] {strides = array<i32>} : memref<16x128xf32, #tpu.memory_space<vmem>>, vector<16xf32>,
      %broadcast_in_dim3A_1600 = arith.constant 1 : i32
      %broadcast_in_dim3A_1601 = vector.broadcast %broadcast_in_dim3A_1600 : i32 to vector<16xi32>
      tpu.vector_store_idx %arg20[%add3A_1589, %broadcast_in_dim3A_1601], %get3A_1599 : memref<128x16xf32, #tpu.memory_space<vmem>>[vector<16xi32>, vector<16xi32>], vector<16xf32>,
      %get3A_1602 = arith.constant 2 : i32
      %get3A_1603 = arith.index_cast %get3A_1602 : i32 to index
      %get3A_1604 = arith.constant 96 : index
      %get3A_1605 = tpu.vector_load %arg22[%get3A_1603, %get3A_1604] {strides = array<i32>} : memref<16x128xf32, #tpu.memory_space<vmem>>, vector<16xf32>,
      %broadcast_in_dim3A_1606 = arith.constant 2 : i32
      %broadcast_in_dim3A_1607 = vector.broadcast %broadcast_in_dim3A_1606 : i32 to vector<16xi32>
      tpu.vector_store_idx %arg20[%add3A_1589, %broadcast_in_dim3A_1607], %get3A_1605 : memref<128x16xf32, #tpu.memory_space<vmem>>[vector<16xi32>, vector<16xi32>], vector<16xf32>,
      %get3A_1608 = arith.constant 3 : i32
      %get3A_1609 = arith.index_cast %get3A_1608 : i32 to index
      %get3A_1610 = arith.constant 96 : index
      %get3A_1611 = tpu.vector_load %arg22[%get3A_1609, %get3A_1610] {strides = array<i32>} : memref<16x128xf32, #tpu.memory_space<vmem>>, vector<16xf32>,
      %broadcast_in_dim3A_1612 = arith.constant 3 : i32
      %broadcast_in_dim3A_1613 = vector.broadcast %broadcast_in_dim3A_1612 : i32 to vector<16xi32>
      tpu.vector_store_idx %arg20[%add3A_1589, %broadcast_in_dim3A_1613], %get3A_1611 : memref<128x16xf32, #tpu.memory_space<vmem>>[vector<16xi32>, vector<16xi32>], vector<16xf32>,
      %get3A_1614 = arith.constant 4 : i32
      %get3A_1615 = arith.index_cast %get3A_1614 : i32 to index
      %get3A_1616 = arith.constant 96 : index
      %get3A_1617 = tpu.vector_load %arg22[%get3A_1615, %get3A_1616] {strides = array<i32>} : memref<16x128xf32, #tpu.memory_space<vmem>>, vector<16xf32>,
      %broadcast_in_dim3A_1618 = arith.constant 4 : i32
      %broadcast_in_dim3A_1619 = vector.broadcast %broadcast_in_dim3A_1618 : i32 to vector<16xi32>
      tpu.vector_store_idx %arg20[%add3A_1589, %broadcast_in_dim3A_1619], %get3A_1617 : memref<128x16xf32, #tpu.memory_space<vmem>>[vector<16xi32>, vector<16xi32>], vector<16xf32>,
      %get3A_1620 = arith.constant 5 : i32
      %get3A_1621 = arith.index_cast %get3A_1620 : i32 to index
      %get3A_1622 = arith.constant 96 : index
      %get3A_1623 = tpu.vector_load %arg22[%get3A_1621, %get3A_1622] {strides = array<i32>} : memref<16x128xf32, #tpu.memory_space<vmem>>, vector<16xf32>,
      %broadcast_in_dim3A_1624 = arith.constant 5 : i32
      %broadcast_in_dim3A_1625 = vector.broadcast %broadcast_in_dim3A_1624 : i32 to vector<16xi32>
      tpu.vector_store_idx %arg20[%add3A_1589, %broadcast_in_dim3A_1625], %get3A_1623 : memref<128x16xf32, #tpu.memory_space<vmem>>[vector<16xi32>, vector<16xi32>], vector<16xf32>,
      %get3A_1626 = arith.constant 6 : i32
      %get3A_1627 = arith.index_cast %get3A_1626 : i32 to index
      %get3A_1628 = arith.constant 96 : index
      %get3A_1629 = tpu.vector_load %arg22[%get3A_1627, %get3A_1628] {strides = array<i32>} : memref<16x128xf32, #tpu.memory_space<vmem>>, vector<16xf32>,
      %broadcast_in_dim3A_1630 = arith.constant 6 : i32
      %broadcast_in_dim3A_1631 = vector.broadcast %broadcast_in_dim3A_1630 : i32 to vector<16xi32>
      tpu.vector_store_idx %arg20[%add3A_1589, %broadcast_in_dim3A_1631], %get3A_1629 : memref<128x16xf32, #tpu.memory_space<vmem>>[vector<16xi32>, vector<16xi32>], vector<16xf32>,
      %get3A_1632 = arith.constant 7 : i32
      %get3A_1633 = arith.index_cast %get3A_1632 : i32 to index
      %get3A_1634 = arith.constant 96 : index
      %get3A_1635 = tpu.vector_load %arg22[%get3A_1633, %get3A_1634] {strides = array<i32>} : memref<16x128xf32, #tpu.memory_space<vmem>>, vector<16xf32>,
      %broadcast_in_dim3A_1636 = arith.constant 7 : i32
      %broadcast_in_dim3A_1637 = vector.broadcast %broadcast_in_dim3A_1636 : i32 to vector<16xi32>
      tpu.vector_store_idx %arg20[%add3A_1589, %broadcast_in_dim3A_1637], %get3A_1635 : memref<128x16xf32, #tpu.memory_space<vmem>>[vector<16xi32>, vector<16xi32>], vector<16xf32>,
      %get3A_1638 = arith.constant 8 : i32
      %get3A_1639 = arith.index_cast %get3A_1638 : i32 to index
      %get3A_1640 = arith.constant 96 : index
      %get3A_1641 = tpu.vector_load %arg22[%get3A_1639, %get3A_1640] {strides = array<i32>} : memref<16x128xf32, #tpu.memory_space<vmem>>, vector<16xf32>,
      %broadcast_in_dim3A_1642 = arith.constant 8 : i32
      %broadcast_in_dim3A_1643 = vector.broadcast %broadcast_in_dim3A_1642 : i32 to vector<16xi32>
      tpu.vector_store_idx %arg20[%add3A_1589, %broadcast_in_dim3A_1643], %get3A_1641 : memref<128x16xf32, #tpu.memory_space<vmem>>[vector<16xi32>, vector<16xi32>], vector<16xf32>,
      %get3A_1644 = arith.constant 9 : i32
      %get3A_1645 = arith.index_cast %get3A_1644 : i32 to index
      %get3A_1646 = arith.constant 96 : index
      %get3A_1647 = tpu.vector_load %arg22[%get3A_1645, %get3A_1646] {strides = array<i32>} : memref<16x128xf32, #tpu.memory_space<vmem>>, vector<16xf32>,
      %broadcast_in_dim3A_1648 = arith.constant 9 : i32
      %broadcast_in_dim3A_1649 = vector.broadcast %broadcast_in_dim3A_1648 : i32 to vector<16xi32>
      tpu.vector_store_idx %arg20[%add3A_1589, %broadcast_in_dim3A_1649], %get3A_1647 : memref<128x16xf32, #tpu.memory_space<vmem>>[vector<16xi32>, vector<16xi32>], vector<16xf32>,
      %get3A_1650 = arith.constant 10 : i32
      %get3A_1651 = arith.index_cast %get3A_1650 : i32 to index
      %get3A_1652 = arith.constant 96 : index
      %get3A_1653 = tpu.vector_load %arg22[%get3A_1651, %get3A_1652] {strides = array<i32>} : memref<16x128xf32, #tpu.memory_space<vmem>>, vector<16xf32>,
      %broadcast_in_dim3A_1654 = arith.constant 10 : i32
      %broadcast_in_dim3A_1655 = vector.broadcast %broadcast_in_dim3A_1654 : i32 to vector<16xi32>
      tpu.vector_store_idx %arg20[%add3A_1589, %broadcast_in_dim3A_1655], %get3A_1653 : memref<128x16xf32, #tpu.memory_space<vmem>>[vector<16xi32>, vector<16xi32>], vector<16xf32>,
      %get3A_1656 = arith.constant 11 : i32
      %get3A_1657 = arith.index_cast %get3A_1656 : i32 to index
      %get3A_1658 = arith.constant 96 : index
      %get3A_1659 = tpu.vector_load %arg22[%get3A_1657, %get3A_1658] {strides = array<i32>} : memref<16x128xf32, #tpu.memory_space<vmem>>, vector<16xf32>,
      %broadcast_in_dim3A_1660 = arith.constant 11 : i32
      %broadcast_in_dim3A_1661 = vector.broadcast %broadcast_in_dim3A_1660 : i32 to vector<16xi32>
      tpu.vector_store_idx %arg20[%add3A_1589, %broadcast_in_dim3A_1661], %get3A_1659 : memref<128x16xf32, #tpu.memory_space<vmem>>[vector<16xi32>, vector<16xi32>], vector<16xf32>,
      %get3A_1662 = arith.constant 12 : i32
      %get3A_1663 = arith.index_cast %get3A_1662 : i32 to index
      %get3A_1664 = arith.constant 96 : index
      %get3A_1665 = tpu.vector_load %arg22[%get3A_1663, %get3A_1664] {strides = array<i32>} : memref<16x128xf32, #tpu.memory_space<vmem>>, vector<16xf32>,
      %broadcast_in_dim3A_1666 = arith.constant 12 : i32
      %broadcast_in_dim3A_1667 = vector.broadcast %broadcast_in_dim3A_1666 : i32 to vector<16xi32>
      tpu.vector_store_idx %arg20[%add3A_1589, %broadcast_in_dim3A_1667], %get3A_1665 : memref<128x16xf32, #tpu.memory_space<vmem>>[vector<16xi32>, vector<16xi32>], vector<16xf32>,
      %get3A_1668 = arith.constant 13 : i32
      %get3A_1669 = arith.index_cast %get3A_1668 : i32 to index
      %get3A_1670 = arith.constant 96 : index
      %get3A_1671 = tpu.vector_load %arg22[%get3A_1669, %get3A_1670] {strides = array<i32>} : memref<16x128xf32, #tpu.memory_space<vmem>>, vector<16xf32>,
      %broadcast_in_dim3A_1672 = arith.constant 13 : i32
      %broadcast_in_dim3A_1673 = vector.broadcast %broadcast_in_dim3A_1672 : i32 to vector<16xi32>
      tpu.vector_store_idx %arg20[%add3A_1589, %broadcast_in_dim3A_1673], %get3A_1671 : memref<128x16xf32, #tpu.memory_space<vmem>>[vector<16xi32>, vector<16xi32>], vector<16xf32>,
      %get3A_1674 = arith.constant 14 : i32
      %get3A_1675 = arith.index_cast %get3A_1674 : i32 to index
      %get3A_1676 = arith.constant 96 : index
      %get3A_1677 = tpu.vector_load %arg22[%get3A_1675, %get3A_1676] {strides = array<i32>} : memref<16x128xf32, #tpu.memory_space<vmem>>, vector<16xf32>,
      %broadcast_in_dim3A_1678 = arith.constant 14 : i32
      %broadcast_in_dim3A_1679 = vector.broadcast %broadcast_in_dim3A_1678 : i32 to vector<16xi32>
      tpu.vector_store_idx %arg20[%add3A_1589, %broadcast_in_dim3A_1679], %get3A_1677 : memref<128x16xf32, #tpu.memory_space<vmem>>[vector<16xi32>, vector<16xi32>], vector<16xf32>,
      %get3A_1680 = arith.constant 15 : i32
      %get3A_1681 = arith.index_cast %get3A_1680 : i32 to index
      %get3A_1682 = arith.constant 96 : index
      %get3A_1683 = tpu.vector_load %arg22[%get3A_1681, %get3A_1682] {strides = array<i32>} : memref<16x128xf32, #tpu.memory_space<vmem>>, vector<16xf32>,
      %broadcast_in_dim3A_1684 = arith.constant 15 : i32
      %broadcast_in_dim3A_1685 = vector.broadcast %broadcast_in_dim3A_1684 : i32 to vector<16xi32>
      tpu.vector_store_idx %arg20[%add3A_1589, %broadcast_in_dim3A_1685], %get3A_1683 : memref<128x16xf32, #tpu.memory_space<vmem>>[vector<16xi32>, vector<16xi32>], vector<16xf32>,
      %add3A_1686 = arith.constant 112 : i32
      %add3A_1687 = vector.broadcast %add3A_1686 : i32 to vector<16xi32>
      %add3A_1688 = arith.addi %add3A_1687, %iota3A : vector<16xi32>
      %get3A_1689 = arith.constant 0 : i32
      %get3A_1690 = arith.index_cast %get3A_1689 : i32 to index
      %get3A_1691 = arith.constant 112 : index
      %get3A_1692 = tpu.vector_load %arg22[%get3A_1690, %get3A_1691] {strides = array<i32>} : memref<16x128xf32, #tpu.memory_space<vmem>>, vector<16xf32>,
      %broadcast_in_dim3A_1693 = arith.constant 0 : i32
      %broadcast_in_dim3A_1694 = vector.broadcast %broadcast_in_dim3A_1693 : i32 to vector<16xi32>
      tpu.vector_store_idx %arg20[%add3A_1688, %broadcast_in_dim3A_1694], %get3A_1692 : memref<128x16xf32, #tpu.memory_space<vmem>>[vector<16xi32>, vector<16xi32>], vector<16xf32>,
      %get3A_1695 = arith.constant 1 : i32
      %get3A_1696 = arith.index_cast %get3A_1695 : i32 to index
      %get3A_1697 = arith.constant 112 : index
      %get3A_1698 = tpu.vector_load %arg22[%get3A_1696, %get3A_1697] {strides = array<i32>} : memref<16x128xf32, #tpu.memory_space<vmem>>, vector<16xf32>,
      %broadcast_in_dim3A_1699 = arith.constant 1 : i32
      %broadcast_in_dim3A_1700 = vector.broadcast %broadcast_in_dim3A_1699 : i32 to vector<16xi32>
      tpu.vector_store_idx %arg20[%add3A_1688, %broadcast_in_dim3A_1700], %get3A_1698 : memref<128x16xf32, #tpu.memory_space<vmem>>[vector<16xi32>, vector<16xi32>], vector<16xf32>,
      %get3A_1701 = arith.constant 2 : i32
      %get3A_1702 = arith.index_cast %get3A_1701 : i32 to index
      %get3A_1703 = arith.constant 112 : index
      %get3A_1704 = tpu.vector_load %arg22[%get3A_1702, %get3A_1703] {strides = array<i32>} : memref<16x128xf32, #tpu.memory_space<vmem>>, vector<16xf32>,
      %broadcast_in_dim3A_1705 = arith.constant 2 : i32
      %broadcast_in_dim3A_1706 = vector.broadcast %broadcast_in_dim3A_1705 : i32 to vector<16xi32>
      tpu.vector_store_idx %arg20[%add3A_1688, %broadcast_in_dim3A_1706], %get3A_1704 : memref<128x16xf32, #tpu.memory_space<vmem>>[vector<16xi32>, vector<16xi32>], vector<16xf32>,
      %get3A_1707 = arith.constant 3 : i32
      %get3A_1708 = arith.index_cast %get3A_1707 : i32 to index
      %get3A_1709 = arith.constant 112 : index
      %get3A_1710 = tpu.vector_load %arg22[%get3A_1708, %get3A_1709] {strides = array<i32>} : memref<16x128xf32, #tpu.memory_space<vmem>>, vector<16xf32>,
      %broadcast_in_dim3A_1711 = arith.constant 3 : i32
      %broadcast_in_dim3A_1712 = vector.broadcast %broadcast_in_dim3A_1711 : i32 to vector<16xi32>
      tpu.vector_store_idx %arg20[%add3A_1688, %broadcast_in_dim3A_1712], %get3A_1710 : memref<128x16xf32, #tpu.memory_space<vmem>>[vector<16xi32>, vector<16xi32>], vector<16xf32>,
      %get3A_1713 = arith.constant 4 : i32
      %get3A_1714 = arith.index_cast %get3A_1713 : i32 to index
      %get3A_1715 = arith.constant 112 : index
      %get3A_1716 = tpu.vector_load %arg22[%get3A_1714, %get3A_1715] {strides = array<i32>} : memref<16x128xf32, #tpu.memory_space<vmem>>, vector<16xf32>,
      %broadcast_in_dim3A_1717 = arith.constant 4 : i32
      %broadcast_in_dim3A_1718 = vector.broadcast %broadcast_in_dim3A_1717 : i32 to vector<16xi32>
      tpu.vector_store_idx %arg20[%add3A_1688, %broadcast_in_dim3A_1718], %get3A_1716 : memref<128x16xf32, #tpu.memory_space<vmem>>[vector<16xi32>, vector<16xi32>], vector<16xf32>,
      %get3A_1719 = arith.constant 5 : i32
      %get3A_1720 = arith.index_cast %get3A_1719 : i32 to index
      %get3A_1721 = arith.constant 112 : index
      %get3A_1722 = tpu.vector_load %arg22[%get3A_1720, %get3A_1721] {strides = array<i32>} : memref<16x128xf32, #tpu.memory_space<vmem>>, vector<16xf32>,
      %broadcast_in_dim3A_1723 = arith.constant 5 : i32
      %broadcast_in_dim3A_1724 = vector.broadcast %broadcast_in_dim3A_1723 : i32 to vector<16xi32>
      tpu.vector_store_idx %arg20[%add3A_1688, %broadcast_in_dim3A_1724], %get3A_1722 : memref<128x16xf32, #tpu.memory_space<vmem>>[vector<16xi32>, vector<16xi32>], vector<16xf32>,
      %get3A_1725 = arith.constant 6 : i32
      %get3A_1726 = arith.index_cast %get3A_1725 : i32 to index
      %get3A_1727 = arith.constant 112 : index
      %get3A_1728 = tpu.vector_load %arg22[%get3A_1726, %get3A_1727] {strides = array<i32>} : memref<16x128xf32, #tpu.memory_space<vmem>>, vector<16xf32>,
      %broadcast_in_dim3A_1729 = arith.constant 6 : i32
      %broadcast_in_dim3A_1730 = vector.broadcast %broadcast_in_dim3A_1729 : i32 to vector<16xi32>
      tpu.vector_store_idx %arg20[%add3A_1688, %broadcast_in_dim3A_1730], %get3A_1728 : memref<128x16xf32, #tpu.memory_space<vmem>>[vector<16xi32>, vector<16xi32>], vector<16xf32>,
      %get3A_1731 = arith.constant 7 : i32
      %get3A_1732 = arith.index_cast %get3A_1731 : i32 to index
      %get3A_1733 = arith.constant 112 : index
      %get3A_1734 = tpu.vector_load %arg22[%get3A_1732, %get3A_1733] {strides = array<i32>} : memref<16x128xf32, #tpu.memory_space<vmem>>, vector<16xf32>,
      %broadcast_in_dim3A_1735 = arith.constant 7 : i32
      %broadcast_in_dim3A_1736 = vector.broadcast %broadcast_in_dim3A_1735 : i32 to vector<16xi32>
      tpu.vector_store_idx %arg20[%add3A_1688, %broadcast_in_dim3A_1736], %get3A_1734 : memref<128x16xf32, #tpu.memory_space<vmem>>[vector<16xi32>, vector<16xi32>], vector<16xf32>,
      %get3A_1737 = arith.constant 8 : i32
      %get3A_1738 = arith.index_cast %get3A_1737 : i32 to index
      %get3A_1739 = arith.constant 112 : index
      %get3A_1740 = tpu.vector_load %arg22[%get3A_1738, %get3A_1739] {strides = array<i32>} : memref<16x128xf32, #tpu.memory_space<vmem>>, vector<16xf32>,
      %broadcast_in_dim3A_1741 = arith.constant 8 : i32
      %broadcast_in_dim3A_1742 = vector.broadcast %broadcast_in_dim3A_1741 : i32 to vector<16xi32>
      tpu.vector_store_idx %arg20[%add3A_1688, %broadcast_in_dim3A_1742], %get3A_1740 : memref<128x16xf32, #tpu.memory_space<vmem>>[vector<16xi32>, vector<16xi32>], vector<16xf32>,
      %get3A_1743 = arith.constant 9 : i32
      %get3A_1744 = arith.index_cast %get3A_1743 : i32 to index
      %get3A_1745 = arith.constant 112 : index
      %get3A_1746 = tpu.vector_load %arg22[%get3A_1744, %get3A_1745] {strides = array<i32>} : memref<16x128xf32, #tpu.memory_space<vmem>>, vector<16xf32>,
      %broadcast_in_dim3A_1747 = arith.constant 9 : i32
      %broadcast_in_dim3A_1748 = vector.broadcast %broadcast_in_dim3A_1747 : i32 to vector<16xi32>
      tpu.vector_store_idx %arg20[%add3A_1688, %broadcast_in_dim3A_1748], %get3A_1746 : memref<128x16xf32, #tpu.memory_space<vmem>>[vector<16xi32>, vector<16xi32>], vector<16xf32>,
      %get3A_1749 = arith.constant 10 : i32
      %get3A_1750 = arith.index_cast %get3A_1749 : i32 to index
      %get3A_1751 = arith.constant 112 : index
      %get3A_1752 = tpu.vector_load %arg22[%get3A_1750, %get3A_1751] {strides = array<i32>} : memref<16x128xf32, #tpu.memory_space<vmem>>, vector<16xf32>,
      %broadcast_in_dim3A_1753 = arith.constant 10 : i32
      %broadcast_in_dim3A_1754 = vector.broadcast %broadcast_in_dim3A_1753 : i32 to vector<16xi32>
      tpu.vector_store_idx %arg20[%add3A_1688, %broadcast_in_dim3A_1754], %get3A_1752 : memref<128x16xf32, #tpu.memory_space<vmem>>[vector<16xi32>, vector<16xi32>], vector<16xf32>,
      %get3A_1755 = arith.constant 11 : i32
      %get3A_1756 = arith.index_cast %get3A_1755 : i32 to index
      %get3A_1757 = arith.constant 112 : index
      %get3A_1758 = tpu.vector_load %arg22[%get3A_1756, %get3A_1757] {strides = array<i32>} : memref<16x128xf32, #tpu.memory_space<vmem>>, vector<16xf32>,
      %broadcast_in_dim3A_1759 = arith.constant 11 : i32
      %broadcast_in_dim3A_1760 = vector.broadcast %broadcast_in_dim3A_1759 : i32 to vector<16xi32>
      tpu.vector_store_idx %arg20[%add3A_1688, %broadcast_in_dim3A_1760], %get3A_1758 : memref<128x16xf32, #tpu.memory_space<vmem>>[vector<16xi32>, vector<16xi32>], vector<16xf32>,
      %get3A_1761 = arith.constant 12 : i32
      %get3A_1762 = arith.index_cast %get3A_1761 : i32 to index
      %get3A_1763 = arith.constant 112 : index
      %get3A_1764 = tpu.vector_load %arg22[%get3A_1762, %get3A_1763] {strides = array<i32>} : memref<16x128xf32, #tpu.memory_space<vmem>>, vector<16xf32>,
      %broadcast_in_dim3A_1765 = arith.constant 12 : i32
      %broadcast_in_dim3A_1766 = vector.broadcast %broadcast_in_dim3A_1765 : i32 to vector<16xi32>
      tpu.vector_store_idx %arg20[%add3A_1688, %broadcast_in_dim3A_1766], %get3A_1764 : memref<128x16xf32, #tpu.memory_space<vmem>>[vector<16xi32>, vector<16xi32>], vector<16xf32>,
      %get3A_1767 = arith.constant 13 : i32
      %get3A_1768 = arith.index_cast %get3A_1767 : i32 to index
      %get3A_1769 = arith.constant 112 : index
      %get3A_1770 = tpu.vector_load %arg22[%get3A_1768, %get3A_1769] {strides = array<i32>} : memref<16x128xf32, #tpu.memory_space<vmem>>, vector<16xf32>,
      %broadcast_in_dim3A_1771 = arith.constant 13 : i32
      %broadcast_in_dim3A_1772 = vector.broadcast %broadcast_in_dim3A_1771 : i32 to vector<16xi32>
      tpu.vector_store_idx %arg20[%add3A_1688, %broadcast_in_dim3A_1772], %get3A_1770 : memref<128x16xf32, #tpu.memory_space<vmem>>[vector<16xi32>, vector<16xi32>], vector<16xf32>,
      %get3A_1773 = arith.constant 14 : i32
      %get3A_1774 = arith.index_cast %get3A_1773 : i32 to index
      %get3A_1775 = arith.constant 112 : index
      %get3A_1776 = tpu.vector_load %arg22[%get3A_1774, %get3A_1775] {strides = array<i32>} : memref<16x128xf32, #tpu.memory_space<vmem>>, vector<16xf32>,
      %broadcast_in_dim3A_1777 = arith.constant 14 : i32
      %broadcast_in_dim3A_1778 = vector.broadcast %broadcast_in_dim3A_1777 : i32 to vector<16xi32>
      tpu.vector_store_idx %arg20[%add3A_1688, %broadcast_in_dim3A_1778], %get3A_1776 : memref<128x16xf32, #tpu.memory_space<vmem>>[vector<16xi32>, vector<16xi32>], vector<16xf32>,
      %get3A_1779 = arith.constant 15 : i32
      %get3A_1780 = arith.index_cast %get3A_1779 : i32 to index
      %get3A_1781 = arith.constant 112 : index
      %get3A_1782 = tpu.vector_load %arg22[%get3A_1780, %get3A_1781] {strides = array<i32>} : memref<16x128xf32, #tpu.memory_space<vmem>>, vector<16xf32>,
      %broadcast_in_dim3A_1783 = arith.constant 15 : i32
      %broadcast_in_dim3A_1784 = vector.broadcast %broadcast_in_dim3A_1783 : i32 to vector<16xi32>
      tpu.vector_store_idx %arg20[%add3A_1688, %broadcast_in_dim3A_1784], %get3A_1782 : memref<128x16xf32, #tpu.memory_space<vmem>>[vector<16xi32>, vector<16xi32>], vector<16xf32>,
      %gt3A_1785 = arith.constant 0 : i32
      %gt3A_1786 = arith.cmpi sgt, %add3A_977, %gt3A_1785 : i32
      %convert_element_type3A_1787 = arith.extui %gt3A_1786 : i1 to i32
      %cond3A_1788 = arith.constant 0 : i32
      %cond3A_1789 = arith.cmpi ne, %convert_element_type3A_1787, %cond3A_1788 : i32
      scf.if %cond3A_1789 {
        %dma_wait3A_1809 = arith.constant 0 : i32
        %dma_wait3A_1810 = arith.constant 0 : i32
        %dma_wait3A_1811 = tpu.memref_slice %arg35[%dma_wait3A_1809, %dma_wait3A_1810] : memref<10240x64xf32, #tpu.memory_space<vmem_shared>> -> memref<10240x64xf32, #tpu.memory_space<vmem_shared>>
        tpu.wait_indirect_dma semaphore(%arg33 : memref<!tpu.dma_semaphore, #tpu.memory_space<semaphore_mem>>) src(%arg17 : memref<128x64xf32, #tpu.memory_space<vmem>>) dst(%dma_wait3A_1811 : memref<10240x64xf32, #tpu.memory_space<vmem_shared>>)
        %dma_wait3A_1812 = arith.constant 0 : i32
        %dma_wait3A_1813 = arith.constant 0 : i32
        %dma_wait3A_1814 = tpu.memref_slice %arg36[%dma_wait3A_1812, %dma_wait3A_1813] : memref<10240x16xf32, #tpu.memory_space<vmem_shared>> -> memref<10240x16xf32, #tpu.memory_space<vmem_shared>>
        tpu.wait_indirect_dma semaphore(%arg33 : memref<!tpu.dma_semaphore, #tpu.memory_space<semaphore_mem>>) src(%arg19 : memref<128x16xf32, #tpu.memory_space<vmem>>) dst(%dma_wait3A_1814 : memref<10240x16xf32, #tpu.memory_space<vmem_shared>>)
        %dma_wait3A_1815 = arith.constant 0 : i32
        %dma_wait3A_1816 = arith.constant 0 : i32
        %dma_wait3A_1817 = tpu.memref_slice %arg37[%dma_wait3A_1815, %dma_wait3A_1816] : memref<10240x8xf32, #tpu.memory_space<vmem_shared>> -> memref<10240x8xf32, #tpu.memory_space<vmem_shared>>
        tpu.wait_indirect_dma semaphore(%arg33 : memref<!tpu.dma_semaphore, #tpu.memory_space<semaphore_mem>>) src(%arg23 : memref<128x8xf32, #tpu.memory_space<vmem>>) dst(%dma_wait3A_1817 : memref<10240x8xf32, #tpu.memory_space<vmem_shared>>)
      } else {
      }
      %add3A_1790 = arith.constant 1 : i32
      %add3A_1791 = arith.addi %add3A_977, %add3A_1790 : i32
      %lt3A_1792 = arith.constant 78 : i32
      %lt3A_1793 = arith.cmpi slt, %add3A_1791, %lt3A_1792 : i32
      %convert_element_type3A_1794 = arith.extui %lt3A_1793 : i1 to i32
      %cond3A_1795 = arith.constant 0 : i32
      %cond3A_1796 = arith.cmpi ne, %convert_element_type3A_1794, %cond3A_1795 : i32
      scf.if %cond3A_1796 {
        %add3A_1809 = arith.constant 1 : i32
        %add3A_1810 = arith.addi %add3A_977, %add3A_1809 : i32
        %mul3A_1811 = arith.constant 128 : i32
        %mul3A_1812 = arith.muli %add3A_1810, %mul3A_1811 : i32
        %add3A_1813 = arith.addi %mul3A_2, %mul3A_1812 : i32
        %multiple_of3A_1814 = tpu.assume_multiple %add3A_1813, 8 : i32
        %dma_start3A_1815 = tpu.memref_slice %arg3[%multiple_of3A_1814] : memref<320000xi32, #tpu.memory_space<hbm>> -> memref<128xi32, #tpu.memory_space<hbm>>
        %dma_start3A_1816 = tpu.memref_slice %arg3[%multiple_of3A_1814] : memref<320000xi32, #tpu.memory_space<hbm>> -> memref<128xi32, #tpu.memory_space<hbm>>
        tpu.enqueue_dma source(%dma_start3A_1816 : memref<128xi32, #tpu.memory_space<hbm>>) target(%arg13 : memref<128xi32, #tpu.memory_space<vmem>>) target_semaphore(%arg29 : memref<!tpu.dma_semaphore, #tpu.memory_space<semaphore_mem>>)
        %dma_start3A_1817 = tpu.memref_slice %arg4[%multiple_of3A_1814] : memref<320000xi32, #tpu.memory_space<hbm>> -> memref<128xi32, #tpu.memory_space<hbm>>
        %dma_start3A_1818 = tpu.memref_slice %arg4[%multiple_of3A_1814] : memref<320000xi32, #tpu.memory_space<hbm>> -> memref<128xi32, #tpu.memory_space<hbm>>
        tpu.enqueue_dma source(%dma_start3A_1818 : memref<128xi32, #tpu.memory_space<hbm>>) target(%arg15 : memref<128xi32, #tpu.memory_space<vmem>>) target_semaphore(%arg29 : memref<!tpu.dma_semaphore, #tpu.memory_space<semaphore_mem>>)
        %dma_start3A_1819 = arith.constant 0 : i32
        %dma_start3A_1820 = tpu.memref_slice %arg5[%dma_start3A_1819, %multiple_of3A_1814] : memref<16x320000xf32, #tpu.memory_space<hbm>> -> memref<16x128xf32, #tpu.memory_space<hbm>>
        %dma_start3A_1821 = arith.constant 0 : i32
        %dma_start3A_1822 = tpu.memref_slice %arg5[%dma_start3A_1821, %multiple_of3A_1814] : memref<16x320000xf32, #tpu.memory_space<hbm>> -> memref<16x128xf32, #tpu.memory_space<hbm>>
        tpu.enqueue_dma source(%dma_start3A_1822 : memref<16x128xf32, #tpu.memory_space<hbm>>) target(%arg21 : memref<16x128xf32, #tpu.memory_space<vmem>>) target_semaphore(%arg29 : memref<!tpu.dma_semaphore, #tpu.memory_space<semaphore_mem>>)
      } else {
      }
      %dma_wait3A_1797 = arith.constant 0 : i32
      %dma_wait3A_1798 = arith.constant 0 : i32
      %dma_wait3A_1799 = tpu.memref_slice %arg2[%dma_wait3A_1797, %dma_wait3A_1798] : memref<10000x64xf32, #tpu.memory_space<hbm>> -> memref<10000x64xf32, #tpu.memory_space<hbm>>
      tpu.wait_indirect_dma semaphore(%arg32 : memref<!tpu.dma_semaphore, #tpu.memory_space<semaphore_mem>>) src(%dma_wait3A_1799 : memref<10000x64xf32, #tpu.memory_space<hbm>>) dst(%arg18 : memref<128x64xf32, #tpu.memory_space<vmem>>)
      %dma_start3A_1800 = arith.constant 0 : i32
      %dma_start3A_1801 = arith.constant 0 : i32
      %dma_start3A_1802 = tpu.memref_slice %arg35[%dma_start3A_1800, %dma_start3A_1801] : memref<10240x64xf32, #tpu.memory_space<vmem_shared>> -> memref<10240x64xf32, #tpu.memory_space<vmem_shared>>
      tpu.enqueue_indirect_dma source(%arg18 : memref<128x64xf32, #tpu.memory_space<vmem>>) target(%dma_start3A_1802 : memref<10240x64xf32, #tpu.memory_space<vmem_shared>>) offsets(%arg16 : memref<128xi32, #tpu.memory_space<vmem>>) semaphore(%arg34 : memref<!tpu.dma_semaphore, #tpu.memory_space<semaphore_mem>>) {add = true}
      %dma_start3A_1803 = arith.constant 0 : i32
      %dma_start3A_1804 = arith.constant 0 : i32
      %dma_start3A_1805 = tpu.memref_slice %arg36[%dma_start3A_1803, %dma_start3A_1804] : memref<10240x16xf32, #tpu.memory_space<vmem_shared>> -> memref<10240x16xf32, #tpu.memory_space<vmem_shared>>
      tpu.enqueue_indirect_dma source(%arg20 : memref<128x16xf32, #tpu.memory_space<vmem>>) target(%dma_start3A_1805 : memref<10240x16xf32, #tpu.memory_space<vmem_shared>>) offsets(%arg16 : memref<128xi32, #tpu.memory_space<vmem>>) semaphore(%arg34 : memref<!tpu.dma_semaphore, #tpu.memory_space<semaphore_mem>>) {add = true}
      %dma_start3A_1806 = arith.constant 0 : i32
      %dma_start3A_1807 = arith.constant 0 : i32
      %dma_start3A_1808 = tpu.memref_slice %arg37[%dma_start3A_1806, %dma_start3A_1807] : memref<10240x8xf32, #tpu.memory_space<vmem_shared>> -> memref<10240x8xf32, #tpu.memory_space<vmem_shared>>
      tpu.enqueue_indirect_dma source(%arg23 : memref<128x8xf32, #tpu.memory_space<vmem>>) target(%dma_start3A_1808 : memref<10240x8xf32, #tpu.memory_space<vmem_shared>>) offsets(%arg16 : memref<128xi32, #tpu.memory_space<vmem>>) semaphore(%arg34 : memref<!tpu.dma_semaphore, #tpu.memory_space<semaphore_mem>>) {add = true}
    }
    %scan3A_21 = arith.constant 39 : i32
    %add3A_22 = arith.constant 9984 : i32
    %add3A_23 = arith.addi %mul3A_2, %add3A_22 : i32
    "tpu.region"() ({
      %run_scoped3A = tpu.sem_alloc : memref<!tpu.dma_semaphore, #tpu.memory_space<semaphore_mem>>
      %dma_start3A_142 = tpu.memref_slice %arg3[%add3A_23] : memref<320000xi32, #tpu.memory_space<hbm>> -> memref<16xi32, #tpu.memory_space<hbm>>
      %dma_start3A_143 = tpu.memref_slice %arg3[%add3A_23] : memref<320000xi32, #tpu.memory_space<hbm>> -> memref<16xi32, #tpu.memory_space<hbm>>
      tpu.enqueue_dma source(%dma_start3A_143 : memref<16xi32, #tpu.memory_space<hbm>>) target(%arg24 : memref<16xi32, #tpu.memory_space<vmem>>) target_semaphore(%run_scoped3A : memref<!tpu.dma_semaphore, #tpu.memory_space<semaphore_mem>>)
      %dma_wait3A_144 = tpu.memref_slice %arg3[%add3A_23] : memref<320000xi32, #tpu.memory_space<hbm>> -> memref<16xi32, #tpu.memory_space<hbm>>
      %dma_wait3A_145 = tpu.memref_slice %arg3[%add3A_23] : memref<320000xi32, #tpu.memory_space<hbm>> -> memref<16xi32, #tpu.memory_space<hbm>>
      tpu.wait_dma2 semaphore(%run_scoped3A : memref<!tpu.dma_semaphore, #tpu.memory_space<semaphore_mem>>) src(%dma_wait3A_145 : memref<16xi32, #tpu.memory_space<hbm>>) dst(%arg24 : memref<16xi32, #tpu.memory_space<vmem>>)
      tpu.yield
    }) : () -> ()
    "tpu.region"() ({
      %run_scoped3A = tpu.sem_alloc : memref<!tpu.dma_semaphore, #tpu.memory_space<semaphore_mem>>
      %dma_start3A_142 = tpu.memref_slice %arg4[%add3A_23] : memref<320000xi32, #tpu.memory_space<hbm>> -> memref<16xi32, #tpu.memory_space<hbm>>
      %dma_start3A_143 = tpu.memref_slice %arg4[%add3A_23] : memref<320000xi32, #tpu.memory_space<hbm>> -> memref<16xi32, #tpu.memory_space<hbm>>
      tpu.enqueue_dma source(%dma_start3A_143 : memref<16xi32, #tpu.memory_space<hbm>>) target(%arg25 : memref<16xi32, #tpu.memory_space<vmem>>) target_semaphore(%run_scoped3A : memref<!tpu.dma_semaphore, #tpu.memory_space<semaphore_mem>>)
      %dma_wait3A_144 = tpu.memref_slice %arg4[%add3A_23] : memref<320000xi32, #tpu.memory_space<hbm>> -> memref<16xi32, #tpu.memory_space<hbm>>
      %dma_wait3A_145 = tpu.memref_slice %arg4[%add3A_23] : memref<320000xi32, #tpu.memory_space<hbm>> -> memref<16xi32, #tpu.memory_space<hbm>>
      tpu.wait_dma2 semaphore(%run_scoped3A : memref<!tpu.dma_semaphore, #tpu.memory_space<semaphore_mem>>) src(%dma_wait3A_145 : memref<16xi32, #tpu.memory_space<hbm>>) dst(%arg25 : memref<16xi32, #tpu.memory_space<vmem>>)
      tpu.yield
    }) : () -> ()
    "tpu.region"() ({
      %run_scoped3A = tpu.sem_alloc : memref<!tpu.dma_semaphore, #tpu.memory_space<semaphore_mem>>
      %dma_start3A_142 = arith.constant 0 : i32
      %dma_start3A_143 = tpu.memref_slice %arg5[%dma_start3A_142, %add3A_23] : memref<16x320000xf32, #tpu.memory_space<hbm>> -> memref<16x16xf32, #tpu.memory_space<hbm>>
      %dma_start3A_144 = arith.constant 0 : i32
      %dma_start3A_145 = tpu.memref_slice %arg5[%dma_start3A_144, %add3A_23] : memref<16x320000xf32, #tpu.memory_space<hbm>> -> memref<16x16xf32, #tpu.memory_space<hbm>>
      tpu.enqueue_dma source(%dma_start3A_145 : memref<16x16xf32, #tpu.memory_space<hbm>>) target(%arg28 : memref<16x16xf32, #tpu.memory_space<vmem>>) target_semaphore(%run_scoped3A : memref<!tpu.dma_semaphore, #tpu.memory_space<semaphore_mem>>)
      %dma_wait3A_146 = arith.constant 0 : i32
      %dma_wait3A_147 = tpu.memref_slice %arg5[%dma_wait3A_146, %add3A_23] : memref<16x320000xf32, #tpu.memory_space<hbm>> -> memref<16x16xf32, #tpu.memory_space<hbm>>
      %dma_wait3A_148 = arith.constant 0 : i32
      %dma_wait3A_149 = tpu.memref_slice %arg5[%dma_wait3A_148, %add3A_23] : memref<16x320000xf32, #tpu.memory_space<hbm>> -> memref<16x16xf32, #tpu.memory_space<hbm>>
      tpu.wait_dma2 semaphore(%run_scoped3A : memref<!tpu.dma_semaphore, #tpu.memory_space<semaphore_mem>>) src(%dma_wait3A_149 : memref<16x16xf32, #tpu.memory_space<hbm>>) dst(%arg28 : memref<16x16xf32, #tpu.memory_space<vmem>>)
      tpu.yield
    }) : () -> ()
    %add3A_24 = arith.constant 0 : i32
    %add3A_25 = vector.broadcast %add3A_24 : i32 to vector<16xi32>
    %add3A_26 = arith.addi %add3A_25, %iota3A : vector<16xi32>
    %get3A = arith.constant 0 : i32
    %get3A_27 = arith.index_cast %get3A : i32 to index
    %get3A_28 = arith.constant 0 : index
    %get3A_29 = tpu.vector_load %arg28[%get3A_27, %get3A_28] {strides = array<i32>} : memref<16x16xf32, #tpu.memory_space<vmem>>, vector<16xf32>,
    %broadcast_in_dim3A = arith.constant 0 : i32
    %broadcast_in_dim3A_30 = vector.broadcast %broadcast_in_dim3A : i32 to vector<16xi32>
    tpu.vector_store_idx %arg27[%add3A_26, %broadcast_in_dim3A_30], %get3A_29 : memref<16x16xf32, #tpu.memory_space<vmem>>[vector<16xi32>, vector<16xi32>], vector<16xf32>,
    %get3A_31 = arith.constant 1 : i32
    %get3A_32 = arith.index_cast %get3A_31 : i32 to index
    %get3A_33 = arith.constant 0 : index
    %get3A_34 = tpu.vector_load %arg28[%get3A_32, %get3A_33] {strides = array<i32>} : memref<16x16xf32, #tpu.memory_space<vmem>>, vector<16xf32>,
    %broadcast_in_dim3A_35 = arith.constant 1 : i32
    %broadcast_in_dim3A_36 = vector.broadcast %broadcast_in_dim3A_35 : i32 to vector<16xi32>
    tpu.vector_store_idx %arg27[%add3A_26, %broadcast_in_dim3A_36], %get3A_34 : memref<16x16xf32, #tpu.memory_space<vmem>>[vector<16xi32>, vector<16xi32>], vector<16xf32>,
    %get3A_37 = arith.constant 2 : i32
    %get3A_38 = arith.index_cast %get3A_37 : i32 to index
    %get3A_39 = arith.constant 0 : index
    %get3A_40 = tpu.vector_load %arg28[%get3A_38, %get3A_39] {strides = array<i32>} : memref<16x16xf32, #tpu.memory_space<vmem>>, vector<16xf32>,
    %broadcast_in_dim3A_41 = arith.constant 2 : i32
    %broadcast_in_dim3A_42 = vector.broadcast %broadcast_in_dim3A_41 : i32 to vector<16xi32>
    tpu.vector_store_idx %arg27[%add3A_26, %broadcast_in_dim3A_42], %get3A_40 : memref<16x16xf32, #tpu.memory_space<vmem>>[vector<16xi32>, vector<16xi32>], vector<16xf32>,
    %get3A_43 = arith.constant 3 : i32
    %get3A_44 = arith.index_cast %get3A_43 : i32 to index
    %get3A_45 = arith.constant 0 : index
    %get3A_46 = tpu.vector_load %arg28[%get3A_44, %get3A_45] {strides = array<i32>} : memref<16x16xf32, #tpu.memory_space<vmem>>, vector<16xf32>,
    %broadcast_in_dim3A_47 = arith.constant 3 : i32
    %broadcast_in_dim3A_48 = vector.broadcast %broadcast_in_dim3A_47 : i32 to vector<16xi32>
    tpu.vector_store_idx %arg27[%add3A_26, %broadcast_in_dim3A_48], %get3A_46 : memref<16x16xf32, #tpu.memory_space<vmem>>[vector<16xi32>, vector<16xi32>], vector<16xf32>,
    %get3A_49 = arith.constant 4 : i32
    %get3A_50 = arith.index_cast %get3A_49 : i32 to index
    %get3A_51 = arith.constant 0 : index
    %get3A_52 = tpu.vector_load %arg28[%get3A_50, %get3A_51] {strides = array<i32>} : memref<16x16xf32, #tpu.memory_space<vmem>>, vector<16xf32>,
    %broadcast_in_dim3A_53 = arith.constant 4 : i32
    %broadcast_in_dim3A_54 = vector.broadcast %broadcast_in_dim3A_53 : i32 to vector<16xi32>
    tpu.vector_store_idx %arg27[%add3A_26, %broadcast_in_dim3A_54], %get3A_52 : memref<16x16xf32, #tpu.memory_space<vmem>>[vector<16xi32>, vector<16xi32>], vector<16xf32>,
    %get3A_55 = arith.constant 5 : i32
    %get3A_56 = arith.index_cast %get3A_55 : i32 to index
    %get3A_57 = arith.constant 0 : index
    %get3A_58 = tpu.vector_load %arg28[%get3A_56, %get3A_57] {strides = array<i32>} : memref<16x16xf32, #tpu.memory_space<vmem>>, vector<16xf32>,
    %broadcast_in_dim3A_59 = arith.constant 5 : i32
    %broadcast_in_dim3A_60 = vector.broadcast %broadcast_in_dim3A_59 : i32 to vector<16xi32>
    tpu.vector_store_idx %arg27[%add3A_26, %broadcast_in_dim3A_60], %get3A_58 : memref<16x16xf32, #tpu.memory_space<vmem>>[vector<16xi32>, vector<16xi32>], vector<16xf32>,
    %get3A_61 = arith.constant 6 : i32
    %get3A_62 = arith.index_cast %get3A_61 : i32 to index
    %get3A_63 = arith.constant 0 : index
    %get3A_64 = tpu.vector_load %arg28[%get3A_62, %get3A_63] {strides = array<i32>} : memref<16x16xf32, #tpu.memory_space<vmem>>, vector<16xf32>,
    %broadcast_in_dim3A_65 = arith.constant 6 : i32
    %broadcast_in_dim3A_66 = vector.broadcast %broadcast_in_dim3A_65 : i32 to vector<16xi32>
    tpu.vector_store_idx %arg27[%add3A_26, %broadcast_in_dim3A_66], %get3A_64 : memref<16x16xf32, #tpu.memory_space<vmem>>[vector<16xi32>, vector<16xi32>], vector<16xf32>,
    %get3A_67 = arith.constant 7 : i32
    %get3A_68 = arith.index_cast %get3A_67 : i32 to index
    %get3A_69 = arith.constant 0 : index
    %get3A_70 = tpu.vector_load %arg28[%get3A_68, %get3A_69] {strides = array<i32>} : memref<16x16xf32, #tpu.memory_space<vmem>>, vector<16xf32>,
    %broadcast_in_dim3A_71 = arith.constant 7 : i32
    %broadcast_in_dim3A_72 = vector.broadcast %broadcast_in_dim3A_71 : i32 to vector<16xi32>
    tpu.vector_store_idx %arg27[%add3A_26, %broadcast_in_dim3A_72], %get3A_70 : memref<16x16xf32, #tpu.memory_space<vmem>>[vector<16xi32>, vector<16xi32>], vector<16xf32>,
    %get3A_73 = arith.constant 8 : i32
    %get3A_74 = arith.index_cast %get3A_73 : i32 to index
    %get3A_75 = arith.constant 0 : index
    %get3A_76 = tpu.vector_load %arg28[%get3A_74, %get3A_75] {strides = array<i32>} : memref<16x16xf32, #tpu.memory_space<vmem>>, vector<16xf32>,
    %broadcast_in_dim3A_77 = arith.constant 8 : i32
    %broadcast_in_dim3A_78 = vector.broadcast %broadcast_in_dim3A_77 : i32 to vector<16xi32>
    tpu.vector_store_idx %arg27[%add3A_26, %broadcast_in_dim3A_78], %get3A_76 : memref<16x16xf32, #tpu.memory_space<vmem>>[vector<16xi32>, vector<16xi32>], vector<16xf32>,
    %get3A_79 = arith.constant 9 : i32
    %get3A_80 = arith.index_cast %get3A_79 : i32 to index
    %get3A_81 = arith.constant 0 : index
    %get3A_82 = tpu.vector_load %arg28[%get3A_80, %get3A_81] {strides = array<i32>} : memref<16x16xf32, #tpu.memory_space<vmem>>, vector<16xf32>,
    %broadcast_in_dim3A_83 = arith.constant 9 : i32
    %broadcast_in_dim3A_84 = vector.broadcast %broadcast_in_dim3A_83 : i32 to vector<16xi32>
    tpu.vector_store_idx %arg27[%add3A_26, %broadcast_in_dim3A_84], %get3A_82 : memref<16x16xf32, #tpu.memory_space<vmem>>[vector<16xi32>, vector<16xi32>], vector<16xf32>,
    %get3A_85 = arith.constant 10 : i32
    %get3A_86 = arith.index_cast %get3A_85 : i32 to index
    %get3A_87 = arith.constant 0 : index
    %get3A_88 = tpu.vector_load %arg28[%get3A_86, %get3A_87] {strides = array<i32>} : memref<16x16xf32, #tpu.memory_space<vmem>>, vector<16xf32>,
    %broadcast_in_dim3A_89 = arith.constant 10 : i32
    %broadcast_in_dim3A_90 = vector.broadcast %broadcast_in_dim3A_89 : i32 to vector<16xi32>
    tpu.vector_store_idx %arg27[%add3A_26, %broadcast_in_dim3A_90], %get3A_88 : memref<16x16xf32, #tpu.memory_space<vmem>>[vector<16xi32>, vector<16xi32>], vector<16xf32>,
    %get3A_91 = arith.constant 11 : i32
    %get3A_92 = arith.index_cast %get3A_91 : i32 to index
    %get3A_93 = arith.constant 0 : index
    %get3A_94 = tpu.vector_load %arg28[%get3A_92, %get3A_93] {strides = array<i32>} : memref<16x16xf32, #tpu.memory_space<vmem>>, vector<16xf32>,
    %broadcast_in_dim3A_95 = arith.constant 11 : i32
    %broadcast_in_dim3A_96 = vector.broadcast %broadcast_in_dim3A_95 : i32 to vector<16xi32>
    tpu.vector_store_idx %arg27[%add3A_26, %broadcast_in_dim3A_96], %get3A_94 : memref<16x16xf32, #tpu.memory_space<vmem>>[vector<16xi32>, vector<16xi32>], vector<16xf32>,
    %get3A_97 = arith.constant 12 : i32
    %get3A_98 = arith.index_cast %get3A_97 : i32 to index
    %get3A_99 = arith.constant 0 : index
    %get3A_100 = tpu.vector_load %arg28[%get3A_98, %get3A_99] {strides = array<i32>} : memref<16x16xf32, #tpu.memory_space<vmem>>, vector<16xf32>,
    %broadcast_in_dim3A_101 = arith.constant 12 : i32
    %broadcast_in_dim3A_102 = vector.broadcast %broadcast_in_dim3A_101 : i32 to vector<16xi32>
    tpu.vector_store_idx %arg27[%add3A_26, %broadcast_in_dim3A_102], %get3A_100 : memref<16x16xf32, #tpu.memory_space<vmem>>[vector<16xi32>, vector<16xi32>], vector<16xf32>,
    %get3A_103 = arith.constant 13 : i32
    %get3A_104 = arith.index_cast %get3A_103 : i32 to index
    %get3A_105 = arith.constant 0 : index
    %get3A_106 = tpu.vector_load %arg28[%get3A_104, %get3A_105] {strides = array<i32>} : memref<16x16xf32, #tpu.memory_space<vmem>>, vector<16xf32>,
    %broadcast_in_dim3A_107 = arith.constant 13 : i32
    %broadcast_in_dim3A_108 = vector.broadcast %broadcast_in_dim3A_107 : i32 to vector<16xi32>
    tpu.vector_store_idx %arg27[%add3A_26, %broadcast_in_dim3A_108], %get3A_106 : memref<16x16xf32, #tpu.memory_space<vmem>>[vector<16xi32>, vector<16xi32>], vector<16xf32>,
    %get3A_109 = arith.constant 14 : i32
    %get3A_110 = arith.index_cast %get3A_109 : i32 to index
    %get3A_111 = arith.constant 0 : index
    %get3A_112 = tpu.vector_load %arg28[%get3A_110, %get3A_111] {strides = array<i32>} : memref<16x16xf32, #tpu.memory_space<vmem>>, vector<16xf32>,
    %broadcast_in_dim3A_113 = arith.constant 14 : i32
    %broadcast_in_dim3A_114 = vector.broadcast %broadcast_in_dim3A_113 : i32 to vector<16xi32>
    tpu.vector_store_idx %arg27[%add3A_26, %broadcast_in_dim3A_114], %get3A_112 : memref<16x16xf32, #tpu.memory_space<vmem>>[vector<16xi32>, vector<16xi32>], vector<16xf32>,
    %get3A_115 = arith.constant 15 : i32
    %get3A_116 = arith.index_cast %get3A_115 : i32 to index
    %get3A_117 = arith.constant 0 : index
    %get3A_118 = tpu.vector_load %arg28[%get3A_116, %get3A_117] {strides = array<i32>} : memref<16x16xf32, #tpu.memory_space<vmem>>, vector<16xf32>,
    %broadcast_in_dim3A_119 = arith.constant 15 : i32
    %broadcast_in_dim3A_120 = vector.broadcast %broadcast_in_dim3A_119 : i32 to vector<16xi32>
    tpu.vector_store_idx %arg27[%add3A_26, %broadcast_in_dim3A_120], %get3A_118 : memref<16x16xf32, #tpu.memory_space<vmem>>[vector<16xi32>, vector<16xi32>], vector<16xf32>,
    "tpu.region"() ({
      %run_scoped3A = tpu.sem_alloc : memref<!tpu.dma_semaphore, #tpu.memory_space<semaphore_mem>>
      %dma_start3A_142 = arith.constant 0 : i32
      %dma_start3A_143 = arith.constant 0 : i32
      %dma_start3A_144 = tpu.memref_slice %arg2[%dma_start3A_142, %dma_start3A_143] : memref<10000x64xf32, #tpu.memory_space<hbm>> -> memref<10000x64xf32, #tpu.memory_space<hbm>>
      tpu.enqueue_indirect_dma source(%dma_start3A_144 : memref<10000x64xf32, #tpu.memory_space<hbm>>) target(%arg26 : memref<16x64xf32, #tpu.memory_space<vmem>>) offsets(%arg24 : memref<16xi32, #tpu.memory_space<vmem>>) semaphore(%run_scoped3A : memref<!tpu.dma_semaphore, #tpu.memory_space<semaphore_mem>>)
      %dma_wait3A_145 = arith.constant 0 : i32
      %dma_wait3A_146 = arith.constant 0 : i32
      %dma_wait3A_147 = tpu.memref_slice %arg2[%dma_wait3A_145, %dma_wait3A_146] : memref<10000x64xf32, #tpu.memory_space<hbm>> -> memref<10000x64xf32, #tpu.memory_space<hbm>>
      tpu.wait_indirect_dma semaphore(%run_scoped3A : memref<!tpu.dma_semaphore, #tpu.memory_space<semaphore_mem>>) src(%dma_wait3A_147 : memref<10000x64xf32, #tpu.memory_space<hbm>>) dst(%arg26 : memref<16x64xf32, #tpu.memory_space<vmem>>)
      tpu.yield
    }) : () -> ()
    "tpu.region"() ({
      %run_scoped3A = tpu.sem_alloc : memref<!tpu.dma_semaphore, #tpu.memory_space<semaphore_mem>>
      %dma_start3A_142 = arith.constant 0 : i32
      %dma_start3A_143 = arith.constant 0 : i32
      %dma_start3A_144 = tpu.memref_slice %arg35[%dma_start3A_142, %dma_start3A_143] : memref<10240x64xf32, #tpu.memory_space<vmem_shared>> -> memref<10240x64xf32, #tpu.memory_space<vmem_shared>>
      tpu.enqueue_indirect_dma source(%arg26 : memref<16x64xf32, #tpu.memory_space<vmem>>) target(%dma_start3A_144 : memref<10240x64xf32, #tpu.memory_space<vmem_shared>>) offsets(%arg25 : memref<16xi32, #tpu.memory_space<vmem>>) semaphore(%run_scoped3A : memref<!tpu.dma_semaphore, #tpu.memory_space<semaphore_mem>>) {add = true}
      %dma_wait3A_145 = arith.constant 0 : i32
      %dma_wait3A_146 = arith.constant 0 : i32
      %dma_wait3A_147 = tpu.memref_slice %arg35[%dma_wait3A_145, %dma_wait3A_146] : memref<10240x64xf32, #tpu.memory_space<vmem_shared>> -> memref<10240x64xf32, #tpu.memory_space<vmem_shared>>
      tpu.wait_indirect_dma semaphore(%run_scoped3A : memref<!tpu.dma_semaphore, #tpu.memory_space<semaphore_mem>>) src(%arg26 : memref<16x64xf32, #tpu.memory_space<vmem>>) dst(%dma_wait3A_147 : memref<10240x64xf32, #tpu.memory_space<vmem_shared>>)
      tpu.yield
    }) : () -> ()
    "tpu.region"() ({
      %run_scoped3A = tpu.sem_alloc : memref<!tpu.dma_semaphore, #tpu.memory_space<semaphore_mem>>
      %dma_start3A_142 = arith.constant 0 : i32
      %dma_start3A_143 = arith.constant 0 : i32
      %dma_start3A_144 = tpu.memref_slice %arg36[%dma_start3A_142, %dma_start3A_143] : memref<10240x16xf32, #tpu.memory_space<vmem_shared>> -> memref<10240x16xf32, #tpu.memory_space<vmem_shared>>
      tpu.enqueue_indirect_dma source(%arg27 : memref<16x16xf32, #tpu.memory_space<vmem>>) target(%dma_start3A_144 : memref<10240x16xf32, #tpu.memory_space<vmem_shared>>) offsets(%arg25 : memref<16xi32, #tpu.memory_space<vmem>>) semaphore(%run_scoped3A : memref<!tpu.dma_semaphore, #tpu.memory_space<semaphore_mem>>) {add = true}
      %dma_wait3A_145 = arith.constant 0 : i32
      %dma_wait3A_146 = arith.constant 0 : i32
      %dma_wait3A_147 = tpu.memref_slice %arg36[%dma_wait3A_145, %dma_wait3A_146] : memref<10240x16xf32, #tpu.memory_space<vmem_shared>> -> memref<10240x16xf32, #tpu.memory_space<vmem_shared>>
      tpu.wait_indirect_dma semaphore(%run_scoped3A : memref<!tpu.dma_semaphore, #tpu.memory_space<semaphore_mem>>) src(%arg27 : memref<16x16xf32, #tpu.memory_space<vmem>>) dst(%dma_wait3A_147 : memref<10240x16xf32, #tpu.memory_space<vmem_shared>>)
      tpu.yield
    }) : () -> ()
    "tpu.region"() ({
      %run_scoped3A = tpu.sem_alloc : memref<!tpu.dma_semaphore, #tpu.memory_space<semaphore_mem>>
      %dma_start3A_142 = arith.constant 0 : i32
      %dma_start3A_143 = arith.constant 0 : i32
      %dma_start3A_144 = tpu.memref_slice %arg23[%dma_start3A_142, %dma_start3A_143] : memref<128x8xf32, #tpu.memory_space<vmem>> -> memref<16x8xf32, #tpu.memory_space<vmem>>
      %dma_start3A_145 = arith.constant 0 : i32
      %dma_start3A_146 = arith.constant 0 : i32
      %dma_start3A_147 = tpu.memref_slice %arg37[%dma_start3A_145, %dma_start3A_146] : memref<10240x8xf32, #tpu.memory_space<vmem_shared>> -> memref<10240x8xf32, #tpu.memory_space<vmem_shared>>
      tpu.enqueue_indirect_dma source(%dma_start3A_144 : memref<16x8xf32, #tpu.memory_space<vmem>>) target(%dma_start3A_147 : memref<10240x8xf32, #tpu.memory_space<vmem_shared>>) offsets(%arg25 : memref<16xi32, #tpu.memory_space<vmem>>) semaphore(%run_scoped3A : memref<!tpu.dma_semaphore, #tpu.memory_space<semaphore_mem>>) {add = true}
      %dma_wait3A_148 = arith.constant 0 : i32
      %dma_wait3A_149 = arith.constant 0 : i32
      %dma_wait3A_150 = tpu.memref_slice %arg23[%dma_wait3A_148, %dma_wait3A_149] : memref<128x8xf32, #tpu.memory_space<vmem>> -> memref<16x8xf32, #tpu.memory_space<vmem>>
      %dma_wait3A_151 = arith.constant 0 : i32
      %dma_wait3A_152 = arith.constant 0 : i32
      %dma_wait3A_153 = tpu.memref_slice %arg37[%dma_wait3A_151, %dma_wait3A_152] : memref<10240x8xf32, #tpu.memory_space<vmem_shared>> -> memref<10240x8xf32, #tpu.memory_space<vmem_shared>>
      tpu.wait_indirect_dma semaphore(%run_scoped3A : memref<!tpu.dma_semaphore, #tpu.memory_space<semaphore_mem>>) src(%dma_wait3A_150 : memref<16x8xf32, #tpu.memory_space<vmem>>) dst(%dma_wait3A_153 : memref<10240x8xf32, #tpu.memory_space<vmem_shared>>)
      tpu.yield
    }) : () -> ()
    %dma_wait3A = arith.constant 0 : i32
    %dma_wait3A_121 = arith.constant 0 : i32
    %dma_wait3A_122 = tpu.memref_slice %arg35[%dma_wait3A, %dma_wait3A_121] : memref<10240x64xf32, #tpu.memory_space<vmem_shared>> -> memref<10240x64xf32, #tpu.memory_space<vmem_shared>>
    tpu.wait_indirect_dma semaphore(%arg34 : memref<!tpu.dma_semaphore, #tpu.memory_space<semaphore_mem>>) src(%arg18 : memref<128x64xf32, #tpu.memory_space<vmem>>) dst(%dma_wait3A_122 : memref<10240x64xf32, #tpu.memory_space<vmem_shared>>)
    %dma_wait3A_123 = arith.constant 0 : i32
    %dma_wait3A_124 = arith.constant 0 : i32
    %dma_wait3A_125 = tpu.memref_slice %arg36[%dma_wait3A_123, %dma_wait3A_124] : memref<10240x16xf32, #tpu.memory_space<vmem_shared>> -> memref<10240x16xf32, #tpu.memory_space<vmem_shared>>
    tpu.wait_indirect_dma semaphore(%arg34 : memref<!tpu.dma_semaphore, #tpu.memory_space<semaphore_mem>>) src(%arg20 : memref<128x16xf32, #tpu.memory_space<vmem>>) dst(%dma_wait3A_125 : memref<10240x16xf32, #tpu.memory_space<vmem_shared>>)
    %dma_wait3A_126 = arith.constant 0 : i32
    %dma_wait3A_127 = arith.constant 0 : i32
    %dma_wait3A_128 = tpu.memref_slice %arg37[%dma_wait3A_126, %dma_wait3A_127] : memref<10240x8xf32, #tpu.memory_space<vmem_shared>> -> memref<10240x8xf32, #tpu.memory_space<vmem_shared>>
    tpu.wait_indirect_dma semaphore(%arg34 : memref<!tpu.dma_semaphore, #tpu.memory_space<semaphore_mem>>) src(%arg23 : memref<128x8xf32, #tpu.memory_space<vmem>>) dst(%dma_wait3A_128 : memref<10240x8xf32, #tpu.memory_space<vmem_shared>>)
    %barrier3A_129 = arith.constant 0 : index
    tpu.barrier barrier_id(%barrier3A_129)
    %mul3A_130 = arith.constant 640 : i32
    %mul3A_131 = arith.muli %arg1, %mul3A_130 : i32
    %mul3A_132 = arith.constant 640 : i32
    %mul3A_133 = arith.muli %arg1, %mul3A_132 : i32
    "tpu.region"() ({
      %run_scoped3A = tpu.sem_alloc : memref<!tpu.dma_semaphore, #tpu.memory_space<semaphore_mem>>
      %dma_start3A_142 = arith.constant 0 : i32
      %dma_start3A_143 = tpu.memref_slice %arg10[%arg0, %mul3A_133, %dma_start3A_142] : memref<2x10240x64xf32, #tpu.memory_space<hbm>> -> memref<1x640x64xf32, #tpu.memory_space<hbm>>
      %dma_start3A_144 = tpu.memref_squeeze %dma_start3A_143 : memref<1x640x64xf32, #tpu.memory_space<hbm>> -> memref<640x64xf32, #tpu.memory_space<hbm>>
      %dma_start3A_145 = arith.constant 0 : i32
      %dma_start3A_146 = tpu.memref_slice %arg35[%mul3A_131, %dma_start3A_145] : memref<10240x64xf32, #tpu.memory_space<vmem_shared>> -> memref<640x64xf32, #tpu.memory_space<vmem_shared>>
      tpu.enqueue_dma source(%dma_start3A_146 : memref<640x64xf32, #tpu.memory_space<vmem_shared>>) target(%dma_start3A_144 : memref<640x64xf32, #tpu.memory_space<hbm>>) target_semaphore(%run_scoped3A : memref<!tpu.dma_semaphore, #tpu.memory_space<semaphore_mem>>)
      %dma_wait3A_147 = arith.constant 0 : i32
      %dma_wait3A_148 = tpu.memref_slice %arg10[%arg0, %mul3A_133, %dma_wait3A_147] : memref<2x10240x64xf32, #tpu.memory_space<hbm>> -> memref<1x640x64xf32, #tpu.memory_space<hbm>>
      %dma_wait3A_149 = tpu.memref_squeeze %dma_wait3A_148 : memref<1x640x64xf32, #tpu.memory_space<hbm>> -> memref<640x64xf32, #tpu.memory_space<hbm>>
      %dma_wait3A_150 = arith.constant 0 : i32
      %dma_wait3A_151 = tpu.memref_slice %arg35[%mul3A_131, %dma_wait3A_150] : memref<10240x64xf32, #tpu.memory_space<vmem_shared>> -> memref<640x64xf32, #tpu.memory_space<vmem_shared>>
      tpu.wait_dma2 semaphore(%run_scoped3A : memref<!tpu.dma_semaphore, #tpu.memory_space<semaphore_mem>>) src(%dma_wait3A_151 : memref<640x64xf32, #tpu.memory_space<vmem_shared>>) dst(%dma_wait3A_149 : memref<640x64xf32, #tpu.memory_space<hbm>>)
      tpu.yield
    }) : () -> ()
    %mul3A_134 = arith.constant 640 : i32
    %mul3A_135 = arith.muli %arg1, %mul3A_134 : i32
    %mul3A_136 = arith.constant 640 : i32
    %mul3A_137 = arith.muli %arg1, %mul3A_136 : i32
    "tpu.region"() ({
      %run_scoped3A = tpu.sem_alloc : memref<!tpu.dma_semaphore, #tpu.memory_space<semaphore_mem>>
      %dma_start3A_142 = arith.constant 0 : i32
      %dma_start3A_143 = tpu.memref_slice %arg11[%arg0, %mul3A_137, %dma_start3A_142] : memref<2x10240x16xf32, #tpu.memory_space<hbm>> -> memref<1x640x16xf32, #tpu.memory_space<hbm>>
      %dma_start3A_144 = tpu.memref_squeeze %dma_start3A_143 : memref<1x640x16xf32, #tpu.memory_space<hbm>> -> memref<640x16xf32, #tpu.memory_space<hbm>>
      %dma_start3A_145 = arith.constant 0 : i32
      %dma_start3A_146 = tpu.memref_slice %arg36[%mul3A_135, %dma_start3A_145] : memref<10240x16xf32, #tpu.memory_space<vmem_shared>> -> memref<640x16xf32, #tpu.memory_space<vmem_shared>>
      tpu.enqueue_dma source(%dma_start3A_146 : memref<640x16xf32, #tpu.memory_space<vmem_shared>>) target(%dma_start3A_144 : memref<640x16xf32, #tpu.memory_space<hbm>>) target_semaphore(%run_scoped3A : memref<!tpu.dma_semaphore, #tpu.memory_space<semaphore_mem>>)
      %dma_wait3A_147 = arith.constant 0 : i32
      %dma_wait3A_148 = tpu.memref_slice %arg11[%arg0, %mul3A_137, %dma_wait3A_147] : memref<2x10240x16xf32, #tpu.memory_space<hbm>> -> memref<1x640x16xf32, #tpu.memory_space<hbm>>
      %dma_wait3A_149 = tpu.memref_squeeze %dma_wait3A_148 : memref<1x640x16xf32, #tpu.memory_space<hbm>> -> memref<640x16xf32, #tpu.memory_space<hbm>>
      %dma_wait3A_150 = arith.constant 0 : i32
      %dma_wait3A_151 = tpu.memref_slice %arg36[%mul3A_135, %dma_wait3A_150] : memref<10240x16xf32, #tpu.memory_space<vmem_shared>> -> memref<640x16xf32, #tpu.memory_space<vmem_shared>>
      tpu.wait_dma2 semaphore(%run_scoped3A : memref<!tpu.dma_semaphore, #tpu.memory_space<semaphore_mem>>) src(%dma_wait3A_151 : memref<640x16xf32, #tpu.memory_space<vmem_shared>>) dst(%dma_wait3A_149 : memref<640x16xf32, #tpu.memory_space<hbm>>)
      tpu.yield
    }) : () -> ()
    %mul3A_138 = arith.constant 640 : i32
    %mul3A_139 = arith.muli %arg1, %mul3A_138 : i32
    %mul3A_140 = arith.constant 640 : i32
    %mul3A_141 = arith.muli %arg1, %mul3A_140 : i32
    "tpu.region"() ({
      %run_scoped3A = tpu.sem_alloc : memref<!tpu.dma_semaphore, #tpu.memory_space<semaphore_mem>>
      %dma_start3A_142 = arith.constant 0 : i32
      %dma_start3A_143 = tpu.memref_slice %arg12[%arg0, %mul3A_141, %dma_start3A_142] : memref<2x10240x8xf32, #tpu.memory_space<hbm>> -> memref<1x640x8xf32, #tpu.memory_space<hbm>>
      %dma_start3A_144 = tpu.memref_squeeze %dma_start3A_143 : memref<1x640x8xf32, #tpu.memory_space<hbm>> -> memref<640x8xf32, #tpu.memory_space<hbm>>
      %dma_start3A_145 = arith.constant 0 : i32
      %dma_start3A_146 = tpu.memref_slice %arg37[%mul3A_139, %dma_start3A_145] : memref<10240x8xf32, #tpu.memory_space<vmem_shared>> -> memref<640x8xf32, #tpu.memory_space<vmem_shared>>
      tpu.enqueue_dma source(%dma_start3A_146 : memref<640x8xf32, #tpu.memory_space<vmem_shared>>) target(%dma_start3A_144 : memref<640x8xf32, #tpu.memory_space<hbm>>) target_semaphore(%run_scoped3A : memref<!tpu.dma_semaphore, #tpu.memory_space<semaphore_mem>>)
      %dma_wait3A_147 = arith.constant 0 : i32
      %dma_wait3A_148 = tpu.memref_slice %arg12[%arg0, %mul3A_141, %dma_wait3A_147] : memref<2x10240x8xf32, #tpu.memory_space<hbm>> -> memref<1x640x8xf32, #tpu.memory_space<hbm>>
      %dma_wait3A_149 = tpu.memref_squeeze %dma_wait3A_148 : memref<1x640x8xf32, #tpu.memory_space<hbm>> -> memref<640x8xf32, #tpu.memory_space<hbm>>
      %dma_wait3A_150 = arith.constant 0 : i32
      %dma_wait3A_151 = tpu.memref_slice %arg37[%mul3A_139, %dma_wait3A_150] : memref<10240x8xf32, #tpu.memory_space<vmem_shared>> -> memref<640x8xf32, #tpu.memory_space<vmem_shared>>
      tpu.wait_dma2 semaphore(%run_scoped3A : memref<!tpu.dma_semaphore, #tpu.memory_space<semaphore_mem>>) src(%dma_wait3A_151 : memref<640x8xf32, #tpu.memory_space<vmem_shared>>) dst(%dma_wait3A_149 : memref<640x8xf32, #tpu.memory_space<hbm>>)
      tpu.yield
    }) : () -> ()
    return
  }
}

module attributes {stable_mosaic.version = 14 : i64} {
  func.func @_tc_pre_body(%arg0: i32, %arg1: memref<2000x128xf32, #tpu.memory_space<vmem>>, %arg2: memref<128x64xf32, #tpu.memory_space<vmem>>, %arg3: memref<128x64xf32, #tpu.memory_space<vmem>>, %arg4: memref<2000x64xf32, #tpu.memory_space<vmem>>, %arg5: memref<2000x64xf32, #tpu.memory_space<vmem>>) attributes {dimension_semantics = [#tpu.dimension_semantics<arbitrary>], iteration_bounds = array<i64: 5>, scalar_prefetch = 0 : i64, scratch_operands = 0 : i64, tpu.core_type = #tpu.core_type<tc>, window_params = [{transform_indices = @transform_0, window_bounds = array<i64: 2000, 128>}, {pipeline_mode = #tpu.pipeline_mode<synchronous>, transform_indices = @transform_1, window_bounds = array<i64: 128, 64>}, {pipeline_mode = #tpu.pipeline_mode<synchronous>, transform_indices = @transform_2, window_bounds = array<i64: 128, 64>}, {transform_indices = @transform_3, window_bounds = array<i64: 2000, 64>}, {transform_indices = @transform_4, window_bounds = array<i64: 2000, 64>}]} {
    %get3A = arith.constant 0 : index
    %get3A_0 = arith.constant 0 : index
    %get3A_1 = vector.load %arg1[%get3A, %get3A_0] : memref<2000x128xf32, #tpu.memory_space<vmem>>, vector<2000x128xf32>
    %get3A_2 = arith.constant 0 : index
    %get3A_3 = arith.constant 0 : index
    %get3A_4 = vector.load %arg2[%get3A_2, %get3A_3] : memref<128x64xf32, #tpu.memory_space<vmem>>, vector<128x64xf32>
    %dot_general3A = arith.constant dense<0.000000e+00> : vector<2000x64xf32>
    %dot_general3A_5 = tpu.matmul %get3A_1, %get3A_4, %dot_general3A {dimension_numbers = #tpu.dot_dimension_numbers<[1], [0], [0], [1], [0, 0, 1, 1], [], []>, transpose_lhs_hint = false} : vector<2000x128xf32>, vector<128x64xf32>, vector<2000x64xf32> -> vector<2000x64xf32>
    %swap3A = arith.constant 0 : index
    %swap3A_6 = arith.constant 0 : index
    %swap3A_7 = vector.load %arg4[%swap3A, %swap3A_6] : memref<2000x64xf32, #tpu.memory_space<vmem>>, vector<2000x64xf32>
    tpu.vector_store %arg4[%swap3A, %swap3A_6], %dot_general3A_5 {strides = array<i32>} : memref<2000x64xf32, #tpu.memory_space<vmem>>, vector<2000x64xf32>,
    %get3A_8 = arith.constant 0 : index
    %get3A_9 = arith.constant 0 : index
    %get3A_10 = vector.load %arg3[%get3A_8, %get3A_9] : memref<128x64xf32, #tpu.memory_space<vmem>>, vector<128x64xf32>
    %dot_general3A_11 = arith.constant dense<0.000000e+00> : vector<2000x64xf32>
    %dot_general3A_12 = tpu.matmul %get3A_1, %get3A_10, %dot_general3A_11 {dimension_numbers = #tpu.dot_dimension_numbers<[1], [0], [0], [1], [0, 0, 1, 1], [], []>, transpose_lhs_hint = false} : vector<2000x128xf32>, vector<128x64xf32>, vector<2000x64xf32> -> vector<2000x64xf32>
    %swap3A_13 = arith.constant 0 : index
    %swap3A_14 = arith.constant 0 : index
    %swap3A_15 = vector.load %arg5[%swap3A_13, %swap3A_14] : memref<2000x64xf32, #tpu.memory_space<vmem>>, vector<2000x64xf32>
    tpu.vector_store %arg5[%swap3A_13, %swap3A_14], %dot_general3A_12 {strides = array<i32>} : memref<2000x64xf32, #tpu.memory_space<vmem>>, vector<2000x64xf32>,
    return
  }
  func.func @transform_0(%arg0: i32) -> (i32, i32) {
    %c0_i32 = arith.constant 0 : i32
    %c0_i32_0 = arith.constant 0 : i32
    return %arg0, %c0_i32 : i32, i32
  }
  func.func @transform_1(%arg0: i32) -> (i32, i32) {
    %c0_i32 = arith.constant 0 : i32
    %c0_i32_0 = arith.constant 0 : i32
    %c0_i32_1 = arith.constant 0 : i32
    return %c0_i32, %c0_i32_0 : i32, i32
  }
  func.func @transform_2(%arg0: i32) -> (i32, i32) {
    %c0_i32 = arith.constant 0 : i32
    %c0_i32_0 = arith.constant 0 : i32
    %c0_i32_1 = arith.constant 0 : i32
    return %c0_i32, %c0_i32_0 : i32, i32
  }
  func.func @transform_3(%arg0: i32) -> (i32, i32) {
    %c0_i32 = arith.constant 0 : i32
    %c0_i32_0 = arith.constant 0 : i32
    return %arg0, %c0_i32 : i32, i32
  }
  func.func @transform_4(%arg0: i32) -> (i32, i32) {
    %c0_i32 = arith.constant 0 : i32
    %c0_i32_0 = arith.constant 0 : i32
    return %arg0, %c0_i32 : i32, i32
  }
}

module attributes {stable_mosaic.version = 14 : i64} {
  func.func @_tc_mid_body(%arg0: i32, %arg1: memref<2000x64xf32, #tpu.memory_space<vmem>>, %arg2: memref<2x2000x64xf32, #tpu.memory_space<vmem>>, %arg3: memref<2x2000x16xf32, #tpu.memory_space<vmem>>, %arg4: memref<2x2000x8xf32, #tpu.memory_space<vmem>>, %arg5: memref<16x64xf32, #tpu.memory_space<vmem>>, %arg6: memref<2000x64xf32, #tpu.memory_space<vmem>>) attributes {dimension_semantics = [#tpu.dimension_semantics<arbitrary>], iteration_bounds = array<i64: 5>, scalar_prefetch = 0 : i64, scratch_operands = 0 : i64, tpu.core_type = #tpu.core_type<tc>, window_params = [{transform_indices = @transform_0, window_bounds = array<i64: 2000, 64>}, {transform_indices = @transform_1, window_bounds = array<i64: 2, 2000, 64>}, {transform_indices = @transform_2, window_bounds = array<i64: 2, 2000, 16>}, {transform_indices = @transform_3, window_bounds = array<i64: 2, 2000, 8>}, {pipeline_mode = #tpu.pipeline_mode<synchronous>, transform_indices = @transform_4, window_bounds = array<i64: 16, 64>}, {transform_indices = @transform_5, window_bounds = array<i64: 2000, 64>}]} {
    %get3A = arith.constant 0 : index
    %get3A_0 = arith.constant 0 : index
    %get3A_1 = arith.constant 0 : index
    %get3A_2 = vector.load %arg4[%get3A, %get3A_0, %get3A_1] : memref<2x2000x8xf32, #tpu.memory_space<vmem>>, vector<2x2000x8xf32>
    %slice3A = vector.extract_strided_slice %get3A_2 {offsets = [0, 0, 0], sizes = [1, 2000, 1], strides = [1, 1, 1]} : vector<2x2000x8xf32> to vector<1x2000x1xf32>
    %squeeze3A = vector.shape_cast %slice3A : vector<1x2000x1xf32> to vector<2000x1xf32>
    %slice3A_3 = vector.extract_strided_slice %get3A_2 {offsets = [1, 0, 0], sizes = [1, 2000, 1], strides = [1, 1, 1]} : vector<2x2000x8xf32> to vector<1x2000x1xf32>
    %squeeze3A_4 = vector.shape_cast %slice3A_3 : vector<1x2000x1xf32> to vector<2000x1xf32>
    %add3A = arith.addf %squeeze3A, %squeeze3A_4 : vector<2000x1xf32>
    %max3A = arith.constant 1.000000e+00 : f32
    %max3A_5 = vector.broadcast %max3A : f32 to vector<2000x1xf32>
    %max3A_6 = arith.maximumf %add3A, %max3A_5 : vector<2000x1xf32>
    %get3A_7 = arith.constant 0 : index
    %get3A_8 = arith.constant 0 : index
    %get3A_9 = arith.constant 0 : index
    %get3A_10 = vector.load %arg3[%get3A_7, %get3A_8, %get3A_9] : memref<2x2000x16xf32, #tpu.memory_space<vmem>>, vector<1x2000x16xf32>
    %get3A_11 = vector.shape_cast %get3A_10 : vector<1x2000x16xf32> to vector<2000x16xf32>
    %get3A_12 = arith.constant 1 : index
    %get3A_13 = arith.constant 0 : index
    %get3A_14 = arith.constant 0 : index
    %get3A_15 = vector.load %arg3[%get3A_12, %get3A_13, %get3A_14] : memref<2x2000x16xf32, #tpu.memory_space<vmem>>, vector<1x2000x16xf32>
    %get3A_16 = vector.shape_cast %get3A_15 : vector<1x2000x16xf32> to vector<2000x16xf32>
    %add3A_17 = arith.addf %get3A_11, %get3A_16 : vector<2000x16xf32>
    %get3A_18 = arith.constant 0 : index
    %get3A_19 = arith.constant 0 : index
    %get3A_20 = arith.constant 0 : index
    %get3A_21 = vector.load %arg2[%get3A_18, %get3A_19, %get3A_20] : memref<2x2000x64xf32, #tpu.memory_space<vmem>>, vector<1x2000x64xf32>
    %get3A_22 = vector.shape_cast %get3A_21 : vector<1x2000x64xf32> to vector<2000x64xf32>
    %get3A_23 = arith.constant 1 : index
    %get3A_24 = arith.constant 0 : index
    %get3A_25 = arith.constant 0 : index
    %get3A_26 = vector.load %arg2[%get3A_23, %get3A_24, %get3A_25] : memref<2x2000x64xf32, #tpu.memory_space<vmem>>, vector<1x2000x64xf32>
    %get3A_27 = vector.shape_cast %get3A_26 : vector<1x2000x64xf32> to vector<2000x64xf32>
    %add3A_28 = arith.addf %get3A_22, %get3A_27 : vector<2000x64xf32>
    %get3A_29 = arith.constant 0 : index
    %get3A_30 = arith.constant 0 : index
    %get3A_31 = vector.load %arg5[%get3A_29, %get3A_30] : memref<16x64xf32, #tpu.memory_space<vmem>>, vector<16x64xf32>
    %dot_general3A = arith.constant dense<0.000000e+00> : vector<2000x64xf32>
    %dot_general3A_32 = tpu.matmul %add3A_17, %get3A_31, %dot_general3A {dimension_numbers = #tpu.dot_dimension_numbers<[1], [0], [0], [1], [0, 0, 1, 1], [], []>, transpose_lhs_hint = false} : vector<2000x16xf32>, vector<16x64xf32>, vector<2000x64xf32> -> vector<2000x64xf32>
    %add3A_33 = arith.addf %add3A_28, %dot_general3A_32 : vector<2000x64xf32>
    %div3A = vector.broadcast %max3A_6 : vector<2000x1xf32> to vector<2000x64xf32>
    %div3A_34 = arith.divf %add3A_33, %div3A : vector<2000x64xf32>
    %get3A_35 = arith.constant 0 : index
    %get3A_36 = arith.constant 0 : index
    %get3A_37 = vector.load %arg1[%get3A_35, %get3A_36] : memref<2000x64xf32, #tpu.memory_space<vmem>>, vector<2000x64xf32>
    %add3A_38 = arith.addf %get3A_37, %div3A_34 : vector<2000x64xf32>
    %max3A_39 = arith.constant 0.000000e+00 : f32
    %max3A_40 = vector.broadcast %max3A_39 : f32 to vector<2000x64xf32>
    %max3A_41 = arith.maximumf %add3A_38, %max3A_40 : vector<2000x64xf32>
    %swap3A = arith.constant 0 : index
    %swap3A_42 = arith.constant 0 : index
    %swap3A_43 = vector.load %arg6[%swap3A, %swap3A_42] : memref<2000x64xf32, #tpu.memory_space<vmem>>, vector<2000x64xf32>
    tpu.vector_store %arg6[%swap3A, %swap3A_42], %max3A_41 {strides = array<i32>} : memref<2000x64xf32, #tpu.memory_space<vmem>>, vector<2000x64xf32>,
    return
  }
  func.func @transform_0(%arg0: i32) -> (i32, i32) {
    %c0_i32 = arith.constant 0 : i32
    %c0_i32_0 = arith.constant 0 : i32
    return %arg0, %c0_i32 : i32, i32
  }
  func.func @transform_1(%arg0: i32) -> (i32, i32, i32) {
    %c0_i32 = arith.constant 0 : i32
    %c0_i32_0 = arith.constant 0 : i32
    %c0_i32_1 = arith.constant 0 : i32
    return %c0_i32, %arg0, %c0_i32_0 : i32, i32, i32
  }
  func.func @transform_2(%arg0: i32) -> (i32, i32, i32) {
    %c0_i32 = arith.constant 0 : i32
    %c0_i32_0 = arith.constant 0 : i32
    %c0_i32_1 = arith.constant 0 : i32
    return %c0_i32, %arg0, %c0_i32_0 : i32, i32, i32
  }
  func.func @transform_3(%arg0: i32) -> (i32, i32, i32) {
    %c0_i32 = arith.constant 0 : i32
    %c0_i32_0 = arith.constant 0 : i32
    %c0_i32_1 = arith.constant 0 : i32
    return %c0_i32, %arg0, %c0_i32_0 : i32, i32, i32
  }
  func.func @transform_4(%arg0: i32) -> (i32, i32) {
    %c0_i32 = arith.constant 0 : i32
    %c0_i32_0 = arith.constant 0 : i32
    %c0_i32_1 = arith.constant 0 : i32
    return %c0_i32, %c0_i32_0 : i32, i32
  }
  func.func @transform_5(%arg0: i32) -> (i32, i32) {
    %c0_i32 = arith.constant 0 : i32
    %c0_i32_0 = arith.constant 0 : i32
    return %arg0, %c0_i32 : i32, i32
  }
}

module attributes {stable_mosaic.version = 14 : i64} {
  func.func @_tc_post_body(%arg0: i32, %arg1: memref<2000x64xf32, #tpu.memory_space<vmem>>, %arg2: memref<2x2000x64xf32, #tpu.memory_space<vmem>>, %arg3: memref<2x2000x16xf32, #tpu.memory_space<vmem>>, %arg4: memref<2x2000x8xf32, #tpu.memory_space<vmem>>, %arg5: memref<64x128xf32, #tpu.memory_space<vmem>>, %arg6: memref<64x128xf32, #tpu.memory_space<vmem>>, %arg7: memref<16x128xf32, #tpu.memory_space<vmem>>, %arg8: memref<2000x128xf32, #tpu.memory_space<vmem>>) attributes {dimension_semantics = [#tpu.dimension_semantics<arbitrary>], iteration_bounds = array<i64: 5>, scalar_prefetch = 0 : i64, scratch_operands = 0 : i64, tpu.core_type = #tpu.core_type<tc>, window_params = [{transform_indices = @transform_0, window_bounds = array<i64: 2000, 64>}, {transform_indices = @transform_1, window_bounds = array<i64: 2, 2000, 64>}, {transform_indices = @transform_2, window_bounds = array<i64: 2, 2000, 16>}, {transform_indices = @transform_3, window_bounds = array<i64: 2, 2000, 8>}, {pipeline_mode = #tpu.pipeline_mode<synchronous>, transform_indices = @transform_4, window_bounds = array<i64: 64, 128>}, {pipeline_mode = #tpu.pipeline_mode<synchronous>, transform_indices = @transform_5, window_bounds = array<i64: 64, 128>}, {pipeline_mode = #tpu.pipeline_mode<synchronous>, transform_indices = @transform_6, window_bounds = array<i64: 16, 128>}, {transform_indices = @transform_7, window_bounds = array<i64: 2000, 128>}]} {
    %get3A = arith.constant 0 : index
    %get3A_0 = arith.constant 0 : index
    %get3A_1 = arith.constant 0 : index
    %get3A_2 = vector.load %arg4[%get3A, %get3A_0, %get3A_1] : memref<2x2000x8xf32, #tpu.memory_space<vmem>>, vector<2x2000x8xf32>
    %slice3A = vector.extract_strided_slice %get3A_2 {offsets = [0, 0, 0], sizes = [1, 2000, 1], strides = [1, 1, 1]} : vector<2x2000x8xf32> to vector<1x2000x1xf32>
    %squeeze3A = vector.shape_cast %slice3A : vector<1x2000x1xf32> to vector<2000x1xf32>
    %slice3A_3 = vector.extract_strided_slice %get3A_2 {offsets = [1, 0, 0], sizes = [1, 2000, 1], strides = [1, 1, 1]} : vector<2x2000x8xf32> to vector<1x2000x1xf32>
    %squeeze3A_4 = vector.shape_cast %slice3A_3 : vector<1x2000x1xf32> to vector<2000x1xf32>
    %add3A = arith.addf %squeeze3A, %squeeze3A_4 : vector<2000x1xf32>
    %max3A = arith.constant 1.000000e+00 : f32
    %max3A_5 = vector.broadcast %max3A : f32 to vector<2000x1xf32>
    %max3A_6 = arith.maximumf %add3A, %max3A_5 : vector<2000x1xf32>
    %get3A_7 = arith.constant 0 : index
    %get3A_8 = arith.constant 0 : index
    %get3A_9 = arith.constant 0 : index
    %get3A_10 = vector.load %arg2[%get3A_7, %get3A_8, %get3A_9] : memref<2x2000x64xf32, #tpu.memory_space<vmem>>, vector<1x2000x64xf32>
    %get3A_11 = vector.shape_cast %get3A_10 : vector<1x2000x64xf32> to vector<2000x64xf32>
    %get3A_12 = arith.constant 1 : index
    %get3A_13 = arith.constant 0 : index
    %get3A_14 = arith.constant 0 : index
    %get3A_15 = vector.load %arg2[%get3A_12, %get3A_13, %get3A_14] : memref<2x2000x64xf32, #tpu.memory_space<vmem>>, vector<1x2000x64xf32>
    %get3A_16 = vector.shape_cast %get3A_15 : vector<1x2000x64xf32> to vector<2000x64xf32>
    %add3A_17 = arith.addf %get3A_11, %get3A_16 : vector<2000x64xf32>
    %get3A_18 = arith.constant 0 : index
    %get3A_19 = arith.constant 0 : index
    %get3A_20 = arith.constant 0 : index
    %get3A_21 = vector.load %arg3[%get3A_18, %get3A_19, %get3A_20] : memref<2x2000x16xf32, #tpu.memory_space<vmem>>, vector<1x2000x16xf32>
    %get3A_22 = vector.shape_cast %get3A_21 : vector<1x2000x16xf32> to vector<2000x16xf32>
    %get3A_23 = arith.constant 1 : index
    %get3A_24 = arith.constant 0 : index
    %get3A_25 = arith.constant 0 : index
    %get3A_26 = vector.load %arg3[%get3A_23, %get3A_24, %get3A_25] : memref<2x2000x16xf32, #tpu.memory_space<vmem>>, vector<1x2000x16xf32>
    %get3A_27 = vector.shape_cast %get3A_26 : vector<1x2000x16xf32> to vector<2000x16xf32>
    %add3A_28 = arith.addf %get3A_22, %get3A_27 : vector<2000x16xf32>
    %get3A_29 = arith.constant 0 : index
    %get3A_30 = arith.constant 0 : index
    %get3A_31 = vector.load %arg6[%get3A_29, %get3A_30] : memref<64x128xf32, #tpu.memory_space<vmem>>, vector<64x128xf32>
    %dot_general3A = arith.constant dense<0.000000e+00> : vector<2000x128xf32>
    %dot_general3A_32 = tpu.matmul %add3A_17, %get3A_31, %dot_general3A {dimension_numbers = #tpu.dot_dimension_numbers<[1], [0], [0], [1], [0, 0, 1, 1], [], []>, transpose_lhs_hint = false} : vector<2000x64xf32>, vector<64x128xf32>, vector<2000x128xf32> -> vector<2000x128xf32>
    %get3A_33 = arith.constant 0 : index
    %get3A_34 = arith.constant 0 : index
    %get3A_35 = vector.load %arg7[%get3A_33, %get3A_34] : memref<16x128xf32, #tpu.memory_space<vmem>>, vector<16x128xf32>
    %dot_general3A_36 = arith.constant dense<0.000000e+00> : vector<2000x128xf32>
    %dot_general3A_37 = tpu.matmul %add3A_28, %get3A_35, %dot_general3A_36 {dimension_numbers = #tpu.dot_dimension_numbers<[1], [0], [0], [1], [0, 0, 1, 1], [], []>, transpose_lhs_hint = false} : vector<2000x16xf32>, vector<16x128xf32>, vector<2000x128xf32> -> vector<2000x128xf32>
    %add3A_38 = arith.addf %dot_general3A_32, %dot_general3A_37 : vector<2000x128xf32>
    %div3A = vector.broadcast %max3A_6 : vector<2000x1xf32> to vector<2000x128xf32>
    %div3A_39 = arith.divf %add3A_38, %div3A : vector<2000x128xf32>
    %get3A_40 = arith.constant 0 : index
    %get3A_41 = arith.constant 0 : index
    %get3A_42 = vector.load %arg1[%get3A_40, %get3A_41] : memref<2000x64xf32, #tpu.memory_space<vmem>>, vector<2000x64xf32>
    %get3A_43 = arith.constant 0 : index
    %get3A_44 = arith.constant 0 : index
    %get3A_45 = vector.load %arg5[%get3A_43, %get3A_44] : memref<64x128xf32, #tpu.memory_space<vmem>>, vector<64x128xf32>
    %dot_general3A_46 = arith.constant dense<0.000000e+00> : vector<2000x128xf32>
    %dot_general3A_47 = tpu.matmul %get3A_42, %get3A_45, %dot_general3A_46 {dimension_numbers = #tpu.dot_dimension_numbers<[1], [0], [0], [1], [0, 0, 1, 1], [], []>, transpose_lhs_hint = false} : vector<2000x64xf32>, vector<64x128xf32>, vector<2000x128xf32> -> vector<2000x128xf32>
    %add3A_48 = arith.addf %dot_general3A_47, %div3A_39 : vector<2000x128xf32>
    %swap3A = arith.constant 0 : index
    %swap3A_49 = arith.constant 0 : index
    %swap3A_50 = vector.load %arg8[%swap3A, %swap3A_49] : memref<2000x128xf32, #tpu.memory_space<vmem>>, vector<2000x128xf32>
    tpu.vector_store %arg8[%swap3A, %swap3A_49], %add3A_48 {strides = array<i32>} : memref<2000x128xf32, #tpu.memory_space<vmem>>, vector<2000x128xf32>,
    return
  }
  func.func @transform_0(%arg0: i32) -> (i32, i32) {
    %c0_i32 = arith.constant 0 : i32
    %c0_i32_0 = arith.constant 0 : i32
    return %arg0, %c0_i32 : i32, i32
  }
  func.func @transform_1(%arg0: i32) -> (i32, i32, i32) {
    %c0_i32 = arith.constant 0 : i32
    %c0_i32_0 = arith.constant 0 : i32
    %c0_i32_1 = arith.constant 0 : i32
    return %c0_i32, %arg0, %c0_i32_0 : i32, i32, i32
  }
  func.func @transform_2(%arg0: i32) -> (i32, i32, i32) {
    %c0_i32 = arith.constant 0 : i32
    %c0_i32_0 = arith.constant 0 : i32
    %c0_i32_1 = arith.constant 0 : i32
    return %c0_i32, %arg0, %c0_i32_0 : i32, i32, i32
  }
  func.func @transform_3(%arg0: i32) -> (i32, i32, i32) {
    %c0_i32 = arith.constant 0 : i32
    %c0_i32_0 = arith.constant 0 : i32
    %c0_i32_1 = arith.constant 0 : i32
    return %c0_i32, %arg0, %c0_i32_0 : i32, i32, i32
  }
  func.func @transform_4(%arg0: i32) -> (i32, i32) {
    %c0_i32 = arith.constant 0 : i32
    %c0_i32_0 = arith.constant 0 : i32
    %c0_i32_1 = arith.constant 0 : i32
    return %c0_i32, %c0_i32_0 : i32, i32
  }
  func.func @transform_5(%arg0: i32) -> (i32, i32) {
    %c0_i32 = arith.constant 0 : i32
    %c0_i32_0 = arith.constant 0 : i32
    %c0_i32_1 = arith.constant 0 : i32
    return %c0_i32, %c0_i32_0 : i32, i32
  }
  func.func @transform_6(%arg0: i32) -> (i32, i32) {
    %c0_i32 = arith.constant 0 : i32
    %c0_i32_0 = arith.constant 0 : i32
    %c0_i32_1 = arith.constant 0 : i32
    return %c0_i32, %c0_i32_0 : i32, i32
  }
  func.func @transform_7(%arg0: i32) -> (i32, i32) {
    %c0_i32 = arith.constant 0 : i32
    %c0_i32_0 = arith.constant 0 : i32
    return %arg0, %c0_i32 : i32, i32
  }
}

</mosaic_0001>

<sc_bundles>
// kernel: kernel.10.cloned.1.call-start
scs
__scs_entry_jumppad:
0x0: {  	(pc) =	sbr.rel $0x88, $3  }
0x1: {  	(tag) =	ssettag $0x0;
	lr =	simm.s32 $0x1  }
0x2: {  	[smem:$0x3F9A] =	sst lr;
	_ =	strace $0xD0000000  }
0x3: {  	_ = 	snop  }
0x4: {  	_ = 	snop  }
0x5: {  	_ = 	snop  }
0x6: {  	_ = 	snop  }
0x7: {  	_ = 	snop  }
__scs_overlays_trampoline_lowered:
0x8: {  	[smem:$0x3FA9] =	sst s0  }
0x9: {  	[smem:$0x3FAA] =	sst s1  }
0xa: {  	[smem:$0x3FAB] =	sst s2  }
0xb: {  	[smem:$0x3FAC] =	sst s3  }
0xc: {  	[smem:$0x3FAD] =	sst s4  }
0xd: {  	[smem:$0x3FAE] =	sst s5  }
0xe: {  	[smem:$0x3FAF] =	sst s6  }
0xf: {  	[smem:$0x3FB0] =	sst s7  }
0x10: {  	[smem:$0x3FB1] =	sst s8  }
0x11: {  	[smem:$0x3FB2] =	sst s9;
	s0 =	simm.s32 @!p0 $0x0  }
0x12: {  	s1 =	sld [smem:$0x3F98];
	s0 =	simm.s32 @p0 $0x1  }
0x13: {  	[smem:$0x3FB3] =	sst s0;
	s0 =	simm.s32 @!p1 $0x0  }
0x14: {  	s2 =	sld [smem:$0x3F97];
	s0 =	simm.s32 @p1 $0x1  }
0x15: {  	[smem:$0x3FB4] =	sst s0;
	s0 =	simm.s32 @!p2 $0x0  }
0x16: {  	s3 =	sld [smem:$0x3FDB];
	s0 =	simm.s32 @p2 $0x1  }
0x17: {  	s4 =	simm.s32 $0x1BF5;
	[smem:$0x3FB6] =	sst s0  }
0x18: {  	s0 =	sld [smem:$0x3F99];
	_ =	swait.ge [sflag:s4], $0x0  }
0x19: {  	s7 =	sld [smem:$0x3F9A]  }
0x1a: {  	s8 =	sadd.s32 $0xFFFFE003, lr  }
0x1b: {  	s9 =	sadd.s32 $0xFFFFFEF7, lr;
	s5 =	simm.s32 $0xFFFFFFFF;
	p2 =	slt.u32 s8, $0xFFFFF086  }
0x1c: {  	p1 =	slt.u32 s9, $0xF7A;
	s5 =	simm.s32 @!p2 $0x0  }
0x1d: {  	s5 =	simm.s32 @p1 $0x1;
	p0 =	seq.s32 s7, s2  }
0x1e: {  	s7 =	smul.u32 @!p0 $0xF7A, s2;
	p2 =	seq.s32 @!p0 s5, $0x0  }
0x1f: {  	s9 =	smul.u32 $0xF7A, s1;
	s8 =	simm.s32 @!p0 $0x1BF5;
	p2 =	por !p2, p0  }
0x20: {  	[sflag:s8] =	ssyncset.s32 @!p0 $0xFFFFF086;
	s6 =	sadd.s32 @!p0 s3, s7;
	s7 =	simm.s32 @!p0 $0x108  }
0x21: {  	s3 =	sadd.s32 s3, s9;
	s6 =	sadd.s32 @!p0 $0x88, s6;
	s7 =	simm.s32 @p2 $0x1082  }
0x22: {  	[simem:s7], [sflag:s8] =	dma.local @!p0 [hbm:s6], $0xF7A  }
0x23: {  	s9 =	sor.u32 $0xD0000000, s2;
	s6 =	simm.s32 $0x108;
	_ =	swait.ge @!p0 [sflag:s8], $0x0  }
0x24: {  	s3 =	sadd.s32 $0x88, s3;
	s6 =	simm.s32 @!p1 $0x1082;
	[sflag:s4] =	ssyncset.s32 $0xFFFFF086  }
0x25: {  	[simem:s6], [sflag:s4] =	dma.local [hbm:s3], $0xF7A  }
0x26: {  	[smem:$0x3F9A] =	sst s1;
	(tag) =	ssettag s2;
	_ =	strace s9  }
0x27: {  	s1 =	sld [smem:$0x3FAA]  }
0x28: {  	s2 =	sld [smem:$0x3FAB]  }
0x29: {  	s4 =	sld [smem:$0x3FAD]  }
0x2a: {  	p0 =	seq.s32 s5, $0x0;
	s5 =	sld [smem:$0x3FAE]  }
0x2b: {  	s6 =	sld [smem:$0x3FAF]  }
0x2c: {  	s7 =	sld [smem:$0x3FB0]  }
0x2d: {  	s3 =	simm.s32 $0x108;
	s8 =	sld [smem:$0x3FB1]  }
0x2e: {  	s3 =	simm.s32 @!p0 $0x1082;
	s9 =	sld [smem:$0x3FB2]  }
0x2f: {  	lr =	sadd.s32 s0, s3;
	s0 =	sld [smem:$0x3FA9]  }
0x30: {  	s3 =	sld [smem:$0x3FAC]  }
0x31: {  	[smem:$0x3FB5] =	sst s10  }
0x32: {  	s10 =	sld [smem:$0x3FB3];
	_ =	sdelay $0x3  }
0x33: {  	p0 =	seq.s32 s10, $0x1;
	s10 =	sld [smem:$0x3FB5];
	_ =	sdelay $0x3  }
0x34: {  	[smem:$0x3FB5] =	sst s10  }
0x35: {  	s10 =	sld [smem:$0x3FB4];
	_ =	sdelay $0x3  }
0x36: {  	p1 =	seq.s32 s10, $0x1;
	s10 =	sld [smem:$0x3FB5];
	_ =	sdelay $0x3  }
0x37: {  	[smem:$0x3FB5] =	sst s10  }
0x38: {  	s10 =	sld [smem:$0x3FB6]  }
0x39: {  	_ = 	snop;
	(pc) =	sbr.ind lr, $3  }
0x3a: {  	_ = 	snop  }
0x3b: {  	_ = 	snop  }
0x3c: {  	p2 =	seq.s32 s10, $0x1;
	s10 =	sld [smem:$0x3FB5]  }
0x3d: {  	_ =	shalt  }
0x3e: {  	_ =	shalt  }
0x3f: {  	_ =	shalt  }
0x40: {  	_ =	shalt  }
0x41: {  	_ =	shalt  }
0x42: {  	_ =	shalt  }
0x43: {  	_ =	shalt  }
0x44: {  	_ =	shalt  }
0x45: {  	_ =	shalt  }
0x46: {  	_ =	shalt  }
0x47: {  	_ =	shalt  }
0x48: {  	_ =	shalt  }
0x49: {  	_ =	shalt  }
0x4a: {  	_ =	shalt  }
0x4b: {  	_ =	shalt  }
0x4c: {  	_ =	shalt  }
0x4d: {  	_ =	shalt  }
0x4e: {  	_ =	shalt  }
0x4f: {  	_ =	shalt  }
0x50: {  	_ =	shalt  }
0x51: {  	_ =	shalt  }
0x52: {  	_ =	shalt  }
0x53: {  	_ =	shalt  }
0x54: {  	_ =	shalt  }
0x55: {  	_ =	shalt  }
0x56: {  	_ =	shalt  }
0x57: {  	_ =	shalt  }
0x58: {  	_ =	shalt  }
0x59: {  	_ =	shalt  }
0x5a: {  	_ =	shalt  }
0x5b: {  	_ =	shalt  }
0x5c: {  	_ =	shalt  }
0x5d: {  	_ =	shalt  }
0x5e: {  	_ =	shalt  }
0x5f: {  	_ =	shalt  }
0x60: {  	_ =	shalt  }
0x61: {  	_ =	shalt  }
0x62: {  	_ =	shalt  }
0x63: {  	_ =	shalt  }
0x64: {  	_ =	shalt  }
0x65: {  	_ =	shalt  }
0x66: {  	_ =	shalt  }
0x67: {  	_ =	shalt  }
0x68: {  	_ =	shalt  }
0x69: {  	_ =	shalt  }
0x6a: {  	_ =	shalt  }
0x6b: {  	_ =	shalt  }
0x6c: {  	_ =	shalt  }
0x6d: {  	_ =	shalt  }
0x6e: {  	_ =	shalt  }
0x6f: {  	_ =	shalt  }
0x70: {  	_ =	shalt  }
0x71: {  	_ =	shalt  }
0x72: {  	_ =	shalt  }
0x73: {  	_ =	shalt  }
0x74: {  	_ =	shalt  }
0x75: {  	_ =	shalt  }
0x76: {  	_ =	shalt  }
0x77: {  	_ =	shalt  }
0x78: {  	_ =	shalt  }
0x79: {  	_ =	shalt  }
0x7a: {  	_ =	shalt  }
0x7b: {  	_ =	shalt  }
0x7c: {  	_ =	shalt  }
0x7d: {  	_ =	shalt  }
0x7e: {  	_ =	shalt  }
0x7f: {  	_ =	shalt  }
0x80: {  	_ =	shalt  }
0x81: {  	_ =	shalt  }
0x82: {  	_ =	shalt  }
0x83: {  	_ =	shalt  }
0x84: {  	_ =	shalt  }
0x85: {  	_ =	shalt  }
0x86: {  	_ =	shalt  }
0x87: {  	_ =	shalt  }
.Lfunc_end0:
.L_simem_size_0:
called_computation.1_lowered:
.L_overlay_start_0:
0x88: {  	s2 =	sld [smem:$0x3FD9]  }
0x89: {  	s3 =	sld [smem:$0x3FFE];
	_ =	sdelay $0x1  }
0x8a: {  	s1 =	srdreg.scid  }
0x8b: {  	s0 =	sand.u32 $0x1, s1  }
0x8c: {  	s17 =	sshll.u32 s0, $0xA;
	s2 =	sadd.s32 s3, s2  }
0x8d: {  	s2 =	sadd.s32 s2, s17  }
0x8e: {  	[smem:$0x3FC1] =	sst s2  }
0x8f: {  	_ = 	snop  }
0x90: {  	s2 =	sld [smem:$0x3FD0];
	(tm) =	ssettm $0x1  }
0x91: {  	s18 =	sld [smem:$0x3FFB];
	_ =	sdelay $0x3  }
0x92: {  	_ =	strace s18  }
0x93: {  	s3 =	sld [smem:$0x3FFC];
	_ =	sdelay $0x3  }
0x94: {  	_ =	strace s3  }
0x95: {  	s3 =	sld [smem:$0x3FFD];
	_ =	sdelay $0x3  }
0x96: {  	_ =	strace s3  }
0x97: {  	_ =	strace $0x8FFFFFFF  }
0x98: {  	s19 =	sld [smem:$0x3FDB];
	_ =	sdelay $0x1  }
0x99: {  	s4 =	simm.s32 $_scs_section_size  }
0x9a: {  	s5 =	simm.s32 $_size__tile_overlayer_lowered;
	s6 =	simm.s32 $_tile_overlayer_lowered  }
0x9b: {  	s22 =	simm.s32 $0x1BFF;
	s21 =	sshll.u32 s6, $0x1;
	s3 =	sadd.s32 s4, s19  }
0x9c: {  	s7 =	simm.s32 $0x0;
	s20 =	sshll.u32 s5, $0x1;
	s5 =	sadd.s32 s21, s3  }
0x9d: {  	[timem:s7], [sflag:s22] =	dma.local [hbm:s5], s20  }
0x9e: {  	_ =	swait.ge [sflag:s22], s20  }
0x9f: {  	s4 =	ssub.s32 $0x0, s20;
	[sflag:s22] =	ssyncset.done $0x0  }
0xa0: {  	[sflag:s22] =	ssyncadd.s32 s4;
	_ =	sdelay $0x1  }
0xa1: {  	s23 =	simm.s32 $0x1B8B  }
0xa2: {  	_ =	swait.ge [sflag:s23], $0x1  }
0xa3: {  	[sflag:s23] =	ssyncset.done $0x0  }
0xa4: {  	s25 =	simm.s32 $0x1B8E;
	s24 =	sld [smem:$0x3FFE];
	[sflag:s23] =	ssyncadd.s32 $0xFFFFFFFF  }
0xa5: {  	s26 =	simm.s32 $execute0_lowered;
	[smem:$0x3FD2] =	sst s25  }
0xa6: {  	s5 =	sshll.u32 s26, $0x1;
	_ =	strace $0x80000049;
	[dreg:$0x1] =	wrdreg $0xFFFFFFFF  }
0xa7: {  	s28 =	simm.s32 $_size_execute0_lowered;
	s3 =	sadd.s32 s3, s5;
	[dreg:$0x0] =	wrdreg $0x0  }
0xa8: {  	s5 =	sshll.u32 s28, $0x1;
	[dreg:$0x2] =	wrdreg s3  }
0xa9: {  	[dreg:$0x3] =	wrdreg s5  }
0xaa: {  	[dreg:$0x4] =	wrdreg $0xC0  }
0xab: {  	_ =	task [dreg:s7], $0x5FFFF  }
0xac: {  	[dreg:$0x1] =	wrdreg $0xFFFFFFFF  }
0xad: {  	[dreg:$0x0] =	wrdreg $0x60  }
0xae: {  	[dreg:$0x2] =	wrdreg s2  }
0xaf: {  	[dreg:$0x3] =	wrdreg s24  }
0xb0: {  	[dreg:$0x4] =	wrdreg $0x46200  }
0xb1: {  	[dreg:$0x5] =	wrdreg $0x9  }
0xb2: {  	_ =	task.clear_ibuf [dreg:s7], $0x6FFFF;
	_ =	strace $0x90000049  }
0xb3: {  	s29 =	simm.s32 $0x9;
	_ =	strace $0x8000004B  }
0xb4: {  	_ =	swait.ge [sflag:s29], $0x1  }
0xb5: {  	[sflag:s29] =	ssyncadd.s32 $0xFFFFFFFF  }
0xb6: {  	_ =	strace $0x9000004B  }
0xb7: {  	_ =	sfence  }
0xb8: {  	s30 =	sld [smem:$0x0];
	_ =	sdelay $0x2  }
0xb9: {  	s31 =	sshll.u32 s1, $0xD;
	s1 =	sshrl.u32 s1, $0x2  }
0xba: {  	s3 =	sand.u32 $0x4000, s31;
	s1 =	sadd.s32 s1, s30  }
0xbb: {  	s0 =	sor.u32 s3, s0;
	s1 =	sshll.u32 s1, $0x11  }
0xbc: {  	s0 =	sor.u32 s1, s0  }
0xbd: {  	s0 =	sadd.s32 $0x8F2B, s0  }
0xbe: {  	[sflag:s0] =	ssyncadd.remote.s32 $0x1  }
0xbf: {  	_ =	sfence.sel $0xFFFF  }
0xc0: {  	[dreg:$0x0] =	wrdreg $0xFFFFFFFF;
	(pc) =	sbr.abs _section_cstart, $3  }
0xc1: {  	[dreg:$0x1] =	wrdreg $0xFFFFFFFF  }
0xc2: {  	_ =	task.clear_ibuf [dreg:s7], $0x2FFFF;
	_ =	strace $0x9FFFFFFF  }
0xc3: {  	(tm) =	ssettm $0x7FFFFFFF  }
tec
execute0_lowered:
.L_overlay_start_1:
0x0: {  	(tag) =	ssettag $0x1  }
0x1: {  	s1 =	rddreg [dreg:$0x0]  }
0x2: {  	s0 =	rddreg [dreg:$0x1]  }
0x3: {  	s3 =	rddreg [dreg:$0x2];
	s4 =	simm.s32 $0x0;
	s2 =	srdreg.scid  }
0x4: {  	s12 =	stileid.u32;
	s28 =	simm.s32 $0x80;
	s29 =	simm.s32 $0x200  }
0x5: {  	s30 =	simm.s32 $0x180;
	s31 =	simm.s32 $0x3;
	[smem:$0x7FF] =	sst s4  }
0x6: {  	s2 =	sand.u32 $0x1, s2;
	s5 =	smul.u32 $0xA000, s12;
	s8 =	sadd.s32 $0xB400, s0  }
0x7: {  	s9 =	sadd.s32 $0x1600, s0;
	s13 =	sadd.s32 $0xB1600, s0;
	s20 =	smul.u32 $0x2710, s12  }
0x8: {  	s25 =	sshll.u32 s12, $0x6;
	_ =	strace $0x8000004A;
	s6 =	smul.u32 $0xA0000, s2  }
0x9: {  	s7 =	sshll.u32 s2, $0x4;
	s10 =	ssub.s32 $0x2, s2;
	[dreg:$0x4] =	wrdreg s13  }
0xa: {  	s17 =	smul.u32 $0x27100, s2;
	s7 =	sor.u32 s12, s7;
	s11 =	sshrl.u32 s10, $0x1  }
0xb: {  	s12 =	simm.s32 $0x4220;
	s6 =	sadd.s32 s5, s6;
	s7 =	smul.u32 $0x2710, s7  }
0xc: {  	s24 =	ssub.s32 s10, s11;
	s5 =	sadd.s32 s5, s3;
	s10 =	simm.s32 $0x4210  }
0xd: {  	s6 =	sshrl.u32 s6, $0x3;
	[dreg:$0x5] =	wrdreg s5;
	s16 =	smax.u32 s24, $0x1  }
0xe: {  	s0 =	sadd.s32 s6, s0;
	s26 =	sshrl.u32 s7, $0x3;
	s7 =	sor.u32 $0x1C07, s25  }
0xf: {  	[dreg:$0xb] =	wrdreg s16;
	s6 =	simm.s32 $0x4;
	s11 =	sadd.s32 s8, s26  }
0x10: {  	s13 =	sadd.s32 $0x4E0, s26;
	s14 =	sadd.s32 s9, s26;
	[dreg:$0x6] =	wrdreg s11  }
0x11: {  	s0 =	sadd.s32 $0x65200, s0;
	s18 =	sadd.s32 $0x10, s26;
	[dreg:$0x7] =	wrdreg s14  }
0x12: {  	s19 =	sadd.s32 $0x20, s26;
	s15 =	sadd.s32 s8, s13;
	[dreg:$0xa] =	wrdreg s0  }
0x13: {  	s24 =	sadd.s32 $0x4D0, s26;
	s5 =	sadd.s32 s9, s13;
	[dreg:$0x8] =	wrdreg s15  }
0x14: {  	s21 =	sadd.s32 s8, s18;
	s2 =	sadd.s32 s9, s18;
	[dreg:$0x9] =	wrdreg s5  }
0x15: {  	s22 =	sadd.s32 s8, s19;
	s23 =	sadd.s32 s9, s19;
	[dreg:$0xc] =	wrdreg s21  }
0x16: {  	s0 =	sadd.s32 s20, s17;
	s18 =	sadd.s32 s8, s24;
	[dreg:$0xd] =	wrdreg s2  }
0x17: {  	s19 =	sadd.s32 s9, s24;
	s24 =	simm.s32 $0x7;
	[dreg:$0xe] =	wrdreg s22  }
0x18: {  	s11 =	simm.s32 $0x10;
	s13 =	simm.s32 $0x0;
	[dreg:$0xf] =	wrdreg s23  }
0x19: {  	s25 =	sadd.s32 $0x200, s0;
	s0 =	sadd.s32 $0x180, s0;
	s2 =	simm.s32 $0x2200  }
0x1a: {  	s5 =	simm.s32 $0x5;
	s26 =	sshrl.u32 s25, $0x3;
	s0 =	sshrl.u32 s0, $0x3  }
0x1b: {  	s25 =	simm.s32 $0x100;
	s20 =	sadd.s32 s26, s9;
	s21 =	sadd.s32 s26, s8  }
0x1c: {  	s22 =	sadd.s32 s0, s9;
	s23 =	sadd.s32 s0, s8;
	s26 =	simm.s32 $0x1  }
0x1d: {  	s0 =	simm.s32 $0x2;
	s8 =	simm.s32 $0x6;
	s9 =	simm.s32 $0x4200  }
.LBB2_1:
0x1e: {  	s14 =	rddreg [dreg:$0x5]  }
0x1f: {  	s15 =	rddreg [dreg:$0x4];
	s14 =	sshrl.u32 s14, $0x3  }
0x20: {  	[spmem:s14], [sflag:s7] =	dma.local [hbm:s15], $0x1400  }
0x21: {  	_ =	swait.ge [sflag:s24], $0x1400  }
0x22: {  	[sflag:s24] =	ssyncset.done $0x0  }
0x23: {  	[sflag:s24] =	ssyncadd.s32 $0xFFFFEC00  }
0x24: {  	[bflag:$0x0] =	sbarrier.arrive $0xFFFF  }
0x25: {  	s16 =	rddreg [dreg:$0x6]  }
0x26: {  	[tilespmem:s4], [sflag:$0x1] =	stream.linear.gather [hbm4b:s16+s4], $0x80, $0x38;
	[tilespmem:$0xE620] =	vst v63  }
0x27: {  	s17 =	rddreg [dreg:$0x7]  }
0x28: {  	[tilespmem:s25], [sflag:$0x1] =	stream.linear.gather [hbm4b:s17+s4], $0x80, $0x38;
	[tilespmem:$0xE620] =	vst v63  }
0x29: {  	_ =	swait.ge [sflag:s26], $0x80  }
0x2a: {  	[sflag:s26] =	ssyncset.done $0x0  }
0x2b: {  	[sflag:s26] =	ssyncadd.s32 $0xFFFFFF80  }
0x2c: {  	_ =	swait.ge [sflag:s26], $0x80  }
0x2d: {  	[sflag:s26] =	ssyncset.done $0x0  }
0x2e: {  	[sflag:s26] =	ssyncadd.s32 $0xFFFFFF80  }
0x2f: {  	[tilespmem:s29], [sflag:$0x3] =	stream.indirect.gather [hbm4b:s1+s28], $0x40, s4, s28, $0xb8;
	[tilespmem:$0xE620] =	vst v63  }
0x30: {  	s16 =	rddreg [dreg:$0xc]  }
0x31: {  	[tilespmem:s28], [sflag:$0x2] =	stream.linear.gather [hbm4b:s16+s4], $0x80, $0x38;
	[tilespmem:$0xE620] =	vst v63  }
0x32: {  	s17 =	rddreg [dreg:$0xd]  }
0x33: {  	[tilespmem:s30], [sflag:$0x2] =	stream.linear.gather [hbm4b:s17+s4], $0x80, $0x38;
	[tilespmem:$0xE620] =	vst v63  }
0x34: {  	_ =	swait.ge [sflag:s31], $0x2000  }
0x35: {  	[sflag:s31] =	ssyncset.done $0x0  }
0x36: {  	[sflag:s31] =	ssyncadd.s32 $0xFFFFE000  }
0x37: {  	[spmem:s3] =	stream.indirect.scatter.add.f32 [tilespmem:s29], [sflag:$0x5], $0x40, s25, s28, $0xb8;
	[tilespmem:$0xE620] =	vst v63  }
0x38: {  	_ =	swait.ge [sflag:s0], $0x80  }
0x39: {  	[sflag:s0] =	ssyncset.done $0x0  }
0x3a: {  	[sflag:s0] =	ssyncadd.s32 $0xFFFFFF80  }
0x3b: {  	_ =	swait.ge [sflag:s0], $0x80  }
0x3c: {  	[sflag:s0] =	ssyncset.done $0x0  }
0x3d: {  	[sflag:s0] =	ssyncadd.s32 $0xFFFFFF80  }
0x3e: {  	[tilespmem:s2], [sflag:$0x4] =	stream.indirect.gather [hbm4b:s1+s28], $0x40, s28, s28, $0xb8;
	[tilespmem:$0xE620] =	vst v63  }
0x3f: {  	_ =	swait.ge [sflag:s5], $0x2000  }
0x40: {  	[sflag:s5] =	ssyncset.done $0x0  }
0x41: {  	s16 =	rddreg [dreg:$0xe];
	[sflag:s5] =	ssyncadd.s32 $0xFFFFE000  }
0x42: {  	[tilespmem:s4], [sflag:$0x1] =	stream.linear.gather [hbm4b:s16+s4], $0x80, $0x38;
	[tilespmem:$0xE620] =	vst v63  }
0x43: {  	s17 =	rddreg [dreg:$0xf]  }
0x44: {  	[tilespmem:s25], [sflag:$0x1] =	stream.linear.gather [hbm4b:s17+s4], $0x80, $0x38;
	[tilespmem:$0xE620] =	vst v63  }
0x45: {  	_ =	swait.ge [sflag:s6], $0x2000  }
0x46: {  	[sflag:s6] =	ssyncset.done $0x0  }
0x47: {  	[sflag:s6] =	ssyncadd.s32 $0xFFFFE000  }
0x48: {  	[spmem:s3] =	stream.indirect.scatter.add.f32 [tilespmem:s2], [sflag:$0x6], $0x40, s30, s28, $0xb8;
	[tilespmem:$0xE620] =	vst v63  }
0x49: {  	_ =	swait.ge [sflag:s26], $0x80  }
0x4a: {  	[sflag:s26] =	ssyncset.done $0x0  }
0x4b: {  	[sflag:s26] =	ssyncadd.s32 $0xFFFFFF80  }
0x4c: {  	_ =	swait.ge [sflag:s26], $0x80  }
0x4d: {  	[sflag:s26] =	ssyncset.done $0x0  }
0x4e: {  	[sflag:s26] =	ssyncadd.s32 $0xFFFFFF80  }
0x4f: {  	[tilespmem:s29], [sflag:$0x3] =	stream.indirect.gather [hbm4b:s1+s28], $0x40, s4, s28, $0xb8;
	[tilespmem:$0xE620] =	vst v63  }
0x50: {  	_ =	swait.ge [sflag:s8], $0x2000  }
0x51: {  	[sflag:s8] =	ssyncset.done $0x0  }
0x52: {  	s16 =	sadd.s32 $0x0, s23;
	[sflag:s8] =	ssyncadd.s32 $0xFFFFE000  }
0x53: {  	[tilespmem:s28], [sflag:$0x2] =	stream.linear.gather [hbm4b:s16+s4], $0x80, $0x38;
	[tilespmem:$0xE620] =	vst v63  }
0x54: {  	s17 =	sadd.s32 $0x0, s22  }
0x55: {  	[tilespmem:s30], [sflag:$0x2] =	stream.linear.gather [hbm4b:s17+s4], $0x80, $0x38;
	[tilespmem:$0xE620] =	vst v63  }
0x56: {  	_ =	swait.ge [sflag:s31], $0x2000  }
0x57: {  	[sflag:s31] =	ssyncset.done $0x0  }
0x58: {  	[sflag:s31] =	ssyncadd.s32 $0xFFFFE000  }
0x59: {  	[spmem:s3] =	stream.indirect.scatter.add.f32 [tilespmem:s29], [sflag:$0x5], $0x40, s25, s28, $0xb8;
	[tilespmem:$0xE620] =	vst v63  }
0x5a: {  	_ =	swait.ge [sflag:s0], $0x80  }
0x5b: {  	[sflag:s0] =	ssyncset.done $0x0  }
0x5c: {  	[sflag:s0] =	ssyncadd.s32 $0xFFFFFF80  }
0x5d: {  	_ =	swait.ge [sflag:s0], $0x80  }
0x5e: {  	[sflag:s0] =	ssyncset.done $0x0  }
0x5f: {  	[sflag:s0] =	ssyncadd.s32 $0xFFFFFF80  }
0x60: {  	[tilespmem:s2], [sflag:$0x4] =	stream.indirect.gather [hbm4b:s1+s28], $0x40, s28, s28, $0xb8;
	[tilespmem:$0xE620] =	vst v63  }
0x61: {  	_ =	swait.ge [sflag:s5], $0x2000  }
0x62: {  	[sflag:s5] =	ssyncset.done $0x0  }
0x63: {  	s16 =	sadd.s32 $0x0, s21;
	[sflag:s5] =	ssyncadd.s32 $0xFFFFE000  }
0x64: {  	[tilespmem:s4], [sflag:$0x1] =	stream.linear.gather [hbm4b:s16+s4], $0x80, $0x38;
	[tilespmem:$0xE620] =	vst v63  }
0x65: {  	s17 =	sadd.s32 $0x0, s20  }
0x66: {  	[tilespmem:s25], [sflag:$0x1] =	stream.linear.gather [hbm4b:s17+s4], $0x80, $0x38;
	[tilespmem:$0xE620] =	vst v63  }
0x67: {  	_ =	swait.ge [sflag:s6], $0x2000  }
0x68: {  	[sflag:s6] =	ssyncset.done $0x0  }
0x69: {  	s15 =	simm.s32 $0x20;
	[sflag:s6] =	ssyncadd.s32 $0xFFFFE000  }
.LBB2_2:
0x6a: {  	[spmem:s3] =	stream.indirect.scatter.add.f32 [tilespmem:s2], [sflag:$0x6], $0x40, s30, s28, $0xb8;
	[tilespmem:$0xE620] =	vst v63  }
0x6b: {  	s16 =	smov.u32 s15  }
0x6c: {  	p0 =	sne.s32 s15, $0x480;
	s15 =	sadd.s32 $0x20, s15;
	_ =	swait.ge [sflag:s26], $0x80  }
0x6d: {  	[sflag:s26] =	ssyncset.done $0x0  }
0x6e: {  	[sflag:s26] =	ssyncadd.s32 $0xFFFFFF80  }
0x6f: {  	_ =	swait.ge [sflag:s26], $0x80  }
0x70: {  	[sflag:s26] =	ssyncset.done $0x0  }
0x71: {  	[sflag:s26] =	ssyncadd.s32 $0xFFFFFF80  }
0x72: {  	[tilespmem:s29], [sflag:$0x3] =	stream.indirect.gather [hbm4b:s1+s28], $0x40, s4, s28, $0xb8;
	[tilespmem:$0xE620] =	vst v63  }
0x73: {  	_ =	swait.ge [sflag:s8], $0x2000  }
0x74: {  	[sflag:s8] =	ssyncset.done $0x0  }
0x75: {  	s17 =	sadd.s32 s16, s23;
	[sflag:s8] =	ssyncadd.s32 $0xFFFFE000  }
0x76: {  	[tilespmem:s28], [sflag:$0x2] =	stream.linear.gather [hbm4b:s17+s4], $0x80, $0x38;
	[tilespmem:$0xE620] =	vst v63  }
0x77: {  	s17 =	sadd.s32 s16, s22  }
0x78: {  	[tilespmem:s30], [sflag:$0x2] =	stream.linear.gather [hbm4b:s17+s4], $0x80, $0x38;
	[tilespmem:$0xE620] =	vst v63  }
0x79: {  	_ =	swait.ge [sflag:s31], $0x2000  }
0x7a: {  	[sflag:s31] =	ssyncset.done $0x0  }
0x7b: {  	[sflag:s31] =	ssyncadd.s32 $0xFFFFE000  }
0x7c: {  	[spmem:s3] =	stream.indirect.scatter.add.f32 [tilespmem:s29], [sflag:$0x5], $0x40, s25, s28, $0xb8;
	[tilespmem:$0xE620] =	vst v63  }
0x7d: {  	_ =	swait.ge [sflag:s0], $0x80  }
0x7e: {  	[sflag:s0] =	ssyncset.done $0x0  }
0x7f: {  	[sflag:s0] =	ssyncadd.s32 $0xFFFFFF80  }
0x80: {  	_ =	swait.ge [sflag:s0], $0x80  }
0x81: {  	[sflag:s0] =	ssyncset.done $0x0  }
0x82: {  	[sflag:s0] =	ssyncadd.s32 $0xFFFFFF80  }
0x83: {  	[tilespmem:s2], [sflag:$0x4] =	stream.indirect.gather [hbm4b:s1+s28], $0x40, s28, s28, $0xb8;
	[tilespmem:$0xE620] =	vst v63  }
0x84: {  	_ =	swait.ge [sflag:s5], $0x2000  }
0x85: {  	[sflag:s5] =	ssyncset.done $0x0  }
0x86: {  	s17 =	sadd.s32 s16, s21;
	[sflag:s5] =	ssyncadd.s32 $0xFFFFE000  }
0x87: {  	[tilespmem:s4], [sflag:$0x1] =	stream.linear.gather [hbm4b:s17+s4], $0x80, $0x38;
	[tilespmem:$0xE620] =	vst v63  }
.Ltmp0:
0x88: {  	s16 =	sadd.s32 s16, s20;
	(pc) =	sbr.rel @p0 .LBB2_2-.Ltmp0, $4  }
0x89: {  	[tilespmem:s25], [sflag:$0x1] =	stream.linear.gather [hbm4b:s16+s4], $0x80, $0x38;
	[tilespmem:$0xE620] =	vst v63  }
0x8a: {  	_ =	swait.ge [sflag:s6], $0x2000  }
0x8b: {  	[sflag:s6] =	ssyncset.done $0x0  }
0x8c: {  	[sflag:s6] =	ssyncadd.s32 $0xFFFFE000  }
0x8d: {  	[spmem:s3] =	stream.indirect.scatter.add.f32 [tilespmem:s2], [sflag:$0x6], $0x40, s30, s28, $0xb8;
	[tilespmem:$0xE620] =	vst v63  }
0x8e: {  	_ =	swait.ge [sflag:s26], $0x80  }
0x8f: {  	[sflag:s26] =	ssyncset.done $0x0  }
0x90: {  	[sflag:s26] =	ssyncadd.s32 $0xFFFFFF80  }
0x91: {  	_ =	swait.ge [sflag:s26], $0x80  }
0x92: {  	[sflag:s26] =	ssyncset.done $0x0  }
0x93: {  	[sflag:s26] =	ssyncadd.s32 $0xFFFFFF80  }
0x94: {  	[tilespmem:s29], [sflag:$0x3] =	stream.indirect.gather [hbm4b:s1+s28], $0x40, s4, s28, $0xb8;
	[tilespmem:$0xE620] =	vst v63  }
0x95: {  	_ =	swait.ge [sflag:s8], $0x2000  }
0x96: {  	[sflag:s8] =	ssyncset.done $0x0  }
0x97: {  	[sflag:s8] =	ssyncadd.s32 $0xFFFFE000  }
0x98: {  	[tilespmem:s28], [sflag:$0x2] =	stream.linear.gather [hbm4b:s18+s4], $0x80, $0x38;
	[tilespmem:$0xE620] =	vst v63  }
0x99: {  	_ = 	snop  }
0x9a: {  	[tilespmem:s30], [sflag:$0x2] =	stream.linear.gather [hbm4b:s19+s4], $0x80, $0x38;
	[tilespmem:$0xE620] =	vst v63  }
0x9b: {  	_ =	swait.ge [sflag:s31], $0x2000  }
0x9c: {  	[sflag:s31] =	ssyncset.done $0x0  }
0x9d: {  	[sflag:s31] =	ssyncadd.s32 $0xFFFFE000  }
0x9e: {  	[spmem:s3] =	stream.indirect.scatter.add.f32 [tilespmem:s29], [sflag:$0x5], $0x40, s25, s28, $0xb8;
	[tilespmem:$0xE620] =	vst v63  }
0x9f: {  	_ =	swait.ge [sflag:s0], $0x80  }
0xa0: {  	[sflag:s0] =	ssyncset.done $0x0  }
0xa1: {  	[sflag:s0] =	ssyncadd.s32 $0xFFFFFF80  }
0xa2: {  	_ =	swait.ge [sflag:s0], $0x80  }
0xa3: {  	[sflag:s0] =	ssyncset.done $0x0  }
0xa4: {  	[sflag:s0] =	ssyncadd.s32 $0xFFFFFF80  }
0xa5: {  	[tilespmem:s2], [sflag:$0x4] =	stream.indirect.gather [hbm4b:s1+s28], $0x40, s28, s28, $0xb8;
	[tilespmem:$0xE620] =	vst v63  }
0xa6: {  	_ =	swait.ge [sflag:s5], $0x2000  }
0xa7: {  	[sflag:s5] =	ssyncset.done $0x0  }
0xa8: {  	[sflag:s5] =	ssyncadd.s32 $0xFFFFE000  }
0xa9: {  	_ =	swait.ge [sflag:s6], $0x2000  }
0xaa: {  	[sflag:s6] =	ssyncset.done $0x0  }
0xab: {  	[sflag:s6] =	ssyncadd.s32 $0xFFFFE000  }
0xac: {  	[spmem:s3] =	stream.indirect.scatter.add.f32 [tilespmem:s2], [sflag:$0x6], $0x40, s30, s28, $0xb8;
	[tilespmem:$0xE620] =	vst v63  }
0xad: {  	s15 =	rddreg [dreg:$0x8]  }
0xae: {  	[tilespmem:s9], [sflag:$0x7] =	stream.linear.gather [hbm4b:s15+s4], $0x10, $0x38;
	[tilespmem:$0xE620] =	vst v63  }
0xaf: {  	_ =	swait.ge [sflag:s24], $0x10  }
0xb0: {  	[sflag:s24] =	ssyncset.done $0x0  }
0xb1: {  	s17 =	rddreg [dreg:$0x9];
	[sflag:s24] =	ssyncadd.s32 $0xFFFFFFF0  }
0xb2: {  	[tilespmem:s10], [sflag:$0x7] =	stream.linear.gather [hbm4b:s17+s4], $0x10, $0x38;
	[tilespmem:$0xE620] =	vst v63  }
0xb3: {  	_ =	swait.ge [sflag:s24], $0x10  }
0xb4: {  	[sflag:s24] =	ssyncset.done $0x0  }
0xb5: {  	[sflag:s24] =	ssyncadd.s32 $0xFFFFFFF0  }
0xb6: {  	[tilespmem:s12], [sflag:$0x7] =	stream.indirect.gather [hbm4b:s1+s11], $0x40, s9, s11, $0xb8;
	[tilespmem:$0xE620] =	vst v63  }
0xb7: {  	_ =	swait.ge [sflag:s24], $0x400  }
0xb8: {  	[sflag:s24] =	ssyncset.done $0x0  }
0xb9: {  	[sflag:s24] =	ssyncadd.s32 $0xFFFFFC00  }
0xba: {  	[spmem:s3] =	stream.indirect.scatter.add.f32 [tilespmem:s12], [sflag:$0x7], $0x40, s10, s11, $0xb8;
	[tilespmem:$0xE620] =	vst v63  }
0xbb: {  	_ =	swait.ge [sflag:s24], $0x400  }
0xbc: {  	[sflag:s24] =	ssyncset.done $0x0  }
0xbd: {  	[sflag:s24] =	ssyncadd.s32 $0xFFFFFC00  }
0xbe: {  	_ =	swait.ge [sflag:s8], $0x2000  }
0xbf: {  	[sflag:s8] =	ssyncset.done $0x0  }
0xc0: {  	[sflag:s8] =	ssyncadd.s32 $0xFFFFE000  }
0xc1: {  	[bflag:$0x0] =	sbarrier.arrive $0xFFFF  }
0xc2: {  	s16 =	rddreg [dreg:$0xa]  }
0xc3: {  	[hbm:s16], [sflag:s7] =	dma.local [spmem:s14], $0x1400  }
0xc4: {  	_ =	swait.ge [sflag:s24], $0x1400  }
0xc5: {  	s13 =	sadd.s32 $0x1, s13;
	s17 =	rddreg [dreg:$0xb]  }
0xc6: {  	p0 =	sne.s32 s13, s17  }
.Ltmp1:
0xc7: {  	_ = 	snop;
	(pc) =	sbr.rel @p0 .LBB2_1-.Ltmp1, $3  }
0xc8: {  	_ =	sdelay $0x1  }
0xc9: {  	[sflag:s24] =	ssyncset.done $0x0  }
0xca: {  	[sflag:s24] =	ssyncadd.s32 $0xFFFFEC00  }
0xcb: {  	_ =	sfence.sel $0x180000  }
0xcc: {  	[bflag:$0x0] =	sbarrier.arrive $0xFFFF  }
0xcd: {  	_ =	strace $0x9000004A  }
0xce: {  	s0 =	stileid.u32;
	[bflag:$0x2] =	sbarrier.arrive $0xFFFF  }
0xcf: {  	p0 =	sne.s32 s0, $0x0;
	s0 =	rddreg [dreg:$0x3]  }
0xd0: {  	s0 =	sadd.s32 @!p0 $0x100000, s0  }
0xd1: {  	[sflag:s0] =	ssyncadd.tile.s32 @!p0 $0x1;
	_ =	shalt  }
.Lfunc_end2:
_tile_overlayer_lowered:
.L_overlay_start_2:
0xd2: {  	(tag) =	ssettag $0x2  }
0xd3: {  	s0 =	rddreg [dreg:$0x0];
	s2 =	stileid.u32  }
0xd4: {  	s1 =	rddreg [dreg:$0x1];
	p0 =	sne.s32 s2, $0x0  }
0xd5: {  	s3 =	rddreg [dreg:$0x2];
	[bflag:$0x3] =	sbarrier.arrive $0xFFFF;
	s2 =	simm.s32 @!p0 $0x1C07  }
0xd6: {  	[timem:s3], [sflag:s2] =	dma.local @!p0 [hbm:s0], s1  }
0xd7: {  	s0 =	simm.s32 @!p0 $0x7  }
0xd8: {  	_ =	swait.ge @!p0 [sflag:s0], s1  }
0xd9: {  	s1 =	ssub.s32 @!p0 $0x0, s1;
	[sflag:s0] =	ssyncset.done @!p0 $0x0  }
0xda: {  	[sflag:s0] =	ssyncadd.s32 @!p0 s1  }
0xdb: {  	[bflag:$0x3] =	sbarrier.arrive $0xFFFF  }
0xdc: {  	_ =	shalt  }

// kernel: kernel.7.cloned.1.call-start
scs
__scs_entry_jumppad:
0x0: {  	(pc) =	sbr.rel $0x88, $3  }
0x1: {  	(tag) =	ssettag $0x0;
	lr =	simm.s32 $0x1  }
0x2: {  	[smem:$0x3F9A] =	sst lr;
	_ =	strace $0xD0000000  }
0x3: {  	_ = 	snop  }
0x4: {  	_ = 	snop  }
0x5: {  	_ = 	snop  }
0x6: {  	_ = 	snop  }
0x7: {  	_ = 	snop  }
__scs_overlays_trampoline_lowered:
0x8: {  	[smem:$0x3FA9] =	sst s0  }
0x9: {  	[smem:$0x3FAA] =	sst s1  }
0xa: {  	[smem:$0x3FAB] =	sst s2  }
0xb: {  	[smem:$0x3FAC] =	sst s3  }
0xc: {  	[smem:$0x3FAD] =	sst s4  }
0xd: {  	[smem:$0x3FAE] =	sst s5  }
0xe: {  	[smem:$0x3FAF] =	sst s6  }
0xf: {  	[smem:$0x3FB0] =	sst s7  }
0x10: {  	[smem:$0x3FB1] =	sst s8  }
0x11: {  	[smem:$0x3FB2] =	sst s9;
	s0 =	simm.s32 @!p0 $0x0  }
0x12: {  	s1 =	sld [smem:$0x3F98];
	s0 =	simm.s32 @p0 $0x1  }
0x13: {  	[smem:$0x3FB3] =	sst s0;
	s0 =	simm.s32 @!p1 $0x0  }
0x14: {  	s2 =	sld [smem:$0x3F97];
	s0 =	simm.s32 @p1 $0x1  }
0x15: {  	[smem:$0x3FB4] =	sst s0;
	s0 =	simm.s32 @!p2 $0x0  }
0x16: {  	s3 =	sld [smem:$0x3FDB];
	s0 =	simm.s32 @p2 $0x1  }
0x17: {  	s4 =	simm.s32 $0x1BF5;
	[smem:$0x3FB6] =	sst s0  }
0x18: {  	s0 =	sld [smem:$0x3F99];
	_ =	swait.ge [sflag:s4], $0x0  }
0x19: {  	s7 =	sld [smem:$0x3F9A]  }
0x1a: {  	s8 =	sadd.s32 $0xFFFFE003, lr  }
0x1b: {  	s9 =	sadd.s32 $0xFFFFFEF7, lr;
	s5 =	simm.s32 $0xFFFFFFFF;
	p2 =	slt.u32 s8, $0xFFFFF086  }
0x1c: {  	p1 =	slt.u32 s9, $0xF7A;
	s5 =	simm.s32 @!p2 $0x0  }
0x1d: {  	s5 =	simm.s32 @p1 $0x1;
	p0 =	seq.s32 s7, s2  }
0x1e: {  	s7 =	smul.u32 @!p0 $0xF7A, s2;
	p2 =	seq.s32 @!p0 s5, $0x0  }
0x1f: {  	s9 =	smul.u32 $0xF7A, s1;
	s8 =	simm.s32 @!p0 $0x1BF5;
	p2 =	por !p2, p0  }
0x20: {  	[sflag:s8] =	ssyncset.s32 @!p0 $0xFFFFF086;
	s6 =	sadd.s32 @!p0 s3, s7;
	s7 =	simm.s32 @!p0 $0x108  }
0x21: {  	s3 =	sadd.s32 s3, s9;
	s6 =	sadd.s32 @!p0 $0x88, s6;
	s7 =	simm.s32 @p2 $0x1082  }
0x22: {  	[simem:s7], [sflag:s8] =	dma.local @!p0 [hbm:s6], $0xF7A  }
0x23: {  	s9 =	sor.u32 $0xD0000000, s2;
	s6 =	simm.s32 $0x108;
	_ =	swait.ge @!p0 [sflag:s8], $0x0  }
0x24: {  	s3 =	sadd.s32 $0x88, s3;
	s6 =	simm.s32 @!p1 $0x1082;
	[sflag:s4] =	ssyncset.s32 $0xFFFFF086  }
0x25: {  	[simem:s6], [sflag:s4] =	dma.local [hbm:s3], $0xF7A  }
0x26: {  	[smem:$0x3F9A] =	sst s1;
	(tag) =	ssettag s2;
	_ =	strace s9  }
0x27: {  	s1 =	sld [smem:$0x3FAA]  }
0x28: {  	s2 =	sld [smem:$0x3FAB]  }
0x29: {  	s4 =	sld [smem:$0x3FAD]  }
0x2a: {  	p0 =	seq.s32 s5, $0x0;
	s5 =	sld [smem:$0x3FAE]  }
0x2b: {  	s6 =	sld [smem:$0x3FAF]  }
0x2c: {  	s7 =	sld [smem:$0x3FB0]  }
0x2d: {  	s3 =	simm.s32 $0x108;
	s8 =	sld [smem:$0x3FB1]  }
0x2e: {  	s3 =	simm.s32 @!p0 $0x1082;
	s9 =	sld [smem:$0x3FB2]  }
0x2f: {  	lr =	sadd.s32 s0, s3;
	s0 =	sld [smem:$0x3FA9]  }
0x30: {  	s3 =	sld [smem:$0x3FAC]  }
0x31: {  	[smem:$0x3FB5] =	sst s10  }
0x32: {  	s10 =	sld [smem:$0x3FB3];
	_ =	sdelay $0x3  }
0x33: {  	p0 =	seq.s32 s10, $0x1;
	s10 =	sld [smem:$0x3FB5];
	_ =	sdelay $0x3  }
0x34: {  	[smem:$0x3FB5] =	sst s10  }
0x35: {  	s10 =	sld [smem:$0x3FB4];
	_ =	sdelay $0x3  }
0x36: {  	p1 =	seq.s32 s10, $0x1;
	s10 =	sld [smem:$0x3FB5];
	_ =	sdelay $0x3  }
0x37: {  	[smem:$0x3FB5] =	sst s10  }
0x38: {  	s10 =	sld [smem:$0x3FB6]  }
0x39: {  	_ = 	snop;
	(pc) =	sbr.ind lr, $3  }
0x3a: {  	_ = 	snop  }
0x3b: {  	_ = 	snop  }
0x3c: {  	p2 =	seq.s32 s10, $0x1;
	s10 =	sld [smem:$0x3FB5]  }
0x3d: {  	_ =	shalt  }
0x3e: {  	_ =	shalt  }
0x3f: {  	_ =	shalt  }
0x40: {  	_ =	shalt  }
0x41: {  	_ =	shalt  }
0x42: {  	_ =	shalt  }
0x43: {  	_ =	shalt  }
0x44: {  	_ =	shalt  }
0x45: {  	_ =	shalt  }
0x46: {  	_ =	shalt  }
0x47: {  	_ =	shalt  }
0x48: {  	_ =	shalt  }
0x49: {  	_ =	shalt  }
0x4a: {  	_ =	shalt  }
0x4b: {  	_ =	shalt  }
0x4c: {  	_ =	shalt  }
0x4d: {  	_ =	shalt  }
0x4e: {  	_ =	shalt  }
0x4f: {  	_ =	shalt  }
0x50: {  	_ =	shalt  }
0x51: {  	_ =	shalt  }
0x52: {  	_ =	shalt  }
0x53: {  	_ =	shalt  }
0x54: {  	_ =	shalt  }
0x55: {  	_ =	shalt  }
0x56: {  	_ =	shalt  }
0x57: {  	_ =	shalt  }
0x58: {  	_ =	shalt  }
0x59: {  	_ =	shalt  }
0x5a: {  	_ =	shalt  }
0x5b: {  	_ =	shalt  }
0x5c: {  	_ =	shalt  }
0x5d: {  	_ =	shalt  }
0x5e: {  	_ =	shalt  }
0x5f: {  	_ =	shalt  }
0x60: {  	_ =	shalt  }
0x61: {  	_ =	shalt  }
0x62: {  	_ =	shalt  }
0x63: {  	_ =	shalt  }
0x64: {  	_ =	shalt  }
0x65: {  	_ =	shalt  }
0x66: {  	_ =	shalt  }
0x67: {  	_ =	shalt  }
0x68: {  	_ =	shalt  }
0x69: {  	_ =	shalt  }
0x6a: {  	_ =	shalt  }
0x6b: {  	_ =	shalt  }
0x6c: {  	_ =	shalt  }
0x6d: {  	_ =	shalt  }
0x6e: {  	_ =	shalt  }
0x6f: {  	_ =	shalt  }
0x70: {  	_ =	shalt  }
0x71: {  	_ =	shalt  }
0x72: {  	_ =	shalt  }
0x73: {  	_ =	shalt  }
0x74: {  	_ =	shalt  }
0x75: {  	_ =	shalt  }
0x76: {  	_ =	shalt  }
0x77: {  	_ =	shalt  }
0x78: {  	_ =	shalt  }
0x79: {  	_ =	shalt  }
0x7a: {  	_ =	shalt  }
0x7b: {  	_ =	shalt  }
0x7c: {  	_ =	shalt  }
0x7d: {  	_ =	shalt  }
0x7e: {  	_ =	shalt  }
0x7f: {  	_ =	shalt  }
0x80: {  	_ =	shalt  }
0x81: {  	_ =	shalt  }
0x82: {  	_ =	shalt  }
0x83: {  	_ =	shalt  }
0x84: {  	_ =	shalt  }
0x85: {  	_ =	shalt  }
0x86: {  	_ =	shalt  }
0x87: {  	_ =	shalt  }
.Lfunc_end0:
.L_simem_size_0:
called_computation_lowered:
.L_overlay_start_0:
0x88: {  	s2 =	sld [smem:$0x3FD9]  }
0x89: {  	s3 =	sld [smem:$0x3FFE];
	_ =	sdelay $0x1  }
0x8a: {  	s1 =	srdreg.scid  }
0x8b: {  	s0 =	sand.u32 $0x1, s1  }
0x8c: {  	s17 =	sshll.u32 s0, $0xA;
	s2 =	sadd.s32 s3, s2  }
0x8d: {  	s2 =	sadd.s32 s2, s17  }
0x8e: {  	[smem:$0x3FC1] =	sst s2  }
0x8f: {  	_ = 	snop  }
0x90: {  	s2 =	sld [smem:$0x3FD0];
	(tm) =	ssettm $0x1  }
0x91: {  	s18 =	sld [smem:$0x3FFB];
	_ =	sdelay $0x3  }
0x92: {  	_ =	strace s18  }
0x93: {  	s3 =	sld [smem:$0x3FFC];
	_ =	sdelay $0x3  }
0x94: {  	_ =	strace s3  }
0x95: {  	s3 =	sld [smem:$0x3FFD];
	_ =	sdelay $0x3  }
0x96: {  	_ =	strace s3  }
0x97: {  	_ =	strace $0x8FFFFFFF  }
0x98: {  	s19 =	sld [smem:$0x3FDB];
	_ =	sdelay $0x1  }
0x99: {  	s4 =	simm.s32 $_scs_section_size  }
0x9a: {  	s5 =	simm.s32 $_size__tile_overlayer_lowered;
	s6 =	simm.s32 $_tile_overlayer_lowered  }
0x9b: {  	s22 =	simm.s32 $0x1BFF;
	s21 =	sshll.u32 s6, $0x1;
	s3 =	sadd.s32 s4, s19  }
0x9c: {  	s7 =	simm.s32 $0x0;
	s20 =	sshll.u32 s5, $0x1;
	s5 =	sadd.s32 s21, s3  }
0x9d: {  	[timem:s7], [sflag:s22] =	dma.local [hbm:s5], s20  }
0x9e: {  	_ =	swait.ge [sflag:s22], s20  }
0x9f: {  	s4 =	ssub.s32 $0x0, s20;
	[sflag:s22] =	ssyncset.done $0x0  }
0xa0: {  	[sflag:s22] =	ssyncadd.s32 s4;
	_ =	sdelay $0x1  }
0xa1: {  	s23 =	simm.s32 $0x1B8B  }
0xa2: {  	_ =	swait.ge [sflag:s23], $0x1  }
0xa3: {  	[sflag:s23] =	ssyncset.done $0x0  }
0xa4: {  	s25 =	simm.s32 $0x1B8E;
	s24 =	sld [smem:$0x3FFE];
	[sflag:s23] =	ssyncadd.s32 $0xFFFFFFFF  }
0xa5: {  	s26 =	simm.s32 $execute0_lowered;
	[smem:$0x3FD2] =	sst s25  }
0xa6: {  	s5 =	sshll.u32 s26, $0x1;
	_ =	strace $0x80000046;
	[dreg:$0x1] =	wrdreg $0xFFFFFFFF  }
0xa7: {  	s28 =	simm.s32 $_size_execute0_lowered;
	s3 =	sadd.s32 s3, s5;
	[dreg:$0x0] =	wrdreg $0x0  }
0xa8: {  	s5 =	sshll.u32 s28, $0x1;
	[dreg:$0x2] =	wrdreg s3  }
0xa9: {  	[dreg:$0x3] =	wrdreg s5  }
0xaa: {  	[dreg:$0x4] =	wrdreg $0xC0  }
0xab: {  	_ =	task [dreg:s7], $0x5FFFF  }
0xac: {  	[dreg:$0x1] =	wrdreg $0xFFFFFFFF  }
0xad: {  	[dreg:$0x0] =	wrdreg $0x60  }
0xae: {  	[dreg:$0x2] =	wrdreg s2  }
0xaf: {  	[dreg:$0x3] =	wrdreg s24  }
0xb0: {  	[dreg:$0x4] =	wrdreg $0x6C200  }
0xb1: {  	[dreg:$0x5] =	wrdreg $0x10C200  }
0xb2: {  	[dreg:$0x6] =	wrdreg $0x134200  }
0xb3: {  	[dreg:$0x7] =	wrdreg $0x9  }
0xb4: {  	_ =	task.clear_ibuf [dreg:s7], $0x8FFFF;
	_ =	strace $0x90000046  }
0xb5: {  	s29 =	simm.s32 $0x9;
	_ =	strace $0x80000048  }
0xb6: {  	_ =	swait.ge [sflag:s29], $0x1  }
0xb7: {  	[sflag:s29] =	ssyncadd.s32 $0xFFFFFFFF  }
0xb8: {  	_ =	strace $0x90000048  }
0xb9: {  	_ =	sfence  }
0xba: {  	s30 =	sld [smem:$0x0];
	_ =	sdelay $0x2  }
0xbb: {  	s31 =	sshll.u32 s1, $0xD;
	s1 =	sshrl.u32 s1, $0x2  }
0xbc: {  	s3 =	sand.u32 $0x4000, s31;
	s1 =	sadd.s32 s1, s30  }
0xbd: {  	s0 =	sor.u32 s3, s0;
	s1 =	sshll.u32 s1, $0x11  }
0xbe: {  	s0 =	sor.u32 s1, s0  }
0xbf: {  	s0 =	sadd.s32 $0x8F2B, s0  }
0xc0: {  	[sflag:s0] =	ssyncadd.remote.s32 $0x1  }
0xc1: {  	_ =	sfence.sel $0xFFFF  }
0xc2: {  	[dreg:$0x0] =	wrdreg $0xFFFFFFFF;
	(pc) =	sbr.abs _section_cstart, $3  }
0xc3: {  	[dreg:$0x1] =	wrdreg $0xFFFFFFFF  }
0xc4: {  	_ =	task.clear_ibuf [dreg:s7], $0x2FFFF;
	_ =	strace $0x9FFFFFFF  }
0xc5: {  	(tm) =	ssettm $0x7FFFFFFF  }
tec
execute0_lowered:
.L_overlay_start_1:
0x0: {  	(tag) =	ssettag $0x1  }
0x1: {  	s1 =	rddreg [dreg:$0x0]  }
0x2: {  	s0 =	rddreg [dreg:$0x1]  }
0x3: {  	s2 =	rddreg [dreg:$0x2]  }
0x4: {  	s4 =	rddreg [dreg:$0x3]  }
0x5: {  	s5 =	rddreg [dreg:$0x4]  }
0x6: {  	s3 =	srdreg.scid;
	s18 =	stileid.u32  }
0x7: {  	s6 =	simm.s32 $0x0;
	s29 =	simm.s32 $0x6200;
	s30 =	simm.s32 $0x7  }
0x8: {  	s31 =	simm.s32 $0x100;
	s3 =	sand.u32 $0x1, s3;
	s10 =	smul.u32 $0xA000, s18  }
0x9: {  	[smem:$0x7FF] =	sst s6;
	s12 =	smul.u32 $0x2800, s18;
	s7 =	sadd.s32 $0xB400, s0  }
0xa: {  	s8 =	sadd.s32 $0x1600, s0;
	s14 =	sadd.s32 $0xB1600, s0;
	s28 =	smul.u32 $0x1400, s18  }
0xb: {  	s15 =	sadd.s32 $0xB2A00, s0;
	_ =	strace $0x80000047;
	[dreg:$0xa] =	wrdreg s14  }
0xc: {  	s16 =	sadd.s32 $0xB3000, s0;
	s11 =	smul.u32 $0xA0000, s3;
	[dreg:$0xb] =	wrdreg s15  }
0xd: {  	s19 =	sadd.s32 $0xB3400, s0;
	s13 =	smul.u32 $0x28000, s3;
	[dreg:$0xc] =	wrdreg s16  }
0xe: {  	s9 =	sadd.s32 $0x15200, s0;
	s17 =	smul.u32 $0x14000, s3;
	[dreg:$0xd] =	wrdreg s19  }
0xf: {  	v0 =	vlaneseq.u32;
	s20 =	smul.u32 $0x27100, s3;
	s21 =	ssub.s32 $0x2, s3;
	s3 =	sshll.u32 s3, $0x4  }
0x10: {  	v2 =	vmul.u32 $0x10, v0;
	s22 =	sshrl.u32 s21, $0x1;
	s3 =	sor.u32 s18, s3;
	s25 =	sadd.s32 s12, s4  }
0x11: {  	s11 =	sadd.s32 s10, s11;
	s13 =	sadd.s32 s12, s13;
	s15 =	sadd.s32 s28, s17  }
0x12: {  	v0 =	vor.u32 $0x1, v2;
	v1 =	vor.u32 $0x2, v2;
	v3 =	vor.u32 $0x3, v2;
	s17 =	smul.u32 $0x2710, s18;
	s10 =	sadd.s32 s10, s2;
	[dreg:$0xf] =	wrdreg s25  }
0x13: {  	v4 =	vor.u32 $0x4, v2;
	v5 =	vor.u32 $0x5, v2;
	v6 =	vor.u32 $0x6, v2;
	[tilespmem:$0x1FEC0] =	vst v3;
	s3 =	smul.u32 $0x2710, s3;
	s28 =	sadd.s32 s28, s5;
	[dreg:$0xe] =	wrdreg s10  }
0x14: {  	v7 =	vor.u32 $0x7, v2;
	v8 =	vor.u32 $0x8, v2;
	v9 =	vor.u32 $0x9, v2;
	s18 =	simm.s32 $0x5A00;
	[tilespmem:$0x1FED0] =	vst v0;
	s11 =	sshrl.u32 s11, $0x3;
	[dreg:$0x10] =	wrdreg s28  }
0x15: {  	v10 =	vor.u32 $0xA, v2;
	v11 =	vor.u32 $0xB, v2;
	v12 =	vor.u32 $0xC, v2;
	[tilespmem:$0x1FEE0] =	vst v1;
	s13 =	sshrl.u32 s13, $0x3;
	s15 =	sshrl.u32 s15, $0x3;
	[dreg:$0x9] =	wrdreg s18  }
0x16: {  	v13 =	vor.u32 $0xD, v2;
	v14 =	vor.u32 $0xE, v2;
	v15 =	vor.u32 $0xF, v2;
	[tilespmem:$0x1FEF0] =	vst v4;
	s10 =	simm.s32 $0x1;
	s18 =	simm.s32 $0x5;
	s11 =	sadd.s32 s11, s0  }
0x17: {  	v16 =	vor.u32 $0x100, v2;
	v17 =	vor.u32 $0x101, v2;
	v18 =	vor.u32 $0x102, v2;
	[tilespmem:$0x1FF00] =	vst v5;
	s13 =	sadd.s32 s13, s0;
	s0 =	sadd.s32 s15, s0;
	s3 =	sshrl.u32 s3, $0x3  }
0x18: {  	v19 =	vor.u32 $0x103, v2;
	v20 =	vor.u32 $0x104, v2;
	v21 =	vor.u32 $0x105, v2;
	[tilespmem:$0x1FF10] =	vst v6;
	s16 =	sadd.s32 s17, s20;
	s15 =	ssub.s32 s21, s22;
	s17 =	sadd.s32 s7, s3  }
0x19: {  	v22 =	vor.u32 $0x106, v2;
	v23 =	vor.u32 $0x107, v2;
	v24 =	vor.u32 $0x108, v2;
	[tilespmem:$0x1FF20] =	vst v7;
	s23 =	sadd.s32 $0x80, s16;
	s19 =	sadd.s32 s8, s3;
	[dreg:$0x11] =	wrdreg s17  }
0x1a: {  	v25 =	vor.u32 $0x109, v2;
	v26 =	vor.u32 $0x10A, v2;
	v27 =	vor.u32 $0x10B, v2;
	[tilespmem:$0x1FF30] =	vst v8;
	s20 =	sadd.s32 $0x4E0, s3;
	s3 =	sadd.s32 s9, s3;
	[dreg:$0x12] =	wrdreg s19  }
0x1b: {  	v28 =	vor.u32 $0x10C, v2;
	v29 =	vor.u32 $0x10D, v2;
	v30 =	vor.u32 $0x10E, v2;
	[tilespmem:$0x1FF40] =	vst v9;
	s25 =	sadd.s32 $0xDB600, s13;
	s0 =	sadd.s32 $0xE5600, s0;
	[dreg:$0x13] =	wrdreg s3  }
0x1c: {  	v31 =	vor.u32 $0x10F, v2;
	v32 =	vor.u32 $0x200, v2;
	v33 =	vor.u32 $0x201, v2;
	[tilespmem:$0x1FF50] =	vst v10;
	s28 =	sadd.s32 $0x100, s16;
	s13 =	simm.s32 $0x180;
	[dreg:$0x18] =	wrdreg s25  }
0x1d: {  	v34 =	vor.u32 $0x202, v2;
	v35 =	vor.u32 $0x203, v2;
	v36 =	vor.u32 $0x204, v2;
	[tilespmem:$0x1FF60] =	vst v11;
	s16 =	simm.s32 $0x2200;
	s24 =	sshrl.u32 s23, $0x3;
	[dreg:$0x19] =	wrdreg s0  }
0x1e: {  	v37 =	vor.u32 $0x205, v2;
	v38 =	vor.u32 $0x206, v2;
	v39 =	vor.u32 $0x207, v2;
	[tilespmem:$0x1FF70] =	vst v12;
	s21 =	sadd.s32 s7, s20;
	s22 =	sadd.s32 s8, s20;
	[dreg:$0x1b] =	wrdreg s28  }
0x1f: {  	v40 =	vor.u32 $0x208, v2;
	v41 =	vor.u32 $0x209, v2;
	v42 =	vor.u32 $0x20A, v2;
	[tilespmem:$0x1FF80] =	vst v13;
	s23 =	sadd.s32 s9, s20;
	s0 =	simm.s32 $0x80;
	[dreg:$0x14] =	wrdreg s21  }
0x20: {  	v43 =	vor.u32 $0x20B, v2;
	v44 =	vor.u32 $0x20C, v2;
	v45 =	vor.u32 $0x20D, v2;
	[tilespmem:$0x1FF90] =	vst v14;
	s3 =	simm.s32 $0x4E200;
	s17 =	simm.s32 $0x4A00;
	[dreg:$0x15] =	wrdreg s22  }
0x21: {  	v46 =	vor.u32 $0x20E, v2;
	v47 =	vor.u32 $0x20F, v2;
	v48 =	vor.u32 $0x300, v2;
	[tilespmem:$0x1FFA0] =	vst v22;
	s19 =	simm.s32 $0x4;
	s26 =	sadd.s32 s24, s9;
	[dreg:$0x16] =	wrdreg s23  }
0x22: {  	v49 =	vor.u32 $0x301, v2;
	v50 =	vor.u32 $0x302, v2;
	v51 =	vor.u32 $0x303, v2;
	[tilespmem:$0x1FFB0] =	vst v23;
	s12 =	sadd.s32 s24, s8;
	s14 =	sadd.s32 s24, s7;
	[dreg:$0x6] =	wrdreg s26  }
0x23: {  	v52 =	vor.u32 $0x304, v2;
	v53 =	vor.u32 $0x305, v2;
	v54 =	vor.u32 $0x306, v2;
	[tilespmem:$0x1FFC0] =	vst v24;
	s24 =	sadd.s32 $0xB3600, s11;
	s11 =	simm.s32 $0x200;
	[dreg:$0x7] =	wrdreg s12  }
0x24: {  	v55 =	vor.u32 $0x307, v2;
	v56 =	vor.u32 $0x308, v2;
	v57 =	vor.u32 $0x309, v2;
	[tilespmem:$0x1FFD0] =	vst v25;
	s23 =	simm.s32 $0x6A20;
	s21 =	simm.s32 $0x0;
	[dreg:$0x8] =	wrdreg s14  }
0x25: {  	v58 =	vor.u32 $0x30A, v2;
	v59 =	vor.u32 $0x30B, v2;
	v60 =	vor.u32 $0x30C, v2;
	[tilespmem:$0x1FFE0] =	vst v26;
	[dreg:$0x17] =	wrdreg s24;
	s26 =	smax.u32 s15, $0x1;
	s12 =	simm.s32 $0x4200  }
0x26: {  	v61 =	vor.u32 $0x30D, v2;
	v62 =	vor.u32 $0x30E, v2;
	v63 =	vor.u32 $0x30F, v2;
	[tilespmem:$0x1FFF0] =	vst v27;
	s14 =	simm.s32 $0x3;
	s15 =	simm.s32 $0x2;
	[dreg:$0x1a] =	wrdreg s26  }
.LBB2_1:
0x27: {  	[dreg:$0x1c] =	wrdreg s21  }
0x28: {  	s20 =	rddreg [dreg:$0xd]  }
0x29: {  	[tilespmem:s29], [sflag:$0x7] =	stream.linear.gather [hbm4b:s20+s6], $0x400, $0x38;
	[tilespmem:$0x14820] =	vst v63  }
0x2a: {  	s21 =	stileid.u32;
	_ =	swait.ge [sflag:s30], $0x400  }
0x2b: {  	s20 =	sshll.u32 s21, $0x6;
	s22 =	rddreg [dreg:$0xe]  }
0x2c: {  	[sflag:s30] =	ssyncset.done $0x0;
	s25 =	rddreg [dreg:$0xa];
	s24 =	sshrl.u32 s22, $0x3  }
0x2d: {  	s28 =	sor.u32 $0x1C07, s20;
	[sflag:s30] =	ssyncadd.s32 $0xFFFFFC00;
	[dreg:$0x1d] =	wrdreg s24  }
0x2e: {  	[spmem:s24], [sflag:s28] =	dma.local [hbm:s25], $0x1400  }
0x2f: {  	_ =	swait.ge [sflag:s30], $0x1400  }
0x30: {  	s26 =	rddreg [dreg:$0xf]  }
0x31: {  	[sflag:s30] =	ssyncset.done $0x0;
	s22 =	rddreg [dreg:$0xb];
	s20 =	sshrl.u32 s26, $0x3  }
0x32: {  	[sflag:s30] =	ssyncadd.s32 $0xFFFFEC00;
	[dreg:$0x1e] =	wrdreg s20  }
0x33: {  	[spmem:s20], [sflag:s28] =	dma.local [hbm:s22], $0x500  }
0x34: {  	_ =	swait.ge [sflag:s30], $0x500  }
0x35: {  	s24 =	rddreg [dreg:$0x10]  }
0x36: {  	[sflag:s30] =	ssyncset.done $0x0;
	s26 =	rddreg [dreg:$0xc];
	s25 =	sshrl.u32 s24, $0x3  }
0x37: {  	[sflag:s30] =	ssyncadd.s32 $0xFFFFFB00;
	[dreg:$0x1f] =	wrdreg s25  }
0x38: {  	[spmem:s25], [sflag:s28] =	dma.local [hbm:s26], $0x280  }
0x39: {  	_ =	swait.ge [sflag:s30], $0x280  }
0x3a: {  	[sflag:s30] =	ssyncset.done $0x0  }
0x3b: {  	[sflag:s30] =	ssyncadd.s32 $0xFFFFFD80  }
0x3c: {  	[bflag:$0x0] =	sbarrier.arrive $0xFFFF  }
0x3d: {  	s22 =	rddreg [dreg:$0x11]  }
0x3e: {  	s24 =	rddreg [dreg:$0x12]  }
0x3f: {  	[tilespmem:s6], [sflag:$0x1] =	stream.linear.gather [hbm4b:s22+s6], $0x80, $0x38;
	[tilespmem:$0x14820] =	vst v63  }
0x40: {  	s25 =	rddreg [dreg:$0x13]  }
0x41: {  	[tilespmem:s31], [sflag:$0x1] =	stream.linear.gather [hbm4b:s24+s6], $0x80, $0x38;
	[tilespmem:$0x14820] =	vst v63  }
0x42: {  	s20 =	simm.s32 $0x0;
	s26 =	simm.s32 $0x5200;
	s22 =	rddreg [dreg:$0x1b]  }
0x43: {  	[tilespmem:s26], [sflag:$0x1] =	stream.strided.gather [hbm4b:s25+s0], $0x800, s3, s0, $0x38;
	[tilespmem:$0x14820] =	vst v63  }
.LBB2_2:
0x44: {  	_ =	swait.ge [sflag:s10], $0x80  }
0x45: {  	[sflag:s10] =	ssyncset.done $0x0  }
0x46: {  	[sflag:s10] =	ssyncadd.s32 $0xFFFFFF80  }
0x47: {  	_ =	swait.ge [sflag:s10], $0x80  }
0x48: {  	[sflag:s10] =	ssyncset.done $0x0  }
0x49: {  	[sflag:s10] =	ssyncadd.s32 $0xFFFFFF80  }
0x4a: {  	_ =	swait.ge [sflag:s10], $0x800  }
0x4b: {  	[sflag:s10] =	ssyncset.done $0x0  }
0x4c: {  	[sflag:s10] =	ssyncadd.s32 $0xFFFFF800  }
0x4d: {  	[tilespmem:s11], [sflag:$0x3] =	stream.indirect.gather [hbm4b:s1+s0], $0x40, s6, s0, $0xb8;
	[tilespmem:$0x14820] =	vst v63  }
0x4e: {  	v1 =	vld [tilespmem:$0x5200];
	_ =	sdelay $0x2  }
0x4f: {  	v0 =	vld [tilespmem:$0x1FED0];
	_ =	sdelay $0x1  }
0x50: {  	[tilespmem:v2+s12+$0x0] =	vst.idx.msk $0xffff, v1  }
0x51: {  	v1 =	vld [tilespmem:$0x5280];
	_ =	sdelay $0x4  }
0x52: {  	[tilespmem:v0+s12+$0x0] =	vst.idx.msk $0xffff, v1;
	v0 =	vld [tilespmem:$0x1FEE0];
	_ =	sdelay $0x2  }
0x53: {  	v1 =	vld [tilespmem:$0x5300];
	_ =	sdelay $0x2  }
0x54: {  	v3 =	vld [tilespmem:$0x1FEC0];
	_ =	sdelay $0x1  }
0x55: {  	[tilespmem:v0+s12+$0x0] =	vst.idx.msk $0xffff, v1  }
0x56: {  	v1 =	vld [tilespmem:$0x5380];
	_ =	sdelay $0x4  }
0x57: {  	[tilespmem:v3+s12+$0x0] =	vst.idx.msk $0xffff, v1  }
0x58: {  	v1 =	vld [tilespmem:$0x5400];
	_ =	sdelay $0x4  }
0x59: {  	[tilespmem:v4+s12+$0x0] =	vst.idx.msk $0xffff, v1  }
0x5a: {  	v1 =	vld [tilespmem:$0x5480];
	_ =	sdelay $0x4  }
0x5b: {  	[tilespmem:v5+s12+$0x0] =	vst.idx.msk $0xffff, v1  }
0x5c: {  	v1 =	vld [tilespmem:$0x5500];
	_ =	sdelay $0x4  }
0x5d: {  	[tilespmem:v6+s12+$0x0] =	vst.idx.msk $0xffff, v1  }
0x5e: {  	v1 =	vld [tilespmem:$0x5580];
	_ =	sdelay $0x4  }
0x5f: {  	[tilespmem:v7+s12+$0x0] =	vst.idx.msk $0xffff, v1  }
0x60: {  	v1 =	vld [tilespmem:$0x5600];
	_ =	sdelay $0x4  }
0x61: {  	[tilespmem:v8+s12+$0x0] =	vst.idx.msk $0xffff, v1  }
0x62: {  	v1 =	vld [tilespmem:$0x5680];
	_ =	sdelay $0x4  }
0x63: {  	[tilespmem:v9+s12+$0x0] =	vst.idx.msk $0xffff, v1  }
0x64: {  	v1 =	vld [tilespmem:$0x5700];
	_ =	sdelay $0x4  }
0x65: {  	[tilespmem:v10+s12+$0x0] =	vst.idx.msk $0xffff, v1  }
0x66: {  	v1 =	vld [tilespmem:$0x5780];
	_ =	sdelay $0x4  }
0x67: {  	[tilespmem:v11+s12+$0x0] =	vst.idx.msk $0xffff, v1  }
0x68: {  	v1 =	vld [tilespmem:$0x5800];
	_ =	sdelay $0x4  }
0x69: {  	[tilespmem:v12+s12+$0x0] =	vst.idx.msk $0xffff, v1  }
0x6a: {  	v1 =	vld [tilespmem:$0x5880];
	_ =	sdelay $0x4  }
0x6b: {  	[tilespmem:v13+s12+$0x0] =	vst.idx.msk $0xffff, v1  }
0x6c: {  	v1 =	vld [tilespmem:$0x5900];
	_ =	sdelay $0x4  }
0x6d: {  	[tilespmem:v14+s12+$0x0] =	vst.idx.msk $0xffff, v1  }
0x6e: {  	v1 =	vld [tilespmem:$0x5980];
	_ =	sdelay $0x4  }
0x6f: {  	[tilespmem:v15+s12+$0x0] =	vst.idx.msk $0xffff, v1  }
0x70: {  	v1 =	vld [tilespmem:$0x5210];
	_ =	sdelay $0x4  }
0x71: {  	[tilespmem:v16+s12+$0x0] =	vst.idx.msk $0xffff, v1  }
0x72: {  	v1 =	vld [tilespmem:$0x5290];
	_ =	sdelay $0x4  }
0x73: {  	[tilespmem:v17+s12+$0x0] =	vst.idx.msk $0xffff, v1  }
0x74: {  	v1 =	vld [tilespmem:$0x5310];
	_ =	sdelay $0x4  }
0x75: {  	[tilespmem:v18+s12+$0x0] =	vst.idx.msk $0xffff, v1  }
0x76: {  	v1 =	vld [tilespmem:$0x5390];
	_ =	sdelay $0x4  }
0x77: {  	[tilespmem:v19+s12+$0x0] =	vst.idx.msk $0xffff, v1  }
0x78: {  	v1 =	vld [tilespmem:$0x5410];
	_ =	sdelay $0x4  }
0x79: {  	[tilespmem:v20+s12+$0x0] =	vst.idx.msk $0xffff, v1  }
0x7a: {  	v1 =	vld [tilespmem:$0x5490];
	_ =	sdelay $0x4  }
0x7b: {  	[tilespmem:v21+s12+$0x0] =	vst.idx.msk $0xffff, v1  }
0x7c: {  	v1 =	vld [tilespmem:$0x5510];
	_ =	sdelay $0x4  }
0x7d: {  	[tilespmem:v22+s12+$0x0] =	vst.idx.msk $0xffff, v1  }
0x7e: {  	v1 =	vld [tilespmem:$0x5590];
	_ =	sdelay $0x4  }
0x7f: {  	[tilespmem:v23+s12+$0x0] =	vst.idx.msk $0xffff, v1  }
0x80: {  	v1 =	vld [tilespmem:$0x5610];
	_ =	sdelay $0x4  }
0x81: {  	[tilespmem:v24+s12+$0x0] =	vst.idx.msk $0xffff, v1  }
0x82: {  	v1 =	vld [tilespmem:$0x5690];
	_ =	sdelay $0x4  }
0x83: {  	[tilespmem:v25+s12+$0x0] =	vst.idx.msk $0xffff, v1  }
0x84: {  	v1 =	vld [tilespmem:$0x5710];
	_ =	sdelay $0x4  }
0x85: {  	[tilespmem:v26+s12+$0x0] =	vst.idx.msk $0xffff, v1  }
0x86: {  	v1 =	vld [tilespmem:$0x5790];
	_ =	sdelay $0x4  }
0x87: {  	[tilespmem:v27+s12+$0x0] =	vst.idx.msk $0xffff, v1  }
0x88: {  	v1 =	vld [tilespmem:$0x5810];
	_ =	sdelay $0x4  }
0x89: {  	[tilespmem:v28+s12+$0x0] =	vst.idx.msk $0xffff, v1  }
0x8a: {  	v1 =	vld [tilespmem:$0x5890];
	_ =	sdelay $0x4  }
0x8b: {  	[tilespmem:v29+s12+$0x0] =	vst.idx.msk $0xffff, v1  }
0x8c: {  	v1 =	vld [tilespmem:$0x5910];
	_ =	sdelay $0x4  }
0x8d: {  	[tilespmem:v30+s12+$0x0] =	vst.idx.msk $0xffff, v1  }
0x8e: {  	v1 =	vld [tilespmem:$0x5990];
	_ =	sdelay $0x4  }
0x8f: {  	[tilespmem:v31+s12+$0x0] =	vst.idx.msk $0xffff, v1  }
0x90: {  	v1 =	vld [tilespmem:$0x5220];
	_ =	sdelay $0x4  }
0x91: {  	[tilespmem:v32+s12+$0x0] =	vst.idx.msk $0xffff, v1  }
0x92: {  	v1 =	vld [tilespmem:$0x52A0];
	_ =	sdelay $0x4  }
0x93: {  	[tilespmem:v33+s12+$0x0] =	vst.idx.msk $0xffff, v1  }
0x94: {  	v1 =	vld [tilespmem:$0x5320];
	_ =	sdelay $0x4  }
0x95: {  	[tilespmem:v34+s12+$0x0] =	vst.idx.msk $0xffff, v1  }
0x96: {  	v1 =	vld [tilespmem:$0x53A0];
	_ =	sdelay $0x4  }
0x97: {  	[tilespmem:v35+s12+$0x0] =	vst.idx.msk $0xffff, v1  }
0x98: {  	v1 =	vld [tilespmem:$0x5420];
	_ =	sdelay $0x4  }
0x99: {  	[tilespmem:v36+s12+$0x0] =	vst.idx.msk $0xffff, v1  }
0x9a: {  	v1 =	vld [tilespmem:$0x54A0];
	_ =	sdelay $0x4  }
0x9b: {  	[tilespmem:v37+s12+$0x0] =	vst.idx.msk $0xffff, v1  }
0x9c: {  	v1 =	vld [tilespmem:$0x5520];
	_ =	sdelay $0x4  }
0x9d: {  	[tilespmem:v38+s12+$0x0] =	vst.idx.msk $0xffff, v1  }
0x9e: {  	v1 =	vld [tilespmem:$0x55A0];
	_ =	sdelay $0x4  }
0x9f: {  	[tilespmem:v39+s12+$0x0] =	vst.idx.msk $0xffff, v1  }
0xa0: {  	v1 =	vld [tilespmem:$0x5620];
	_ =	sdelay $0x4  }
0xa1: {  	[tilespmem:v40+s12+$0x0] =	vst.idx.msk $0xffff, v1  }
0xa2: {  	v1 =	vld [tilespmem:$0x56A0];
	_ =	sdelay $0x4  }
0xa3: {  	[tilespmem:v41+s12+$0x0] =	vst.idx.msk $0xffff, v1  }
0xa4: {  	v1 =	vld [tilespmem:$0x5720];
	_ =	sdelay $0x4  }
0xa5: {  	[tilespmem:v42+s12+$0x0] =	vst.idx.msk $0xffff, v1  }
0xa6: {  	v1 =	vld [tilespmem:$0x57A0];
	_ =	sdelay $0x4  }
0xa7: {  	[tilespmem:v43+s12+$0x0] =	vst.idx.msk $0xffff, v1  }
0xa8: {  	v1 =	vld [tilespmem:$0x5820];
	_ =	sdelay $0x4  }
0xa9: {  	[tilespmem:v44+s12+$0x0] =	vst.idx.msk $0xffff, v1  }
0xaa: {  	v1 =	vld [tilespmem:$0x58A0];
	_ =	sdelay $0x4  }
0xab: {  	[tilespmem:v45+s12+$0x0] =	vst.idx.msk $0xffff, v1  }
0xac: {  	v1 =	vld [tilespmem:$0x5920];
	_ =	sdelay $0x4  }
0xad: {  	[tilespmem:v46+s12+$0x0] =	vst.idx.msk $0xffff, v1  }
0xae: {  	v1 =	vld [tilespmem:$0x59A0];
	_ =	sdelay $0x4  }
0xaf: {  	[tilespmem:v47+s12+$0x0] =	vst.idx.msk $0xffff, v1  }
0xb0: {  	v1 =	vld [tilespmem:$0x5230];
	_ =	sdelay $0x4  }
0xb1: {  	[tilespmem:v48+s12+$0x0] =	vst.idx.msk $0xffff, v1  }
0xb2: {  	v1 =	vld [tilespmem:$0x52B0];
	_ =	sdelay $0x4  }
0xb3: {  	[tilespmem:v49+s12+$0x0] =	vst.idx.msk $0xffff, v1  }
0xb4: {  	v1 =	vld [tilespmem:$0x5330];
	_ =	sdelay $0x4  }
0xb5: {  	[tilespmem:v50+s12+$0x0] =	vst.idx.msk $0xffff, v1  }
0xb6: {  	v1 =	vld [tilespmem:$0x53B0];
	_ =	sdelay $0x4  }
0xb7: {  	[tilespmem:v51+s12+$0x0] =	vst.idx.msk $0xffff, v1  }
0xb8: {  	v1 =	vld [tilespmem:$0x5430];
	_ =	sdelay $0x4  }
0xb9: {  	[tilespmem:v52+s12+$0x0] =	vst.idx.msk $0xffff, v1  }
0xba: {  	v1 =	vld [tilespmem:$0x54B0];
	_ =	sdelay $0x4  }
0xbb: {  	[tilespmem:v53+s12+$0x0] =	vst.idx.msk $0xffff, v1  }
0xbc: {  	v1 =	vld [tilespmem:$0x5530];
	_ =	sdelay $0x4  }
0xbd: {  	[tilespmem:v54+s12+$0x0] =	vst.idx.msk $0xffff, v1  }
0xbe: {  	v1 =	vld [tilespmem:$0x55B0];
	_ =	sdelay $0x4  }
0xbf: {  	[tilespmem:v55+s12+$0x0] =	vst.idx.msk $0xffff, v1  }
0xc0: {  	v1 =	vld [tilespmem:$0x5630];
	_ =	sdelay $0x4  }
0xc1: {  	[tilespmem:v56+s12+$0x0] =	vst.idx.msk $0xffff, v1  }
0xc2: {  	v1 =	vld [tilespmem:$0x56B0];
	_ =	sdelay $0x4  }
0xc3: {  	[tilespmem:v57+s12+$0x0] =	vst.idx.msk $0xffff, v1  }
0xc4: {  	v1 =	vld [tilespmem:$0x5730];
	_ =	sdelay $0x4  }
0xc5: {  	[tilespmem:v58+s12+$0x0] =	vst.idx.msk $0xffff, v1  }
0xc6: {  	v1 =	vld [tilespmem:$0x57B0];
	_ =	sdelay $0x4  }
0xc7: {  	[tilespmem:v59+s12+$0x0] =	vst.idx.msk $0xffff, v1  }
0xc8: {  	v1 =	vld [tilespmem:$0x5830];
	_ =	sdelay $0x4  }
0xc9: {  	[tilespmem:v60+s12+$0x0] =	vst.idx.msk $0xffff, v1  }
0xca: {  	v1 =	vld [tilespmem:$0x58B0];
	_ =	sdelay $0x4  }
0xcb: {  	[tilespmem:v61+s12+$0x0] =	vst.idx.msk $0xffff, v1  }
0xcc: {  	v1 =	vld [tilespmem:$0x5930];
	_ =	sdelay $0x4  }
0xcd: {  	[tilespmem:v62+s12+$0x0] =	vst.idx.msk $0xffff, v1  }
0xce: {  	v1 =	vld [tilespmem:$0x59B0];
	_ =	sdelay $0x4  }
0xcf: {  	[tilespmem:v63+s12+$0x0] =	vst.idx.msk $0xffff, v1  }
0xd0: {  	v0 =	vor.u32 $0x400, v2;
	v1 =	vld [tilespmem:$0x5240];
	_ =	sdelay $0x4  }
0xd1: {  	[tilespmem:v0+s12+$0x0] =	vst.idx.msk $0xffff, v1  }
0xd2: {  	[tilespmem:$0x1FAF0] =	vst v0;
	v0 =	vor.u32 $0x401, v2;
	v1 =	vld [tilespmem:$0x52C0];
	_ =	sdelay $0x4  }
0xd3: {  	[tilespmem:v0+s12+$0x0] =	vst.idx.msk $0xffff, v1  }
0xd4: {  	[tilespmem:$0x1FB00] =	vst v0;
	v0 =	vor.u32 $0x402, v2;
	v1 =	vld [tilespmem:$0x5340];
	_ =	sdelay $0x4  }
0xd5: {  	[tilespmem:v0+s12+$0x0] =	vst.idx.msk $0xffff, v1  }
0xd6: {  	[tilespmem:$0x1FB10] =	vst v0;
	v0 =	vor.u32 $0x403, v2;
	v1 =	vld [tilespmem:$0x53C0];
	_ =	sdelay $0x4  }
0xd7: {  	[tilespmem:v0+s12+$0x0] =	vst.idx.msk $0xffff, v1  }
0xd8: {  	[tilespmem:$0x1FB20] =	vst v0;
	v0 =	vor.u32 $0x404, v2;
	v1 =	vld [tilespmem:$0x5440];
	_ =	sdelay $0x4  }
0xd9: {  	[tilespmem:v0+s12+$0x0] =	vst.idx.msk $0xffff, v1  }
0xda: {  	[tilespmem:$0x1FB30] =	vst v0;
	v0 =	vor.u32 $0x405, v2;
	v1 =	vld [tilespmem:$0x54C0];
	_ =	sdelay $0x4  }
0xdb: {  	[tilespmem:v0+s12+$0x0] =	vst.idx.msk $0xffff, v1  }
0xdc: {  	[tilespmem:$0x1FB40] =	vst v0;
	v0 =	vor.u32 $0x406, v2;
	v1 =	vld [tilespmem:$0x5540];
	_ =	sdelay $0x4  }
0xdd: {  	[tilespmem:v0+s12+$0x0] =	vst.idx.msk $0xffff, v1  }
0xde: {  	[tilespmem:$0x1FB50] =	vst v0;
	v0 =	vor.u32 $0x407, v2;
	v1 =	vld [tilespmem:$0x55C0];
	_ =	sdelay $0x4  }
0xdf: {  	[tilespmem:v0+s12+$0x0] =	vst.idx.msk $0xffff, v1  }
0xe0: {  	[tilespmem:$0x1FB60] =	vst v0;
	v0 =	vor.u32 $0x408, v2;
	v1 =	vld [tilespmem:$0x5640];
	_ =	sdelay $0x4  }
0xe1: {  	[tilespmem:v0+s12+$0x0] =	vst.idx.msk $0xffff, v1  }
0xe2: {  	[tilespmem:$0x1FB70] =	vst v0;
	v0 =	vor.u32 $0x409, v2;
	v1 =	vld [tilespmem:$0x56C0];
	_ =	sdelay $0x4  }
0xe3: {  	[tilespmem:v0+s12+$0x0] =	vst.idx.msk $0xffff, v1  }
0xe4: {  	[tilespmem:$0x1FB80] =	vst v0;
	v0 =	vor.u32 $0x40A, v2;
	v1 =	vld [tilespmem:$0x5740];
	_ =	sdelay $0x4  }
0xe5: {  	[tilespmem:v0+s12+$0x0] =	vst.idx.msk $0xffff, v1  }
0xe6: {  	[tilespmem:$0x1FB90] =	vst v0;
	v0 =	vor.u32 $0x40B, v2;
	v1 =	vld [tilespmem:$0x57C0];
	_ =	sdelay $0x4  }
0xe7: {  	[tilespmem:v0+s12+$0x0] =	vst.idx.msk $0xffff, v1  }
0xe8: {  	[tilespmem:$0x1FBA0] =	vst v0;
	v0 =	vor.u32 $0x40C, v2;
	v1 =	vld [tilespmem:$0x5840];
	_ =	sdelay $0x4  }
0xe9: {  	[tilespmem:v0+s12+$0x0] =	vst.idx.msk $0xffff, v1  }
0xea: {  	[tilespmem:$0x1FBB0] =	vst v0;
	v0 =	vor.u32 $0x40D, v2;
	v1 =	vld [tilespmem:$0x58C0];
	_ =	sdelay $0x4  }
0xeb: {  	[tilespmem:v0+s12+$0x0] =	vst.idx.msk $0xffff, v1  }
0xec: {  	[tilespmem:$0x1FBC0] =	vst v0;
	v0 =	vor.u32 $0x40E, v2;
	v1 =	vld [tilespmem:$0x5940];
	_ =	sdelay $0x4  }
0xed: {  	[tilespmem:v0+s12+$0x0] =	vst.idx.msk $0xffff, v1  }
0xee: {  	[tilespmem:$0x1FBD0] =	vst v0;
	v0 =	vor.u32 $0x40F, v2;
	v1 =	vld [tilespmem:$0x59C0];
	_ =	sdelay $0x4  }
0xef: {  	[tilespmem:v0+s12+$0x0] =	vst.idx.msk $0xffff, v1  }
0xf0: {  	[tilespmem:$0x1FBE0] =	vst v0;
	v0 =	vor.u32 $0x500, v2;
	v1 =	vld [tilespmem:$0x5250];
	_ =	sdelay $0x4  }
0xf1: {  	[tilespmem:v0+s12+$0x0] =	vst.idx.msk $0xffff, v1  }
0xf2: {  	[tilespmem:$0x1FBF0] =	vst v0;
	v0 =	vor.u32 $0x501, v2;
	v1 =	vld [tilespmem:$0x52D0];
	_ =	sdelay $0x4  }
0xf3: {  	[tilespmem:v0+s12+$0x0] =	vst.idx.msk $0xffff, v1  }
0xf4: {  	[tilespmem:$0x1FC00] =	vst v0;
	v0 =	vor.u32 $0x502, v2;
	v1 =	vld [tilespmem:$0x5350];
	_ =	sdelay $0x4  }
0xf5: {  	[tilespmem:v0+s12+$0x0] =	vst.idx.msk $0xffff, v1  }
0xf6: {  	v22 =	vor.u32 $0x503, v2;
	v1 =	vld [tilespmem:$0x53D0];
	_ =	sdelay $0x4  }
0xf7: {  	[tilespmem:v22+s12+$0x0] =	vst.idx.msk $0xffff, v1  }
0xf8: {  	v23 =	vor.u32 $0x504, v2;
	v1 =	vld [tilespmem:$0x5450];
	_ =	sdelay $0x4  }
0xf9: {  	[tilespmem:v23+s12+$0x0] =	vst.idx.msk $0xffff, v1  }
0xfa: {  	[tilespmem:$0x1FC10] =	vst v0;
	v0 =	vor.u32 $0x505, v2;
	v1 =	vld [tilespmem:$0x54D0];
	_ =	sdelay $0x4  }
0xfb: {  	[tilespmem:v0+s12+$0x0] =	vst.idx.msk $0xffff, v1  }
0xfc: {  	[tilespmem:$0x1FC20] =	vst v0;
	v0 =	vor.u32 $0x506, v2;
	v1 =	vld [tilespmem:$0x5550];
	_ =	sdelay $0x4  }
0xfd: {  	[tilespmem:v0+s12+$0x0] =	vst.idx.msk $0xffff, v1  }
0xfe: {  	[tilespmem:$0x1FC30] =	vst v0;
	v0 =	vor.u32 $0x507, v2;
	v1 =	vld [tilespmem:$0x55D0];
	_ =	sdelay $0x4  }
0xff: {  	[tilespmem:v0+s12+$0x0] =	vst.idx.msk $0xffff, v1  }
0x100: {  	[tilespmem:$0x1FC40] =	vst v0;
	v0 =	vor.u32 $0x508, v2;
	v1 =	vld [tilespmem:$0x5650];
	_ =	sdelay $0x4  }
0x101: {  	[tilespmem:v0+s12+$0x0] =	vst.idx.msk $0xffff, v1  }
0x102: {  	[tilespmem:$0x1FC50] =	vst v0;
	v0 =	vor.u32 $0x509, v2;
	v1 =	vld [tilespmem:$0x56D0];
	_ =	sdelay $0x4  }
0x103: {  	[tilespmem:v0+s12+$0x0] =	vst.idx.msk $0xffff, v1  }
0x104: {  	[tilespmem:$0x1FC60] =	vst v0;
	v0 =	vor.u32 $0x50A, v2;
	v1 =	vld [tilespmem:$0x5750];
	_ =	sdelay $0x4  }
0x105: {  	[tilespmem:v0+s12+$0x0] =	vst.idx.msk $0xffff, v1  }
0x106: {  	[tilespmem:$0x1FC70] =	vst v0;
	v0 =	vor.u32 $0x50B, v2;
	v1 =	vld [tilespmem:$0x57D0];
	_ =	sdelay $0x3  }
0x107: {  	[tilespmem:$0x1FC80] =	vst v0  }
0x108: {  	[tilespmem:v0+s12+$0x0] =	vst.idx.msk $0xffff, v1  }
0x109: {  	v0 =	vor.u32 $0x50C, v2;
	v1 =	vld [tilespmem:$0x5850];
	_ =	sdelay $0x4  }
0x10a: {  	[tilespmem:v0+s12+$0x0] =	vst.idx.msk $0xffff, v1  }
0x10b: {  	[tilespmem:$0x1FC90] =	vst v0;
	v0 =	vor.u32 $0x50D, v2;
	v1 =	vld [tilespmem:$0x58D0];
	_ =	sdelay $0x4  }
0x10c: {  	[tilespmem:v0+s12+$0x0] =	vst.idx.msk $0xffff, v1  }
0x10d: {  	[tilespmem:$0x1FCA0] =	vst v0;
	v0 =	vor.u32 $0x50E, v2;
	v1 =	vld [tilespmem:$0x5950];
	_ =	sdelay $0x4  }
0x10e: {  	[tilespmem:v0+s12+$0x0] =	vst.idx.msk $0xffff, v1  }
0x10f: {  	[tilespmem:$0x1FCB0] =	vst v0;
	v0 =	vor.u32 $0x50F, v2;
	v1 =	vld [tilespmem:$0x59D0];
	_ =	sdelay $0x4  }
0x110: {  	[tilespmem:v0+s12+$0x0] =	vst.idx.msk $0xffff, v1  }
0x111: {  	[tilespmem:$0x1FCC0] =	vst v0;
	v0 =	vor.u32 $0x600, v2;
	v1 =	vld [tilespmem:$0x5260];
	_ =	sdelay $0x4  }
0x112: {  	[tilespmem:v0+s12+$0x0] =	vst.idx.msk $0xffff, v1  }
0x113: {  	[tilespmem:$0x1FCD0] =	vst v0;
	v0 =	vor.u32 $0x601, v2;
	v1 =	vld [tilespmem:$0x52E0];
	_ =	sdelay $0x4  }
0x114: {  	[tilespmem:v0+s12+$0x0] =	vst.idx.msk $0xffff, v1  }
0x115: {  	[tilespmem:$0x1FCE0] =	vst v0;
	v0 =	vor.u32 $0x602, v2;
	v1 =	vld [tilespmem:$0x5360];
	_ =	sdelay $0x4  }
0x116: {  	[tilespmem:v0+s12+$0x0] =	vst.idx.msk $0xffff, v1  }
0x117: {  	[tilespmem:$0x1FCF0] =	vst v0;
	v0 =	vor.u32 $0x603, v2;
	v1 =	vld [tilespmem:$0x53E0];
	_ =	sdelay $0x4  }
0x118: {  	[tilespmem:v0+s12+$0x0] =	vst.idx.msk $0xffff, v1  }
0x119: {  	[tilespmem:$0x1FD00] =	vst v0;
	v0 =	vor.u32 $0x604, v2;
	v1 =	vld [tilespmem:$0x5460];
	_ =	sdelay $0x4  }
0x11a: {  	[tilespmem:v0+s12+$0x0] =	vst.idx.msk $0xffff, v1  }
0x11b: {  	[tilespmem:$0x1FD10] =	vst v0;
	v0 =	vor.u32 $0x605, v2;
	v1 =	vld [tilespmem:$0x54E0];
	_ =	sdelay $0x4  }
0x11c: {  	[tilespmem:v0+s12+$0x0] =	vst.idx.msk $0xffff, v1  }
0x11d: {  	[tilespmem:$0x1FD20] =	vst v0;
	v0 =	vor.u32 $0x606, v2;
	v1 =	vld [tilespmem:$0x5560];
	_ =	sdelay $0x4  }
0x11e: {  	[tilespmem:v0+s12+$0x0] =	vst.idx.msk $0xffff, v1  }
0x11f: {  	[tilespmem:$0x1FD30] =	vst v0;
	v0 =	vor.u32 $0x607, v2;
	v1 =	vld [tilespmem:$0x55E0];
	_ =	sdelay $0x4  }
0x120: {  	[tilespmem:v0+s12+$0x0] =	vst.idx.msk $0xffff, v1  }
0x121: {  	[tilespmem:$0x1FD40] =	vst v0;
	v0 =	vor.u32 $0x608, v2;
	v1 =	vld [tilespmem:$0x5660];
	_ =	sdelay $0x4  }
0x122: {  	[tilespmem:v0+s12+$0x0] =	vst.idx.msk $0xffff, v1  }
0x123: {  	[tilespmem:$0x1FD50] =	vst v0;
	v0 =	vor.u32 $0x609, v2;
	v1 =	vld [tilespmem:$0x56E0];
	_ =	sdelay $0x4  }
0x124: {  	[tilespmem:v0+s12+$0x0] =	vst.idx.msk $0xffff, v1  }
0x125: {  	[tilespmem:$0x1FD60] =	vst v0;
	v0 =	vor.u32 $0x60A, v2;
	v1 =	vld [tilespmem:$0x5760];
	_ =	sdelay $0x4  }
0x126: {  	[tilespmem:v0+s12+$0x0] =	vst.idx.msk $0xffff, v1  }
0x127: {  	[tilespmem:$0x1FD70] =	vst v0;
	v0 =	vor.u32 $0x60B, v2;
	v1 =	vld [tilespmem:$0x57E0];
	_ =	sdelay $0x4  }
0x128: {  	[tilespmem:v0+s12+$0x0] =	vst.idx.msk $0xffff, v1  }
0x129: {  	[tilespmem:$0x1FD80] =	vst v0;
	v0 =	vor.u32 $0x60C, v2;
	v1 =	vld [tilespmem:$0x5860];
	_ =	sdelay $0x4  }
0x12a: {  	[tilespmem:v0+s12+$0x0] =	vst.idx.msk $0xffff, v1  }
0x12b: {  	[tilespmem:$0x1FD90] =	vst v0;
	v0 =	vor.u32 $0x60D, v2;
	v1 =	vld [tilespmem:$0x58E0];
	_ =	sdelay $0x4  }
0x12c: {  	[tilespmem:v0+s12+$0x0] =	vst.idx.msk $0xffff, v1  }
0x12d: {  	[tilespmem:$0x1FDA0] =	vst v0;
	v0 =	vor.u32 $0x60E, v2;
	v1 =	vld [tilespmem:$0x5960];
	_ =	sdelay $0x4  }
0x12e: {  	[tilespmem:v0+s12+$0x0] =	vst.idx.msk $0xffff, v1  }
0x12f: {  	[tilespmem:$0x1FDB0] =	vst v0;
	v0 =	vor.u32 $0x60F, v2;
	v1 =	vld [tilespmem:$0x59E0];
	_ =	sdelay $0x4  }
0x130: {  	[tilespmem:v0+s12+$0x0] =	vst.idx.msk $0xffff, v1  }
0x131: {  	[tilespmem:$0x1FDC0] =	vst v0;
	v0 =	vor.u32 $0x700, v2;
	v1 =	vld [tilespmem:$0x5270];
	_ =	sdelay $0x4  }
0x132: {  	[tilespmem:v0+s12+$0x0] =	vst.idx.msk $0xffff, v1  }
0x133: {  	[tilespmem:$0x1FDD0] =	vst v0;
	v0 =	vor.u32 $0x701, v2;
	v1 =	vld [tilespmem:$0x52F0];
	_ =	sdelay $0x4  }
0x134: {  	[tilespmem:v0+s12+$0x0] =	vst.idx.msk $0xffff, v1  }
0x135: {  	[tilespmem:$0x1FDE0] =	vst v0;
	v0 =	vor.u32 $0x702, v2;
	v1 =	vld [tilespmem:$0x5370];
	_ =	sdelay $0x4  }
0x136: {  	[tilespmem:v0+s12+$0x0] =	vst.idx.msk $0xffff, v1  }
0x137: {  	[tilespmem:$0x1FDF0] =	vst v0;
	v0 =	vor.u32 $0x703, v2;
	v1 =	vld [tilespmem:$0x53F0];
	_ =	sdelay $0x4  }
0x138: {  	[tilespmem:v0+s12+$0x0] =	vst.idx.msk $0xffff, v1  }
0x139: {  	[tilespmem:$0x1FE00] =	vst v0;
	v0 =	vor.u32 $0x704, v2;
	v1 =	vld [tilespmem:$0x5470];
	_ =	sdelay $0x4  }
0x13a: {  	[tilespmem:v0+s12+$0x0] =	vst.idx.msk $0xffff, v1  }
0x13b: {  	[tilespmem:$0x1FE10] =	vst v0;
	v0 =	vor.u32 $0x705, v2;
	v1 =	vld [tilespmem:$0x54F0];
	_ =	sdelay $0x4  }
0x13c: {  	[tilespmem:v0+s12+$0x0] =	vst.idx.msk $0xffff, v1  }
0x13d: {  	[tilespmem:$0x1FE20] =	vst v0;
	v0 =	vor.u32 $0x706, v2;
	v1 =	vld [tilespmem:$0x5570];
	_ =	sdelay $0x4  }
0x13e: {  	[tilespmem:v0+s12+$0x0] =	vst.idx.msk $0xffff, v1  }
0x13f: {  	[tilespmem:$0x1FE30] =	vst v0;
	v0 =	vor.u32 $0x707, v2;
	v1 =	vld [tilespmem:$0x55F0];
	_ =	sdelay $0x4  }
0x140: {  	[tilespmem:v0+s12+$0x0] =	vst.idx.msk $0xffff, v1  }
0x141: {  	[tilespmem:$0x1FE40] =	vst v0;
	v0 =	vor.u32 $0x708, v2;
	v1 =	vld [tilespmem:$0x5670];
	_ =	sdelay $0x4  }
0x142: {  	[tilespmem:v0+s12+$0x0] =	vst.idx.msk $0xffff, v1  }
0x143: {  	[tilespmem:$0x1FE50] =	vst v0;
	v0 =	vor.u32 $0x709, v2;
	v1 =	vld [tilespmem:$0x56F0];
	_ =	sdelay $0x4  }
0x144: {  	[tilespmem:v0+s12+$0x0] =	vst.idx.msk $0xffff, v1  }
0x145: {  	[tilespmem:$0x1FE60] =	vst v0;
	v0 =	vor.u32 $0x70A, v2;
	v1 =	vld [tilespmem:$0x5770];
	_ =	sdelay $0x4  }
0x146: {  	[tilespmem:v0+s12+$0x0] =	vst.idx.msk $0xffff, v1  }
0x147: {  	[tilespmem:$0x1FE70] =	vst v0;
	v0 =	vor.u32 $0x70B, v2;
	v1 =	vld [tilespmem:$0x57F0];
	_ =	sdelay $0x4  }
0x148: {  	[tilespmem:v0+s12+$0x0] =	vst.idx.msk $0xffff, v1  }
0x149: {  	[tilespmem:$0x1FE80] =	vst v0;
	v0 =	vor.u32 $0x70C, v2;
	v1 =	vld [tilespmem:$0x5870];
	_ =	sdelay $0x4  }
0x14a: {  	[tilespmem:v0+s12+$0x0] =	vst.idx.msk $0xffff, v1  }
0x14b: {  	[tilespmem:$0x1FE90] =	vst v0;
	v0 =	vor.u32 $0x70D, v2;
	v1 =	vld [tilespmem:$0x58F0];
	_ =	sdelay $0x4  }
0x14c: {  	[tilespmem:v0+s12+$0x0] =	vst.idx.msk $0xffff, v1  }
0x14d: {  	[tilespmem:$0x1FEA0] =	vst v0;
	v0 =	vor.u32 $0x70E, v2;
	v1 =	vld [tilespmem:$0x5970];
	_ =	sdelay $0x4  }
0x14e: {  	[tilespmem:v0+s12+$0x0] =	vst.idx.msk $0xffff, v1  }
0x14f: {  	[tilespmem:$0x1FEB0] =	vst v0;
	v1 =	vor.u32 $0x70F, v2;
	v0 =	vld [tilespmem:$0x59F0];
	_ =	sdelay $0x3  }
0x150: {  	p0 =	seq.s32 s20, $0x0  }
0x151: {  	s24 =	simm.s32 @!p0 $0x6;
	[tilespmem:v1+s12+$0x0] =	vst.idx.msk $0xffff, v0  }
0x152: {  	_ =	swait.ge @!p0 [sflag:s24], $0x2000  }
0x153: {  	[sflag:s24] =	ssyncset.done @!p0 $0x0  }
0x154: {  	[sflag:s24] =	ssyncadd.s32 @!p0 $0xFFFFE000  }
0x155: {  	_ =	swait.ge @!p0 [sflag:s24], $0x800  }
0x156: {  	[sflag:s24] =	ssyncset.done @!p0 $0x0  }
0x157: {  	[sflag:s24] =	ssyncadd.s32 @!p0 $0xFFFFF800  }
0x158: {  	_ =	swait.ge @!p0 [sflag:s24], $0x400  }
0x159: {  	s21 =	rddreg [dreg:$0x8];
	[sflag:s24] =	ssyncset.done @!p0 $0x0  }
0x15a: {  	s25 =	rddreg [dreg:$0x7];
	[sflag:s24] =	ssyncadd.s32 @!p0 $0xFFFFFC00;
	s21 =	sadd.s32 s20, s21  }
0x15b: {  	[tilespmem:s0], [sflag:$0x2] =	stream.linear.gather [hbm4b:s21+s6], $0x80, $0x38;
	[tilespmem:$0x14820] =	vst v63  }
0x15c: {  	s26 =	rddreg [dreg:$0x6];
	s24 =	sadd.s32 s20, s25  }
0x15d: {  	[tilespmem:s13], [sflag:$0x2] =	stream.linear.gather [hbm4b:s24+s6], $0x80, $0x38;
	[tilespmem:$0x14820] =	vst v63  }
0x15e: {  	s25 =	rddreg [dreg:$0x9];
	s21 =	sadd.s32 s20, s26  }
0x15f: {  	[tilespmem:s25], [sflag:$0x2] =	stream.strided.gather [hbm4b:s21+s0], $0x800, s3, s0, $0x38;
	[tilespmem:$0x14820] =	vst v63  }
0x160: {  	_ =	swait.ge [sflag:s14], $0x2000  }
0x161: {  	[sflag:s14] =	ssyncset.done $0x0  }
0x162: {  	[sflag:s14] =	ssyncadd.s32 $0xFFFFE000  }
0x163: {  	[spmem:s2] =	stream.indirect.scatter.add.f32 [tilespmem:s11], [sflag:$0x5], $0x40, s31, s0, $0xb8;
	[tilespmem:$0x14820] =	vst v63  }
0x164: {  	_ = 	snop  }
0x165: {  	[spmem:s4] =	stream.indirect.scatter.add.f32 [tilespmem:s12], [sflag:$0x5], $0x10, s31, s0, $0xb8;
	[tilespmem:$0x14820] =	vst v63  }
0x166: {  	_ = 	snop  }
0x167: {  	[spmem:s5] =	stream.indirect.scatter.add.f32 [tilespmem:s29], [sflag:$0x5], $0x8, s31, s0, $0xb8;
	[tilespmem:$0x14820] =	vst v63  }
0x168: {  	_ =	swait.ge [sflag:s15], $0x80  }
0x169: {  	[sflag:s15] =	ssyncset.done $0x0  }
0x16a: {  	[sflag:s15] =	ssyncadd.s32 $0xFFFFFF80  }
0x16b: {  	_ =	swait.ge [sflag:s15], $0x80  }
0x16c: {  	[sflag:s15] =	ssyncset.done $0x0  }
0x16d: {  	[sflag:s15] =	ssyncadd.s32 $0xFFFFFF80  }
0x16e: {  	_ =	swait.ge [sflag:s15], $0x800  }
0x16f: {  	[sflag:s15] =	ssyncset.done $0x0  }
0x170: {  	[sflag:s15] =	ssyncadd.s32 $0xFFFFF800  }
0x171: {  	[tilespmem:s16], [sflag:$0x4] =	stream.indirect.gather [hbm4b:s1+s0], $0x40, s0, s0, $0xb8;
	[tilespmem:$0x14820] =	vst v63  }
0x172: {  	v0 =	vld [tilespmem:$0x5A00];
	_ =	sdelay $0x2  }
0x173: {  	v3 =	vld [tilespmem:$0x1FED0];
	_ =	sdelay $0x1  }
0x174: {  	[tilespmem:v2+s17+$0x0] =	vst.idx.msk $0xffff, v0  }
0x175: {  	v0 =	vld [tilespmem:$0x5A80];
	_ =	sdelay $0x4  }
0x176: {  	[tilespmem:v3+s17+$0x0] =	vst.idx.msk $0xffff, v0;
	v3 =	vld [tilespmem:$0x1FEE0];
	_ =	sdelay $0x2  }
0x177: {  	v0 =	vld [tilespmem:$0x5B00];
	_ =	sdelay $0x4  }
0x178: {  	[tilespmem:v3+s17+$0x0] =	vst.idx.msk $0xffff, v0;
	v3 =	vld [tilespmem:$0x1FEC0];
	_ =	sdelay $0x2  }
0x179: {  	v0 =	vld [tilespmem:$0x5B80];
	_ =	sdelay $0x4  }
0x17a: {  	[tilespmem:v3+s17+$0x0] =	vst.idx.msk $0xffff, v0;
	v3 =	vld [tilespmem:$0x1FEF0];
	_ =	sdelay $0x2  }
0x17b: {  	v0 =	vld [tilespmem:$0x5C00];
	_ =	sdelay $0x4  }
0x17c: {  	[tilespmem:v3+s17+$0x0] =	vst.idx.msk $0xffff, v0;
	v3 =	vld [tilespmem:$0x1FF00];
	_ =	sdelay $0x2  }
0x17d: {  	v0 =	vld [tilespmem:$0x5C80];
	_ =	sdelay $0x4  }
0x17e: {  	[tilespmem:v3+s17+$0x0] =	vst.idx.msk $0xffff, v0;
	v3 =	vld [tilespmem:$0x1FF10];
	_ =	sdelay $0x2  }
0x17f: {  	v0 =	vld [tilespmem:$0x5D00];
	_ =	sdelay $0x4  }
0x180: {  	[tilespmem:v3+s17+$0x0] =	vst.idx.msk $0xffff, v0;
	v3 =	vld [tilespmem:$0x1FF20];
	_ =	sdelay $0x2  }
0x181: {  	v0 =	vld [tilespmem:$0x5D80];
	_ =	sdelay $0x4  }
0x182: {  	[tilespmem:v3+s17+$0x0] =	vst.idx.msk $0xffff, v0;
	v3 =	vld [tilespmem:$0x1FF30];
	_ =	sdelay $0x2  }
0x183: {  	v0 =	vld [tilespmem:$0x5E00];
	_ =	sdelay $0x4  }
0x184: {  	[tilespmem:v3+s17+$0x0] =	vst.idx.msk $0xffff, v0;
	v3 =	vld [tilespmem:$0x1FF40];
	_ =	sdelay $0x2  }
0x185: {  	v0 =	vld [tilespmem:$0x5E80];
	_ =	sdelay $0x4  }
0x186: {  	[tilespmem:v3+s17+$0x0] =	vst.idx.msk $0xffff, v0;
	v3 =	vld [tilespmem:$0x1FF50];
	_ =	sdelay $0x2  }
0x187: {  	v0 =	vld [tilespmem:$0x5F00];
	_ =	sdelay $0x4  }
0x188: {  	[tilespmem:v3+s17+$0x0] =	vst.idx.msk $0xffff, v0;
	v3 =	vld [tilespmem:$0x1FF60];
	_ =	sdelay $0x2  }
0x189: {  	v0 =	vld [tilespmem:$0x5F80];
	_ =	sdelay $0x4  }
0x18a: {  	[tilespmem:v3+s17+$0x0] =	vst.idx.msk $0xffff, v0;
	v3 =	vld [tilespmem:$0x1FF70];
	_ =	sdelay $0x2  }
0x18b: {  	v0 =	vld [tilespmem:$0x6000];
	_ =	sdelay $0x4  }
0x18c: {  	[tilespmem:v3+s17+$0x0] =	vst.idx.msk $0xffff, v0;
	v3 =	vld [tilespmem:$0x1FF80];
	_ =	sdelay $0x2  }
0x18d: {  	v0 =	vld [tilespmem:$0x6080];
	_ =	sdelay $0x4  }
0x18e: {  	[tilespmem:v3+s17+$0x0] =	vst.idx.msk $0xffff, v0;
	v3 =	vld [tilespmem:$0x1FF90];
	_ =	sdelay $0x2  }
0x18f: {  	v0 =	vld [tilespmem:$0x6100];
	_ =	sdelay $0x4  }
0x190: {  	[tilespmem:v3+s17+$0x0] =	vst.idx.msk $0xffff, v0  }
0x191: {  	v0 =	vld [tilespmem:$0x6180];
	_ =	sdelay $0x4  }
0x192: {  	[tilespmem:v15+s17+$0x0] =	vst.idx.msk $0xffff, v0  }
0x193: {  	v0 =	vld [tilespmem:$0x5A10];
	_ =	sdelay $0x4  }
0x194: {  	[tilespmem:v16+s17+$0x0] =	vst.idx.msk $0xffff, v0  }
0x195: {  	v0 =	vld [tilespmem:$0x5A90];
	_ =	sdelay $0x4  }
0x196: {  	[tilespmem:v17+s17+$0x0] =	vst.idx.msk $0xffff, v0  }
0x197: {  	v0 =	vld [tilespmem:$0x5B10];
	_ =	sdelay $0x4  }
0x198: {  	[tilespmem:v18+s17+$0x0] =	vst.idx.msk $0xffff, v0  }
0x199: {  	v0 =	vld [tilespmem:$0x5B90];
	_ =	sdelay $0x4  }
0x19a: {  	[tilespmem:v19+s17+$0x0] =	vst.idx.msk $0xffff, v0  }
0x19b: {  	v0 =	vld [tilespmem:$0x5C10];
	_ =	sdelay $0x4  }
0x19c: {  	[tilespmem:v20+s17+$0x0] =	vst.idx.msk $0xffff, v0  }
0x19d: {  	v0 =	vld [tilespmem:$0x5C90];
	_ =	sdelay $0x2  }
0x19e: {  	v3 =	vld [tilespmem:$0x1FFA0];
	_ =	sdelay $0x1  }
0x19f: {  	[tilespmem:v21+s17+$0x0] =	vst.idx.msk $0xffff, v0  }
0x1a0: {  	v0 =	vld [tilespmem:$0x5D10];
	_ =	sdelay $0x4  }
0x1a1: {  	[tilespmem:v3+s17+$0x0] =	vst.idx.msk $0xffff, v0;
	v3 =	vld [tilespmem:$0x1FFB0];
	_ =	sdelay $0x2  }
0x1a2: {  	v0 =	vld [tilespmem:$0x5D90];
	_ =	sdelay $0x4  }
0x1a3: {  	[tilespmem:v3+s17+$0x0] =	vst.idx.msk $0xffff, v0;
	v3 =	vld [tilespmem:$0x1FFC0];
	_ =	sdelay $0x2  }
0x1a4: {  	v0 =	vld [tilespmem:$0x5E10];
	_ =	sdelay $0x4  }
0x1a5: {  	[tilespmem:v3+s17+$0x0] =	vst.idx.msk $0xffff, v0;
	v3 =	vld [tilespmem:$0x1FFD0];
	_ =	sdelay $0x2  }
0x1a6: {  	v0 =	vld [tilespmem:$0x5E90];
	_ =	sdelay $0x4  }
0x1a7: {  	[tilespmem:v3+s17+$0x0] =	vst.idx.msk $0xffff, v0;
	v3 =	vld [tilespmem:$0x1FFE0];
	_ =	sdelay $0x2  }
0x1a8: {  	v0 =	vld [tilespmem:$0x5F10];
	_ =	sdelay $0x4  }
0x1a9: {  	[tilespmem:v3+s17+$0x0] =	vst.idx.msk $0xffff, v0;
	v3 =	vld [tilespmem:$0x1FFF0];
	_ =	sdelay $0x2  }
0x1aa: {  	v0 =	vld [tilespmem:$0x5F90];
	_ =	sdelay $0x4  }
0x1ab: {  	[tilespmem:v3+s17+$0x0] =	vst.idx.msk $0xffff, v0  }
0x1ac: {  	v0 =	vld [tilespmem:$0x6010];
	_ =	sdelay $0x4  }
0x1ad: {  	[tilespmem:v28+s17+$0x0] =	vst.idx.msk $0xffff, v0  }
0x1ae: {  	v0 =	vld [tilespmem:$0x6090];
	_ =	sdelay $0x4  }
0x1af: {  	[tilespmem:v29+s17+$0x0] =	vst.idx.msk $0xffff, v0  }
0x1b0: {  	v0 =	vld [tilespmem:$0x6110];
	_ =	sdelay $0x4  }
0x1b1: {  	[tilespmem:v30+s17+$0x0] =	vst.idx.msk $0xffff, v0  }
0x1b2: {  	v0 =	vld [tilespmem:$0x6190];
	_ =	sdelay $0x4  }
0x1b3: {  	[tilespmem:v31+s17+$0x0] =	vst.idx.msk $0xffff, v0  }
0x1b4: {  	v0 =	vld [tilespmem:$0x5A20];
	_ =	sdelay $0x4  }
0x1b5: {  	[tilespmem:v32+s17+$0x0] =	vst.idx.msk $0xffff, v0  }
0x1b6: {  	v0 =	vld [tilespmem:$0x5AA0];
	_ =	sdelay $0x4  }
0x1b7: {  	[tilespmem:v33+s17+$0x0] =	vst.idx.msk $0xffff, v0  }
0x1b8: {  	v0 =	vld [tilespmem:$0x5B20];
	_ =	sdelay $0x4  }
0x1b9: {  	[tilespmem:v34+s17+$0x0] =	vst.idx.msk $0xffff, v0  }
0x1ba: {  	v0 =	vld [tilespmem:$0x5BA0];
	_ =	sdelay $0x4  }
0x1bb: {  	[tilespmem:v35+s17+$0x0] =	vst.idx.msk $0xffff, v0  }
0x1bc: {  	v0 =	vld [tilespmem:$0x5C20];
	_ =	sdelay $0x4  }
0x1bd: {  	[tilespmem:v36+s17+$0x0] =	vst.idx.msk $0xffff, v0  }
0x1be: {  	v0 =	vld [tilespmem:$0x5CA0];
	_ =	sdelay $0x4  }
0x1bf: {  	[tilespmem:v37+s17+$0x0] =	vst.idx.msk $0xffff, v0  }
0x1c0: {  	v0 =	vld [tilespmem:$0x5D20];
	_ =	sdelay $0x4  }
0x1c1: {  	[tilespmem:v38+s17+$0x0] =	vst.idx.msk $0xffff, v0  }
0x1c2: {  	v0 =	vld [tilespmem:$0x5DA0];
	_ =	sdelay $0x4  }
0x1c3: {  	[tilespmem:v39+s17+$0x0] =	vst.idx.msk $0xffff, v0  }
0x1c4: {  	v0 =	vld [tilespmem:$0x5E20];
	_ =	sdelay $0x4  }
0x1c5: {  	[tilespmem:v40+s17+$0x0] =	vst.idx.msk $0xffff, v0  }
0x1c6: {  	v0 =	vld [tilespmem:$0x5EA0];
	_ =	sdelay $0x4  }
0x1c7: {  	[tilespmem:v41+s17+$0x0] =	vst.idx.msk $0xffff, v0  }
0x1c8: {  	v0 =	vld [tilespmem:$0x5F20];
	_ =	sdelay $0x4  }
0x1c9: {  	[tilespmem:v42+s17+$0x0] =	vst.idx.msk $0xffff, v0  }
0x1ca: {  	v0 =	vld [tilespmem:$0x5FA0];
	_ =	sdelay $0x4  }
0x1cb: {  	[tilespmem:v43+s17+$0x0] =	vst.idx.msk $0xffff, v0  }
0x1cc: {  	v0 =	vld [tilespmem:$0x6020];
	_ =	sdelay $0x4  }
0x1cd: {  	[tilespmem:v44+s17+$0x0] =	vst.idx.msk $0xffff, v0  }
0x1ce: {  	v0 =	vld [tilespmem:$0x60A0];
	_ =	sdelay $0x4  }
0x1cf: {  	[tilespmem:v45+s17+$0x0] =	vst.idx.msk $0xffff, v0  }
0x1d0: {  	v0 =	vld [tilespmem:$0x6120];
	_ =	sdelay $0x4  }
0x1d1: {  	[tilespmem:v46+s17+$0x0] =	vst.idx.msk $0xffff, v0  }
0x1d2: {  	v0 =	vld [tilespmem:$0x61A0];
	_ =	sdelay $0x4  }
0x1d3: {  	[tilespmem:v47+s17+$0x0] =	vst.idx.msk $0xffff, v0  }
0x1d4: {  	v0 =	vld [tilespmem:$0x5A30];
	_ =	sdelay $0x4  }
0x1d5: {  	[tilespmem:v48+s17+$0x0] =	vst.idx.msk $0xffff, v0  }
0x1d6: {  	v0 =	vld [tilespmem:$0x5AB0];
	_ =	sdelay $0x4  }
0x1d7: {  	[tilespmem:v49+s17+$0x0] =	vst.idx.msk $0xffff, v0  }
0x1d8: {  	v0 =	vld [tilespmem:$0x5B30];
	_ =	sdelay $0x4  }
0x1d9: {  	[tilespmem:v50+s17+$0x0] =	vst.idx.msk $0xffff, v0  }
0x1da: {  	v0 =	vld [tilespmem:$0x5BB0];
	_ =	sdelay $0x4  }
0x1db: {  	[tilespmem:v51+s17+$0x0] =	vst.idx.msk $0xffff, v0  }
0x1dc: {  	v0 =	vld [tilespmem:$0x5C30];
	_ =	sdelay $0x4  }
0x1dd: {  	[tilespmem:v52+s17+$0x0] =	vst.idx.msk $0xffff, v0  }
0x1de: {  	v0 =	vld [tilespmem:$0x5CB0];
	_ =	sdelay $0x4  }
0x1df: {  	[tilespmem:v53+s17+$0x0] =	vst.idx.msk $0xffff, v0  }
0x1e0: {  	v0 =	vld [tilespmem:$0x5D30];
	_ =	sdelay $0x4  }
0x1e1: {  	[tilespmem:v54+s17+$0x0] =	vst.idx.msk $0xffff, v0  }
0x1e2: {  	v0 =	vld [tilespmem:$0x5DB0];
	_ =	sdelay $0x4  }
0x1e3: {  	[tilespmem:v55+s17+$0x0] =	vst.idx.msk $0xffff, v0  }
0x1e4: {  	v0 =	vld [tilespmem:$0x5E30];
	_ =	sdelay $0x4  }
0x1e5: {  	[tilespmem:v56+s17+$0x0] =	vst.idx.msk $0xffff, v0  }
0x1e6: {  	v0 =	vld [tilespmem:$0x5EB0];
	_ =	sdelay $0x4  }
0x1e7: {  	[tilespmem:v57+s17+$0x0] =	vst.idx.msk $0xffff, v0  }
0x1e8: {  	v0 =	vld [tilespmem:$0x5F30];
	_ =	sdelay $0x4  }
0x1e9: {  	[tilespmem:v58+s17+$0x0] =	vst.idx.msk $0xffff, v0  }
0x1ea: {  	v0 =	vld [tilespmem:$0x5FB0];
	_ =	sdelay $0x4  }
0x1eb: {  	[tilespmem:v59+s17+$0x0] =	vst.idx.msk $0xffff, v0  }
0x1ec: {  	v0 =	vld [tilespmem:$0x6030];
	_ =	sdelay $0x4  }
0x1ed: {  	[tilespmem:v60+s17+$0x0] =	vst.idx.msk $0xffff, v0  }
0x1ee: {  	v0 =	vld [tilespmem:$0x60B0];
	_ =	sdelay $0x4  }
0x1ef: {  	[tilespmem:v61+s17+$0x0] =	vst.idx.msk $0xffff, v0  }
0x1f0: {  	v0 =	vld [tilespmem:$0x6130];
	_ =	sdelay $0x4  }
0x1f1: {  	[tilespmem:v62+s17+$0x0] =	vst.idx.msk $0xffff, v0  }
0x1f2: {  	v0 =	vld [tilespmem:$0x61B0];
	_ =	sdelay $0x2  }
0x1f3: {  	v3 =	vld [tilespmem:$0x1FAF0];
	_ =	sdelay $0x1  }
0x1f4: {  	[tilespmem:v63+s17+$0x0] =	vst.idx.msk $0xffff, v0  }
0x1f5: {  	v0 =	vld [tilespmem:$0x5A40];
	_ =	sdelay $0x4  }
0x1f6: {  	[tilespmem:v3+s17+$0x0] =	vst.idx.msk $0xffff, v0;
	v3 =	vld [tilespmem:$0x1FB00];
	_ =	sdelay $0x2  }
0x1f7: {  	v0 =	vld [tilespmem:$0x5AC0];
	_ =	sdelay $0x4  }
0x1f8: {  	[tilespmem:v3+s17+$0x0] =	vst.idx.msk $0xffff, v0;
	v3 =	vld [tilespmem:$0x1FB10];
	_ =	sdelay $0x2  }
0x1f9: {  	v0 =	vld [tilespmem:$0x5B40];
	_ =	sdelay $0x2  }
0x1fa: {  	v4 =	vld [tilespmem:$0x1FB20];
	_ =	sdelay $0x1  }
0x1fb: {  	[tilespmem:v3+s17+$0x0] =	vst.idx.msk $0xffff, v0  }
0x1fc: {  	v0 =	vld [tilespmem:$0x5BC0];
	_ =	sdelay $0x2  }
0x1fd: {  	v5 =	vld [tilespmem:$0x1FB30];
	_ =	sdelay $0x1  }
0x1fe: {  	[tilespmem:v4+s17+$0x0] =	vst.idx.msk $0xffff, v0  }
0x1ff: {  	v0 =	vld [tilespmem:$0x5C40];
	_ =	sdelay $0x2  }
0x200: {  	v6 =	vld [tilespmem:$0x1FB40];
	_ =	sdelay $0x1  }
0x201: {  	[tilespmem:v5+s17+$0x0] =	vst.idx.msk $0xffff, v0  }
0x202: {  	v0 =	vld [tilespmem:$0x5CC0];
	_ =	sdelay $0x2  }
0x203: {  	v7 =	vld [tilespmem:$0x1FB50];
	_ =	sdelay $0x1  }
0x204: {  	[tilespmem:v6+s17+$0x0] =	vst.idx.msk $0xffff, v0  }
0x205: {  	v0 =	vld [tilespmem:$0x5D40];
	_ =	sdelay $0x2  }
0x206: {  	v8 =	vld [tilespmem:$0x1FB60];
	_ =	sdelay $0x1  }
0x207: {  	[tilespmem:v7+s17+$0x0] =	vst.idx.msk $0xffff, v0  }
0x208: {  	v0 =	vld [tilespmem:$0x5DC0];
	_ =	sdelay $0x2  }
0x209: {  	v9 =	vld [tilespmem:$0x1FB70];
	_ =	sdelay $0x1  }
0x20a: {  	[tilespmem:v8+s17+$0x0] =	vst.idx.msk $0xffff, v0  }
0x20b: {  	v0 =	vld [tilespmem:$0x5E40];
	_ =	sdelay $0x2  }
0x20c: {  	v10 =	vld [tilespmem:$0x1FB80];
	_ =	sdelay $0x1  }
0x20d: {  	[tilespmem:v9+s17+$0x0] =	vst.idx.msk $0xffff, v0  }
0x20e: {  	v0 =	vld [tilespmem:$0x5EC0];
	_ =	sdelay $0x4  }
0x20f: {  	[tilespmem:v10+s17+$0x0] =	vst.idx.msk $0xffff, v0;
	v10 =	vld [tilespmem:$0x1FB90];
	_ =	sdelay $0x2  }
0x210: {  	v0 =	vld [tilespmem:$0x5F40];
	_ =	sdelay $0x4  }
0x211: {  	[tilespmem:v10+s17+$0x0] =	vst.idx.msk $0xffff, v0;
	v10 =	vld [tilespmem:$0x1FBA0];
	_ =	sdelay $0x2  }
0x212: {  	v0 =	vld [tilespmem:$0x5FC0];
	_ =	sdelay $0x2  }
0x213: {  	v11 =	vld [tilespmem:$0x1FBB0];
	_ =	sdelay $0x1  }
0x214: {  	[tilespmem:v10+s17+$0x0] =	vst.idx.msk $0xffff, v0  }
0x215: {  	v0 =	vld [tilespmem:$0x6040];
	_ =	sdelay $0x4  }
0x216: {  	[tilespmem:v11+s17+$0x0] =	vst.idx.msk $0xffff, v0;
	v11 =	vld [tilespmem:$0x1FBC0];
	_ =	sdelay $0x2  }
0x217: {  	v0 =	vld [tilespmem:$0x60C0];
	_ =	sdelay $0x2  }
0x218: {  	v12 =	vld [tilespmem:$0x1FBD0];
	_ =	sdelay $0x1  }
0x219: {  	[tilespmem:v11+s17+$0x0] =	vst.idx.msk $0xffff, v0  }
0x21a: {  	v0 =	vld [tilespmem:$0x6140];
	_ =	sdelay $0x2  }
0x21b: {  	v13 =	vld [tilespmem:$0x1FBE0];
	_ =	sdelay $0x1  }
0x21c: {  	[tilespmem:v12+s17+$0x0] =	vst.idx.msk $0xffff, v0  }
0x21d: {  	v0 =	vld [tilespmem:$0x61C0];
	_ =	sdelay $0x4  }
0x21e: {  	[tilespmem:v13+s17+$0x0] =	vst.idx.msk $0xffff, v0;
	v13 =	vld [tilespmem:$0x1FBF0];
	_ =	sdelay $0x2  }
0x21f: {  	v0 =	vld [tilespmem:$0x5A50];
	_ =	sdelay $0x4  }
0x220: {  	[tilespmem:v13+s17+$0x0] =	vst.idx.msk $0xffff, v0;
	v13 =	vld [tilespmem:$0x1FC00];
	_ =	sdelay $0x2  }
0x221: {  	v0 =	vld [tilespmem:$0x5AD0];
	_ =	sdelay $0x2  }
0x222: {  	v14 =	vld [tilespmem:$0x1FC10];
	_ =	sdelay $0x1  }
0x223: {  	[tilespmem:v13+s17+$0x0] =	vst.idx.msk $0xffff, v0  }
0x224: {  	v0 =	vld [tilespmem:$0x5B50];
	_ =	sdelay $0x4  }
0x225: {  	[tilespmem:v14+s17+$0x0] =	vst.idx.msk $0xffff, v0  }
0x226: {  	v0 =	vld [tilespmem:$0x5BD0];
	_ =	sdelay $0x4  }
0x227: {  	[tilespmem:v22+s17+$0x0] =	vst.idx.msk $0xffff, v0  }
0x228: {  	v0 =	vld [tilespmem:$0x5C50];
	_ =	sdelay $0x2  }
0x229: {  	v22 =	vld [tilespmem:$0x1FC20];
	_ =	sdelay $0x1  }
0x22a: {  	[tilespmem:v23+s17+$0x0] =	vst.idx.msk $0xffff, v0  }
0x22b: {  	v0 =	vld [tilespmem:$0x5CD0];
	_ =	sdelay $0x2  }
0x22c: {  	v23 =	vld [tilespmem:$0x1FC30];
	_ =	sdelay $0x1  }
0x22d: {  	[tilespmem:v22+s17+$0x0] =	vst.idx.msk $0xffff, v0  }
0x22e: {  	v0 =	vld [tilespmem:$0x5D50];
	_ =	sdelay $0x2  }
0x22f: {  	v24 =	vld [tilespmem:$0x1FC40];
	_ =	sdelay $0x1  }
0x230: {  	[tilespmem:v23+s17+$0x0] =	vst.idx.msk $0xffff, v0  }
0x231: {  	v0 =	vld [tilespmem:$0x5DD0];
	_ =	sdelay $0x2  }
0x232: {  	v25 =	vld [tilespmem:$0x1FC50];
	_ =	sdelay $0x1  }
0x233: {  	[tilespmem:v24+s17+$0x0] =	vst.idx.msk $0xffff, v0  }
0x234: {  	v0 =	vld [tilespmem:$0x5E50];
	_ =	sdelay $0x2  }
0x235: {  	v26 =	vld [tilespmem:$0x1FC60];
	_ =	sdelay $0x1  }
0x236: {  	[tilespmem:v25+s17+$0x0] =	vst.idx.msk $0xffff, v0  }
0x237: {  	v0 =	vld [tilespmem:$0x5ED0];
	_ =	sdelay $0x2  }
0x238: {  	v27 =	vld [tilespmem:$0x1FC70];
	_ =	sdelay $0x1  }
0x239: {  	[tilespmem:v26+s17+$0x0] =	vst.idx.msk $0xffff, v0  }
0x23a: {  	v0 =	vld [tilespmem:$0x5F50];
	_ =	sdelay $0x2  }
0x23b: {  	v3 =	vld [tilespmem:$0x1FC80];
	_ =	sdelay $0x1  }
0x23c: {  	[tilespmem:v27+s17+$0x0] =	vst.idx.msk $0xffff, v0  }
0x23d: {  	v0 =	vld [tilespmem:$0x5FD0];
	_ =	sdelay $0x4  }
0x23e: {  	[tilespmem:v3+s17+$0x0] =	vst.idx.msk $0xffff, v0;
	v3 =	vld [tilespmem:$0x1FC90];
	_ =	sdelay $0x2  }
0x23f: {  	v0 =	vld [tilespmem:$0x6050];
	_ =	sdelay $0x4  }
0x240: {  	[tilespmem:v3+s17+$0x0] =	vst.idx.msk $0xffff, v0;
	v3 =	vld [tilespmem:$0x1FCA0];
	_ =	sdelay $0x2  }
0x241: {  	v0 =	vld [tilespmem:$0x60D0];
	_ =	sdelay $0x4  }
0x242: {  	[tilespmem:v3+s17+$0x0] =	vst.idx.msk $0xffff, v0;
	v3 =	vld [tilespmem:$0x1FCB0];
	_ =	sdelay $0x2  }
0x243: {  	v0 =	vld [tilespmem:$0x6150];
	_ =	sdelay $0x4  }
0x244: {  	[tilespmem:v3+s17+$0x0] =	vst.idx.msk $0xffff, v0;
	v3 =	vld [tilespmem:$0x1FCC0];
	_ =	sdelay $0x2  }
0x245: {  	v0 =	vld [tilespmem:$0x61D0];
	_ =	sdelay $0x4  }
0x246: {  	[tilespmem:v3+s17+$0x0] =	vst.idx.msk $0xffff, v0;
	v3 =	vld [tilespmem:$0x1FCD0];
	_ =	sdelay $0x2  }
0x247: {  	v0 =	vld [tilespmem:$0x5A60];
	_ =	sdelay $0x4  }
0x248: {  	[tilespmem:v3+s17+$0x0] =	vst.idx.msk $0xffff, v0;
	v3 =	vld [tilespmem:$0x1FCE0];
	_ =	sdelay $0x2  }
0x249: {  	v0 =	vld [tilespmem:$0x5AE0];
	_ =	sdelay $0x4  }
0x24a: {  	[tilespmem:v3+s17+$0x0] =	vst.idx.msk $0xffff, v0;
	v3 =	vld [tilespmem:$0x1FCF0];
	_ =	sdelay $0x2  }
0x24b: {  	v0 =	vld [tilespmem:$0x5B60];
	_ =	sdelay $0x4  }
0x24c: {  	[tilespmem:v3+s17+$0x0] =	vst.idx.msk $0xffff, v0;
	v3 =	vld [tilespmem:$0x1FD00];
	_ =	sdelay $0x2  }
0x24d: {  	v0 =	vld [tilespmem:$0x5BE0];
	_ =	sdelay $0x4  }
0x24e: {  	[tilespmem:v3+s17+$0x0] =	vst.idx.msk $0xffff, v0;
	v3 =	vld [tilespmem:$0x1FD10];
	_ =	sdelay $0x2  }
0x24f: {  	v0 =	vld [tilespmem:$0x5C60];
	_ =	sdelay $0x4  }
0x250: {  	[tilespmem:v3+s17+$0x0] =	vst.idx.msk $0xffff, v0;
	v3 =	vld [tilespmem:$0x1FD20];
	_ =	sdelay $0x2  }
0x251: {  	v0 =	vld [tilespmem:$0x5CE0];
	_ =	sdelay $0x4  }
0x252: {  	[tilespmem:v3+s17+$0x0] =	vst.idx.msk $0xffff, v0;
	v3 =	vld [tilespmem:$0x1FD30];
	_ =	sdelay $0x2  }
0x253: {  	v0 =	vld [tilespmem:$0x5D60];
	_ =	sdelay $0x4  }
0x254: {  	[tilespmem:v3+s17+$0x0] =	vst.idx.msk $0xffff, v0;
	v3 =	vld [tilespmem:$0x1FD40];
	_ =	sdelay $0x2  }
0x255: {  	v0 =	vld [tilespmem:$0x5DE0];
	_ =	sdelay $0x4  }
0x256: {  	[tilespmem:v3+s17+$0x0] =	vst.idx.msk $0xffff, v0;
	v3 =	vld [tilespmem:$0x1FD50];
	_ =	sdelay $0x2  }
0x257: {  	v0 =	vld [tilespmem:$0x5E60];
	_ =	sdelay $0x4  }
0x258: {  	[tilespmem:v3+s17+$0x0] =	vst.idx.msk $0xffff, v0;
	v3 =	vld [tilespmem:$0x1FD60];
	_ =	sdelay $0x2  }
0x259: {  	v0 =	vld [tilespmem:$0x5EE0];
	_ =	sdelay $0x4  }
0x25a: {  	[tilespmem:v3+s17+$0x0] =	vst.idx.msk $0xffff, v0;
	v3 =	vld [tilespmem:$0x1FD70];
	_ =	sdelay $0x2  }
0x25b: {  	v0 =	vld [tilespmem:$0x5F60];
	_ =	sdelay $0x4  }
0x25c: {  	[tilespmem:v3+s17+$0x0] =	vst.idx.msk $0xffff, v0;
	v3 =	vld [tilespmem:$0x1FD80];
	_ =	sdelay $0x2  }
0x25d: {  	v0 =	vld [tilespmem:$0x5FE0];
	_ =	sdelay $0x4  }
0x25e: {  	[tilespmem:v3+s17+$0x0] =	vst.idx.msk $0xffff, v0;
	v3 =	vld [tilespmem:$0x1FD90];
	_ =	sdelay $0x2  }
0x25f: {  	v0 =	vld [tilespmem:$0x6060];
	_ =	sdelay $0x4  }
0x260: {  	[tilespmem:v3+s17+$0x0] =	vst.idx.msk $0xffff, v0;
	v3 =	vld [tilespmem:$0x1FDA0];
	_ =	sdelay $0x2  }
0x261: {  	v0 =	vld [tilespmem:$0x60E0];
	_ =	sdelay $0x4  }
0x262: {  	[tilespmem:v3+s17+$0x0] =	vst.idx.msk $0xffff, v0;
	v3 =	vld [tilespmem:$0x1FDB0];
	_ =	sdelay $0x2  }
0x263: {  	v0 =	vld [tilespmem:$0x6160];
	_ =	sdelay $0x4  }
0x264: {  	[tilespmem:v3+s17+$0x0] =	vst.idx.msk $0xffff, v0;
	v3 =	vld [tilespmem:$0x1FDC0];
	_ =	sdelay $0x2  }
0x265: {  	v0 =	vld [tilespmem:$0x61E0];
	_ =	sdelay $0x4  }
0x266: {  	[tilespmem:v3+s17+$0x0] =	vst.idx.msk $0xffff, v0;
	v3 =	vld [tilespmem:$0x1FDD0];
	_ =	sdelay $0x2  }
0x267: {  	v0 =	vld [tilespmem:$0x5A70];
	_ =	sdelay $0x4  }
0x268: {  	[tilespmem:v3+s17+$0x0] =	vst.idx.msk $0xffff, v0;
	v3 =	vld [tilespmem:$0x1FDE0];
	_ =	sdelay $0x2  }
0x269: {  	v0 =	vld [tilespmem:$0x5AF0];
	_ =	sdelay $0x4  }
0x26a: {  	[tilespmem:v3+s17+$0x0] =	vst.idx.msk $0xffff, v0;
	v3 =	vld [tilespmem:$0x1FDF0];
	_ =	sdelay $0x2  }
0x26b: {  	v0 =	vld [tilespmem:$0x5B70];
	_ =	sdelay $0x4  }
0x26c: {  	[tilespmem:v3+s17+$0x0] =	vst.idx.msk $0xffff, v0;
	v3 =	vld [tilespmem:$0x1FE00];
	_ =	sdelay $0x2  }
0x26d: {  	v0 =	vld [tilespmem:$0x5BF0];
	_ =	sdelay $0x4  }
0x26e: {  	[tilespmem:v3+s17+$0x0] =	vst.idx.msk $0xffff, v0;
	v3 =	vld [tilespmem:$0x1FE10];
	_ =	sdelay $0x2  }
0x26f: {  	v0 =	vld [tilespmem:$0x5C70];
	_ =	sdelay $0x4  }
0x270: {  	[tilespmem:v3+s17+$0x0] =	vst.idx.msk $0xffff, v0;
	v3 =	vld [tilespmem:$0x1FE20];
	_ =	sdelay $0x2  }
0x271: {  	v0 =	vld [tilespmem:$0x5CF0];
	_ =	sdelay $0x4  }
0x272: {  	[tilespmem:v3+s17+$0x0] =	vst.idx.msk $0xffff, v0;
	v3 =	vld [tilespmem:$0x1FE30];
	_ =	sdelay $0x2  }
0x273: {  	v0 =	vld [tilespmem:$0x5D70];
	_ =	sdelay $0x4  }
0x274: {  	[tilespmem:v3+s17+$0x0] =	vst.idx.msk $0xffff, v0;
	v3 =	vld [tilespmem:$0x1FE40];
	_ =	sdelay $0x2  }
0x275: {  	v0 =	vld [tilespmem:$0x5DF0];
	_ =	sdelay $0x4  }
0x276: {  	[tilespmem:v3+s17+$0x0] =	vst.idx.msk $0xffff, v0;
	v3 =	vld [tilespmem:$0x1FE50];
	_ =	sdelay $0x2  }
0x277: {  	v0 =	vld [tilespmem:$0x5E70];
	_ =	sdelay $0x4  }
0x278: {  	[tilespmem:v3+s17+$0x0] =	vst.idx.msk $0xffff, v0;
	v3 =	vld [tilespmem:$0x1FE60];
	_ =	sdelay $0x2  }
0x279: {  	v0 =	vld [tilespmem:$0x5EF0];
	_ =	sdelay $0x4  }
0x27a: {  	[tilespmem:v3+s17+$0x0] =	vst.idx.msk $0xffff, v0;
	v3 =	vld [tilespmem:$0x1FE70];
	_ =	sdelay $0x2  }
0x27b: {  	v0 =	vld [tilespmem:$0x5F70];
	_ =	sdelay $0x4  }
0x27c: {  	[tilespmem:v3+s17+$0x0] =	vst.idx.msk $0xffff, v0;
	v3 =	vld [tilespmem:$0x1FE80];
	_ =	sdelay $0x2  }
0x27d: {  	v0 =	vld [tilespmem:$0x5FF0];
	_ =	sdelay $0x4  }
0x27e: {  	[tilespmem:v3+s17+$0x0] =	vst.idx.msk $0xffff, v0;
	v3 =	vld [tilespmem:$0x1FE90];
	_ =	sdelay $0x2  }
0x27f: {  	v0 =	vld [tilespmem:$0x6070];
	_ =	sdelay $0x4  }
0x280: {  	[tilespmem:v3+s17+$0x0] =	vst.idx.msk $0xffff, v0;
	v3 =	vld [tilespmem:$0x1FEA0];
	_ =	sdelay $0x2  }
0x281: {  	v0 =	vld [tilespmem:$0x60F0]  }
0x282: {  	v4 =	vld [tilespmem:$0x1FEF0]  }
0x283: {  	v5 =	vld [tilespmem:$0x1FF00]  }
0x284: {  	v6 =	vld [tilespmem:$0x1FF10]  }
0x285: {  	v7 =	vld [tilespmem:$0x1FF20]  }
0x286: {  	[tilespmem:v3+s17+$0x0] =	vst.idx.msk $0xffff, v0;
	v3 =	vld [tilespmem:$0x1FEB0]  }
0x287: {  	v8 =	vld [tilespmem:$0x1FF30]  }
0x288: {  	v9 =	vld [tilespmem:$0x1FF40]  }
0x289: {  	v0 =	vld [tilespmem:$0x6170]  }
0x28a: {  	v10 =	vld [tilespmem:$0x1FF50]  }
0x28b: {  	v11 =	vld [tilespmem:$0x1FF60]  }
0x28c: {  	v12 =	vld [tilespmem:$0x1FF70]  }
0x28d: {  	v13 =	vld [tilespmem:$0x1FF80]  }
0x28e: {  	v14 =	vld [tilespmem:$0x1FF90];
	[tilespmem:v3+s17+$0x0] =	vst.idx.msk $0xffff, v0  }
0x28f: {  	v0 =	vld [tilespmem:$0x61F0]  }
0x290: {  	v22 =	vld [tilespmem:$0x1FFA0]  }
0x291: {  	v23 =	vld [tilespmem:$0x1FFB0]  }
0x292: {  	v24 =	vld [tilespmem:$0x1FFC0]  }
0x293: {  	v25 =	vld [tilespmem:$0x1FFD0]  }
0x294: {  	v26 =	vld [tilespmem:$0x1FFE0];
	[tilespmem:v1+s17+$0x0] =	vst.idx.msk $0xffff, v0  }
0x295: {  	v27 =	vld [tilespmem:$0x1FFF0];
	_ =	swait.ge [sflag:s18], $0x2000  }
0x296: {  	[sflag:s18] =	ssyncset.done $0x0  }
0x297: {  	[sflag:s18] =	ssyncadd.s32 $0xFFFFE000  }
0x298: {  	_ =	swait.ge [sflag:s18], $0x800  }
0x299: {  	[sflag:s18] =	ssyncset.done $0x0  }
0x29a: {  	[sflag:s18] =	ssyncadd.s32 $0xFFFFF800  }
0x29b: {  	p0 =	seq.s32 s20, $0x4C0;
	_ =	swait.ge [sflag:s18], $0x400  }
0x29c: {  	s21 =	sshrl.u32 @!p0 s22, $0x3;
	[sflag:s18] =	ssyncset.done $0x0  }
0x29d: {  	s25 =	simm.s32 @!p0 $0x0;
	s24 =	sadd.s32 @!p0 s7, s21;
	[sflag:s18] =	ssyncadd.s32 $0xFFFFFC00  }
0x29e: {  	[tilespmem:s25], [sflag:$0x1] =	stream.linear.gather @!p0 [hbm4b:s24+s25], $0x80, $0x38;
	[tilespmem:$0x14820] =	vst v63  }
0x29f: {  	s26 =	simm.s32 @!p0 $0x100;
	s24 =	sadd.s32 @!p0 s8, s21;
	s21 =	sadd.s32 @!p0 s9, s21  }
0x2a0: {  	[tilespmem:s26], [sflag:$0x1] =	stream.linear.gather @!p0 [hbm4b:s24+s25], $0x80, $0x38;
	[tilespmem:$0x14820] =	vst v63  }
0x2a1: {  	s24 =	simm.s32 @!p0 $0x80;
	s25 =	simm.s32 @!p0 $0x4E200;
	s26 =	simm.s32 @!p0 $0x5200  }
0x2a2: {  	[tilespmem:s26], [sflag:$0x1] =	stream.strided.gather @!p0 [hbm4b:s21+s24], $0x800, s25, s24, $0x38;
	[tilespmem:$0x14820] =	vst v63  }
0x2a3: {  	_ =	swait.ge [sflag:s19], $0x2000  }
0x2a4: {  	s20 =	sadd.s32 $0x20, s20;
	[sflag:s19] =	ssyncset.done $0x0  }
0x2a5: {  	p0 =	sne.s32 s20, $0x4E0;
	[sflag:s19] =	ssyncadd.s32 $0xFFFFE000  }
0x2a6: {  	[spmem:s2] =	stream.indirect.scatter.add.f32 [tilespmem:s16], [sflag:$0x6], $0x40, s13, s0, $0xb8;
	[tilespmem:$0x14820] =	vst v63  }
.Ltmp0:
0x2a7: {  	_ = 	snop;
	(pc) =	sbr.rel @p0 .LBB2_2-.Ltmp0, $4  }
0x2a8: {  	_ = 	snop  }
0x2a9: {  	[spmem:s4] =	stream.indirect.scatter.add.f32 [tilespmem:s17], [sflag:$0x6], $0x10, s13, s0, $0xb8;
	[tilespmem:$0x14820] =	vst v63  }
0x2aa: {  	s22 =	sadd.s32 $0x100, s22  }
0x2ab: {  	[spmem:s5] =	stream.indirect.scatter.add.f32 [tilespmem:s29], [sflag:$0x6], $0x8, s13, s0, $0xb8;
	[tilespmem:$0x14820] =	vst v63  }
0x2ac: {  	s20 =	rddreg [dreg:$0x14];
	s21 =	simm.s32 $0x6600  }
0x2ad: {  	[tilespmem:s21], [sflag:$0x7] =	stream.linear.gather [hbm4b:s20+s6], $0x10, $0x38;
	[tilespmem:$0x14820] =	vst v63  }
0x2ae: {  	_ =	swait.ge [sflag:s30], $0x10  }
0x2af: {  	[sflag:s30] =	ssyncset.done $0x0  }
0x2b0: {  	s22 =	simm.s32 $0x6610;
	s25 =	rddreg [dreg:$0x15];
	[sflag:s30] =	ssyncadd.s32 $0xFFFFFFF0  }
0x2b1: {  	[tilespmem:s22], [sflag:$0x7] =	stream.linear.gather [hbm4b:s25+s6], $0x10, $0x38;
	[tilespmem:$0x14820] =	vst v63  }
0x2b2: {  	_ =	swait.ge [sflag:s30], $0x10  }
0x2b3: {  	s24 =	simm.s32 $0x10;
	[sflag:s30] =	ssyncset.done $0x0  }
0x2b4: {  	s25 =	simm.s32 $0x6B20;
	s26 =	rddreg [dreg:$0x16];
	[sflag:s30] =	ssyncadd.s32 $0xFFFFFFF0  }
0x2b5: {  	[tilespmem:s25], [sflag:$0x7] =	stream.strided.gather [hbm4b:s26+s24], $0x100, s3, s24, $0x38;
	[tilespmem:$0x14820] =	vst v63  }
0x2b6: {  	_ =	swait.ge [sflag:s30], $0x100  }
0x2b7: {  	[sflag:s30] =	ssyncset.done $0x0  }
0x2b8: {  	[sflag:s30] =	ssyncadd.s32 $0xFFFFFF00  }
0x2b9: {  	v0 =	vld [tilespmem:$0x6B20];
	_ =	sdelay $0x2  }
0x2ba: {  	v1 =	vld [tilespmem:$0x1FED0];
	_ =	sdelay $0x1  }
0x2bb: {  	[tilespmem:v2+s23+$0x0] =	vst.idx.msk $0xffff, v0  }
0x2bc: {  	v0 =	vld [tilespmem:$0x6B30];
	_ =	sdelay $0x4  }
0x2bd: {  	[tilespmem:v1+s23+$0x0] =	vst.idx.msk $0xffff, v0;
	v1 =	vld [tilespmem:$0x1FEE0];
	_ =	sdelay $0x2  }
0x2be: {  	v0 =	vld [tilespmem:$0x6B40];
	_ =	sdelay $0x2  }
0x2bf: {  	v3 =	vld [tilespmem:$0x1FEC0];
	_ =	sdelay $0x1  }
0x2c0: {  	[tilespmem:v1+s23+$0x0] =	vst.idx.msk $0xffff, v0  }
0x2c1: {  	v0 =	vld [tilespmem:$0x6B50];
	_ =	sdelay $0x4  }
0x2c2: {  	[tilespmem:v3+s23+$0x0] =	vst.idx.msk $0xffff, v0  }
0x2c3: {  	v0 =	vld [tilespmem:$0x6B60];
	_ =	sdelay $0x4  }
0x2c4: {  	[tilespmem:v4+s23+$0x0] =	vst.idx.msk $0xffff, v0  }
0x2c5: {  	v0 =	vld [tilespmem:$0x6B70];
	_ =	sdelay $0x4  }
0x2c6: {  	[tilespmem:v5+s23+$0x0] =	vst.idx.msk $0xffff, v0  }
0x2c7: {  	v0 =	vld [tilespmem:$0x6B80];
	_ =	sdelay $0x4  }
0x2c8: {  	[tilespmem:v6+s23+$0x0] =	vst.idx.msk $0xffff, v0  }
0x2c9: {  	v0 =	vld [tilespmem:$0x6B90];
	_ =	sdelay $0x4  }
0x2ca: {  	[tilespmem:v7+s23+$0x0] =	vst.idx.msk $0xffff, v0  }
0x2cb: {  	v0 =	vld [tilespmem:$0x6BA0];
	_ =	sdelay $0x4  }
0x2cc: {  	[tilespmem:v8+s23+$0x0] =	vst.idx.msk $0xffff, v0  }
0x2cd: {  	v0 =	vld [tilespmem:$0x6BB0];
	_ =	sdelay $0x4  }
0x2ce: {  	[tilespmem:v9+s23+$0x0] =	vst.idx.msk $0xffff, v0  }
0x2cf: {  	v0 =	vld [tilespmem:$0x6BC0];
	_ =	sdelay $0x4  }
0x2d0: {  	[tilespmem:v10+s23+$0x0] =	vst.idx.msk $0xffff, v0  }
0x2d1: {  	v0 =	vld [tilespmem:$0x6BD0];
	_ =	sdelay $0x4  }
0x2d2: {  	[tilespmem:v11+s23+$0x0] =	vst.idx.msk $0xffff, v0  }
0x2d3: {  	v0 =	vld [tilespmem:$0x6BE0];
	_ =	sdelay $0x4  }
0x2d4: {  	[tilespmem:v12+s23+$0x0] =	vst.idx.msk $0xffff, v0  }
0x2d5: {  	v0 =	vld [tilespmem:$0x6BF0];
	_ =	sdelay $0x4  }
0x2d6: {  	[tilespmem:v13+s23+$0x0] =	vst.idx.msk $0xffff, v0  }
0x2d7: {  	v0 =	vld [tilespmem:$0x6C00];
	_ =	sdelay $0x4  }
0x2d8: {  	[tilespmem:v14+s23+$0x0] =	vst.idx.msk $0xffff, v0  }
0x2d9: {  	v0 =	vld [tilespmem:$0x6C10];
	_ =	sdelay $0x4  }
0x2da: {  	s26 =	simm.s32 $0x6620;
	[tilespmem:v15+s23+$0x0] =	vst.idx.msk $0xffff, v0  }
0x2db: {  	[tilespmem:s26], [sflag:$0x7] =	stream.indirect.gather [hbm4b:s1+s24], $0x40, s21, s24, $0xb8;
	[tilespmem:$0x14820] =	vst v63  }
0x2dc: {  	_ =	swait.ge [sflag:s30], $0x400  }
0x2dd: {  	[sflag:s30] =	ssyncset.done $0x0  }
0x2de: {  	[sflag:s30] =	ssyncadd.s32 $0xFFFFFC00  }
0x2df: {  	[spmem:s2] =	stream.indirect.scatter.add.f32 [tilespmem:s26], [sflag:$0x7], $0x40, s22, s24, $0xb8;
	[tilespmem:$0x14820] =	vst v63  }
0x2e0: {  	_ =	swait.ge [sflag:s30], $0x400  }
0x2e1: {  	[sflag:s30] =	ssyncset.done $0x0  }
0x2e2: {  	[sflag:s30] =	ssyncadd.s32 $0xFFFFFC00  }
0x2e3: {  	[spmem:s4] =	stream.indirect.scatter.add.f32 [tilespmem:s23], [sflag:$0x7], $0x10, s22, s24, $0xb8;
	[tilespmem:$0x14820] =	vst v63  }
0x2e4: {  	_ =	swait.ge [sflag:s30], $0x100  }
0x2e5: {  	[sflag:s30] =	ssyncset.done $0x0  }
0x2e6: {  	[sflag:s30] =	ssyncadd.s32 $0xFFFFFF00  }
0x2e7: {  	[spmem:s5] =	stream.indirect.scatter.add.f32 [tilespmem:s29], [sflag:$0x7], $0x8, s22, s24, $0xb8;
	[tilespmem:$0x14820] =	vst v63  }
0x2e8: {  	_ =	swait.ge [sflag:s30], $0x80  }
0x2e9: {  	[sflag:s30] =	ssyncset.done $0x0  }
0x2ea: {  	s24 =	simm.s32 $0x6;
	[sflag:s30] =	ssyncadd.s32 $0xFFFFFF80  }
0x2eb: {  	_ =	swait.ge [sflag:s24], $0x2000  }
0x2ec: {  	[sflag:s24] =	ssyncset.done $0x0  }
0x2ed: {  	[sflag:s24] =	ssyncadd.s32 $0xFFFFE000  }
0x2ee: {  	_ =	swait.ge [sflag:s24], $0x800  }
0x2ef: {  	[sflag:s24] =	ssyncset.done $0x0  }
0x2f0: {  	[sflag:s24] =	ssyncadd.s32 $0xFFFFF800  }
0x2f1: {  	_ =	swait.ge [sflag:s24], $0x400  }
0x2f2: {  	[sflag:s24] =	ssyncset.done $0x0  }
0x2f3: {  	[sflag:s24] =	ssyncadd.s32 $0xFFFFFC00  }
0x2f4: {  	[bflag:$0x0] =	sbarrier.arrive $0xFFFF  }
0x2f5: {  	s25 =	rddreg [dreg:$0x17]  }
0x2f6: {  	s26 =	rddreg [dreg:$0x1d]  }
0x2f7: {  	[hbm:s25], [sflag:s28] =	dma.local [spmem:s26], $0x1400  }
0x2f8: {  	_ =	swait.ge [sflag:s30], $0x1400  }
0x2f9: {  	[sflag:s30] =	ssyncset.done $0x0;
	s21 =	rddreg [dreg:$0x18]  }
0x2fa: {  	s22 =	rddreg [dreg:$0x1e];
	[sflag:s30] =	ssyncadd.s32 $0xFFFFEC00  }
0x2fb: {  	[hbm:s21], [sflag:s28] =	dma.local [spmem:s22], $0x500  }
0x2fc: {  	_ =	swait.ge [sflag:s30], $0x500  }
0x2fd: {  	[sflag:s30] =	ssyncset.done $0x0;
	s24 =	rddreg [dreg:$0x19]  }
0x2fe: {  	s25 =	rddreg [dreg:$0x1f];
	[sflag:s30] =	ssyncadd.s32 $0xFFFFFB00  }
0x2ff: {  	[hbm:s24], [sflag:s28] =	dma.local [spmem:s25], $0x280  }
0x300: {  	_ =	swait.ge [sflag:s30], $0x280  }
0x301: {  	s26 =	rddreg [dreg:$0x1c]  }
0x302: {  	s28 =	rddreg [dreg:$0x1a];
	s21 =	sadd.s32 $0x1, s26  }
0x303: {  	p0 =	sne.s32 s21, s28  }
.Ltmp1:
0x304: {  	_ = 	snop;
	(pc) =	sbr.rel @p0 .LBB2_1-.Ltmp1, $3  }
0x305: {  	_ =	sdelay $0x1  }
0x306: {  	[sflag:s30] =	ssyncset.done $0x0  }
0x307: {  	[sflag:s30] =	ssyncadd.s32 $0xFFFFFD80  }
0x308: {  	_ =	sfence.sel $0x180000  }
0x309: {  	[bflag:$0x0] =	sbarrier.arrive $0xFFFF  }
0x30a: {  	_ =	strace $0x90000047  }
0x30b: {  	s0 =	stileid.u32;
	[bflag:$0x2] =	sbarrier.arrive $0xFFFF  }
0x30c: {  	p0 =	sne.s32 s0, $0x0;
	s0 =	rddreg [dreg:$0x5]  }
0x30d: {  	s0 =	sadd.s32 @!p0 $0x100000, s0  }
0x30e: {  	[sflag:s0] =	ssyncadd.tile.s32 @!p0 $0x1;
	_ =	shalt  }
.Lfunc_end2:
_tile_overlayer_lowered:
.L_overlay_start_2:
0x30f: {  	(tag) =	ssettag $0x2  }
0x310: {  	s0 =	rddreg [dreg:$0x0];
	s2 =	stileid.u32  }
0x311: {  	s1 =	rddreg [dreg:$0x1];
	p0 =	sne.s32 s2, $0x0  }
0x312: {  	s3 =	rddreg [dreg:$0x2];
	[bflag:$0x3] =	sbarrier.arrive $0xFFFF;
	s2 =	simm.s32 @!p0 $0x1C07  }
0x313: {  	[timem:s3], [sflag:s2] =	dma.local @!p0 [hbm:s0], s1  }
0x314: {  	s0 =	simm.s32 @!p0 $0x7  }
0x315: {  	_ =	swait.ge @!p0 [sflag:s0], s1  }
0x316: {  	s1 =	ssub.s32 @!p0 $0x0, s1;
	[sflag:s0] =	ssyncset.done @!p0 $0x0  }
0x317: {  	[sflag:s0] =	ssyncadd.s32 @!p0 s1  }
0x318: {  	[bflag:$0x3] =	sbarrier.arrive $0xFFFF  }
0x319: {  	_ =	shalt  }

</sc_bundles>
